<compile_context>
chip_gen: v7x
topology: tpu7x:2x2x1
jax: 0.10.2.dev20260603
libtpu: 0.0.44.dev20260713+nightly
codegen_flags: <defaults>
</compile_context>

<pallas_src>
import functools

import jax
import jax.numpy as jnp
from jax import lax
from jax.experimental import pallas as pl
from jax.experimental.pallas import tpu as pltpu
from jax.experimental.pallas import tpu_sc as plsc

N = 10000
E = 320000
D = 128
H = 128
OUT = 64
EPS = 1e-5

NC = 2
NS = 16
NW = NC * NS
CHUNK = 128
EPW = ((E + NW - 1) // NW + CHUNK - 1) // CHUNK * CHUNK
EPAD = EPW * NW
NCHUNK = EPW // CHUNK
NP = 10240
ROWS_PER_TILE = NP // NS
ROW_SEGS = [128] * 5

_mesh = plsc.VectorSubcoreMesh(core_axis_name="c", subcore_axis_name="s")


@functools.partial(
    pl.kernel,
    mesh=_mesh,
    out_type=jax.ShapeDtypeStruct((NC, NP), jnp.float32),
    scratch_types=[
        pltpu.VMEM((CHUNK,), jnp.int32),
        pltpu.VMEM((CHUNK,), jnp.float32),
        pltpu.VMEM((NP // NS,), jnp.float32),
        pltpu.VMEM_SHARED((NP,), jnp.float32),
    ],
)
def _sc_degree(dst_hbm, w_hbm, degp_hbm, dst_v, w_v, zero_v, deg_sh):
    cid = lax.axis_index("c")
    sid = lax.axis_index("s")
    wid = cid * NS + sid
    seg = NP // NS
    for i in range(seg // 16):
        zero_v[pl.ds(i * 16, 16)] = jnp.zeros((16,), jnp.float32)
    pltpu.sync_copy(zero_v, deg_sh.at[pl.ds(sid * seg, seg)])
    plsc.subcore_barrier()

    def body(j, carry):
        base = wid * EPW + j * CHUNK
        pltpu.sync_copy(dst_hbm.at[pl.ds(base, CHUNK)], dst_v)
        pltpu.sync_copy(w_hbm.at[pl.ds(base, CHUNK)], w_v)
        pltpu.sync_copy(w_v, deg_sh.at[dst_v], add=True)
        return carry

    lax.fori_loop(0, NCHUNK, body, 0)
    plsc.subcore_barrier()
    pltpu.sync_copy(deg_sh.at[pl.ds(sid * seg, seg)],
                    degp_hbm.at[cid, pl.ds(sid * seg, seg)])


@functools.partial(
    pl.kernel,
    mesh=_mesh,
    out_type=jax.ShapeDtypeStruct((NC, NP, H), jnp.float32),
    scratch_types=[
        pltpu.VMEM((CHUNK,), jnp.int32),
        pltpu.VMEM((CHUNK,), jnp.int32),
        pltpu.VMEM((CHUNK,), jnp.float32),
        pltpu.VMEM((CHUNK, H), jnp.float32),
        pltpu.VMEM_SHARED((NP, H), jnp.float32),
        pltpu.SemaphoreType.DMA,
    ],
)
def _sc_aggregate(hhat_hbm, src_hbm, dst_hbm, w_hbm, accp_hbm,
                  src_v, dst_v, w_v, rows_v, acc_sh, sem):
    cid = lax.axis_index("c")
    sid = lax.axis_index("s")
    wid = cid * NS + sid

    def zrow(r, carry):
        for f in range(H // 16):
            rows_v[r, pl.ds(f * 16, 16)] = jnp.zeros((16,), jnp.float32)
        return carry

    lax.fori_loop(0, CHUNK, zrow, 0)
    off = 0
    for segn in ROW_SEGS:
        pltpu.sync_copy(rows_v.at[pl.ds(0, segn)],
                        acc_sh.at[pl.ds(sid * ROWS_PER_TILE + off, segn)])
        off += segn
    plsc.subcore_barrier()

    def body(j, carry):
        base = wid * EPW + j * CHUNK
        pltpu.sync_copy(src_hbm.at[pl.ds(base, CHUNK)], src_v)
        pltpu.sync_copy(dst_hbm.at[pl.ds(base, CHUNK)], dst_v)
        pltpu.sync_copy(w_hbm.at[pl.ds(base, CHUNK)], w_v)
        pltpu.async_copy(hhat_hbm.at[src_v], rows_v, sem).wait()

        def scale(g, c2):
            wv16 = w_v[pl.ds(g * 16, 16)]
            for e in range(16):
                wb = lax.gather(
                    wv16, jnp.full((16, 1), e, jnp.int32),
                    lax.GatherDimensionNumbers(
                        offset_dims=(), collapsed_slice_dims=(0,),
                        start_index_map=(0,)),
                    (1,), mode=lax.GatherScatterMode.PROMISE_IN_BOUNDS)
                r = g * 16 + e
                for f in range(H // 16):
                    sl = pl.ds(f * 16, 16)
                    rows_v[r, sl] = rows_v[r, sl] * wb
            return c2

        lax.fori_loop(0, CHUNK // 16, scale, 0)
        pltpu.sync_copy(rows_v, acc_sh.at[dst_v], add=True)
        return carry

    lax.fori_loop(0, NCHUNK, body, 0)
    plsc.subcore_barrier()
    off = 0
    for segn in ROW_SEGS:
        r0 = sid * ROWS_PER_TILE + off
        pltpu.sync_copy(acc_sh.at[pl.ds(r0, segn)],
                        accp_hbm.at[cid, pl.ds(r0, segn)])
        off += segn


def _tc_prolog_body(x_ref, w1_ref, degp_ref, hhat_ref, dinv_ref):
    deg = degp_ref[0, :N, :] + degp_ref[1, :N, :] + 1.0
    dinv = jnp.where(deg > 0, lax.rsqrt(deg), 0.0)
    h = lax.dot_general(x_ref[...], w1_ref[...],
                        (((1,), (0,)), ((), ())),
                        preferred_element_type=jnp.float32)
    hhat_ref[...] = h * dinv
    dinv_ref[...] = dinv


def _tc_mid_body(accp_ref, hhat1_ref, dinv_ref, w2_ref, b1_ref, g1_ref, be1_ref,
                 hhat2_ref):
    dinv = dinv_ref[...]
    acc = accp_ref[0, :N, :] + accp_ref[1, :N, :]
    pre = dinv * (acc + hhat1_ref[...]) + b1_ref[...]
    s1 = g1_ref[...] * (1.0 / jnp.sqrt(1.0 + EPS))
    z = jnp.maximum(pre * s1 + be1_ref[...], 0.0)
    h2 = lax.dot_general(z, w2_ref[...], (((1,), (0,)), ((), ())),
                         preferred_element_type=jnp.float32)
    hhat2_ref[...] = h2 * dinv


def _tc_epilog_body(accp_ref, hhat2_ref, dinv_ref, b2_ref, g2_ref, be2_ref,
                    wc1_ref, bc1_ref, wc2_ref, bc2_ref,
                    wk1_ref, bk1_ref, wk2_ref, bk2_ref,
                    cls_ref, key_ref, h_ref):
    dinv = dinv_ref[...]
    acc = accp_ref[0, :N, :] + accp_ref[1, :N, :]
    pre = dinv * (acc + hhat2_ref[...]) + b2_ref[...]
    s2 = g2_ref[...] * (1.0 / jnp.sqrt(1.0 + EPS))
    h = jnp.maximum(pre * s2 + be2_ref[...], 0.0)
    h_ref[...] = h

    def mm(a, b):
        return lax.dot_general(a, b, (((1,), (0,)), ((), ())),
                               preferred_element_type=jnp.float32)

    c = jnp.maximum(mm(h, wc1_ref[...]) + bc1_ref[...], 0.0)
    cls_ref[...] = mm(c, wc2_ref[...]) + bc2_ref[...]
    k = jnp.maximum(mm(h, wk1_ref[...]) + bk1_ref[...], 0.0)
    key_ref[...] = mm(k, wk2_ref[...]) + bk2_ref[...]


def _tc_call(body, out_shapes, *args):
    return pl.pallas_call(body, out_shape=out_shapes)(*args)


def kernel(x, edge_index, edge_attr, W1, b1, g1, be1, W2, b2, g2, be2,
           Wc1, bc1, Wc2, bc2, Wk1, bk1, Wk2, bk2):
    src = edge_index[0]
    dst = edge_index[1]
    pad = EPAD - E
    pad_idx = (jnp.arange(pad, dtype=jnp.int32) * 37) % N
    src_p = jnp.concatenate([src, pad_idx])
    dst_p = jnp.concatenate([dst, pad_idx])
    w_p = jnp.concatenate([edge_attr, jnp.zeros((pad,), jnp.float32)])

    degp = _sc_degree(dst_p, w_p)
    degp3 = degp.reshape(NC, NP, 1)

    hhat1, dinv = _tc_call(
        _tc_prolog_body,
        [jax.ShapeDtypeStruct((N, H), jnp.float32),
         jax.ShapeDtypeStruct((N, 1), jnp.float32)],
        x, W1, degp3)

    accp1 = _sc_aggregate(hhat1, src_p, dst_p, w_p)

    hhat2 = _tc_call(
        _tc_mid_body,
        jax.ShapeDtypeStruct((N, H), jnp.float32),
        accp1, hhat1, dinv, W2,
        b1.reshape(1, H), g1.reshape(1, H), be1.reshape(1, H))

    accp2 = _sc_aggregate(hhat2, src_p, dst_p, w_p)

    cls, key, h = _tc_call(
        _tc_epilog_body,
        [jax.ShapeDtypeStruct((N, OUT), jnp.float32),
         jax.ShapeDtypeStruct((N, 1), jnp.float32),
         jax.ShapeDtypeStruct((N, H), jnp.float32)],
        accp2, hhat2, dinv,
        b2.reshape(1, H), g2.reshape(1, H), be2.reshape(1, H),
        Wc1, bc1.reshape(1, H // 2), Wc2, bc2.reshape(1, OUT),
        Wk1, bk1.reshape(1, H // 2), Wk2, bk2.reshape(1, 1))
    return (cls, key, h)

# --- scband reference (transcript-rebuilt; emitter-appended) ---
"""Pipeline reference for scband-multi-modal-gnn-80487687127290 (READ-ONLY COPY).

The authoritative reference and input builder live on the scoring server;
editing this copy changes nothing except your own understanding.
"""

import jax, jax.numpy as jnp
import numpy as np

N = 10000
E = 320000
D = 128
H = 128
OUT = 64
EPS = 1e-5

def setup_inputs(seed: int = 0):
    key = jax.random.key(seed)
    ks = jax.random.split(key, 16)
    inp = {}
    inp["x"] = jax.random.normal(ks[0], (N, D), jnp.float32)
    inp["edge_index"] = jax.random.randint(ks[1], (2, E), 0, N, jnp.int32)
    inp["edge_attr"] = jax.random.uniform(ks[2], (E,), jnp.float32)
    def lin(k, fi, fo):
        s = 1.0 / np.sqrt(fi)
        return jax.random.uniform(k, (fi, fo), jnp.float32, -s, s)
    inp["W1"] = lin(ks[3], D, H); inp["b1"] = jnp.zeros((H,), jnp.float32)
    inp["g1"] = jnp.ones((H,), jnp.float32); inp["be1"] = jnp.zeros((H,), jnp.float32)
    inp["W2"] = lin(ks[4], H, H); inp["b2"] = jnp.zeros((H,), jnp.float32)
    inp["g2"] = jnp.ones((H,), jnp.float32); inp["be2"] = jnp.zeros((H,), jnp.float32)
    inp["Wc1"] = lin(ks[5], H, H // 2); inp["bc1"] = jnp.zeros((H // 2,), jnp.float32)
    inp["Wc2"] = lin(ks[6], H // 2, OUT); inp["bc2"] = jnp.zeros((OUT,), jnp.float32)
    inp["Wk1"] = lin(ks[7], H, H // 2); inp["bk1"] = jnp.zeros((H // 2,), jnp.float32)
    inp["Wk2"] = lin(ks[8], H // 2, 1); inp["bk2"] = jnp.zeros((1,), jnp.float32)
    return inp

def gcn_conv(x, src, dst, ew, W, b):
    n = x.shape[0]
    loop = jnp.arange(n, dtype=src.dtype)
    s = jnp.concatenate([src, loop])
    d = jnp.concatenate([dst, loop])
    w = jnp.concatenate([ew, jnp.ones((n,), ew.dtype)])
    deg = jnp.zeros((n,), x.dtype).at[d].add(w)
    dinv = jnp.where(deg > 0, jax.lax.rsqrt(deg), 0.0)
    norm = dinv[s] * w * dinv[d]
    h = x @ W
    out = jnp.zeros_like(h).at[d].add(h[s] * norm[:, None])
    return out + b

def bn_eval(x, g, be):
    # BatchNorm1d in eval mode with running_mean=0, running_var=1
    return x / jnp.sqrt(1.0 + EPS) * g + be

def reference(x, edge_index, edge_attr, W1, b1, g1, be1, W2, b2, g2, be2, Wc1, bc1, Wc2, bc2, Wk1, bk1, Wk2, bk2):
    src, dst = edge_index[0], edge_index[1]
    h = gcn_conv(x, src, dst, edge_attr, W1, b1)
    h = jax.nn.relu(bn_eval(h, g1, be1))
    h = gcn_conv(h, src, dst, edge_attr, W2, b2)
    h = jax.nn.relu(bn_eval(h, g2, be2))
    class_pred = jax.nn.relu(h @ Wc1 + bc1) @ Wc2 + bc2
    key_node_scores = jax.nn.relu(h @ Wk1 + bk1) @ Wk2 + bk2
    return (class_pred, key_node_scores, h)

if __name__ == "__main__":
    import jax
    _d = setup_inputs()
    print(jax.jit(kernel)(*tuple(_d.values())))

</pallas_src>

<mosaic_0001>
#map = affine_map<(d0, d1) -> (0, 0)>
#map1 = affine_map<(d0, d1) -> (0)>
#map2 = affine_map<(d0, d1) -> (0, 0, 0)>
module attributes {stable_mosaic.version = 14 : i64} {
  func.func @_sc_aggregate(%arg0: i32, %arg1: i32, %arg2: memref<10000x128xf32, #tpu.memory_space<hbm>>, %arg3: memref<323584xi32, #tpu.memory_space<hbm>>, %arg4: memref<323584xi32, #tpu.memory_space<hbm>>, %arg5: memref<323584xf32, #tpu.memory_space<hbm>>, %arg6: memref<2x10240x128xf32, #tpu.memory_space<hbm>>, %arg7: memref<128xi32, #tpu.memory_space<vmem>>, %arg8: memref<128xi32, #tpu.memory_space<vmem>>, %arg9: memref<128xf32, #tpu.memory_space<vmem>>, %arg10: memref<128x128xf32, #tpu.memory_space<vmem>>, %arg11: memref<10240x128xf32, #tpu.memory_space<vmem_shared>>, %arg12: memref<!tpu.dma_semaphore, #tpu.memory_space<semaphore_mem>>) attributes {dimension_semantics = [#tpu.dimension_semantics<core_parallel>, #tpu.dimension_semantics<subcore_parallel>], iteration_bounds = array<i64: 2, 16>, scalar_prefetch = 0 : i64, scratch_operands = 6 : i64, tpu.core_type = #tpu.core_type<sc_vector_subcore>, window_params = [{transform_indices = #map}, {transform_indices = #map1}, {transform_indices = #map1}, {transform_indices = #map1}, {transform_indices = #map2}]} {
    %mul3A = arith.constant 16 : i32
    %mul3A_0 = arith.muli %arg0, %mul3A : i32
    %add3A = arith.addi %mul3A_0, %arg1 : i32
    %scan3A = arith.constant 0 : i32
    %scan3A_1 = arith.constant 0 : i32
    %scan3A_2 = arith.constant 128 : i32
    %scan3A_3 = arith.addi %scan3A_1, %scan3A_2 : i32
    %scan3A_4 = arith.constant 1 : i32
    scf.for %scan3A_53 = %scan3A_1 to %scan3A_3 step %scan3A_4  : i32 {
      %broadcast_in_dim3A = arith.constant 0.000000e+00 : f32
      %broadcast_in_dim3A_54 = vector.broadcast %broadcast_in_dim3A : f32 to vector<16xf32>
      %swap3A = arith.index_cast %scan3A_53 : i32 to index
      %swap3A_55 = arith.constant 0 : index
      %swap3A_56 = tpu.vector_load %arg10[%swap3A, %swap3A_55] {strides = array<i32>} : memref<128x128xf32, #tpu.memory_space<vmem>>, vector<1x16xf32>,
      %swap3A_57 = vector.shape_cast %swap3A_56 : vector<1x16xf32> to vector<16xf32>
      %swap3A_58 = vector.shape_cast %broadcast_in_dim3A_54 : vector<16xf32> to vector<1x16xf32>
      tpu.vector_store %arg10[%swap3A, %swap3A_55], %swap3A_58 {strides = array<i32>} : memref<128x128xf32, #tpu.memory_space<vmem>>, vector<1x16xf32>,
      %broadcast_in_dim3A_59 = arith.constant 0.000000e+00 : f32
      %broadcast_in_dim3A_60 = vector.broadcast %broadcast_in_dim3A_59 : f32 to vector<16xf32>
      %swap3A_61 = arith.index_cast %scan3A_53 : i32 to index
      %swap3A_62 = arith.constant 16 : index
      %swap3A_63 = tpu.vector_load %arg10[%swap3A_61, %swap3A_62] {strides = array<i32>} : memref<128x128xf32, #tpu.memory_space<vmem>>, vector<1x16xf32>,
      %swap3A_64 = vector.shape_cast %swap3A_63 : vector<1x16xf32> to vector<16xf32>
      %swap3A_65 = vector.shape_cast %broadcast_in_dim3A_60 : vector<16xf32> to vector<1x16xf32>
      tpu.vector_store %arg10[%swap3A_61, %swap3A_62], %swap3A_65 {strides = array<i32>} : memref<128x128xf32, #tpu.memory_space<vmem>>, vector<1x16xf32>,
      %broadcast_in_dim3A_66 = arith.constant 0.000000e+00 : f32
      %broadcast_in_dim3A_67 = vector.broadcast %broadcast_in_dim3A_66 : f32 to vector<16xf32>
      %swap3A_68 = arith.index_cast %scan3A_53 : i32 to index
      %swap3A_69 = arith.constant 32 : index
      %swap3A_70 = tpu.vector_load %arg10[%swap3A_68, %swap3A_69] {strides = array<i32>} : memref<128x128xf32, #tpu.memory_space<vmem>>, vector<1x16xf32>,
      %swap3A_71 = vector.shape_cast %swap3A_70 : vector<1x16xf32> to vector<16xf32>
      %swap3A_72 = vector.shape_cast %broadcast_in_dim3A_67 : vector<16xf32> to vector<1x16xf32>
      tpu.vector_store %arg10[%swap3A_68, %swap3A_69], %swap3A_72 {strides = array<i32>} : memref<128x128xf32, #tpu.memory_space<vmem>>, vector<1x16xf32>,
      %broadcast_in_dim3A_73 = arith.constant 0.000000e+00 : f32
      %broadcast_in_dim3A_74 = vector.broadcast %broadcast_in_dim3A_73 : f32 to vector<16xf32>
      %swap3A_75 = arith.index_cast %scan3A_53 : i32 to index
      %swap3A_76 = arith.constant 48 : index
      %swap3A_77 = tpu.vector_load %arg10[%swap3A_75, %swap3A_76] {strides = array<i32>} : memref<128x128xf32, #tpu.memory_space<vmem>>, vector<1x16xf32>,
      %swap3A_78 = vector.shape_cast %swap3A_77 : vector<1x16xf32> to vector<16xf32>
      %swap3A_79 = vector.shape_cast %broadcast_in_dim3A_74 : vector<16xf32> to vector<1x16xf32>
      tpu.vector_store %arg10[%swap3A_75, %swap3A_76], %swap3A_79 {strides = array<i32>} : memref<128x128xf32, #tpu.memory_space<vmem>>, vector<1x16xf32>,
      %broadcast_in_dim3A_80 = arith.constant 0.000000e+00 : f32
      %broadcast_in_dim3A_81 = vector.broadcast %broadcast_in_dim3A_80 : f32 to vector<16xf32>
      %swap3A_82 = arith.index_cast %scan3A_53 : i32 to index
      %swap3A_83 = arith.constant 64 : index
      %swap3A_84 = tpu.vector_load %arg10[%swap3A_82, %swap3A_83] {strides = array<i32>} : memref<128x128xf32, #tpu.memory_space<vmem>>, vector<1x16xf32>,
      %swap3A_85 = vector.shape_cast %swap3A_84 : vector<1x16xf32> to vector<16xf32>
      %swap3A_86 = vector.shape_cast %broadcast_in_dim3A_81 : vector<16xf32> to vector<1x16xf32>
      tpu.vector_store %arg10[%swap3A_82, %swap3A_83], %swap3A_86 {strides = array<i32>} : memref<128x128xf32, #tpu.memory_space<vmem>>, vector<1x16xf32>,
      %broadcast_in_dim3A_87 = arith.constant 0.000000e+00 : f32
      %broadcast_in_dim3A_88 = vector.broadcast %broadcast_in_dim3A_87 : f32 to vector<16xf32>
      %swap3A_89 = arith.index_cast %scan3A_53 : i32 to index
      %swap3A_90 = arith.constant 80 : index
      %swap3A_91 = tpu.vector_load %arg10[%swap3A_89, %swap3A_90] {strides = array<i32>} : memref<128x128xf32, #tpu.memory_space<vmem>>, vector<1x16xf32>,
      %swap3A_92 = vector.shape_cast %swap3A_91 : vector<1x16xf32> to vector<16xf32>
      %swap3A_93 = vector.shape_cast %broadcast_in_dim3A_88 : vector<16xf32> to vector<1x16xf32>
      tpu.vector_store %arg10[%swap3A_89, %swap3A_90], %swap3A_93 {strides = array<i32>} : memref<128x128xf32, #tpu.memory_space<vmem>>, vector<1x16xf32>,
      %broadcast_in_dim3A_94 = arith.constant 0.000000e+00 : f32
      %broadcast_in_dim3A_95 = vector.broadcast %broadcast_in_dim3A_94 : f32 to vector<16xf32>
      %swap3A_96 = arith.index_cast %scan3A_53 : i32 to index
      %swap3A_97 = arith.constant 96 : index
      %swap3A_98 = tpu.vector_load %arg10[%swap3A_96, %swap3A_97] {strides = array<i32>} : memref<128x128xf32, #tpu.memory_space<vmem>>, vector<1x16xf32>,
      %swap3A_99 = vector.shape_cast %swap3A_98 : vector<1x16xf32> to vector<16xf32>
      %swap3A_100 = vector.shape_cast %broadcast_in_dim3A_95 : vector<16xf32> to vector<1x16xf32>
      tpu.vector_store %arg10[%swap3A_96, %swap3A_97], %swap3A_100 {strides = array<i32>} : memref<128x128xf32, #tpu.memory_space<vmem>>, vector<1x16xf32>,
      %broadcast_in_dim3A_101 = arith.constant 0.000000e+00 : f32
      %broadcast_in_dim3A_102 = vector.broadcast %broadcast_in_dim3A_101 : f32 to vector<16xf32>
      %swap3A_103 = arith.index_cast %scan3A_53 : i32 to index
      %swap3A_104 = arith.constant 112 : index
      %swap3A_105 = tpu.vector_load %arg10[%swap3A_103, %swap3A_104] {strides = array<i32>} : memref<128x128xf32, #tpu.memory_space<vmem>>, vector<1x16xf32>,
      %swap3A_106 = vector.shape_cast %swap3A_105 : vector<1x16xf32> to vector<16xf32>
      %swap3A_107 = vector.shape_cast %broadcast_in_dim3A_102 : vector<16xf32> to vector<1x16xf32>
      tpu.vector_store %arg10[%swap3A_103, %swap3A_104], %swap3A_107 {strides = array<i32>} : memref<128x128xf32, #tpu.memory_space<vmem>>, vector<1x16xf32>,
    }
    %scan3A_5 = arith.constant 128 : i32
    %mul3A_6 = arith.constant 640 : i32
    %mul3A_7 = arith.muli %arg1, %mul3A_6 : i32
    %add3A_8 = arith.constant 0 : i32
    %add3A_9 = arith.addi %mul3A_7, %add3A_8 : i32
    "tpu.region"() ({
      %run_scoped3A = tpu.sem_alloc : memref<!tpu.dma_semaphore, #tpu.memory_space<semaphore_mem>>
      %dma_start3A = arith.constant 0 : i32
      %dma_start3A_53 = arith.constant 0 : i32
      %dma_start3A_54 = tpu.memref_slice %arg10[%dma_start3A, %dma_start3A_53] : memref<128x128xf32, #tpu.memory_space<vmem>> -> memref<128x128xf32, #tpu.memory_space<vmem>>
      %dma_start3A_55 = arith.constant 0 : i32
      %dma_start3A_56 = tpu.memref_slice %arg11[%add3A_9, %dma_start3A_55] : memref<10240x128xf32, #tpu.memory_space<vmem_shared>> -> memref<128x128xf32, #tpu.memory_space<vmem_shared>>
      %dma_start3A_57 = arith.constant 0 : i32
      %dma_start3A_58 = tpu.memref_slice %arg11[%add3A_9, %dma_start3A_57] : memref<10240x128xf32, #tpu.memory_space<vmem_shared>> -> memref<128x128xf32, #tpu.memory_space<vmem_shared>>
      %dma_start3A_59 = arith.constant 0 : i32
      %dma_start3A_60 = arith.constant 0 : i32
      %dma_start3A_61 = tpu.memref_slice %arg10[%dma_start3A_59, %dma_start3A_60] : memref<128x128xf32, #tpu.memory_space<vmem>> -> memref<128x128xf32, #tpu.memory_space<vmem>>
      tpu.enqueue_dma source(%dma_start3A_61 : memref<128x128xf32, #tpu.memory_space<vmem>>) target(%dma_start3A_58 : memref<128x128xf32, #tpu.memory_space<vmem_shared>>) target_semaphore(%run_scoped3A : memref<!tpu.dma_semaphore, #tpu.memory_space<semaphore_mem>>)
      %dma_wait3A = arith.constant 0 : i32
      %dma_wait3A_62 = arith.constant 0 : i32
      %dma_wait3A_63 = tpu.memref_slice %arg10[%dma_wait3A, %dma_wait3A_62] : memref<128x128xf32, #tpu.memory_space<vmem>> -> memref<128x128xf32, #tpu.memory_space<vmem>>
      %dma_wait3A_64 = arith.constant 0 : i32
      %dma_wait3A_65 = tpu.memref_slice %arg11[%add3A_9, %dma_wait3A_64] : memref<10240x128xf32, #tpu.memory_space<vmem_shared>> -> memref<128x128xf32, #tpu.memory_space<vmem_shared>>
      %dma_wait3A_66 = arith.constant 0 : i32
      %dma_wait3A_67 = tpu.memref_slice %arg11[%add3A_9, %dma_wait3A_66] : memref<10240x128xf32, #tpu.memory_space<vmem_shared>> -> memref<128x128xf32, #tpu.memory_space<vmem_shared>>
      %dma_wait3A_68 = arith.constant 0 : i32
      %dma_wait3A_69 = arith.constant 0 : i32
      %dma_wait3A_70 = tpu.memref_slice %arg10[%dma_wait3A_68, %dma_wait3A_69] : memref<128x128xf32, #tpu.memory_space<vmem>> -> memref<128x128xf32, #tpu.memory_space<vmem>>
      tpu.wait_dma2 semaphore(%run_scoped3A : memref<!tpu.dma_semaphore, #tpu.memory_space<semaphore_mem>>) src(%dma_wait3A_70 : memref<128x128xf32, #tpu.memory_space<vmem>>) dst(%dma_wait3A_67 : memref<128x128xf32, #tpu.memory_space<vmem_shared>>)
      tpu.yield
    }) : () -> ()
    %mul3A_10 = arith.constant 640 : i32
    %mul3A_11 = arith.muli %arg1, %mul3A_10 : i32
    %add3A_12 = arith.constant 128 : i32
    %add3A_13 = arith.addi %mul3A_11, %add3A_12 : i32
    "tpu.region"() ({
      %run_scoped3A = tpu.sem_alloc : memref<!tpu.dma_semaphore, #tpu.memory_space<semaphore_mem>>
      %dma_start3A = arith.constant 0 : i32
      %dma_start3A_53 = arith.constant 0 : i32
      %dma_start3A_54 = tpu.memref_slice %arg10[%dma_start3A, %dma_start3A_53] : memref<128x128xf32, #tpu.memory_space<vmem>> -> memref<128x128xf32, #tpu.memory_space<vmem>>
      %dma_start3A_55 = arith.constant 0 : i32
      %dma_start3A_56 = tpu.memref_slice %arg11[%add3A_13, %dma_start3A_55] : memref<10240x128xf32, #tpu.memory_space<vmem_shared>> -> memref<128x128xf32, #tpu.memory_space<vmem_shared>>
      %dma_start3A_57 = arith.constant 0 : i32
      %dma_start3A_58 = tpu.memref_slice %arg11[%add3A_13, %dma_start3A_57] : memref<10240x128xf32, #tpu.memory_space<vmem_shared>> -> memref<128x128xf32, #tpu.memory_space<vmem_shared>>
      %dma_start3A_59 = arith.constant 0 : i32
      %dma_start3A_60 = arith.constant 0 : i32
      %dma_start3A_61 = tpu.memref_slice %arg10[%dma_start3A_59, %dma_start3A_60] : memref<128x128xf32, #tpu.memory_space<vmem>> -> memref<128x128xf32, #tpu.memory_space<vmem>>
      tpu.enqueue_dma source(%dma_start3A_61 : memref<128x128xf32, #tpu.memory_space<vmem>>) target(%dma_start3A_58 : memref<128x128xf32, #tpu.memory_space<vmem_shared>>) target_semaphore(%run_scoped3A : memref<!tpu.dma_semaphore, #tpu.memory_space<semaphore_mem>>)
      %dma_wait3A = arith.constant 0 : i32
      %dma_wait3A_62 = arith.constant 0 : i32
      %dma_wait3A_63 = tpu.memref_slice %arg10[%dma_wait3A, %dma_wait3A_62] : memref<128x128xf32, #tpu.memory_space<vmem>> -> memref<128x128xf32, #tpu.memory_space<vmem>>
      %dma_wait3A_64 = arith.constant 0 : i32
      %dma_wait3A_65 = tpu.memref_slice %arg11[%add3A_13, %dma_wait3A_64] : memref<10240x128xf32, #tpu.memory_space<vmem_shared>> -> memref<128x128xf32, #tpu.memory_space<vmem_shared>>
      %dma_wait3A_66 = arith.constant 0 : i32
      %dma_wait3A_67 = tpu.memref_slice %arg11[%add3A_13, %dma_wait3A_66] : memref<10240x128xf32, #tpu.memory_space<vmem_shared>> -> memref<128x128xf32, #tpu.memory_space<vmem_shared>>
      %dma_wait3A_68 = arith.constant 0 : i32
      %dma_wait3A_69 = arith.constant 0 : i32
      %dma_wait3A_70 = tpu.memref_slice %arg10[%dma_wait3A_68, %dma_wait3A_69] : memref<128x128xf32, #tpu.memory_space<vmem>> -> memref<128x128xf32, #tpu.memory_space<vmem>>
      tpu.wait_dma2 semaphore(%run_scoped3A : memref<!tpu.dma_semaphore, #tpu.memory_space<semaphore_mem>>) src(%dma_wait3A_70 : memref<128x128xf32, #tpu.memory_space<vmem>>) dst(%dma_wait3A_67 : memref<128x128xf32, #tpu.memory_space<vmem_shared>>)
      tpu.yield
    }) : () -> ()
    %mul3A_14 = arith.constant 640 : i32
    %mul3A_15 = arith.muli %arg1, %mul3A_14 : i32
    %add3A_16 = arith.constant 256 : i32
    %add3A_17 = arith.addi %mul3A_15, %add3A_16 : i32
    "tpu.region"() ({
      %run_scoped3A = tpu.sem_alloc : memref<!tpu.dma_semaphore, #tpu.memory_space<semaphore_mem>>
      %dma_start3A = arith.constant 0 : i32
      %dma_start3A_53 = arith.constant 0 : i32
      %dma_start3A_54 = tpu.memref_slice %arg10[%dma_start3A, %dma_start3A_53] : memref<128x128xf32, #tpu.memory_space<vmem>> -> memref<128x128xf32, #tpu.memory_space<vmem>>
      %dma_start3A_55 = arith.constant 0 : i32
      %dma_start3A_56 = tpu.memref_slice %arg11[%add3A_17, %dma_start3A_55] : memref<10240x128xf32, #tpu.memory_space<vmem_shared>> -> memref<128x128xf32, #tpu.memory_space<vmem_shared>>
      %dma_start3A_57 = arith.constant 0 : i32
      %dma_start3A_58 = tpu.memref_slice %arg11[%add3A_17, %dma_start3A_57] : memref<10240x128xf32, #tpu.memory_space<vmem_shared>> -> memref<128x128xf32, #tpu.memory_space<vmem_shared>>
      %dma_start3A_59 = arith.constant 0 : i32
      %dma_start3A_60 = arith.constant 0 : i32
      %dma_start3A_61 = tpu.memref_slice %arg10[%dma_start3A_59, %dma_start3A_60] : memref<128x128xf32, #tpu.memory_space<vmem>> -> memref<128x128xf32, #tpu.memory_space<vmem>>
      tpu.enqueue_dma source(%dma_start3A_61 : memref<128x128xf32, #tpu.memory_space<vmem>>) target(%dma_start3A_58 : memref<128x128xf32, #tpu.memory_space<vmem_shared>>) target_semaphore(%run_scoped3A : memref<!tpu.dma_semaphore, #tpu.memory_space<semaphore_mem>>)
      %dma_wait3A = arith.constant 0 : i32
      %dma_wait3A_62 = arith.constant 0 : i32
      %dma_wait3A_63 = tpu.memref_slice %arg10[%dma_wait3A, %dma_wait3A_62] : memref<128x128xf32, #tpu.memory_space<vmem>> -> memref<128x128xf32, #tpu.memory_space<vmem>>
      %dma_wait3A_64 = arith.constant 0 : i32
      %dma_wait3A_65 = tpu.memref_slice %arg11[%add3A_17, %dma_wait3A_64] : memref<10240x128xf32, #tpu.memory_space<vmem_shared>> -> memref<128x128xf32, #tpu.memory_space<vmem_shared>>
      %dma_wait3A_66 = arith.constant 0 : i32
      %dma_wait3A_67 = tpu.memref_slice %arg11[%add3A_17, %dma_wait3A_66] : memref<10240x128xf32, #tpu.memory_space<vmem_shared>> -> memref<128x128xf32, #tpu.memory_space<vmem_shared>>
      %dma_wait3A_68 = arith.constant 0 : i32
      %dma_wait3A_69 = arith.constant 0 : i32
      %dma_wait3A_70 = tpu.memref_slice %arg10[%dma_wait3A_68, %dma_wait3A_69] : memref<128x128xf32, #tpu.memory_space<vmem>> -> memref<128x128xf32, #tpu.memory_space<vmem>>
      tpu.wait_dma2 semaphore(%run_scoped3A : memref<!tpu.dma_semaphore, #tpu.memory_space<semaphore_mem>>) src(%dma_wait3A_70 : memref<128x128xf32, #tpu.memory_space<vmem>>) dst(%dma_wait3A_67 : memref<128x128xf32, #tpu.memory_space<vmem_shared>>)
      tpu.yield
    }) : () -> ()
    %mul3A_18 = arith.constant 640 : i32
    %mul3A_19 = arith.muli %arg1, %mul3A_18 : i32
    %add3A_20 = arith.constant 384 : i32
    %add3A_21 = arith.addi %mul3A_19, %add3A_20 : i32
    "tpu.region"() ({
      %run_scoped3A = tpu.sem_alloc : memref<!tpu.dma_semaphore, #tpu.memory_space<semaphore_mem>>
      %dma_start3A = arith.constant 0 : i32
      %dma_start3A_53 = arith.constant 0 : i32
      %dma_start3A_54 = tpu.memref_slice %arg10[%dma_start3A, %dma_start3A_53] : memref<128x128xf32, #tpu.memory_space<vmem>> -> memref<128x128xf32, #tpu.memory_space<vmem>>
      %dma_start3A_55 = arith.constant 0 : i32
      %dma_start3A_56 = tpu.memref_slice %arg11[%add3A_21, %dma_start3A_55] : memref<10240x128xf32, #tpu.memory_space<vmem_shared>> -> memref<128x128xf32, #tpu.memory_space<vmem_shared>>
      %dma_start3A_57 = arith.constant 0 : i32
      %dma_start3A_58 = tpu.memref_slice %arg11[%add3A_21, %dma_start3A_57] : memref<10240x128xf32, #tpu.memory_space<vmem_shared>> -> memref<128x128xf32, #tpu.memory_space<vmem_shared>>
      %dma_start3A_59 = arith.constant 0 : i32
      %dma_start3A_60 = arith.constant 0 : i32
      %dma_start3A_61 = tpu.memref_slice %arg10[%dma_start3A_59, %dma_start3A_60] : memref<128x128xf32, #tpu.memory_space<vmem>> -> memref<128x128xf32, #tpu.memory_space<vmem>>
      tpu.enqueue_dma source(%dma_start3A_61 : memref<128x128xf32, #tpu.memory_space<vmem>>) target(%dma_start3A_58 : memref<128x128xf32, #tpu.memory_space<vmem_shared>>) target_semaphore(%run_scoped3A : memref<!tpu.dma_semaphore, #tpu.memory_space<semaphore_mem>>)
      %dma_wait3A = arith.constant 0 : i32
      %dma_wait3A_62 = arith.constant 0 : i32
      %dma_wait3A_63 = tpu.memref_slice %arg10[%dma_wait3A, %dma_wait3A_62] : memref<128x128xf32, #tpu.memory_space<vmem>> -> memref<128x128xf32, #tpu.memory_space<vmem>>
      %dma_wait3A_64 = arith.constant 0 : i32
      %dma_wait3A_65 = tpu.memref_slice %arg11[%add3A_21, %dma_wait3A_64] : memref<10240x128xf32, #tpu.memory_space<vmem_shared>> -> memref<128x128xf32, #tpu.memory_space<vmem_shared>>
      %dma_wait3A_66 = arith.constant 0 : i32
      %dma_wait3A_67 = tpu.memref_slice %arg11[%add3A_21, %dma_wait3A_66] : memref<10240x128xf32, #tpu.memory_space<vmem_shared>> -> memref<128x128xf32, #tpu.memory_space<vmem_shared>>
      %dma_wait3A_68 = arith.constant 0 : i32
      %dma_wait3A_69 = arith.constant 0 : i32
      %dma_wait3A_70 = tpu.memref_slice %arg10[%dma_wait3A_68, %dma_wait3A_69] : memref<128x128xf32, #tpu.memory_space<vmem>> -> memref<128x128xf32, #tpu.memory_space<vmem>>
      tpu.wait_dma2 semaphore(%run_scoped3A : memref<!tpu.dma_semaphore, #tpu.memory_space<semaphore_mem>>) src(%dma_wait3A_70 : memref<128x128xf32, #tpu.memory_space<vmem>>) dst(%dma_wait3A_67 : memref<128x128xf32, #tpu.memory_space<vmem_shared>>)
      tpu.yield
    }) : () -> ()
    %mul3A_22 = arith.constant 640 : i32
    %mul3A_23 = arith.muli %arg1, %mul3A_22 : i32
    %add3A_24 = arith.constant 512 : i32
    %add3A_25 = arith.addi %mul3A_23, %add3A_24 : i32
    "tpu.region"() ({
      %run_scoped3A = tpu.sem_alloc : memref<!tpu.dma_semaphore, #tpu.memory_space<semaphore_mem>>
      %dma_start3A = arith.constant 0 : i32
      %dma_start3A_53 = arith.constant 0 : i32
      %dma_start3A_54 = tpu.memref_slice %arg10[%dma_start3A, %dma_start3A_53] : memref<128x128xf32, #tpu.memory_space<vmem>> -> memref<128x128xf32, #tpu.memory_space<vmem>>
      %dma_start3A_55 = arith.constant 0 : i32
      %dma_start3A_56 = tpu.memref_slice %arg11[%add3A_25, %dma_start3A_55] : memref<10240x128xf32, #tpu.memory_space<vmem_shared>> -> memref<128x128xf32, #tpu.memory_space<vmem_shared>>
      %dma_start3A_57 = arith.constant 0 : i32
      %dma_start3A_58 = tpu.memref_slice %arg11[%add3A_25, %dma_start3A_57] : memref<10240x128xf32, #tpu.memory_space<vmem_shared>> -> memref<128x128xf32, #tpu.memory_space<vmem_shared>>
      %dma_start3A_59 = arith.constant 0 : i32
      %dma_start3A_60 = arith.constant 0 : i32
      %dma_start3A_61 = tpu.memref_slice %arg10[%dma_start3A_59, %dma_start3A_60] : memref<128x128xf32, #tpu.memory_space<vmem>> -> memref<128x128xf32, #tpu.memory_space<vmem>>
      tpu.enqueue_dma source(%dma_start3A_61 : memref<128x128xf32, #tpu.memory_space<vmem>>) target(%dma_start3A_58 : memref<128x128xf32, #tpu.memory_space<vmem_shared>>) target_semaphore(%run_scoped3A : memref<!tpu.dma_semaphore, #tpu.memory_space<semaphore_mem>>)
      %dma_wait3A = arith.constant 0 : i32
      %dma_wait3A_62 = arith.constant 0 : i32
      %dma_wait3A_63 = tpu.memref_slice %arg10[%dma_wait3A, %dma_wait3A_62] : memref<128x128xf32, #tpu.memory_space<vmem>> -> memref<128x128xf32, #tpu.memory_space<vmem>>
      %dma_wait3A_64 = arith.constant 0 : i32
      %dma_wait3A_65 = tpu.memref_slice %arg11[%add3A_25, %dma_wait3A_64] : memref<10240x128xf32, #tpu.memory_space<vmem_shared>> -> memref<128x128xf32, #tpu.memory_space<vmem_shared>>
      %dma_wait3A_66 = arith.constant 0 : i32
      %dma_wait3A_67 = tpu.memref_slice %arg11[%add3A_25, %dma_wait3A_66] : memref<10240x128xf32, #tpu.memory_space<vmem_shared>> -> memref<128x128xf32, #tpu.memory_space<vmem_shared>>
      %dma_wait3A_68 = arith.constant 0 : i32
      %dma_wait3A_69 = arith.constant 0 : i32
      %dma_wait3A_70 = tpu.memref_slice %arg10[%dma_wait3A_68, %dma_wait3A_69] : memref<128x128xf32, #tpu.memory_space<vmem>> -> memref<128x128xf32, #tpu.memory_space<vmem>>
      tpu.wait_dma2 semaphore(%run_scoped3A : memref<!tpu.dma_semaphore, #tpu.memory_space<semaphore_mem>>) src(%dma_wait3A_70 : memref<128x128xf32, #tpu.memory_space<vmem>>) dst(%dma_wait3A_67 : memref<128x128xf32, #tpu.memory_space<vmem_shared>>)
      tpu.yield
    }) : () -> ()
    %barrier3A = arith.constant 0 : index
    tpu.barrier barrier_id(%barrier3A)
    %scan3A_26 = arith.constant 0 : i32
    %scan3A_27 = arith.constant 0 : i32
    %scan3A_28 = arith.constant 79 : i32
    %scan3A_29 = arith.addi %scan3A_27, %scan3A_28 : i32
    %scan3A_30 = arith.constant 1 : i32
    scf.for %scan3A_53 = %scan3A_27 to %scan3A_29 step %scan3A_30  : i32 {
      %mul3A_54 = arith.constant 10112 : i32
      %mul3A_55 = arith.muli %add3A, %mul3A_54 : i32
      %mul3A_56 = arith.constant 128 : i32
      %mul3A_57 = arith.muli %scan3A_53, %mul3A_56 : i32
      %add3A_58 = arith.addi %mul3A_55, %mul3A_57 : i32
      "tpu.region"() ({
        %run_scoped3A = tpu.sem_alloc : memref<!tpu.dma_semaphore, #tpu.memory_space<semaphore_mem>>
        %dma_start3A_69 = tpu.memref_slice %arg3[%add3A_58] : memref<323584xi32, #tpu.memory_space<hbm>> -> memref<128xi32, #tpu.memory_space<hbm>>
        %dma_start3A_70 = tpu.memref_slice %arg3[%add3A_58] : memref<323584xi32, #tpu.memory_space<hbm>> -> memref<128xi32, #tpu.memory_space<hbm>>
        tpu.enqueue_dma source(%dma_start3A_70 : memref<128xi32, #tpu.memory_space<hbm>>) target(%arg7 : memref<128xi32, #tpu.memory_space<vmem>>) target_semaphore(%run_scoped3A : memref<!tpu.dma_semaphore, #tpu.memory_space<semaphore_mem>>)
        %dma_wait3A_71 = tpu.memref_slice %arg3[%add3A_58] : memref<323584xi32, #tpu.memory_space<hbm>> -> memref<128xi32, #tpu.memory_space<hbm>>
        %dma_wait3A_72 = tpu.memref_slice %arg3[%add3A_58] : memref<323584xi32, #tpu.memory_space<hbm>> -> memref<128xi32, #tpu.memory_space<hbm>>
        tpu.wait_dma2 semaphore(%run_scoped3A : memref<!tpu.dma_semaphore, #tpu.memory_space<semaphore_mem>>) src(%dma_wait3A_72 : memref<128xi32, #tpu.memory_space<hbm>>) dst(%arg7 : memref<128xi32, #tpu.memory_space<vmem>>)
        tpu.yield
      }) : () -> ()
      "tpu.region"() ({
        %run_scoped3A = tpu.sem_alloc : memref<!tpu.dma_semaphore, #tpu.memory_space<semaphore_mem>>
        %dma_start3A_69 = tpu.memref_slice %arg4[%add3A_58] : memref<323584xi32, #tpu.memory_space<hbm>> -> memref<128xi32, #tpu.memory_space<hbm>>
        %dma_start3A_70 = tpu.memref_slice %arg4[%add3A_58] : memref<323584xi32, #tpu.memory_space<hbm>> -> memref<128xi32, #tpu.memory_space<hbm>>
        tpu.enqueue_dma source(%dma_start3A_70 : memref<128xi32, #tpu.memory_space<hbm>>) target(%arg8 : memref<128xi32, #tpu.memory_space<vmem>>) target_semaphore(%run_scoped3A : memref<!tpu.dma_semaphore, #tpu.memory_space<semaphore_mem>>)
        %dma_wait3A_71 = tpu.memref_slice %arg4[%add3A_58] : memref<323584xi32, #tpu.memory_space<hbm>> -> memref<128xi32, #tpu.memory_space<hbm>>
        %dma_wait3A_72 = tpu.memref_slice %arg4[%add3A_58] : memref<323584xi32, #tpu.memory_space<hbm>> -> memref<128xi32, #tpu.memory_space<hbm>>
        tpu.wait_dma2 semaphore(%run_scoped3A : memref<!tpu.dma_semaphore, #tpu.memory_space<semaphore_mem>>) src(%dma_wait3A_72 : memref<128xi32, #tpu.memory_space<hbm>>) dst(%arg8 : memref<128xi32, #tpu.memory_space<vmem>>)
        tpu.yield
      }) : () -> ()
      "tpu.region"() ({
        %run_scoped3A = tpu.sem_alloc : memref<!tpu.dma_semaphore, #tpu.memory_space<semaphore_mem>>
        %dma_start3A_69 = tpu.memref_slice %arg5[%add3A_58] : memref<323584xf32, #tpu.memory_space<hbm>> -> memref<128xf32, #tpu.memory_space<hbm>>
        %dma_start3A_70 = tpu.memref_slice %arg5[%add3A_58] : memref<323584xf32, #tpu.memory_space<hbm>> -> memref<128xf32, #tpu.memory_space<hbm>>
        tpu.enqueue_dma source(%dma_start3A_70 : memref<128xf32, #tpu.memory_space<hbm>>) target(%arg9 : memref<128xf32, #tpu.memory_space<vmem>>) target_semaphore(%run_scoped3A : memref<!tpu.dma_semaphore, #tpu.memory_space<semaphore_mem>>)
        %dma_wait3A_71 = tpu.memref_slice %arg5[%add3A_58] : memref<323584xf32, #tpu.memory_space<hbm>> -> memref<128xf32, #tpu.memory_space<hbm>>
        %dma_wait3A_72 = tpu.memref_slice %arg5[%add3A_58] : memref<323584xf32, #tpu.memory_space<hbm>> -> memref<128xf32, #tpu.memory_space<hbm>>
        tpu.wait_dma2 semaphore(%run_scoped3A : memref<!tpu.dma_semaphore, #tpu.memory_space<semaphore_mem>>) src(%dma_wait3A_72 : memref<128xf32, #tpu.memory_space<hbm>>) dst(%arg9 : memref<128xf32, #tpu.memory_space<vmem>>)
        tpu.yield
      }) : () -> ()
      %dma_start3A = arith.constant 0 : i32
      %dma_start3A_59 = arith.constant 0 : i32
      %dma_start3A_60 = tpu.memref_slice %arg2[%dma_start3A, %dma_start3A_59] : memref<10000x128xf32, #tpu.memory_space<hbm>> -> memref<10000x128xf32, #tpu.memory_space<hbm>>
      tpu.enqueue_indirect_dma source(%dma_start3A_60 : memref<10000x128xf32, #tpu.memory_space<hbm>>) target(%arg10 : memref<128x128xf32, #tpu.memory_space<vmem>>) offsets(%arg7 : memref<128xi32, #tpu.memory_space<vmem>>) semaphore(%arg12 : memref<!tpu.dma_semaphore, #tpu.memory_space<semaphore_mem>>)
      %dma_wait3A = arith.constant 0 : i32
      %dma_wait3A_61 = arith.constant 0 : i32
      %dma_wait3A_62 = tpu.memref_slice %arg2[%dma_wait3A, %dma_wait3A_61] : memref<10000x128xf32, #tpu.memory_space<hbm>> -> memref<10000x128xf32, #tpu.memory_space<hbm>>
      tpu.wait_indirect_dma semaphore(%arg12 : memref<!tpu.dma_semaphore, #tpu.memory_space<semaphore_mem>>) src(%dma_wait3A_62 : memref<10000x128xf32, #tpu.memory_space<hbm>>) dst(%arg10 : memref<128x128xf32, #tpu.memory_space<vmem>>)
      %scan3A_63 = arith.constant 0 : i32
      %scan3A_64 = arith.constant 0 : i32
      %scan3A_65 = arith.constant 8 : i32
      %scan3A_66 = arith.addi %scan3A_64, %scan3A_65 : i32
      %scan3A_67 = arith.constant 1 : i32
      scf.for %scan3A_69 = %scan3A_64 to %scan3A_66 step %scan3A_67  : i32 {
        %mul3A_70 = arith.constant 16 : i32
        %mul3A_71 = arith.muli %scan3A_69, %mul3A_70 : i32
        %get3A = arith.index_cast %mul3A_71 : i32 to index
        %get3A_72 = tpu.vector_load %arg9[%get3A] {strides = array<i32>} : memref<128xf32, #tpu.memory_space<vmem>>, vector<16xf32>,
        %get3A_73 = vector.shape_cast %get3A_72 : vector<16xf32> to vector<16xf32>
        %broadcast_in_dim3A = arith.constant 0 : i32
        %broadcast_in_dim3A_74 = vector.broadcast %broadcast_in_dim3A : i32 to vector<16x1xi32>
        %gather3A = vector.shape_cast %broadcast_in_dim3A_74 : vector<16x1xi32> to vector<16xi32>
        %gather3A_75 = tpu.dynamic_gather %get3A_73[%gather3A] in [0] : vector<16xf32>, vector<16xi32> -> vector<16xf32>
        %mul3A_76 = arith.constant 16 : i32
        %mul3A_77 = arith.muli %scan3A_69, %mul3A_76 : i32
        %add3A_78 = arith.constant 0 : i32
        %add3A_79 = arith.addi %mul3A_77, %add3A_78 : i32
        %get3A_80 = arith.index_cast %add3A_79 : i32 to index
        %get3A_81 = arith.constant 0 : index
        %get3A_82 = tpu.vector_load %arg10[%get3A_80, %get3A_81] {strides = array<i32>} : memref<128x128xf32, #tpu.memory_space<vmem>>, vector<1x16xf32>,
        %get3A_83 = vector.shape_cast %get3A_82 : vector<1x16xf32> to vector<16xf32>
        %mul3A_84 = arith.mulf %get3A_83, %gather3A_75 : vector<16xf32>
        %swap3A = arith.index_cast %add3A_79 : i32 to index
        %swap3A_85 = arith.constant 0 : index
        %swap3A_86 = tpu.vector_load %arg10[%swap3A, %swap3A_85] {strides = array<i32>} : memref<128x128xf32, #tpu.memory_space<vmem>>, vector<1x16xf32>,
        %swap3A_87 = vector.shape_cast %swap3A_86 : vector<1x16xf32> to vector<16xf32>
        %swap3A_88 = vector.shape_cast %mul3A_84 : vector<16xf32> to vector<1x16xf32>
        tpu.vector_store %arg10[%swap3A, %swap3A_85], %swap3A_88 {strides = array<i32>} : memref<128x128xf32, #tpu.memory_space<vmem>>, vector<1x16xf32>,
        %get3A_89 = arith.index_cast %add3A_79 : i32 to index
        %get3A_90 = arith.constant 16 : index
        %get3A_91 = tpu.vector_load %arg10[%get3A_89, %get3A_90] {strides = array<i32>} : memref<128x128xf32, #tpu.memory_space<vmem>>, vector<1x16xf32>,
        %get3A_92 = vector.shape_cast %get3A_91 : vector<1x16xf32> to vector<16xf32>
        %mul3A_93 = arith.mulf %get3A_92, %gather3A_75 : vector<16xf32>
        %swap3A_94 = arith.index_cast %add3A_79 : i32 to index
        %swap3A_95 = arith.constant 16 : index
        %swap3A_96 = tpu.vector_load %arg10[%swap3A_94, %swap3A_95] {strides = array<i32>} : memref<128x128xf32, #tpu.memory_space<vmem>>, vector<1x16xf32>,
        %swap3A_97 = vector.shape_cast %swap3A_96 : vector<1x16xf32> to vector<16xf32>
        %swap3A_98 = vector.shape_cast %mul3A_93 : vector<16xf32> to vector<1x16xf32>
        tpu.vector_store %arg10[%swap3A_94, %swap3A_95], %swap3A_98 {strides = array<i32>} : memref<128x128xf32, #tpu.memory_space<vmem>>, vector<1x16xf32>,
        %get3A_99 = arith.index_cast %add3A_79 : i32 to index
        %get3A_100 = arith.constant 32 : index
        %get3A_101 = tpu.vector_load %arg10[%get3A_99, %get3A_100] {strides = array<i32>} : memref<128x128xf32, #tpu.memory_space<vmem>>, vector<1x16xf32>,
        %get3A_102 = vector.shape_cast %get3A_101 : vector<1x16xf32> to vector<16xf32>
        %mul3A_103 = arith.mulf %get3A_102, %gather3A_75 : vector<16xf32>
        %swap3A_104 = arith.index_cast %add3A_79 : i32 to index
        %swap3A_105 = arith.constant 32 : index
        %swap3A_106 = tpu.vector_load %arg10[%swap3A_104, %swap3A_105] {strides = array<i32>} : memref<128x128xf32, #tpu.memory_space<vmem>>, vector<1x16xf32>,
        %swap3A_107 = vector.shape_cast %swap3A_106 : vector<1x16xf32> to vector<16xf32>
        %swap3A_108 = vector.shape_cast %mul3A_103 : vector<16xf32> to vector<1x16xf32>
        tpu.vector_store %arg10[%swap3A_104, %swap3A_105], %swap3A_108 {strides = array<i32>} : memref<128x128xf32, #tpu.memory_space<vmem>>, vector<1x16xf32>,
        %get3A_109 = arith.index_cast %add3A_79 : i32 to index
        %get3A_110 = arith.constant 48 : index
        %get3A_111 = tpu.vector_load %arg10[%get3A_109, %get3A_110] {strides = array<i32>} : memref<128x128xf32, #tpu.memory_space<vmem>>, vector<1x16xf32>,
        %get3A_112 = vector.shape_cast %get3A_111 : vector<1x16xf32> to vector<16xf32>
        %mul3A_113 = arith.mulf %get3A_112, %gather3A_75 : vector<16xf32>
        %swap3A_114 = arith.index_cast %add3A_79 : i32 to index
        %swap3A_115 = arith.constant 48 : index
        %swap3A_116 = tpu.vector_load %arg10[%swap3A_114, %swap3A_115] {strides = array<i32>} : memref<128x128xf32, #tpu.memory_space<vmem>>, vector<1x16xf32>,
        %swap3A_117 = vector.shape_cast %swap3A_116 : vector<1x16xf32> to vector<16xf32>
        %swap3A_118 = vector.shape_cast %mul3A_113 : vector<16xf32> to vector<1x16xf32>
        tpu.vector_store %arg10[%swap3A_114, %swap3A_115], %swap3A_118 {strides = array<i32>} : memref<128x128xf32, #tpu.memory_space<vmem>>, vector<1x16xf32>,
        %get3A_119 = arith.index_cast %add3A_79 : i32 to index
        %get3A_120 = arith.constant 64 : index
        %get3A_121 = tpu.vector_load %arg10[%get3A_119, %get3A_120] {strides = array<i32>} : memref<128x128xf32, #tpu.memory_space<vmem>>, vector<1x16xf32>,
        %get3A_122 = vector.shape_cast %get3A_121 : vector<1x16xf32> to vector<16xf32>
        %mul3A_123 = arith.mulf %get3A_122, %gather3A_75 : vector<16xf32>
        %swap3A_124 = arith.index_cast %add3A_79 : i32 to index
        %swap3A_125 = arith.constant 64 : index
        %swap3A_126 = tpu.vector_load %arg10[%swap3A_124, %swap3A_125] {strides = array<i32>} : memref<128x128xf32, #tpu.memory_space<vmem>>, vector<1x16xf32>,
        %swap3A_127 = vector.shape_cast %swap3A_126 : vector<1x16xf32> to vector<16xf32>
        %swap3A_128 = vector.shape_cast %mul3A_123 : vector<16xf32> to vector<1x16xf32>
        tpu.vector_store %arg10[%swap3A_124, %swap3A_125], %swap3A_128 {strides = array<i32>} : memref<128x128xf32, #tpu.memory_space<vmem>>, vector<1x16xf32>,
        %get3A_129 = arith.index_cast %add3A_79 : i32 to index
        %get3A_130 = arith.constant 80 : index
        %get3A_131 = tpu.vector_load %arg10[%get3A_129, %get3A_130] {strides = array<i32>} : memref<128x128xf32, #tpu.memory_space<vmem>>, vector<1x16xf32>,
        %get3A_132 = vector.shape_cast %get3A_131 : vector<1x16xf32> to vector<16xf32>
        %mul3A_133 = arith.mulf %get3A_132, %gather3A_75 : vector<16xf32>
        %swap3A_134 = arith.index_cast %add3A_79 : i32 to index
        %swap3A_135 = arith.constant 80 : index
        %swap3A_136 = tpu.vector_load %arg10[%swap3A_134, %swap3A_135] {strides = array<i32>} : memref<128x128xf32, #tpu.memory_space<vmem>>, vector<1x16xf32>,
        %swap3A_137 = vector.shape_cast %swap3A_136 : vector<1x16xf32> to vector<16xf32>
        %swap3A_138 = vector.shape_cast %mul3A_133 : vector<16xf32> to vector<1x16xf32>
        tpu.vector_store %arg10[%swap3A_134, %swap3A_135], %swap3A_138 {strides = array<i32>} : memref<128x128xf32, #tpu.memory_space<vmem>>, vector<1x16xf32>,
        %get3A_139 = arith.index_cast %add3A_79 : i32 to index
        %get3A_140 = arith.constant 96 : index
        %get3A_141 = tpu.vector_load %arg10[%get3A_139, %get3A_140] {strides = array<i32>} : memref<128x128xf32, #tpu.memory_space<vmem>>, vector<1x16xf32>,
        %get3A_142 = vector.shape_cast %get3A_141 : vector<1x16xf32> to vector<16xf32>
        %mul3A_143 = arith.mulf %get3A_142, %gather3A_75 : vector<16xf32>
        %swap3A_144 = arith.index_cast %add3A_79 : i32 to index
        %swap3A_145 = arith.constant 96 : index
        %swap3A_146 = tpu.vector_load %arg10[%swap3A_144, %swap3A_145] {strides = array<i32>} : memref<128x128xf32, #tpu.memory_space<vmem>>, vector<1x16xf32>,
        %swap3A_147 = vector.shape_cast %swap3A_146 : vector<1x16xf32> to vector<16xf32>
        %swap3A_148 = vector.shape_cast %mul3A_143 : vector<16xf32> to vector<1x16xf32>
        tpu.vector_store %arg10[%swap3A_144, %swap3A_145], %swap3A_148 {strides = array<i32>} : memref<128x128xf32, #tpu.memory_space<vmem>>, vector<1x16xf32>,
        %get3A_149 = arith.index_cast %add3A_79 : i32 to index
        %get3A_150 = arith.constant 112 : index
        %get3A_151 = tpu.vector_load %arg10[%get3A_149, %get3A_150] {strides = array<i32>} : memref<128x128xf32, #tpu.memory_space<vmem>>, vector<1x16xf32>,
        %get3A_152 = vector.shape_cast %get3A_151 : vector<1x16xf32> to vector<16xf32>
        %mul3A_153 = arith.mulf %get3A_152, %gather3A_75 : vector<16xf32>
        %swap3A_154 = arith.index_cast %add3A_79 : i32 to index
        %swap3A_155 = arith.constant 112 : index
        %swap3A_156 = tpu.vector_load %arg10[%swap3A_154, %swap3A_155] {strides = array<i32>} : memref<128x128xf32, #tpu.memory_space<vmem>>, vector<1x16xf32>,
        %swap3A_157 = vector.shape_cast %swap3A_156 : vector<1x16xf32> to vector<16xf32>
        %swap3A_158 = vector.shape_cast %mul3A_153 : vector<16xf32> to vector<1x16xf32>
        tpu.vector_store %arg10[%swap3A_154, %swap3A_155], %swap3A_158 {strides = array<i32>} : memref<128x128xf32, #tpu.memory_space<vmem>>, vector<1x16xf32>,
        %broadcast_in_dim3A_159 = arith.constant 1 : i32
        %broadcast_in_dim3A_160 = vector.broadcast %broadcast_in_dim3A_159 : i32 to vector<16x1xi32>
        %gather3A_161 = vector.shape_cast %broadcast_in_dim3A_160 : vector<16x1xi32> to vector<16xi32>
        %gather3A_162 = tpu.dynamic_gather %get3A_73[%gather3A_161] in [0] : vector<16xf32>, vector<16xi32> -> vector<16xf32>
        %mul3A_163 = arith.constant 16 : i32
        %mul3A_164 = arith.muli %scan3A_69, %mul3A_163 : i32
        %add3A_165 = arith.constant 1 : i32
        %add3A_166 = arith.addi %mul3A_164, %add3A_165 : i32
        %get3A_167 = arith.index_cast %add3A_166 : i32 to index
        %get3A_168 = arith.constant 0 : index
        %get3A_169 = tpu.vector_load %arg10[%get3A_167, %get3A_168] {strides = array<i32>} : memref<128x128xf32, #tpu.memory_space<vmem>>, vector<1x16xf32>,
        %get3A_170 = vector.shape_cast %get3A_169 : vector<1x16xf32> to vector<16xf32>
        %mul3A_171 = arith.mulf %get3A_170, %gather3A_162 : vector<16xf32>
        %swap3A_172 = arith.index_cast %add3A_166 : i32 to index
        %swap3A_173 = arith.constant 0 : index
        %swap3A_174 = tpu.vector_load %arg10[%swap3A_172, %swap3A_173] {strides = array<i32>} : memref<128x128xf32, #tpu.memory_space<vmem>>, vector<1x16xf32>,
        %swap3A_175 = vector.shape_cast %swap3A_174 : vector<1x16xf32> to vector<16xf32>
        %swap3A_176 = vector.shape_cast %mul3A_171 : vector<16xf32> to vector<1x16xf32>
        tpu.vector_store %arg10[%swap3A_172, %swap3A_173], %swap3A_176 {strides = array<i32>} : memref<128x128xf32, #tpu.memory_space<vmem>>, vector<1x16xf32>,
        %get3A_177 = arith.index_cast %add3A_166 : i32 to index
        %get3A_178 = arith.constant 16 : index
        %get3A_179 = tpu.vector_load %arg10[%get3A_177, %get3A_178] {strides = array<i32>} : memref<128x128xf32, #tpu.memory_space<vmem>>, vector<1x16xf32>,
        %get3A_180 = vector.shape_cast %get3A_179 : vector<1x16xf32> to vector<16xf32>
        %mul3A_181 = arith.mulf %get3A_180, %gather3A_162 : vector<16xf32>
        %swap3A_182 = arith.index_cast %add3A_166 : i32 to index
        %swap3A_183 = arith.constant 16 : index
        %swap3A_184 = tpu.vector_load %arg10[%swap3A_182, %swap3A_183] {strides = array<i32>} : memref<128x128xf32, #tpu.memory_space<vmem>>, vector<1x16xf32>,
        %swap3A_185 = vector.shape_cast %swap3A_184 : vector<1x16xf32> to vector<16xf32>
        %swap3A_186 = vector.shape_cast %mul3A_181 : vector<16xf32> to vector<1x16xf32>
        tpu.vector_store %arg10[%swap3A_182, %swap3A_183], %swap3A_186 {strides = array<i32>} : memref<128x128xf32, #tpu.memory_space<vmem>>, vector<1x16xf32>,
        %get3A_187 = arith.index_cast %add3A_166 : i32 to index
        %get3A_188 = arith.constant 32 : index
        %get3A_189 = tpu.vector_load %arg10[%get3A_187, %get3A_188] {strides = array<i32>} : memref<128x128xf32, #tpu.memory_space<vmem>>, vector<1x16xf32>,
        %get3A_190 = vector.shape_cast %get3A_189 : vector<1x16xf32> to vector<16xf32>
        %mul3A_191 = arith.mulf %get3A_190, %gather3A_162 : vector<16xf32>
        %swap3A_192 = arith.index_cast %add3A_166 : i32 to index
        %swap3A_193 = arith.constant 32 : index
        %swap3A_194 = tpu.vector_load %arg10[%swap3A_192, %swap3A_193] {strides = array<i32>} : memref<128x128xf32, #tpu.memory_space<vmem>>, vector<1x16xf32>,
        %swap3A_195 = vector.shape_cast %swap3A_194 : vector<1x16xf32> to vector<16xf32>
        %swap3A_196 = vector.shape_cast %mul3A_191 : vector<16xf32> to vector<1x16xf32>
        tpu.vector_store %arg10[%swap3A_192, %swap3A_193], %swap3A_196 {strides = array<i32>} : memref<128x128xf32, #tpu.memory_space<vmem>>, vector<1x16xf32>,
        %get3A_197 = arith.index_cast %add3A_166 : i32 to index
        %get3A_198 = arith.constant 48 : index
        %get3A_199 = tpu.vector_load %arg10[%get3A_197, %get3A_198] {strides = array<i32>} : memref<128x128xf32, #tpu.memory_space<vmem>>, vector<1x16xf32>,
        %get3A_200 = vector.shape_cast %get3A_199 : vector<1x16xf32> to vector<16xf32>
        %mul3A_201 = arith.mulf %get3A_200, %gather3A_162 : vector<16xf32>
        %swap3A_202 = arith.index_cast %add3A_166 : i32 to index
        %swap3A_203 = arith.constant 48 : index
        %swap3A_204 = tpu.vector_load %arg10[%swap3A_202, %swap3A_203] {strides = array<i32>} : memref<128x128xf32, #tpu.memory_space<vmem>>, vector<1x16xf32>,
        %swap3A_205 = vector.shape_cast %swap3A_204 : vector<1x16xf32> to vector<16xf32>
        %swap3A_206 = vector.shape_cast %mul3A_201 : vector<16xf32> to vector<1x16xf32>
        tpu.vector_store %arg10[%swap3A_202, %swap3A_203], %swap3A_206 {strides = array<i32>} : memref<128x128xf32, #tpu.memory_space<vmem>>, vector<1x16xf32>,
        %get3A_207 = arith.index_cast %add3A_166 : i32 to index
        %get3A_208 = arith.constant 64 : index
        %get3A_209 = tpu.vector_load %arg10[%get3A_207, %get3A_208] {strides = array<i32>} : memref<128x128xf32, #tpu.memory_space<vmem>>, vector<1x16xf32>,
        %get3A_210 = vector.shape_cast %get3A_209 : vector<1x16xf32> to vector<16xf32>
        %mul3A_211 = arith.mulf %get3A_210, %gather3A_162 : vector<16xf32>
        %swap3A_212 = arith.index_cast %add3A_166 : i32 to index
        %swap3A_213 = arith.constant 64 : index
        %swap3A_214 = tpu.vector_load %arg10[%swap3A_212, %swap3A_213] {strides = array<i32>} : memref<128x128xf32, #tpu.memory_space<vmem>>, vector<1x16xf32>,
        %swap3A_215 = vector.shape_cast %swap3A_214 : vector<1x16xf32> to vector<16xf32>
        %swap3A_216 = vector.shape_cast %mul3A_211 : vector<16xf32> to vector<1x16xf32>
        tpu.vector_store %arg10[%swap3A_212, %swap3A_213], %swap3A_216 {strides = array<i32>} : memref<128x128xf32, #tpu.memory_space<vmem>>, vector<1x16xf32>,
        %get3A_217 = arith.index_cast %add3A_166 : i32 to index
        %get3A_218 = arith.constant 80 : index
        %get3A_219 = tpu.vector_load %arg10[%get3A_217, %get3A_218] {strides = array<i32>} : memref<128x128xf32, #tpu.memory_space<vmem>>, vector<1x16xf32>,
        %get3A_220 = vector.shape_cast %get3A_219 : vector<1x16xf32> to vector<16xf32>
        %mul3A_221 = arith.mulf %get3A_220, %gather3A_162 : vector<16xf32>
        %swap3A_222 = arith.index_cast %add3A_166 : i32 to index
        %swap3A_223 = arith.constant 80 : index
        %swap3A_224 = tpu.vector_load %arg10[%swap3A_222, %swap3A_223] {strides = array<i32>} : memref<128x128xf32, #tpu.memory_space<vmem>>, vector<1x16xf32>,
        %swap3A_225 = vector.shape_cast %swap3A_224 : vector<1x16xf32> to vector<16xf32>
        %swap3A_226 = vector.shape_cast %mul3A_221 : vector<16xf32> to vector<1x16xf32>
        tpu.vector_store %arg10[%swap3A_222, %swap3A_223], %swap3A_226 {strides = array<i32>} : memref<128x128xf32, #tpu.memory_space<vmem>>, vector<1x16xf32>,
        %get3A_227 = arith.index_cast %add3A_166 : i32 to index
        %get3A_228 = arith.constant 96 : index
        %get3A_229 = tpu.vector_load %arg10[%get3A_227, %get3A_228] {strides = array<i32>} : memref<128x128xf32, #tpu.memory_space<vmem>>, vector<1x16xf32>,
        %get3A_230 = vector.shape_cast %get3A_229 : vector<1x16xf32> to vector<16xf32>
        %mul3A_231 = arith.mulf %get3A_230, %gather3A_162 : vector<16xf32>
        %swap3A_232 = arith.index_cast %add3A_166 : i32 to index
        %swap3A_233 = arith.constant 96 : index
        %swap3A_234 = tpu.vector_load %arg10[%swap3A_232, %swap3A_233] {strides = array<i32>} : memref<128x128xf32, #tpu.memory_space<vmem>>, vector<1x16xf32>,
        %swap3A_235 = vector.shape_cast %swap3A_234 : vector<1x16xf32> to vector<16xf32>
        %swap3A_236 = vector.shape_cast %mul3A_231 : vector<16xf32> to vector<1x16xf32>
        tpu.vector_store %arg10[%swap3A_232, %swap3A_233], %swap3A_236 {strides = array<i32>} : memref<128x128xf32, #tpu.memory_space<vmem>>, vector<1x16xf32>,
        %get3A_237 = arith.index_cast %add3A_166 : i32 to index
        %get3A_238 = arith.constant 112 : index
        %get3A_239 = tpu.vector_load %arg10[%get3A_237, %get3A_238] {strides = array<i32>} : memref<128x128xf32, #tpu.memory_space<vmem>>, vector<1x16xf32>,
        %get3A_240 = vector.shape_cast %get3A_239 : vector<1x16xf32> to vector<16xf32>
        %mul3A_241 = arith.mulf %get3A_240, %gather3A_162 : vector<16xf32>
        %swap3A_242 = arith.index_cast %add3A_166 : i32 to index
        %swap3A_243 = arith.constant 112 : index
        %swap3A_244 = tpu.vector_load %arg10[%swap3A_242, %swap3A_243] {strides = array<i32>} : memref<128x128xf32, #tpu.memory_space<vmem>>, vector<1x16xf32>,
        %swap3A_245 = vector.shape_cast %swap3A_244 : vector<1x16xf32> to vector<16xf32>
        %swap3A_246 = vector.shape_cast %mul3A_241 : vector<16xf32> to vector<1x16xf32>
        tpu.vector_store %arg10[%swap3A_242, %swap3A_243], %swap3A_246 {strides = array<i32>} : memref<128x128xf32, #tpu.memory_space<vmem>>, vector<1x16xf32>,
        %broadcast_in_dim3A_247 = arith.constant 2 : i32
        %broadcast_in_dim3A_248 = vector.broadcast %broadcast_in_dim3A_247 : i32 to vector<16x1xi32>
        %gather3A_249 = vector.shape_cast %broadcast_in_dim3A_248 : vector<16x1xi32> to vector<16xi32>
        %gather3A_250 = tpu.dynamic_gather %get3A_73[%gather3A_249] in [0] : vector<16xf32>, vector<16xi32> -> vector<16xf32>
        %mul3A_251 = arith.constant 16 : i32
        %mul3A_252 = arith.muli %scan3A_69, %mul3A_251 : i32
        %add3A_253 = arith.constant 2 : i32
        %add3A_254 = arith.addi %mul3A_252, %add3A_253 : i32
        %get3A_255 = arith.index_cast %add3A_254 : i32 to index
        %get3A_256 = arith.constant 0 : index
        %get3A_257 = tpu.vector_load %arg10[%get3A_255, %get3A_256] {strides = array<i32>} : memref<128x128xf32, #tpu.memory_space<vmem>>, vector<1x16xf32>,
        %get3A_258 = vector.shape_cast %get3A_257 : vector<1x16xf32> to vector<16xf32>
        %mul3A_259 = arith.mulf %get3A_258, %gather3A_250 : vector<16xf32>
        %swap3A_260 = arith.index_cast %add3A_254 : i32 to index
        %swap3A_261 = arith.constant 0 : index
        %swap3A_262 = tpu.vector_load %arg10[%swap3A_260, %swap3A_261] {strides = array<i32>} : memref<128x128xf32, #tpu.memory_space<vmem>>, vector<1x16xf32>,
        %swap3A_263 = vector.shape_cast %swap3A_262 : vector<1x16xf32> to vector<16xf32>
        %swap3A_264 = vector.shape_cast %mul3A_259 : vector<16xf32> to vector<1x16xf32>
        tpu.vector_store %arg10[%swap3A_260, %swap3A_261], %swap3A_264 {strides = array<i32>} : memref<128x128xf32, #tpu.memory_space<vmem>>, vector<1x16xf32>,
        %get3A_265 = arith.index_cast %add3A_254 : i32 to index
        %get3A_266 = arith.constant 16 : index
        %get3A_267 = tpu.vector_load %arg10[%get3A_265, %get3A_266] {strides = array<i32>} : memref<128x128xf32, #tpu.memory_space<vmem>>, vector<1x16xf32>,
        %get3A_268 = vector.shape_cast %get3A_267 : vector<1x16xf32> to vector<16xf32>
        %mul3A_269 = arith.mulf %get3A_268, %gather3A_250 : vector<16xf32>
        %swap3A_270 = arith.index_cast %add3A_254 : i32 to index
        %swap3A_271 = arith.constant 16 : index
        %swap3A_272 = tpu.vector_load %arg10[%swap3A_270, %swap3A_271] {strides = array<i32>} : memref<128x128xf32, #tpu.memory_space<vmem>>, vector<1x16xf32>,
        %swap3A_273 = vector.shape_cast %swap3A_272 : vector<1x16xf32> to vector<16xf32>
        %swap3A_274 = vector.shape_cast %mul3A_269 : vector<16xf32> to vector<1x16xf32>
        tpu.vector_store %arg10[%swap3A_270, %swap3A_271], %swap3A_274 {strides = array<i32>} : memref<128x128xf32, #tpu.memory_space<vmem>>, vector<1x16xf32>,
        %get3A_275 = arith.index_cast %add3A_254 : i32 to index
        %get3A_276 = arith.constant 32 : index
        %get3A_277 = tpu.vector_load %arg10[%get3A_275, %get3A_276] {strides = array<i32>} : memref<128x128xf32, #tpu.memory_space<vmem>>, vector<1x16xf32>,
        %get3A_278 = vector.shape_cast %get3A_277 : vector<1x16xf32> to vector<16xf32>
        %mul3A_279 = arith.mulf %get3A_278, %gather3A_250 : vector<16xf32>
        %swap3A_280 = arith.index_cast %add3A_254 : i32 to index
        %swap3A_281 = arith.constant 32 : index
        %swap3A_282 = tpu.vector_load %arg10[%swap3A_280, %swap3A_281] {strides = array<i32>} : memref<128x128xf32, #tpu.memory_space<vmem>>, vector<1x16xf32>,
        %swap3A_283 = vector.shape_cast %swap3A_282 : vector<1x16xf32> to vector<16xf32>
        %swap3A_284 = vector.shape_cast %mul3A_279 : vector<16xf32> to vector<1x16xf32>
        tpu.vector_store %arg10[%swap3A_280, %swap3A_281], %swap3A_284 {strides = array<i32>} : memref<128x128xf32, #tpu.memory_space<vmem>>, vector<1x16xf32>,
        %get3A_285 = arith.index_cast %add3A_254 : i32 to index
        %get3A_286 = arith.constant 48 : index
        %get3A_287 = tpu.vector_load %arg10[%get3A_285, %get3A_286] {strides = array<i32>} : memref<128x128xf32, #tpu.memory_space<vmem>>, vector<1x16xf32>,
        %get3A_288 = vector.shape_cast %get3A_287 : vector<1x16xf32> to vector<16xf32>
        %mul3A_289 = arith.mulf %get3A_288, %gather3A_250 : vector<16xf32>
        %swap3A_290 = arith.index_cast %add3A_254 : i32 to index
        %swap3A_291 = arith.constant 48 : index
        %swap3A_292 = tpu.vector_load %arg10[%swap3A_290, %swap3A_291] {strides = array<i32>} : memref<128x128xf32, #tpu.memory_space<vmem>>, vector<1x16xf32>,
        %swap3A_293 = vector.shape_cast %swap3A_292 : vector<1x16xf32> to vector<16xf32>
        %swap3A_294 = vector.shape_cast %mul3A_289 : vector<16xf32> to vector<1x16xf32>
        tpu.vector_store %arg10[%swap3A_290, %swap3A_291], %swap3A_294 {strides = array<i32>} : memref<128x128xf32, #tpu.memory_space<vmem>>, vector<1x16xf32>,
        %get3A_295 = arith.index_cast %add3A_254 : i32 to index
        %get3A_296 = arith.constant 64 : index
        %get3A_297 = tpu.vector_load %arg10[%get3A_295, %get3A_296] {strides = array<i32>} : memref<128x128xf32, #tpu.memory_space<vmem>>, vector<1x16xf32>,
        %get3A_298 = vector.shape_cast %get3A_297 : vector<1x16xf32> to vector<16xf32>
        %mul3A_299 = arith.mulf %get3A_298, %gather3A_250 : vector<16xf32>
        %swap3A_300 = arith.index_cast %add3A_254 : i32 to index
        %swap3A_301 = arith.constant 64 : index
        %swap3A_302 = tpu.vector_load %arg10[%swap3A_300, %swap3A_301] {strides = array<i32>} : memref<128x128xf32, #tpu.memory_space<vmem>>, vector<1x16xf32>,
        %swap3A_303 = vector.shape_cast %swap3A_302 : vector<1x16xf32> to vector<16xf32>
        %swap3A_304 = vector.shape_cast %mul3A_299 : vector<16xf32> to vector<1x16xf32>
        tpu.vector_store %arg10[%swap3A_300, %swap3A_301], %swap3A_304 {strides = array<i32>} : memref<128x128xf32, #tpu.memory_space<vmem>>, vector<1x16xf32>,
        %get3A_305 = arith.index_cast %add3A_254 : i32 to index
        %get3A_306 = arith.constant 80 : index
        %get3A_307 = tpu.vector_load %arg10[%get3A_305, %get3A_306] {strides = array<i32>} : memref<128x128xf32, #tpu.memory_space<vmem>>, vector<1x16xf32>,
        %get3A_308 = vector.shape_cast %get3A_307 : vector<1x16xf32> to vector<16xf32>
        %mul3A_309 = arith.mulf %get3A_308, %gather3A_250 : vector<16xf32>
        %swap3A_310 = arith.index_cast %add3A_254 : i32 to index
        %swap3A_311 = arith.constant 80 : index
        %swap3A_312 = tpu.vector_load %arg10[%swap3A_310, %swap3A_311] {strides = array<i32>} : memref<128x128xf32, #tpu.memory_space<vmem>>, vector<1x16xf32>,
        %swap3A_313 = vector.shape_cast %swap3A_312 : vector<1x16xf32> to vector<16xf32>
        %swap3A_314 = vector.shape_cast %mul3A_309 : vector<16xf32> to vector<1x16xf32>
        tpu.vector_store %arg10[%swap3A_310, %swap3A_311], %swap3A_314 {strides = array<i32>} : memref<128x128xf32, #tpu.memory_space<vmem>>, vector<1x16xf32>,
        %get3A_315 = arith.index_cast %add3A_254 : i32 to index
        %get3A_316 = arith.constant 96 : index
        %get3A_317 = tpu.vector_load %arg10[%get3A_315, %get3A_316] {strides = array<i32>} : memref<128x128xf32, #tpu.memory_space<vmem>>, vector<1x16xf32>,
        %get3A_318 = vector.shape_cast %get3A_317 : vector<1x16xf32> to vector<16xf32>
        %mul3A_319 = arith.mulf %get3A_318, %gather3A_250 : vector<16xf32>
        %swap3A_320 = arith.index_cast %add3A_254 : i32 to index
        %swap3A_321 = arith.constant 96 : index
        %swap3A_322 = tpu.vector_load %arg10[%swap3A_320, %swap3A_321] {strides = array<i32>} : memref<128x128xf32, #tpu.memory_space<vmem>>, vector<1x16xf32>,
        %swap3A_323 = vector.shape_cast %swap3A_322 : vector<1x16xf32> to vector<16xf32>
        %swap3A_324 = vector.shape_cast %mul3A_319 : vector<16xf32> to vector<1x16xf32>
        tpu.vector_store %arg10[%swap3A_320, %swap3A_321], %swap3A_324 {strides = array<i32>} : memref<128x128xf32, #tpu.memory_space<vmem>>, vector<1x16xf32>,
        %get3A_325 = arith.index_cast %add3A_254 : i32 to index
        %get3A_326 = arith.constant 112 : index
        %get3A_327 = tpu.vector_load %arg10[%get3A_325, %get3A_326] {strides = array<i32>} : memref<128x128xf32, #tpu.memory_space<vmem>>, vector<1x16xf32>,
        %get3A_328 = vector.shape_cast %get3A_327 : vector<1x16xf32> to vector<16xf32>
        %mul3A_329 = arith.mulf %get3A_328, %gather3A_250 : vector<16xf32>
        %swap3A_330 = arith.index_cast %add3A_254 : i32 to index
        %swap3A_331 = arith.constant 112 : index
        %swap3A_332 = tpu.vector_load %arg10[%swap3A_330, %swap3A_331] {strides = array<i32>} : memref<128x128xf32, #tpu.memory_space<vmem>>, vector<1x16xf32>,
        %swap3A_333 = vector.shape_cast %swap3A_332 : vector<1x16xf32> to vector<16xf32>
        %swap3A_334 = vector.shape_cast %mul3A_329 : vector<16xf32> to vector<1x16xf32>
        tpu.vector_store %arg10[%swap3A_330, %swap3A_331], %swap3A_334 {strides = array<i32>} : memref<128x128xf32, #tpu.memory_space<vmem>>, vector<1x16xf32>,
        %broadcast_in_dim3A_335 = arith.constant 3 : i32
        %broadcast_in_dim3A_336 = vector.broadcast %broadcast_in_dim3A_335 : i32 to vector<16x1xi32>
        %gather3A_337 = vector.shape_cast %broadcast_in_dim3A_336 : vector<16x1xi32> to vector<16xi32>
        %gather3A_338 = tpu.dynamic_gather %get3A_73[%gather3A_337] in [0] : vector<16xf32>, vector<16xi32> -> vector<16xf32>
        %mul3A_339 = arith.constant 16 : i32
        %mul3A_340 = arith.muli %scan3A_69, %mul3A_339 : i32
        %add3A_341 = arith.constant 3 : i32
        %add3A_342 = arith.addi %mul3A_340, %add3A_341 : i32
        %get3A_343 = arith.index_cast %add3A_342 : i32 to index
        %get3A_344 = arith.constant 0 : index
        %get3A_345 = tpu.vector_load %arg10[%get3A_343, %get3A_344] {strides = array<i32>} : memref<128x128xf32, #tpu.memory_space<vmem>>, vector<1x16xf32>,
        %get3A_346 = vector.shape_cast %get3A_345 : vector<1x16xf32> to vector<16xf32>
        %mul3A_347 = arith.mulf %get3A_346, %gather3A_338 : vector<16xf32>
        %swap3A_348 = arith.index_cast %add3A_342 : i32 to index
        %swap3A_349 = arith.constant 0 : index
        %swap3A_350 = tpu.vector_load %arg10[%swap3A_348, %swap3A_349] {strides = array<i32>} : memref<128x128xf32, #tpu.memory_space<vmem>>, vector<1x16xf32>,
        %swap3A_351 = vector.shape_cast %swap3A_350 : vector<1x16xf32> to vector<16xf32>
        %swap3A_352 = vector.shape_cast %mul3A_347 : vector<16xf32> to vector<1x16xf32>
        tpu.vector_store %arg10[%swap3A_348, %swap3A_349], %swap3A_352 {strides = array<i32>} : memref<128x128xf32, #tpu.memory_space<vmem>>, vector<1x16xf32>,
        %get3A_353 = arith.index_cast %add3A_342 : i32 to index
        %get3A_354 = arith.constant 16 : index
        %get3A_355 = tpu.vector_load %arg10[%get3A_353, %get3A_354] {strides = array<i32>} : memref<128x128xf32, #tpu.memory_space<vmem>>, vector<1x16xf32>,
        %get3A_356 = vector.shape_cast %get3A_355 : vector<1x16xf32> to vector<16xf32>
        %mul3A_357 = arith.mulf %get3A_356, %gather3A_338 : vector<16xf32>
        %swap3A_358 = arith.index_cast %add3A_342 : i32 to index
        %swap3A_359 = arith.constant 16 : index
        %swap3A_360 = tpu.vector_load %arg10[%swap3A_358, %swap3A_359] {strides = array<i32>} : memref<128x128xf32, #tpu.memory_space<vmem>>, vector<1x16xf32>,
        %swap3A_361 = vector.shape_cast %swap3A_360 : vector<1x16xf32> to vector<16xf32>
        %swap3A_362 = vector.shape_cast %mul3A_357 : vector<16xf32> to vector<1x16xf32>
        tpu.vector_store %arg10[%swap3A_358, %swap3A_359], %swap3A_362 {strides = array<i32>} : memref<128x128xf32, #tpu.memory_space<vmem>>, vector<1x16xf32>,
        %get3A_363 = arith.index_cast %add3A_342 : i32 to index
        %get3A_364 = arith.constant 32 : index
        %get3A_365 = tpu.vector_load %arg10[%get3A_363, %get3A_364] {strides = array<i32>} : memref<128x128xf32, #tpu.memory_space<vmem>>, vector<1x16xf32>,
        %get3A_366 = vector.shape_cast %get3A_365 : vector<1x16xf32> to vector<16xf32>
        %mul3A_367 = arith.mulf %get3A_366, %gather3A_338 : vector<16xf32>
        %swap3A_368 = arith.index_cast %add3A_342 : i32 to index
        %swap3A_369 = arith.constant 32 : index
        %swap3A_370 = tpu.vector_load %arg10[%swap3A_368, %swap3A_369] {strides = array<i32>} : memref<128x128xf32, #tpu.memory_space<vmem>>, vector<1x16xf32>,
        %swap3A_371 = vector.shape_cast %swap3A_370 : vector<1x16xf32> to vector<16xf32>
        %swap3A_372 = vector.shape_cast %mul3A_367 : vector<16xf32> to vector<1x16xf32>
        tpu.vector_store %arg10[%swap3A_368, %swap3A_369], %swap3A_372 {strides = array<i32>} : memref<128x128xf32, #tpu.memory_space<vmem>>, vector<1x16xf32>,
        %get3A_373 = arith.index_cast %add3A_342 : i32 to index
        %get3A_374 = arith.constant 48 : index
        %get3A_375 = tpu.vector_load %arg10[%get3A_373, %get3A_374] {strides = array<i32>} : memref<128x128xf32, #tpu.memory_space<vmem>>, vector<1x16xf32>,
        %get3A_376 = vector.shape_cast %get3A_375 : vector<1x16xf32> to vector<16xf32>
        %mul3A_377 = arith.mulf %get3A_376, %gather3A_338 : vector<16xf32>
        %swap3A_378 = arith.index_cast %add3A_342 : i32 to index
        %swap3A_379 = arith.constant 48 : index
        %swap3A_380 = tpu.vector_load %arg10[%swap3A_378, %swap3A_379] {strides = array<i32>} : memref<128x128xf32, #tpu.memory_space<vmem>>, vector<1x16xf32>,
        %swap3A_381 = vector.shape_cast %swap3A_380 : vector<1x16xf32> to vector<16xf32>
        %swap3A_382 = vector.shape_cast %mul3A_377 : vector<16xf32> to vector<1x16xf32>
        tpu.vector_store %arg10[%swap3A_378, %swap3A_379], %swap3A_382 {strides = array<i32>} : memref<128x128xf32, #tpu.memory_space<vmem>>, vector<1x16xf32>,
        %get3A_383 = arith.index_cast %add3A_342 : i32 to index
        %get3A_384 = arith.constant 64 : index
        %get3A_385 = tpu.vector_load %arg10[%get3A_383, %get3A_384] {strides = array<i32>} : memref<128x128xf32, #tpu.memory_space<vmem>>, vector<1x16xf32>,
        %get3A_386 = vector.shape_cast %get3A_385 : vector<1x16xf32> to vector<16xf32>
        %mul3A_387 = arith.mulf %get3A_386, %gather3A_338 : vector<16xf32>
        %swap3A_388 = arith.index_cast %add3A_342 : i32 to index
        %swap3A_389 = arith.constant 64 : index
        %swap3A_390 = tpu.vector_load %arg10[%swap3A_388, %swap3A_389] {strides = array<i32>} : memref<128x128xf32, #tpu.memory_space<vmem>>, vector<1x16xf32>,
        %swap3A_391 = vector.shape_cast %swap3A_390 : vector<1x16xf32> to vector<16xf32>
        %swap3A_392 = vector.shape_cast %mul3A_387 : vector<16xf32> to vector<1x16xf32>
        tpu.vector_store %arg10[%swap3A_388, %swap3A_389], %swap3A_392 {strides = array<i32>} : memref<128x128xf32, #tpu.memory_space<vmem>>, vector<1x16xf32>,
        %get3A_393 = arith.index_cast %add3A_342 : i32 to index
        %get3A_394 = arith.constant 80 : index
        %get3A_395 = tpu.vector_load %arg10[%get3A_393, %get3A_394] {strides = array<i32>} : memref<128x128xf32, #tpu.memory_space<vmem>>, vector<1x16xf32>,
        %get3A_396 = vector.shape_cast %get3A_395 : vector<1x16xf32> to vector<16xf32>
        %mul3A_397 = arith.mulf %get3A_396, %gather3A_338 : vector<16xf32>
        %swap3A_398 = arith.index_cast %add3A_342 : i32 to index
        %swap3A_399 = arith.constant 80 : index
        %swap3A_400 = tpu.vector_load %arg10[%swap3A_398, %swap3A_399] {strides = array<i32>} : memref<128x128xf32, #tpu.memory_space<vmem>>, vector<1x16xf32>,
        %swap3A_401 = vector.shape_cast %swap3A_400 : vector<1x16xf32> to vector<16xf32>
        %swap3A_402 = vector.shape_cast %mul3A_397 : vector<16xf32> to vector<1x16xf32>
        tpu.vector_store %arg10[%swap3A_398, %swap3A_399], %swap3A_402 {strides = array<i32>} : memref<128x128xf32, #tpu.memory_space<vmem>>, vector<1x16xf32>,
        %get3A_403 = arith.index_cast %add3A_342 : i32 to index
        %get3A_404 = arith.constant 96 : index
        %get3A_405 = tpu.vector_load %arg10[%get3A_403, %get3A_404] {strides = array<i32>} : memref<128x128xf32, #tpu.memory_space<vmem>>, vector<1x16xf32>,
        %get3A_406 = vector.shape_cast %get3A_405 : vector<1x16xf32> to vector<16xf32>
        %mul3A_407 = arith.mulf %get3A_406, %gather3A_338 : vector<16xf32>
        %swap3A_408 = arith.index_cast %add3A_342 : i32 to index
        %swap3A_409 = arith.constant 96 : index
        %swap3A_410 = tpu.vector_load %arg10[%swap3A_408, %swap3A_409] {strides = array<i32>} : memref<128x128xf32, #tpu.memory_space<vmem>>, vector<1x16xf32>,
        %swap3A_411 = vector.shape_cast %swap3A_410 : vector<1x16xf32> to vector<16xf32>
        %swap3A_412 = vector.shape_cast %mul3A_407 : vector<16xf32> to vector<1x16xf32>
        tpu.vector_store %arg10[%swap3A_408, %swap3A_409], %swap3A_412 {strides = array<i32>} : memref<128x128xf32, #tpu.memory_space<vmem>>, vector<1x16xf32>,
        %get3A_413 = arith.index_cast %add3A_342 : i32 to index
        %get3A_414 = arith.constant 112 : index
        %get3A_415 = tpu.vector_load %arg10[%get3A_413, %get3A_414] {strides = array<i32>} : memref<128x128xf32, #tpu.memory_space<vmem>>, vector<1x16xf32>,
        %get3A_416 = vector.shape_cast %get3A_415 : vector<1x16xf32> to vector<16xf32>
        %mul3A_417 = arith.mulf %get3A_416, %gather3A_338 : vector<16xf32>
        %swap3A_418 = arith.index_cast %add3A_342 : i32 to index
        %swap3A_419 = arith.constant 112 : index
        %swap3A_420 = tpu.vector_load %arg10[%swap3A_418, %swap3A_419] {strides = array<i32>} : memref<128x128xf32, #tpu.memory_space<vmem>>, vector<1x16xf32>,
        %swap3A_421 = vector.shape_cast %swap3A_420 : vector<1x16xf32> to vector<16xf32>
        %swap3A_422 = vector.shape_cast %mul3A_417 : vector<16xf32> to vector<1x16xf32>
        tpu.vector_store %arg10[%swap3A_418, %swap3A_419], %swap3A_422 {strides = array<i32>} : memref<128x128xf32, #tpu.memory_space<vmem>>, vector<1x16xf32>,
        %broadcast_in_dim3A_423 = arith.constant 4 : i32
        %broadcast_in_dim3A_424 = vector.broadcast %broadcast_in_dim3A_423 : i32 to vector<16x1xi32>
        %gather3A_425 = vector.shape_cast %broadcast_in_dim3A_424 : vector<16x1xi32> to vector<16xi32>
        %gather3A_426 = tpu.dynamic_gather %get3A_73[%gather3A_425] in [0] : vector<16xf32>, vector<16xi32> -> vector<16xf32>
        %mul3A_427 = arith.constant 16 : i32
        %mul3A_428 = arith.muli %scan3A_69, %mul3A_427 : i32
        %add3A_429 = arith.constant 4 : i32
        %add3A_430 = arith.addi %mul3A_428, %add3A_429 : i32
        %get3A_431 = arith.index_cast %add3A_430 : i32 to index
        %get3A_432 = arith.constant 0 : index
        %get3A_433 = tpu.vector_load %arg10[%get3A_431, %get3A_432] {strides = array<i32>} : memref<128x128xf32, #tpu.memory_space<vmem>>, vector<1x16xf32>,
        %get3A_434 = vector.shape_cast %get3A_433 : vector<1x16xf32> to vector<16xf32>
        %mul3A_435 = arith.mulf %get3A_434, %gather3A_426 : vector<16xf32>
        %swap3A_436 = arith.index_cast %add3A_430 : i32 to index
        %swap3A_437 = arith.constant 0 : index
        %swap3A_438 = tpu.vector_load %arg10[%swap3A_436, %swap3A_437] {strides = array<i32>} : memref<128x128xf32, #tpu.memory_space<vmem>>, vector<1x16xf32>,
        %swap3A_439 = vector.shape_cast %swap3A_438 : vector<1x16xf32> to vector<16xf32>
        %swap3A_440 = vector.shape_cast %mul3A_435 : vector<16xf32> to vector<1x16xf32>
        tpu.vector_store %arg10[%swap3A_436, %swap3A_437], %swap3A_440 {strides = array<i32>} : memref<128x128xf32, #tpu.memory_space<vmem>>, vector<1x16xf32>,
        %get3A_441 = arith.index_cast %add3A_430 : i32 to index
        %get3A_442 = arith.constant 16 : index
        %get3A_443 = tpu.vector_load %arg10[%get3A_441, %get3A_442] {strides = array<i32>} : memref<128x128xf32, #tpu.memory_space<vmem>>, vector<1x16xf32>,
        %get3A_444 = vector.shape_cast %get3A_443 : vector<1x16xf32> to vector<16xf32>
        %mul3A_445 = arith.mulf %get3A_444, %gather3A_426 : vector<16xf32>
        %swap3A_446 = arith.index_cast %add3A_430 : i32 to index
        %swap3A_447 = arith.constant 16 : index
        %swap3A_448 = tpu.vector_load %arg10[%swap3A_446, %swap3A_447] {strides = array<i32>} : memref<128x128xf32, #tpu.memory_space<vmem>>, vector<1x16xf32>,
        %swap3A_449 = vector.shape_cast %swap3A_448 : vector<1x16xf32> to vector<16xf32>
        %swap3A_450 = vector.shape_cast %mul3A_445 : vector<16xf32> to vector<1x16xf32>
        tpu.vector_store %arg10[%swap3A_446, %swap3A_447], %swap3A_450 {strides = array<i32>} : memref<128x128xf32, #tpu.memory_space<vmem>>, vector<1x16xf32>,
        %get3A_451 = arith.index_cast %add3A_430 : i32 to index
        %get3A_452 = arith.constant 32 : index
        %get3A_453 = tpu.vector_load %arg10[%get3A_451, %get3A_452] {strides = array<i32>} : memref<128x128xf32, #tpu.memory_space<vmem>>, vector<1x16xf32>,
        %get3A_454 = vector.shape_cast %get3A_453 : vector<1x16xf32> to vector<16xf32>
        %mul3A_455 = arith.mulf %get3A_454, %gather3A_426 : vector<16xf32>
        %swap3A_456 = arith.index_cast %add3A_430 : i32 to index
        %swap3A_457 = arith.constant 32 : index
        %swap3A_458 = tpu.vector_load %arg10[%swap3A_456, %swap3A_457] {strides = array<i32>} : memref<128x128xf32, #tpu.memory_space<vmem>>, vector<1x16xf32>,
        %swap3A_459 = vector.shape_cast %swap3A_458 : vector<1x16xf32> to vector<16xf32>
        %swap3A_460 = vector.shape_cast %mul3A_455 : vector<16xf32> to vector<1x16xf32>
        tpu.vector_store %arg10[%swap3A_456, %swap3A_457], %swap3A_460 {strides = array<i32>} : memref<128x128xf32, #tpu.memory_space<vmem>>, vector<1x16xf32>,
        %get3A_461 = arith.index_cast %add3A_430 : i32 to index
        %get3A_462 = arith.constant 48 : index
        %get3A_463 = tpu.vector_load %arg10[%get3A_461, %get3A_462] {strides = array<i32>} : memref<128x128xf32, #tpu.memory_space<vmem>>, vector<1x16xf32>,
        %get3A_464 = vector.shape_cast %get3A_463 : vector<1x16xf32> to vector<16xf32>
        %mul3A_465 = arith.mulf %get3A_464, %gather3A_426 : vector<16xf32>
        %swap3A_466 = arith.index_cast %add3A_430 : i32 to index
        %swap3A_467 = arith.constant 48 : index
        %swap3A_468 = tpu.vector_load %arg10[%swap3A_466, %swap3A_467] {strides = array<i32>} : memref<128x128xf32, #tpu.memory_space<vmem>>, vector<1x16xf32>,
        %swap3A_469 = vector.shape_cast %swap3A_468 : vector<1x16xf32> to vector<16xf32>
        %swap3A_470 = vector.shape_cast %mul3A_465 : vector<16xf32> to vector<1x16xf32>
        tpu.vector_store %arg10[%swap3A_466, %swap3A_467], %swap3A_470 {strides = array<i32>} : memref<128x128xf32, #tpu.memory_space<vmem>>, vector<1x16xf32>,
        %get3A_471 = arith.index_cast %add3A_430 : i32 to index
        %get3A_472 = arith.constant 64 : index
        %get3A_473 = tpu.vector_load %arg10[%get3A_471, %get3A_472] {strides = array<i32>} : memref<128x128xf32, #tpu.memory_space<vmem>>, vector<1x16xf32>,
        %get3A_474 = vector.shape_cast %get3A_473 : vector<1x16xf32> to vector<16xf32>
        %mul3A_475 = arith.mulf %get3A_474, %gather3A_426 : vector<16xf32>
        %swap3A_476 = arith.index_cast %add3A_430 : i32 to index
        %swap3A_477 = arith.constant 64 : index
        %swap3A_478 = tpu.vector_load %arg10[%swap3A_476, %swap3A_477] {strides = array<i32>} : memref<128x128xf32, #tpu.memory_space<vmem>>, vector<1x16xf32>,
        %swap3A_479 = vector.shape_cast %swap3A_478 : vector<1x16xf32> to vector<16xf32>
        %swap3A_480 = vector.shape_cast %mul3A_475 : vector<16xf32> to vector<1x16xf32>
        tpu.vector_store %arg10[%swap3A_476, %swap3A_477], %swap3A_480 {strides = array<i32>} : memref<128x128xf32, #tpu.memory_space<vmem>>, vector<1x16xf32>,
        %get3A_481 = arith.index_cast %add3A_430 : i32 to index
        %get3A_482 = arith.constant 80 : index
        %get3A_483 = tpu.vector_load %arg10[%get3A_481, %get3A_482] {strides = array<i32>} : memref<128x128xf32, #tpu.memory_space<vmem>>, vector<1x16xf32>,
        %get3A_484 = vector.shape_cast %get3A_483 : vector<1x16xf32> to vector<16xf32>
        %mul3A_485 = arith.mulf %get3A_484, %gather3A_426 : vector<16xf32>
        %swap3A_486 = arith.index_cast %add3A_430 : i32 to index
        %swap3A_487 = arith.constant 80 : index
        %swap3A_488 = tpu.vector_load %arg10[%swap3A_486, %swap3A_487] {strides = array<i32>} : memref<128x128xf32, #tpu.memory_space<vmem>>, vector<1x16xf32>,
        %swap3A_489 = vector.shape_cast %swap3A_488 : vector<1x16xf32> to vector<16xf32>
        %swap3A_490 = vector.shape_cast %mul3A_485 : vector<16xf32> to vector<1x16xf32>
        tpu.vector_store %arg10[%swap3A_486, %swap3A_487], %swap3A_490 {strides = array<i32>} : memref<128x128xf32, #tpu.memory_space<vmem>>, vector<1x16xf32>,
        %get3A_491 = arith.index_cast %add3A_430 : i32 to index
        %get3A_492 = arith.constant 96 : index
        %get3A_493 = tpu.vector_load %arg10[%get3A_491, %get3A_492] {strides = array<i32>} : memref<128x128xf32, #tpu.memory_space<vmem>>, vector<1x16xf32>,
        %get3A_494 = vector.shape_cast %get3A_493 : vector<1x16xf32> to vector<16xf32>
        %mul3A_495 = arith.mulf %get3A_494, %gather3A_426 : vector<16xf32>
        %swap3A_496 = arith.index_cast %add3A_430 : i32 to index
        %swap3A_497 = arith.constant 96 : index
        %swap3A_498 = tpu.vector_load %arg10[%swap3A_496, %swap3A_497] {strides = array<i32>} : memref<128x128xf32, #tpu.memory_space<vmem>>, vector<1x16xf32>,
        %swap3A_499 = vector.shape_cast %swap3A_498 : vector<1x16xf32> to vector<16xf32>
        %swap3A_500 = vector.shape_cast %mul3A_495 : vector<16xf32> to vector<1x16xf32>
        tpu.vector_store %arg10[%swap3A_496, %swap3A_497], %swap3A_500 {strides = array<i32>} : memref<128x128xf32, #tpu.memory_space<vmem>>, vector<1x16xf32>,
        %get3A_501 = arith.index_cast %add3A_430 : i32 to index
        %get3A_502 = arith.constant 112 : index
        %get3A_503 = tpu.vector_load %arg10[%get3A_501, %get3A_502] {strides = array<i32>} : memref<128x128xf32, #tpu.memory_space<vmem>>, vector<1x16xf32>,
        %get3A_504 = vector.shape_cast %get3A_503 : vector<1x16xf32> to vector<16xf32>
        %mul3A_505 = arith.mulf %get3A_504, %gather3A_426 : vector<16xf32>
        %swap3A_506 = arith.index_cast %add3A_430 : i32 to index
        %swap3A_507 = arith.constant 112 : index
        %swap3A_508 = tpu.vector_load %arg10[%swap3A_506, %swap3A_507] {strides = array<i32>} : memref<128x128xf32, #tpu.memory_space<vmem>>, vector<1x16xf32>,
        %swap3A_509 = vector.shape_cast %swap3A_508 : vector<1x16xf32> to vector<16xf32>
        %swap3A_510 = vector.shape_cast %mul3A_505 : vector<16xf32> to vector<1x16xf32>
        tpu.vector_store %arg10[%swap3A_506, %swap3A_507], %swap3A_510 {strides = array<i32>} : memref<128x128xf32, #tpu.memory_space<vmem>>, vector<1x16xf32>,
        %broadcast_in_dim3A_511 = arith.constant 5 : i32
        %broadcast_in_dim3A_512 = vector.broadcast %broadcast_in_dim3A_511 : i32 to vector<16x1xi32>
        %gather3A_513 = vector.shape_cast %broadcast_in_dim3A_512 : vector<16x1xi32> to vector<16xi32>
        %gather3A_514 = tpu.dynamic_gather %get3A_73[%gather3A_513] in [0] : vector<16xf32>, vector<16xi32> -> vector<16xf32>
        %mul3A_515 = arith.constant 16 : i32
        %mul3A_516 = arith.muli %scan3A_69, %mul3A_515 : i32
        %add3A_517 = arith.constant 5 : i32
        %add3A_518 = arith.addi %mul3A_516, %add3A_517 : i32
        %get3A_519 = arith.index_cast %add3A_518 : i32 to index
        %get3A_520 = arith.constant 0 : index
        %get3A_521 = tpu.vector_load %arg10[%get3A_519, %get3A_520] {strides = array<i32>} : memref<128x128xf32, #tpu.memory_space<vmem>>, vector<1x16xf32>,
        %get3A_522 = vector.shape_cast %get3A_521 : vector<1x16xf32> to vector<16xf32>
        %mul3A_523 = arith.mulf %get3A_522, %gather3A_514 : vector<16xf32>
        %swap3A_524 = arith.index_cast %add3A_518 : i32 to index
        %swap3A_525 = arith.constant 0 : index
        %swap3A_526 = tpu.vector_load %arg10[%swap3A_524, %swap3A_525] {strides = array<i32>} : memref<128x128xf32, #tpu.memory_space<vmem>>, vector<1x16xf32>,
        %swap3A_527 = vector.shape_cast %swap3A_526 : vector<1x16xf32> to vector<16xf32>
        %swap3A_528 = vector.shape_cast %mul3A_523 : vector<16xf32> to vector<1x16xf32>
        tpu.vector_store %arg10[%swap3A_524, %swap3A_525], %swap3A_528 {strides = array<i32>} : memref<128x128xf32, #tpu.memory_space<vmem>>, vector<1x16xf32>,
        %get3A_529 = arith.index_cast %add3A_518 : i32 to index
        %get3A_530 = arith.constant 16 : index
        %get3A_531 = tpu.vector_load %arg10[%get3A_529, %get3A_530] {strides = array<i32>} : memref<128x128xf32, #tpu.memory_space<vmem>>, vector<1x16xf32>,
        %get3A_532 = vector.shape_cast %get3A_531 : vector<1x16xf32> to vector<16xf32>
        %mul3A_533 = arith.mulf %get3A_532, %gather3A_514 : vector<16xf32>
        %swap3A_534 = arith.index_cast %add3A_518 : i32 to index
        %swap3A_535 = arith.constant 16 : index
        %swap3A_536 = tpu.vector_load %arg10[%swap3A_534, %swap3A_535] {strides = array<i32>} : memref<128x128xf32, #tpu.memory_space<vmem>>, vector<1x16xf32>,
        %swap3A_537 = vector.shape_cast %swap3A_536 : vector<1x16xf32> to vector<16xf32>
        %swap3A_538 = vector.shape_cast %mul3A_533 : vector<16xf32> to vector<1x16xf32>
        tpu.vector_store %arg10[%swap3A_534, %swap3A_535], %swap3A_538 {strides = array<i32>} : memref<128x128xf32, #tpu.memory_space<vmem>>, vector<1x16xf32>,
        %get3A_539 = arith.index_cast %add3A_518 : i32 to index
        %get3A_540 = arith.constant 32 : index
        %get3A_541 = tpu.vector_load %arg10[%get3A_539, %get3A_540] {strides = array<i32>} : memref<128x128xf32, #tpu.memory_space<vmem>>, vector<1x16xf32>,
        %get3A_542 = vector.shape_cast %get3A_541 : vector<1x16xf32> to vector<16xf32>
        %mul3A_543 = arith.mulf %get3A_542, %gather3A_514 : vector<16xf32>
        %swap3A_544 = arith.index_cast %add3A_518 : i32 to index
        %swap3A_545 = arith.constant 32 : index
        %swap3A_546 = tpu.vector_load %arg10[%swap3A_544, %swap3A_545] {strides = array<i32>} : memref<128x128xf32, #tpu.memory_space<vmem>>, vector<1x16xf32>,
        %swap3A_547 = vector.shape_cast %swap3A_546 : vector<1x16xf32> to vector<16xf32>
        %swap3A_548 = vector.shape_cast %mul3A_543 : vector<16xf32> to vector<1x16xf32>
        tpu.vector_store %arg10[%swap3A_544, %swap3A_545], %swap3A_548 {strides = array<i32>} : memref<128x128xf32, #tpu.memory_space<vmem>>, vector<1x16xf32>,
        %get3A_549 = arith.index_cast %add3A_518 : i32 to index
        %get3A_550 = arith.constant 48 : index
        %get3A_551 = tpu.vector_load %arg10[%get3A_549, %get3A_550] {strides = array<i32>} : memref<128x128xf32, #tpu.memory_space<vmem>>, vector<1x16xf32>,
        %get3A_552 = vector.shape_cast %get3A_551 : vector<1x16xf32> to vector<16xf32>
        %mul3A_553 = arith.mulf %get3A_552, %gather3A_514 : vector<16xf32>
        %swap3A_554 = arith.index_cast %add3A_518 : i32 to index
        %swap3A_555 = arith.constant 48 : index
        %swap3A_556 = tpu.vector_load %arg10[%swap3A_554, %swap3A_555] {strides = array<i32>} : memref<128x128xf32, #tpu.memory_space<vmem>>, vector<1x16xf32>,
        %swap3A_557 = vector.shape_cast %swap3A_556 : vector<1x16xf32> to vector<16xf32>
        %swap3A_558 = vector.shape_cast %mul3A_553 : vector<16xf32> to vector<1x16xf32>
        tpu.vector_store %arg10[%swap3A_554, %swap3A_555], %swap3A_558 {strides = array<i32>} : memref<128x128xf32, #tpu.memory_space<vmem>>, vector<1x16xf32>,
        %get3A_559 = arith.index_cast %add3A_518 : i32 to index
        %get3A_560 = arith.constant 64 : index
        %get3A_561 = tpu.vector_load %arg10[%get3A_559, %get3A_560] {strides = array<i32>} : memref<128x128xf32, #tpu.memory_space<vmem>>, vector<1x16xf32>,
        %get3A_562 = vector.shape_cast %get3A_561 : vector<1x16xf32> to vector<16xf32>
        %mul3A_563 = arith.mulf %get3A_562, %gather3A_514 : vector<16xf32>
        %swap3A_564 = arith.index_cast %add3A_518 : i32 to index
        %swap3A_565 = arith.constant 64 : index
        %swap3A_566 = tpu.vector_load %arg10[%swap3A_564, %swap3A_565] {strides = array<i32>} : memref<128x128xf32, #tpu.memory_space<vmem>>, vector<1x16xf32>,
        %swap3A_567 = vector.shape_cast %swap3A_566 : vector<1x16xf32> to vector<16xf32>
        %swap3A_568 = vector.shape_cast %mul3A_563 : vector<16xf32> to vector<1x16xf32>
        tpu.vector_store %arg10[%swap3A_564, %swap3A_565], %swap3A_568 {strides = array<i32>} : memref<128x128xf32, #tpu.memory_space<vmem>>, vector<1x16xf32>,
        %get3A_569 = arith.index_cast %add3A_518 : i32 to index
        %get3A_570 = arith.constant 80 : index
        %get3A_571 = tpu.vector_load %arg10[%get3A_569, %get3A_570] {strides = array<i32>} : memref<128x128xf32, #tpu.memory_space<vmem>>, vector<1x16xf32>,
        %get3A_572 = vector.shape_cast %get3A_571 : vector<1x16xf32> to vector<16xf32>
        %mul3A_573 = arith.mulf %get3A_572, %gather3A_514 : vector<16xf32>
        %swap3A_574 = arith.index_cast %add3A_518 : i32 to index
        %swap3A_575 = arith.constant 80 : index
        %swap3A_576 = tpu.vector_load %arg10[%swap3A_574, %swap3A_575] {strides = array<i32>} : memref<128x128xf32, #tpu.memory_space<vmem>>, vector<1x16xf32>,
        %swap3A_577 = vector.shape_cast %swap3A_576 : vector<1x16xf32> to vector<16xf32>
        %swap3A_578 = vector.shape_cast %mul3A_573 : vector<16xf32> to vector<1x16xf32>
        tpu.vector_store %arg10[%swap3A_574, %swap3A_575], %swap3A_578 {strides = array<i32>} : memref<128x128xf32, #tpu.memory_space<vmem>>, vector<1x16xf32>,
        %get3A_579 = arith.index_cast %add3A_518 : i32 to index
        %get3A_580 = arith.constant 96 : index
        %get3A_581 = tpu.vector_load %arg10[%get3A_579, %get3A_580] {strides = array<i32>} : memref<128x128xf32, #tpu.memory_space<vmem>>, vector<1x16xf32>,
        %get3A_582 = vector.shape_cast %get3A_581 : vector<1x16xf32> to vector<16xf32>
        %mul3A_583 = arith.mulf %get3A_582, %gather3A_514 : vector<16xf32>
        %swap3A_584 = arith.index_cast %add3A_518 : i32 to index
        %swap3A_585 = arith.constant 96 : index
        %swap3A_586 = tpu.vector_load %arg10[%swap3A_584, %swap3A_585] {strides = array<i32>} : memref<128x128xf32, #tpu.memory_space<vmem>>, vector<1x16xf32>,
        %swap3A_587 = vector.shape_cast %swap3A_586 : vector<1x16xf32> to vector<16xf32>
        %swap3A_588 = vector.shape_cast %mul3A_583 : vector<16xf32> to vector<1x16xf32>
        tpu.vector_store %arg10[%swap3A_584, %swap3A_585], %swap3A_588 {strides = array<i32>} : memref<128x128xf32, #tpu.memory_space<vmem>>, vector<1x16xf32>,
        %get3A_589 = arith.index_cast %add3A_518 : i32 to index
        %get3A_590 = arith.constant 112 : index
        %get3A_591 = tpu.vector_load %arg10[%get3A_589, %get3A_590] {strides = array<i32>} : memref<128x128xf32, #tpu.memory_space<vmem>>, vector<1x16xf32>,
        %get3A_592 = vector.shape_cast %get3A_591 : vector<1x16xf32> to vector<16xf32>
        %mul3A_593 = arith.mulf %get3A_592, %gather3A_514 : vector<16xf32>
        %swap3A_594 = arith.index_cast %add3A_518 : i32 to index
        %swap3A_595 = arith.constant 112 : index
        %swap3A_596 = tpu.vector_load %arg10[%swap3A_594, %swap3A_595] {strides = array<i32>} : memref<128x128xf32, #tpu.memory_space<vmem>>, vector<1x16xf32>,
        %swap3A_597 = vector.shape_cast %swap3A_596 : vector<1x16xf32> to vector<16xf32>
        %swap3A_598 = vector.shape_cast %mul3A_593 : vector<16xf32> to vector<1x16xf32>
        tpu.vector_store %arg10[%swap3A_594, %swap3A_595], %swap3A_598 {strides = array<i32>} : memref<128x128xf32, #tpu.memory_space<vmem>>, vector<1x16xf32>,
        %broadcast_in_dim3A_599 = arith.constant 6 : i32
        %broadcast_in_dim3A_600 = vector.broadcast %broadcast_in_dim3A_599 : i32 to vector<16x1xi32>
        %gather3A_601 = vector.shape_cast %broadcast_in_dim3A_600 : vector<16x1xi32> to vector<16xi32>
        %gather3A_602 = tpu.dynamic_gather %get3A_73[%gather3A_601] in [0] : vector<16xf32>, vector<16xi32> -> vector<16xf32>
        %mul3A_603 = arith.constant 16 : i32
        %mul3A_604 = arith.muli %scan3A_69, %mul3A_603 : i32
        %add3A_605 = arith.constant 6 : i32
        %add3A_606 = arith.addi %mul3A_604, %add3A_605 : i32
        %get3A_607 = arith.index_cast %add3A_606 : i32 to index
        %get3A_608 = arith.constant 0 : index
        %get3A_609 = tpu.vector_load %arg10[%get3A_607, %get3A_608] {strides = array<i32>} : memref<128x128xf32, #tpu.memory_space<vmem>>, vector<1x16xf32>,
        %get3A_610 = vector.shape_cast %get3A_609 : vector<1x16xf32> to vector<16xf32>
        %mul3A_611 = arith.mulf %get3A_610, %gather3A_602 : vector<16xf32>
        %swap3A_612 = arith.index_cast %add3A_606 : i32 to index
        %swap3A_613 = arith.constant 0 : index
        %swap3A_614 = tpu.vector_load %arg10[%swap3A_612, %swap3A_613] {strides = array<i32>} : memref<128x128xf32, #tpu.memory_space<vmem>>, vector<1x16xf32>,
        %swap3A_615 = vector.shape_cast %swap3A_614 : vector<1x16xf32> to vector<16xf32>
        %swap3A_616 = vector.shape_cast %mul3A_611 : vector<16xf32> to vector<1x16xf32>
        tpu.vector_store %arg10[%swap3A_612, %swap3A_613], %swap3A_616 {strides = array<i32>} : memref<128x128xf32, #tpu.memory_space<vmem>>, vector<1x16xf32>,
        %get3A_617 = arith.index_cast %add3A_606 : i32 to index
        %get3A_618 = arith.constant 16 : index
        %get3A_619 = tpu.vector_load %arg10[%get3A_617, %get3A_618] {strides = array<i32>} : memref<128x128xf32, #tpu.memory_space<vmem>>, vector<1x16xf32>,
        %get3A_620 = vector.shape_cast %get3A_619 : vector<1x16xf32> to vector<16xf32>
        %mul3A_621 = arith.mulf %get3A_620, %gather3A_602 : vector<16xf32>
        %swap3A_622 = arith.index_cast %add3A_606 : i32 to index
        %swap3A_623 = arith.constant 16 : index
        %swap3A_624 = tpu.vector_load %arg10[%swap3A_622, %swap3A_623] {strides = array<i32>} : memref<128x128xf32, #tpu.memory_space<vmem>>, vector<1x16xf32>,
        %swap3A_625 = vector.shape_cast %swap3A_624 : vector<1x16xf32> to vector<16xf32>
        %swap3A_626 = vector.shape_cast %mul3A_621 : vector<16xf32> to vector<1x16xf32>
        tpu.vector_store %arg10[%swap3A_622, %swap3A_623], %swap3A_626 {strides = array<i32>} : memref<128x128xf32, #tpu.memory_space<vmem>>, vector<1x16xf32>,
        %get3A_627 = arith.index_cast %add3A_606 : i32 to index
        %get3A_628 = arith.constant 32 : index
        %get3A_629 = tpu.vector_load %arg10[%get3A_627, %get3A_628] {strides = array<i32>} : memref<128x128xf32, #tpu.memory_space<vmem>>, vector<1x16xf32>,
        %get3A_630 = vector.shape_cast %get3A_629 : vector<1x16xf32> to vector<16xf32>
        %mul3A_631 = arith.mulf %get3A_630, %gather3A_602 : vector<16xf32>
        %swap3A_632 = arith.index_cast %add3A_606 : i32 to index
        %swap3A_633 = arith.constant 32 : index
        %swap3A_634 = tpu.vector_load %arg10[%swap3A_632, %swap3A_633] {strides = array<i32>} : memref<128x128xf32, #tpu.memory_space<vmem>>, vector<1x16xf32>,
        %swap3A_635 = vector.shape_cast %swap3A_634 : vector<1x16xf32> to vector<16xf32>
        %swap3A_636 = vector.shape_cast %mul3A_631 : vector<16xf32> to vector<1x16xf32>
        tpu.vector_store %arg10[%swap3A_632, %swap3A_633], %swap3A_636 {strides = array<i32>} : memref<128x128xf32, #tpu.memory_space<vmem>>, vector<1x16xf32>,
        %get3A_637 = arith.index_cast %add3A_606 : i32 to index
        %get3A_638 = arith.constant 48 : index
        %get3A_639 = tpu.vector_load %arg10[%get3A_637, %get3A_638] {strides = array<i32>} : memref<128x128xf32, #tpu.memory_space<vmem>>, vector<1x16xf32>,
        %get3A_640 = vector.shape_cast %get3A_639 : vector<1x16xf32> to vector<16xf32>
        %mul3A_641 = arith.mulf %get3A_640, %gather3A_602 : vector<16xf32>
        %swap3A_642 = arith.index_cast %add3A_606 : i32 to index
        %swap3A_643 = arith.constant 48 : index
        %swap3A_644 = tpu.vector_load %arg10[%swap3A_642, %swap3A_643] {strides = array<i32>} : memref<128x128xf32, #tpu.memory_space<vmem>>, vector<1x16xf32>,
        %swap3A_645 = vector.shape_cast %swap3A_644 : vector<1x16xf32> to vector<16xf32>
        %swap3A_646 = vector.shape_cast %mul3A_641 : vector<16xf32> to vector<1x16xf32>
        tpu.vector_store %arg10[%swap3A_642, %swap3A_643], %swap3A_646 {strides = array<i32>} : memref<128x128xf32, #tpu.memory_space<vmem>>, vector<1x16xf32>,
        %get3A_647 = arith.index_cast %add3A_606 : i32 to index
        %get3A_648 = arith.constant 64 : index
        %get3A_649 = tpu.vector_load %arg10[%get3A_647, %get3A_648] {strides = array<i32>} : memref<128x128xf32, #tpu.memory_space<vmem>>, vector<1x16xf32>,
        %get3A_650 = vector.shape_cast %get3A_649 : vector<1x16xf32> to vector<16xf32>
        %mul3A_651 = arith.mulf %get3A_650, %gather3A_602 : vector<16xf32>
        %swap3A_652 = arith.index_cast %add3A_606 : i32 to index
        %swap3A_653 = arith.constant 64 : index
        %swap3A_654 = tpu.vector_load %arg10[%swap3A_652, %swap3A_653] {strides = array<i32>} : memref<128x128xf32, #tpu.memory_space<vmem>>, vector<1x16xf32>,
        %swap3A_655 = vector.shape_cast %swap3A_654 : vector<1x16xf32> to vector<16xf32>
        %swap3A_656 = vector.shape_cast %mul3A_651 : vector<16xf32> to vector<1x16xf32>
        tpu.vector_store %arg10[%swap3A_652, %swap3A_653], %swap3A_656 {strides = array<i32>} : memref<128x128xf32, #tpu.memory_space<vmem>>, vector<1x16xf32>,
        %get3A_657 = arith.index_cast %add3A_606 : i32 to index
        %get3A_658 = arith.constant 80 : index
        %get3A_659 = tpu.vector_load %arg10[%get3A_657, %get3A_658] {strides = array<i32>} : memref<128x128xf32, #tpu.memory_space<vmem>>, vector<1x16xf32>,
        %get3A_660 = vector.shape_cast %get3A_659 : vector<1x16xf32> to vector<16xf32>
        %mul3A_661 = arith.mulf %get3A_660, %gather3A_602 : vector<16xf32>
        %swap3A_662 = arith.index_cast %add3A_606 : i32 to index
        %swap3A_663 = arith.constant 80 : index
        %swap3A_664 = tpu.vector_load %arg10[%swap3A_662, %swap3A_663] {strides = array<i32>} : memref<128x128xf32, #tpu.memory_space<vmem>>, vector<1x16xf32>,
        %swap3A_665 = vector.shape_cast %swap3A_664 : vector<1x16xf32> to vector<16xf32>
        %swap3A_666 = vector.shape_cast %mul3A_661 : vector<16xf32> to vector<1x16xf32>
        tpu.vector_store %arg10[%swap3A_662, %swap3A_663], %swap3A_666 {strides = array<i32>} : memref<128x128xf32, #tpu.memory_space<vmem>>, vector<1x16xf32>,
        %get3A_667 = arith.index_cast %add3A_606 : i32 to index
        %get3A_668 = arith.constant 96 : index
        %get3A_669 = tpu.vector_load %arg10[%get3A_667, %get3A_668] {strides = array<i32>} : memref<128x128xf32, #tpu.memory_space<vmem>>, vector<1x16xf32>,
        %get3A_670 = vector.shape_cast %get3A_669 : vector<1x16xf32> to vector<16xf32>
        %mul3A_671 = arith.mulf %get3A_670, %gather3A_602 : vector<16xf32>
        %swap3A_672 = arith.index_cast %add3A_606 : i32 to index
        %swap3A_673 = arith.constant 96 : index
        %swap3A_674 = tpu.vector_load %arg10[%swap3A_672, %swap3A_673] {strides = array<i32>} : memref<128x128xf32, #tpu.memory_space<vmem>>, vector<1x16xf32>,
        %swap3A_675 = vector.shape_cast %swap3A_674 : vector<1x16xf32> to vector<16xf32>
        %swap3A_676 = vector.shape_cast %mul3A_671 : vector<16xf32> to vector<1x16xf32>
        tpu.vector_store %arg10[%swap3A_672, %swap3A_673], %swap3A_676 {strides = array<i32>} : memref<128x128xf32, #tpu.memory_space<vmem>>, vector<1x16xf32>,
        %get3A_677 = arith.index_cast %add3A_606 : i32 to index
        %get3A_678 = arith.constant 112 : index
        %get3A_679 = tpu.vector_load %arg10[%get3A_677, %get3A_678] {strides = array<i32>} : memref<128x128xf32, #tpu.memory_space<vmem>>, vector<1x16xf32>,
        %get3A_680 = vector.shape_cast %get3A_679 : vector<1x16xf32> to vector<16xf32>
        %mul3A_681 = arith.mulf %get3A_680, %gather3A_602 : vector<16xf32>
        %swap3A_682 = arith.index_cast %add3A_606 : i32 to index
        %swap3A_683 = arith.constant 112 : index
        %swap3A_684 = tpu.vector_load %arg10[%swap3A_682, %swap3A_683] {strides = array<i32>} : memref<128x128xf32, #tpu.memory_space<vmem>>, vector<1x16xf32>,
        %swap3A_685 = vector.shape_cast %swap3A_684 : vector<1x16xf32> to vector<16xf32>
        %swap3A_686 = vector.shape_cast %mul3A_681 : vector<16xf32> to vector<1x16xf32>
        tpu.vector_store %arg10[%swap3A_682, %swap3A_683], %swap3A_686 {strides = array<i32>} : memref<128x128xf32, #tpu.memory_space<vmem>>, vector<1x16xf32>,
        %broadcast_in_dim3A_687 = arith.constant 7 : i32
        %broadcast_in_dim3A_688 = vector.broadcast %broadcast_in_dim3A_687 : i32 to vector<16x1xi32>
        %gather3A_689 = vector.shape_cast %broadcast_in_dim3A_688 : vector<16x1xi32> to vector<16xi32>
        %gather3A_690 = tpu.dynamic_gather %get3A_73[%gather3A_689] in [0] : vector<16xf32>, vector<16xi32> -> vector<16xf32>
        %mul3A_691 = arith.constant 16 : i32
        %mul3A_692 = arith.muli %scan3A_69, %mul3A_691 : i32
        %add3A_693 = arith.constant 7 : i32
        %add3A_694 = arith.addi %mul3A_692, %add3A_693 : i32
        %get3A_695 = arith.index_cast %add3A_694 : i32 to index
        %get3A_696 = arith.constant 0 : index
        %get3A_697 = tpu.vector_load %arg10[%get3A_695, %get3A_696] {strides = array<i32>} : memref<128x128xf32, #tpu.memory_space<vmem>>, vector<1x16xf32>,
        %get3A_698 = vector.shape_cast %get3A_697 : vector<1x16xf32> to vector<16xf32>
        %mul3A_699 = arith.mulf %get3A_698, %gather3A_690 : vector<16xf32>
        %swap3A_700 = arith.index_cast %add3A_694 : i32 to index
        %swap3A_701 = arith.constant 0 : index
        %swap3A_702 = tpu.vector_load %arg10[%swap3A_700, %swap3A_701] {strides = array<i32>} : memref<128x128xf32, #tpu.memory_space<vmem>>, vector<1x16xf32>,
        %swap3A_703 = vector.shape_cast %swap3A_702 : vector<1x16xf32> to vector<16xf32>
        %swap3A_704 = vector.shape_cast %mul3A_699 : vector<16xf32> to vector<1x16xf32>
        tpu.vector_store %arg10[%swap3A_700, %swap3A_701], %swap3A_704 {strides = array<i32>} : memref<128x128xf32, #tpu.memory_space<vmem>>, vector<1x16xf32>,
        %get3A_705 = arith.index_cast %add3A_694 : i32 to index
        %get3A_706 = arith.constant 16 : index
        %get3A_707 = tpu.vector_load %arg10[%get3A_705, %get3A_706] {strides = array<i32>} : memref<128x128xf32, #tpu.memory_space<vmem>>, vector<1x16xf32>,
        %get3A_708 = vector.shape_cast %get3A_707 : vector<1x16xf32> to vector<16xf32>
        %mul3A_709 = arith.mulf %get3A_708, %gather3A_690 : vector<16xf32>
        %swap3A_710 = arith.index_cast %add3A_694 : i32 to index
        %swap3A_711 = arith.constant 16 : index
        %swap3A_712 = tpu.vector_load %arg10[%swap3A_710, %swap3A_711] {strides = array<i32>} : memref<128x128xf32, #tpu.memory_space<vmem>>, vector<1x16xf32>,
        %swap3A_713 = vector.shape_cast %swap3A_712 : vector<1x16xf32> to vector<16xf32>
        %swap3A_714 = vector.shape_cast %mul3A_709 : vector<16xf32> to vector<1x16xf32>
        tpu.vector_store %arg10[%swap3A_710, %swap3A_711], %swap3A_714 {strides = array<i32>} : memref<128x128xf32, #tpu.memory_space<vmem>>, vector<1x16xf32>,
        %get3A_715 = arith.index_cast %add3A_694 : i32 to index
        %get3A_716 = arith.constant 32 : index
        %get3A_717 = tpu.vector_load %arg10[%get3A_715, %get3A_716] {strides = array<i32>} : memref<128x128xf32, #tpu.memory_space<vmem>>, vector<1x16xf32>,
        %get3A_718 = vector.shape_cast %get3A_717 : vector<1x16xf32> to vector<16xf32>
        %mul3A_719 = arith.mulf %get3A_718, %gather3A_690 : vector<16xf32>
        %swap3A_720 = arith.index_cast %add3A_694 : i32 to index
        %swap3A_721 = arith.constant 32 : index
        %swap3A_722 = tpu.vector_load %arg10[%swap3A_720, %swap3A_721] {strides = array<i32>} : memref<128x128xf32, #tpu.memory_space<vmem>>, vector<1x16xf32>,
        %swap3A_723 = vector.shape_cast %swap3A_722 : vector<1x16xf32> to vector<16xf32>
        %swap3A_724 = vector.shape_cast %mul3A_719 : vector<16xf32> to vector<1x16xf32>
        tpu.vector_store %arg10[%swap3A_720, %swap3A_721], %swap3A_724 {strides = array<i32>} : memref<128x128xf32, #tpu.memory_space<vmem>>, vector<1x16xf32>,
        %get3A_725 = arith.index_cast %add3A_694 : i32 to index
        %get3A_726 = arith.constant 48 : index
        %get3A_727 = tpu.vector_load %arg10[%get3A_725, %get3A_726] {strides = array<i32>} : memref<128x128xf32, #tpu.memory_space<vmem>>, vector<1x16xf32>,
        %get3A_728 = vector.shape_cast %get3A_727 : vector<1x16xf32> to vector<16xf32>
        %mul3A_729 = arith.mulf %get3A_728, %gather3A_690 : vector<16xf32>
        %swap3A_730 = arith.index_cast %add3A_694 : i32 to index
        %swap3A_731 = arith.constant 48 : index
        %swap3A_732 = tpu.vector_load %arg10[%swap3A_730, %swap3A_731] {strides = array<i32>} : memref<128x128xf32, #tpu.memory_space<vmem>>, vector<1x16xf32>,
        %swap3A_733 = vector.shape_cast %swap3A_732 : vector<1x16xf32> to vector<16xf32>
        %swap3A_734 = vector.shape_cast %mul3A_729 : vector<16xf32> to vector<1x16xf32>
        tpu.vector_store %arg10[%swap3A_730, %swap3A_731], %swap3A_734 {strides = array<i32>} : memref<128x128xf32, #tpu.memory_space<vmem>>, vector<1x16xf32>,
        %get3A_735 = arith.index_cast %add3A_694 : i32 to index
        %get3A_736 = arith.constant 64 : index
        %get3A_737 = tpu.vector_load %arg10[%get3A_735, %get3A_736] {strides = array<i32>} : memref<128x128xf32, #tpu.memory_space<vmem>>, vector<1x16xf32>,
        %get3A_738 = vector.shape_cast %get3A_737 : vector<1x16xf32> to vector<16xf32>
        %mul3A_739 = arith.mulf %get3A_738, %gather3A_690 : vector<16xf32>
        %swap3A_740 = arith.index_cast %add3A_694 : i32 to index
        %swap3A_741 = arith.constant 64 : index
        %swap3A_742 = tpu.vector_load %arg10[%swap3A_740, %swap3A_741] {strides = array<i32>} : memref<128x128xf32, #tpu.memory_space<vmem>>, vector<1x16xf32>,
        %swap3A_743 = vector.shape_cast %swap3A_742 : vector<1x16xf32> to vector<16xf32>
        %swap3A_744 = vector.shape_cast %mul3A_739 : vector<16xf32> to vector<1x16xf32>
        tpu.vector_store %arg10[%swap3A_740, %swap3A_741], %swap3A_744 {strides = array<i32>} : memref<128x128xf32, #tpu.memory_space<vmem>>, vector<1x16xf32>,
        %get3A_745 = arith.index_cast %add3A_694 : i32 to index
        %get3A_746 = arith.constant 80 : index
        %get3A_747 = tpu.vector_load %arg10[%get3A_745, %get3A_746] {strides = array<i32>} : memref<128x128xf32, #tpu.memory_space<vmem>>, vector<1x16xf32>,
        %get3A_748 = vector.shape_cast %get3A_747 : vector<1x16xf32> to vector<16xf32>
        %mul3A_749 = arith.mulf %get3A_748, %gather3A_690 : vector<16xf32>
        %swap3A_750 = arith.index_cast %add3A_694 : i32 to index
        %swap3A_751 = arith.constant 80 : index
        %swap3A_752 = tpu.vector_load %arg10[%swap3A_750, %swap3A_751] {strides = array<i32>} : memref<128x128xf32, #tpu.memory_space<vmem>>, vector<1x16xf32>,
        %swap3A_753 = vector.shape_cast %swap3A_752 : vector<1x16xf32> to vector<16xf32>
        %swap3A_754 = vector.shape_cast %mul3A_749 : vector<16xf32> to vector<1x16xf32>
        tpu.vector_store %arg10[%swap3A_750, %swap3A_751], %swap3A_754 {strides = array<i32>} : memref<128x128xf32, #tpu.memory_space<vmem>>, vector<1x16xf32>,
        %get3A_755 = arith.index_cast %add3A_694 : i32 to index
        %get3A_756 = arith.constant 96 : index
        %get3A_757 = tpu.vector_load %arg10[%get3A_755, %get3A_756] {strides = array<i32>} : memref<128x128xf32, #tpu.memory_space<vmem>>, vector<1x16xf32>,
        %get3A_758 = vector.shape_cast %get3A_757 : vector<1x16xf32> to vector<16xf32>
        %mul3A_759 = arith.mulf %get3A_758, %gather3A_690 : vector<16xf32>
        %swap3A_760 = arith.index_cast %add3A_694 : i32 to index
        %swap3A_761 = arith.constant 96 : index
        %swap3A_762 = tpu.vector_load %arg10[%swap3A_760, %swap3A_761] {strides = array<i32>} : memref<128x128xf32, #tpu.memory_space<vmem>>, vector<1x16xf32>,
        %swap3A_763 = vector.shape_cast %swap3A_762 : vector<1x16xf32> to vector<16xf32>
        %swap3A_764 = vector.shape_cast %mul3A_759 : vector<16xf32> to vector<1x16xf32>
        tpu.vector_store %arg10[%swap3A_760, %swap3A_761], %swap3A_764 {strides = array<i32>} : memref<128x128xf32, #tpu.memory_space<vmem>>, vector<1x16xf32>,
        %get3A_765 = arith.index_cast %add3A_694 : i32 to index
        %get3A_766 = arith.constant 112 : index
        %get3A_767 = tpu.vector_load %arg10[%get3A_765, %get3A_766] {strides = array<i32>} : memref<128x128xf32, #tpu.memory_space<vmem>>, vector<1x16xf32>,
        %get3A_768 = vector.shape_cast %get3A_767 : vector<1x16xf32> to vector<16xf32>
        %mul3A_769 = arith.mulf %get3A_768, %gather3A_690 : vector<16xf32>
        %swap3A_770 = arith.index_cast %add3A_694 : i32 to index
        %swap3A_771 = arith.constant 112 : index
        %swap3A_772 = tpu.vector_load %arg10[%swap3A_770, %swap3A_771] {strides = array<i32>} : memref<128x128xf32, #tpu.memory_space<vmem>>, vector<1x16xf32>,
        %swap3A_773 = vector.shape_cast %swap3A_772 : vector<1x16xf32> to vector<16xf32>
        %swap3A_774 = vector.shape_cast %mul3A_769 : vector<16xf32> to vector<1x16xf32>
        tpu.vector_store %arg10[%swap3A_770, %swap3A_771], %swap3A_774 {strides = array<i32>} : memref<128x128xf32, #tpu.memory_space<vmem>>, vector<1x16xf32>,
        %broadcast_in_dim3A_775 = arith.constant 8 : i32
        %broadcast_in_dim3A_776 = vector.broadcast %broadcast_in_dim3A_775 : i32 to vector<16x1xi32>
        %gather3A_777 = vector.shape_cast %broadcast_in_dim3A_776 : vector<16x1xi32> to vector<16xi32>
        %gather3A_778 = tpu.dynamic_gather %get3A_73[%gather3A_777] in [0] : vector<16xf32>, vector<16xi32> -> vector<16xf32>
        %mul3A_779 = arith.constant 16 : i32
        %mul3A_780 = arith.muli %scan3A_69, %mul3A_779 : i32
        %add3A_781 = arith.constant 8 : i32
        %add3A_782 = arith.addi %mul3A_780, %add3A_781 : i32
        %get3A_783 = arith.index_cast %add3A_782 : i32 to index
        %get3A_784 = arith.constant 0 : index
        %get3A_785 = tpu.vector_load %arg10[%get3A_783, %get3A_784] {strides = array<i32>} : memref<128x128xf32, #tpu.memory_space<vmem>>, vector<1x16xf32>,
        %get3A_786 = vector.shape_cast %get3A_785 : vector<1x16xf32> to vector<16xf32>
        %mul3A_787 = arith.mulf %get3A_786, %gather3A_778 : vector<16xf32>
        %swap3A_788 = arith.index_cast %add3A_782 : i32 to index
        %swap3A_789 = arith.constant 0 : index
        %swap3A_790 = tpu.vector_load %arg10[%swap3A_788, %swap3A_789] {strides = array<i32>} : memref<128x128xf32, #tpu.memory_space<vmem>>, vector<1x16xf32>,
        %swap3A_791 = vector.shape_cast %swap3A_790 : vector<1x16xf32> to vector<16xf32>
        %swap3A_792 = vector.shape_cast %mul3A_787 : vector<16xf32> to vector<1x16xf32>
        tpu.vector_store %arg10[%swap3A_788, %swap3A_789], %swap3A_792 {strides = array<i32>} : memref<128x128xf32, #tpu.memory_space<vmem>>, vector<1x16xf32>,
        %get3A_793 = arith.index_cast %add3A_782 : i32 to index
        %get3A_794 = arith.constant 16 : index
        %get3A_795 = tpu.vector_load %arg10[%get3A_793, %get3A_794] {strides = array<i32>} : memref<128x128xf32, #tpu.memory_space<vmem>>, vector<1x16xf32>,
        %get3A_796 = vector.shape_cast %get3A_795 : vector<1x16xf32> to vector<16xf32>
        %mul3A_797 = arith.mulf %get3A_796, %gather3A_778 : vector<16xf32>
        %swap3A_798 = arith.index_cast %add3A_782 : i32 to index
        %swap3A_799 = arith.constant 16 : index
        %swap3A_800 = tpu.vector_load %arg10[%swap3A_798, %swap3A_799] {strides = array<i32>} : memref<128x128xf32, #tpu.memory_space<vmem>>, vector<1x16xf32>,
        %swap3A_801 = vector.shape_cast %swap3A_800 : vector<1x16xf32> to vector<16xf32>
        %swap3A_802 = vector.shape_cast %mul3A_797 : vector<16xf32> to vector<1x16xf32>
        tpu.vector_store %arg10[%swap3A_798, %swap3A_799], %swap3A_802 {strides = array<i32>} : memref<128x128xf32, #tpu.memory_space<vmem>>, vector<1x16xf32>,
        %get3A_803 = arith.index_cast %add3A_782 : i32 to index
        %get3A_804 = arith.constant 32 : index
        %get3A_805 = tpu.vector_load %arg10[%get3A_803, %get3A_804] {strides = array<i32>} : memref<128x128xf32, #tpu.memory_space<vmem>>, vector<1x16xf32>,
        %get3A_806 = vector.shape_cast %get3A_805 : vector<1x16xf32> to vector<16xf32>
        %mul3A_807 = arith.mulf %get3A_806, %gather3A_778 : vector<16xf32>
        %swap3A_808 = arith.index_cast %add3A_782 : i32 to index
        %swap3A_809 = arith.constant 32 : index
        %swap3A_810 = tpu.vector_load %arg10[%swap3A_808, %swap3A_809] {strides = array<i32>} : memref<128x128xf32, #tpu.memory_space<vmem>>, vector<1x16xf32>,
        %swap3A_811 = vector.shape_cast %swap3A_810 : vector<1x16xf32> to vector<16xf32>
        %swap3A_812 = vector.shape_cast %mul3A_807 : vector<16xf32> to vector<1x16xf32>
        tpu.vector_store %arg10[%swap3A_808, %swap3A_809], %swap3A_812 {strides = array<i32>} : memref<128x128xf32, #tpu.memory_space<vmem>>, vector<1x16xf32>,
        %get3A_813 = arith.index_cast %add3A_782 : i32 to index
        %get3A_814 = arith.constant 48 : index
        %get3A_815 = tpu.vector_load %arg10[%get3A_813, %get3A_814] {strides = array<i32>} : memref<128x128xf32, #tpu.memory_space<vmem>>, vector<1x16xf32>,
        %get3A_816 = vector.shape_cast %get3A_815 : vector<1x16xf32> to vector<16xf32>
        %mul3A_817 = arith.mulf %get3A_816, %gather3A_778 : vector<16xf32>
        %swap3A_818 = arith.index_cast %add3A_782 : i32 to index
        %swap3A_819 = arith.constant 48 : index
        %swap3A_820 = tpu.vector_load %arg10[%swap3A_818, %swap3A_819] {strides = array<i32>} : memref<128x128xf32, #tpu.memory_space<vmem>>, vector<1x16xf32>,
        %swap3A_821 = vector.shape_cast %swap3A_820 : vector<1x16xf32> to vector<16xf32>
        %swap3A_822 = vector.shape_cast %mul3A_817 : vector<16xf32> to vector<1x16xf32>
        tpu.vector_store %arg10[%swap3A_818, %swap3A_819], %swap3A_822 {strides = array<i32>} : memref<128x128xf32, #tpu.memory_space<vmem>>, vector<1x16xf32>,
        %get3A_823 = arith.index_cast %add3A_782 : i32 to index
        %get3A_824 = arith.constant 64 : index
        %get3A_825 = tpu.vector_load %arg10[%get3A_823, %get3A_824] {strides = array<i32>} : memref<128x128xf32, #tpu.memory_space<vmem>>, vector<1x16xf32>,
        %get3A_826 = vector.shape_cast %get3A_825 : vector<1x16xf32> to vector<16xf32>
        %mul3A_827 = arith.mulf %get3A_826, %gather3A_778 : vector<16xf32>
        %swap3A_828 = arith.index_cast %add3A_782 : i32 to index
        %swap3A_829 = arith.constant 64 : index
        %swap3A_830 = tpu.vector_load %arg10[%swap3A_828, %swap3A_829] {strides = array<i32>} : memref<128x128xf32, #tpu.memory_space<vmem>>, vector<1x16xf32>,
        %swap3A_831 = vector.shape_cast %swap3A_830 : vector<1x16xf32> to vector<16xf32>
        %swap3A_832 = vector.shape_cast %mul3A_827 : vector<16xf32> to vector<1x16xf32>
        tpu.vector_store %arg10[%swap3A_828, %swap3A_829], %swap3A_832 {strides = array<i32>} : memref<128x128xf32, #tpu.memory_space<vmem>>, vector<1x16xf32>,
        %get3A_833 = arith.index_cast %add3A_782 : i32 to index
        %get3A_834 = arith.constant 80 : index
        %get3A_835 = tpu.vector_load %arg10[%get3A_833, %get3A_834] {strides = array<i32>} : memref<128x128xf32, #tpu.memory_space<vmem>>, vector<1x16xf32>,
        %get3A_836 = vector.shape_cast %get3A_835 : vector<1x16xf32> to vector<16xf32>
        %mul3A_837 = arith.mulf %get3A_836, %gather3A_778 : vector<16xf32>
        %swap3A_838 = arith.index_cast %add3A_782 : i32 to index
        %swap3A_839 = arith.constant 80 : index
        %swap3A_840 = tpu.vector_load %arg10[%swap3A_838, %swap3A_839] {strides = array<i32>} : memref<128x128xf32, #tpu.memory_space<vmem>>, vector<1x16xf32>,
        %swap3A_841 = vector.shape_cast %swap3A_840 : vector<1x16xf32> to vector<16xf32>
        %swap3A_842 = vector.shape_cast %mul3A_837 : vector<16xf32> to vector<1x16xf32>
        tpu.vector_store %arg10[%swap3A_838, %swap3A_839], %swap3A_842 {strides = array<i32>} : memref<128x128xf32, #tpu.memory_space<vmem>>, vector<1x16xf32>,
        %get3A_843 = arith.index_cast %add3A_782 : i32 to index
        %get3A_844 = arith.constant 96 : index
        %get3A_845 = tpu.vector_load %arg10[%get3A_843, %get3A_844] {strides = array<i32>} : memref<128x128xf32, #tpu.memory_space<vmem>>, vector<1x16xf32>,
        %get3A_846 = vector.shape_cast %get3A_845 : vector<1x16xf32> to vector<16xf32>
        %mul3A_847 = arith.mulf %get3A_846, %gather3A_778 : vector<16xf32>
        %swap3A_848 = arith.index_cast %add3A_782 : i32 to index
        %swap3A_849 = arith.constant 96 : index
        %swap3A_850 = tpu.vector_load %arg10[%swap3A_848, %swap3A_849] {strides = array<i32>} : memref<128x128xf32, #tpu.memory_space<vmem>>, vector<1x16xf32>,
        %swap3A_851 = vector.shape_cast %swap3A_850 : vector<1x16xf32> to vector<16xf32>
        %swap3A_852 = vector.shape_cast %mul3A_847 : vector<16xf32> to vector<1x16xf32>
        tpu.vector_store %arg10[%swap3A_848, %swap3A_849], %swap3A_852 {strides = array<i32>} : memref<128x128xf32, #tpu.memory_space<vmem>>, vector<1x16xf32>,
        %get3A_853 = arith.index_cast %add3A_782 : i32 to index
        %get3A_854 = arith.constant 112 : index
        %get3A_855 = tpu.vector_load %arg10[%get3A_853, %get3A_854] {strides = array<i32>} : memref<128x128xf32, #tpu.memory_space<vmem>>, vector<1x16xf32>,
        %get3A_856 = vector.shape_cast %get3A_855 : vector<1x16xf32> to vector<16xf32>
        %mul3A_857 = arith.mulf %get3A_856, %gather3A_778 : vector<16xf32>
        %swap3A_858 = arith.index_cast %add3A_782 : i32 to index
        %swap3A_859 = arith.constant 112 : index
        %swap3A_860 = tpu.vector_load %arg10[%swap3A_858, %swap3A_859] {strides = array<i32>} : memref<128x128xf32, #tpu.memory_space<vmem>>, vector<1x16xf32>,
        %swap3A_861 = vector.shape_cast %swap3A_860 : vector<1x16xf32> to vector<16xf32>
        %swap3A_862 = vector.shape_cast %mul3A_857 : vector<16xf32> to vector<1x16xf32>
        tpu.vector_store %arg10[%swap3A_858, %swap3A_859], %swap3A_862 {strides = array<i32>} : memref<128x128xf32, #tpu.memory_space<vmem>>, vector<1x16xf32>,
        %broadcast_in_dim3A_863 = arith.constant 9 : i32
        %broadcast_in_dim3A_864 = vector.broadcast %broadcast_in_dim3A_863 : i32 to vector<16x1xi32>
        %gather3A_865 = vector.shape_cast %broadcast_in_dim3A_864 : vector<16x1xi32> to vector<16xi32>
        %gather3A_866 = tpu.dynamic_gather %get3A_73[%gather3A_865] in [0] : vector<16xf32>, vector<16xi32> -> vector<16xf32>
        %mul3A_867 = arith.constant 16 : i32
        %mul3A_868 = arith.muli %scan3A_69, %mul3A_867 : i32
        %add3A_869 = arith.constant 9 : i32
        %add3A_870 = arith.addi %mul3A_868, %add3A_869 : i32
        %get3A_871 = arith.index_cast %add3A_870 : i32 to index
        %get3A_872 = arith.constant 0 : index
        %get3A_873 = tpu.vector_load %arg10[%get3A_871, %get3A_872] {strides = array<i32>} : memref<128x128xf32, #tpu.memory_space<vmem>>, vector<1x16xf32>,
        %get3A_874 = vector.shape_cast %get3A_873 : vector<1x16xf32> to vector<16xf32>
        %mul3A_875 = arith.mulf %get3A_874, %gather3A_866 : vector<16xf32>
        %swap3A_876 = arith.index_cast %add3A_870 : i32 to index
        %swap3A_877 = arith.constant 0 : index
        %swap3A_878 = tpu.vector_load %arg10[%swap3A_876, %swap3A_877] {strides = array<i32>} : memref<128x128xf32, #tpu.memory_space<vmem>>, vector<1x16xf32>,
        %swap3A_879 = vector.shape_cast %swap3A_878 : vector<1x16xf32> to vector<16xf32>
        %swap3A_880 = vector.shape_cast %mul3A_875 : vector<16xf32> to vector<1x16xf32>
        tpu.vector_store %arg10[%swap3A_876, %swap3A_877], %swap3A_880 {strides = array<i32>} : memref<128x128xf32, #tpu.memory_space<vmem>>, vector<1x16xf32>,
        %get3A_881 = arith.index_cast %add3A_870 : i32 to index
        %get3A_882 = arith.constant 16 : index
        %get3A_883 = tpu.vector_load %arg10[%get3A_881, %get3A_882] {strides = array<i32>} : memref<128x128xf32, #tpu.memory_space<vmem>>, vector<1x16xf32>,
        %get3A_884 = vector.shape_cast %get3A_883 : vector<1x16xf32> to vector<16xf32>
        %mul3A_885 = arith.mulf %get3A_884, %gather3A_866 : vector<16xf32>
        %swap3A_886 = arith.index_cast %add3A_870 : i32 to index
        %swap3A_887 = arith.constant 16 : index
        %swap3A_888 = tpu.vector_load %arg10[%swap3A_886, %swap3A_887] {strides = array<i32>} : memref<128x128xf32, #tpu.memory_space<vmem>>, vector<1x16xf32>,
        %swap3A_889 = vector.shape_cast %swap3A_888 : vector<1x16xf32> to vector<16xf32>
        %swap3A_890 = vector.shape_cast %mul3A_885 : vector<16xf32> to vector<1x16xf32>
        tpu.vector_store %arg10[%swap3A_886, %swap3A_887], %swap3A_890 {strides = array<i32>} : memref<128x128xf32, #tpu.memory_space<vmem>>, vector<1x16xf32>,
        %get3A_891 = arith.index_cast %add3A_870 : i32 to index
        %get3A_892 = arith.constant 32 : index
        %get3A_893 = tpu.vector_load %arg10[%get3A_891, %get3A_892] {strides = array<i32>} : memref<128x128xf32, #tpu.memory_space<vmem>>, vector<1x16xf32>,
        %get3A_894 = vector.shape_cast %get3A_893 : vector<1x16xf32> to vector<16xf32>
        %mul3A_895 = arith.mulf %get3A_894, %gather3A_866 : vector<16xf32>
        %swap3A_896 = arith.index_cast %add3A_870 : i32 to index
        %swap3A_897 = arith.constant 32 : index
        %swap3A_898 = tpu.vector_load %arg10[%swap3A_896, %swap3A_897] {strides = array<i32>} : memref<128x128xf32, #tpu.memory_space<vmem>>, vector<1x16xf32>,
        %swap3A_899 = vector.shape_cast %swap3A_898 : vector<1x16xf32> to vector<16xf32>
        %swap3A_900 = vector.shape_cast %mul3A_895 : vector<16xf32> to vector<1x16xf32>
        tpu.vector_store %arg10[%swap3A_896, %swap3A_897], %swap3A_900 {strides = array<i32>} : memref<128x128xf32, #tpu.memory_space<vmem>>, vector<1x16xf32>,
        %get3A_901 = arith.index_cast %add3A_870 : i32 to index
        %get3A_902 = arith.constant 48 : index
        %get3A_903 = tpu.vector_load %arg10[%get3A_901, %get3A_902] {strides = array<i32>} : memref<128x128xf32, #tpu.memory_space<vmem>>, vector<1x16xf32>,
        %get3A_904 = vector.shape_cast %get3A_903 : vector<1x16xf32> to vector<16xf32>
        %mul3A_905 = arith.mulf %get3A_904, %gather3A_866 : vector<16xf32>
        %swap3A_906 = arith.index_cast %add3A_870 : i32 to index
        %swap3A_907 = arith.constant 48 : index
        %swap3A_908 = tpu.vector_load %arg10[%swap3A_906, %swap3A_907] {strides = array<i32>} : memref<128x128xf32, #tpu.memory_space<vmem>>, vector<1x16xf32>,
        %swap3A_909 = vector.shape_cast %swap3A_908 : vector<1x16xf32> to vector<16xf32>
        %swap3A_910 = vector.shape_cast %mul3A_905 : vector<16xf32> to vector<1x16xf32>
        tpu.vector_store %arg10[%swap3A_906, %swap3A_907], %swap3A_910 {strides = array<i32>} : memref<128x128xf32, #tpu.memory_space<vmem>>, vector<1x16xf32>,
        %get3A_911 = arith.index_cast %add3A_870 : i32 to index
        %get3A_912 = arith.constant 64 : index
        %get3A_913 = tpu.vector_load %arg10[%get3A_911, %get3A_912] {strides = array<i32>} : memref<128x128xf32, #tpu.memory_space<vmem>>, vector<1x16xf32>,
        %get3A_914 = vector.shape_cast %get3A_913 : vector<1x16xf32> to vector<16xf32>
        %mul3A_915 = arith.mulf %get3A_914, %gather3A_866 : vector<16xf32>
        %swap3A_916 = arith.index_cast %add3A_870 : i32 to index
        %swap3A_917 = arith.constant 64 : index
        %swap3A_918 = tpu.vector_load %arg10[%swap3A_916, %swap3A_917] {strides = array<i32>} : memref<128x128xf32, #tpu.memory_space<vmem>>, vector<1x16xf32>,
        %swap3A_919 = vector.shape_cast %swap3A_918 : vector<1x16xf32> to vector<16xf32>
        %swap3A_920 = vector.shape_cast %mul3A_915 : vector<16xf32> to vector<1x16xf32>
        tpu.vector_store %arg10[%swap3A_916, %swap3A_917], %swap3A_920 {strides = array<i32>} : memref<128x128xf32, #tpu.memory_space<vmem>>, vector<1x16xf32>,
        %get3A_921 = arith.index_cast %add3A_870 : i32 to index
        %get3A_922 = arith.constant 80 : index
        %get3A_923 = tpu.vector_load %arg10[%get3A_921, %get3A_922] {strides = array<i32>} : memref<128x128xf32, #tpu.memory_space<vmem>>, vector<1x16xf32>,
        %get3A_924 = vector.shape_cast %get3A_923 : vector<1x16xf32> to vector<16xf32>
        %mul3A_925 = arith.mulf %get3A_924, %gather3A_866 : vector<16xf32>
        %swap3A_926 = arith.index_cast %add3A_870 : i32 to index
        %swap3A_927 = arith.constant 80 : index
        %swap3A_928 = tpu.vector_load %arg10[%swap3A_926, %swap3A_927] {strides = array<i32>} : memref<128x128xf32, #tpu.memory_space<vmem>>, vector<1x16xf32>,
        %swap3A_929 = vector.shape_cast %swap3A_928 : vector<1x16xf32> to vector<16xf32>
        %swap3A_930 = vector.shape_cast %mul3A_925 : vector<16xf32> to vector<1x16xf32>
        tpu.vector_store %arg10[%swap3A_926, %swap3A_927], %swap3A_930 {strides = array<i32>} : memref<128x128xf32, #tpu.memory_space<vmem>>, vector<1x16xf32>,
        %get3A_931 = arith.index_cast %add3A_870 : i32 to index
        %get3A_932 = arith.constant 96 : index
        %get3A_933 = tpu.vector_load %arg10[%get3A_931, %get3A_932] {strides = array<i32>} : memref<128x128xf32, #tpu.memory_space<vmem>>, vector<1x16xf32>,
        %get3A_934 = vector.shape_cast %get3A_933 : vector<1x16xf32> to vector<16xf32>
        %mul3A_935 = arith.mulf %get3A_934, %gather3A_866 : vector<16xf32>
        %swap3A_936 = arith.index_cast %add3A_870 : i32 to index
        %swap3A_937 = arith.constant 96 : index
        %swap3A_938 = tpu.vector_load %arg10[%swap3A_936, %swap3A_937] {strides = array<i32>} : memref<128x128xf32, #tpu.memory_space<vmem>>, vector<1x16xf32>,
        %swap3A_939 = vector.shape_cast %swap3A_938 : vector<1x16xf32> to vector<16xf32>
        %swap3A_940 = vector.shape_cast %mul3A_935 : vector<16xf32> to vector<1x16xf32>
        tpu.vector_store %arg10[%swap3A_936, %swap3A_937], %swap3A_940 {strides = array<i32>} : memref<128x128xf32, #tpu.memory_space<vmem>>, vector<1x16xf32>,
        %get3A_941 = arith.index_cast %add3A_870 : i32 to index
        %get3A_942 = arith.constant 112 : index
        %get3A_943 = tpu.vector_load %arg10[%get3A_941, %get3A_942] {strides = array<i32>} : memref<128x128xf32, #tpu.memory_space<vmem>>, vector<1x16xf32>,
        %get3A_944 = vector.shape_cast %get3A_943 : vector<1x16xf32> to vector<16xf32>
        %mul3A_945 = arith.mulf %get3A_944, %gather3A_866 : vector<16xf32>
        %swap3A_946 = arith.index_cast %add3A_870 : i32 to index
        %swap3A_947 = arith.constant 112 : index
        %swap3A_948 = tpu.vector_load %arg10[%swap3A_946, %swap3A_947] {strides = array<i32>} : memref<128x128xf32, #tpu.memory_space<vmem>>, vector<1x16xf32>,
        %swap3A_949 = vector.shape_cast %swap3A_948 : vector<1x16xf32> to vector<16xf32>
        %swap3A_950 = vector.shape_cast %mul3A_945 : vector<16xf32> to vector<1x16xf32>
        tpu.vector_store %arg10[%swap3A_946, %swap3A_947], %swap3A_950 {strides = array<i32>} : memref<128x128xf32, #tpu.memory_space<vmem>>, vector<1x16xf32>,
        %broadcast_in_dim3A_951 = arith.constant 10 : i32
        %broadcast_in_dim3A_952 = vector.broadcast %broadcast_in_dim3A_951 : i32 to vector<16x1xi32>
        %gather3A_953 = vector.shape_cast %broadcast_in_dim3A_952 : vector<16x1xi32> to vector<16xi32>
        %gather3A_954 = tpu.dynamic_gather %get3A_73[%gather3A_953] in [0] : vector<16xf32>, vector<16xi32> -> vector<16xf32>
        %mul3A_955 = arith.constant 16 : i32
        %mul3A_956 = arith.muli %scan3A_69, %mul3A_955 : i32
        %add3A_957 = arith.constant 10 : i32
        %add3A_958 = arith.addi %mul3A_956, %add3A_957 : i32
        %get3A_959 = arith.index_cast %add3A_958 : i32 to index
        %get3A_960 = arith.constant 0 : index
        %get3A_961 = tpu.vector_load %arg10[%get3A_959, %get3A_960] {strides = array<i32>} : memref<128x128xf32, #tpu.memory_space<vmem>>, vector<1x16xf32>,
        %get3A_962 = vector.shape_cast %get3A_961 : vector<1x16xf32> to vector<16xf32>
        %mul3A_963 = arith.mulf %get3A_962, %gather3A_954 : vector<16xf32>
        %swap3A_964 = arith.index_cast %add3A_958 : i32 to index
        %swap3A_965 = arith.constant 0 : index
        %swap3A_966 = tpu.vector_load %arg10[%swap3A_964, %swap3A_965] {strides = array<i32>} : memref<128x128xf32, #tpu.memory_space<vmem>>, vector<1x16xf32>,
        %swap3A_967 = vector.shape_cast %swap3A_966 : vector<1x16xf32> to vector<16xf32>
        %swap3A_968 = vector.shape_cast %mul3A_963 : vector<16xf32> to vector<1x16xf32>
        tpu.vector_store %arg10[%swap3A_964, %swap3A_965], %swap3A_968 {strides = array<i32>} : memref<128x128xf32, #tpu.memory_space<vmem>>, vector<1x16xf32>,
        %get3A_969 = arith.index_cast %add3A_958 : i32 to index
        %get3A_970 = arith.constant 16 : index
        %get3A_971 = tpu.vector_load %arg10[%get3A_969, %get3A_970] {strides = array<i32>} : memref<128x128xf32, #tpu.memory_space<vmem>>, vector<1x16xf32>,
        %get3A_972 = vector.shape_cast %get3A_971 : vector<1x16xf32> to vector<16xf32>
        %mul3A_973 = arith.mulf %get3A_972, %gather3A_954 : vector<16xf32>
        %swap3A_974 = arith.index_cast %add3A_958 : i32 to index
        %swap3A_975 = arith.constant 16 : index
        %swap3A_976 = tpu.vector_load %arg10[%swap3A_974, %swap3A_975] {strides = array<i32>} : memref<128x128xf32, #tpu.memory_space<vmem>>, vector<1x16xf32>,
        %swap3A_977 = vector.shape_cast %swap3A_976 : vector<1x16xf32> to vector<16xf32>
        %swap3A_978 = vector.shape_cast %mul3A_973 : vector<16xf32> to vector<1x16xf32>
        tpu.vector_store %arg10[%swap3A_974, %swap3A_975], %swap3A_978 {strides = array<i32>} : memref<128x128xf32, #tpu.memory_space<vmem>>, vector<1x16xf32>,
        %get3A_979 = arith.index_cast %add3A_958 : i32 to index
        %get3A_980 = arith.constant 32 : index
        %get3A_981 = tpu.vector_load %arg10[%get3A_979, %get3A_980] {strides = array<i32>} : memref<128x128xf32, #tpu.memory_space<vmem>>, vector<1x16xf32>,
        %get3A_982 = vector.shape_cast %get3A_981 : vector<1x16xf32> to vector<16xf32>
        %mul3A_983 = arith.mulf %get3A_982, %gather3A_954 : vector<16xf32>
        %swap3A_984 = arith.index_cast %add3A_958 : i32 to index
        %swap3A_985 = arith.constant 32 : index
        %swap3A_986 = tpu.vector_load %arg10[%swap3A_984, %swap3A_985] {strides = array<i32>} : memref<128x128xf32, #tpu.memory_space<vmem>>, vector<1x16xf32>,
        %swap3A_987 = vector.shape_cast %swap3A_986 : vector<1x16xf32> to vector<16xf32>
        %swap3A_988 = vector.shape_cast %mul3A_983 : vector<16xf32> to vector<1x16xf32>
        tpu.vector_store %arg10[%swap3A_984, %swap3A_985], %swap3A_988 {strides = array<i32>} : memref<128x128xf32, #tpu.memory_space<vmem>>, vector<1x16xf32>,
        %get3A_989 = arith.index_cast %add3A_958 : i32 to index
        %get3A_990 = arith.constant 48 : index
        %get3A_991 = tpu.vector_load %arg10[%get3A_989, %get3A_990] {strides = array<i32>} : memref<128x128xf32, #tpu.memory_space<vmem>>, vector<1x16xf32>,
        %get3A_992 = vector.shape_cast %get3A_991 : vector<1x16xf32> to vector<16xf32>
        %mul3A_993 = arith.mulf %get3A_992, %gather3A_954 : vector<16xf32>
        %swap3A_994 = arith.index_cast %add3A_958 : i32 to index
        %swap3A_995 = arith.constant 48 : index
        %swap3A_996 = tpu.vector_load %arg10[%swap3A_994, %swap3A_995] {strides = array<i32>} : memref<128x128xf32, #tpu.memory_space<vmem>>, vector<1x16xf32>,
        %swap3A_997 = vector.shape_cast %swap3A_996 : vector<1x16xf32> to vector<16xf32>
        %swap3A_998 = vector.shape_cast %mul3A_993 : vector<16xf32> to vector<1x16xf32>
        tpu.vector_store %arg10[%swap3A_994, %swap3A_995], %swap3A_998 {strides = array<i32>} : memref<128x128xf32, #tpu.memory_space<vmem>>, vector<1x16xf32>,
        %get3A_999 = arith.index_cast %add3A_958 : i32 to index
        %get3A_1000 = arith.constant 64 : index
        %get3A_1001 = tpu.vector_load %arg10[%get3A_999, %get3A_1000] {strides = array<i32>} : memref<128x128xf32, #tpu.memory_space<vmem>>, vector<1x16xf32>,
        %get3A_1002 = vector.shape_cast %get3A_1001 : vector<1x16xf32> to vector<16xf32>
        %mul3A_1003 = arith.mulf %get3A_1002, %gather3A_954 : vector<16xf32>
        %swap3A_1004 = arith.index_cast %add3A_958 : i32 to index
        %swap3A_1005 = arith.constant 64 : index
        %swap3A_1006 = tpu.vector_load %arg10[%swap3A_1004, %swap3A_1005] {strides = array<i32>} : memref<128x128xf32, #tpu.memory_space<vmem>>, vector<1x16xf32>,
        %swap3A_1007 = vector.shape_cast %swap3A_1006 : vector<1x16xf32> to vector<16xf32>
        %swap3A_1008 = vector.shape_cast %mul3A_1003 : vector<16xf32> to vector<1x16xf32>
        tpu.vector_store %arg10[%swap3A_1004, %swap3A_1005], %swap3A_1008 {strides = array<i32>} : memref<128x128xf32, #tpu.memory_space<vmem>>, vector<1x16xf32>,
        %get3A_1009 = arith.index_cast %add3A_958 : i32 to index
        %get3A_1010 = arith.constant 80 : index
        %get3A_1011 = tpu.vector_load %arg10[%get3A_1009, %get3A_1010] {strides = array<i32>} : memref<128x128xf32, #tpu.memory_space<vmem>>, vector<1x16xf32>,
        %get3A_1012 = vector.shape_cast %get3A_1011 : vector<1x16xf32> to vector<16xf32>
        %mul3A_1013 = arith.mulf %get3A_1012, %gather3A_954 : vector<16xf32>
        %swap3A_1014 = arith.index_cast %add3A_958 : i32 to index
        %swap3A_1015 = arith.constant 80 : index
        %swap3A_1016 = tpu.vector_load %arg10[%swap3A_1014, %swap3A_1015] {strides = array<i32>} : memref<128x128xf32, #tpu.memory_space<vmem>>, vector<1x16xf32>,
        %swap3A_1017 = vector.shape_cast %swap3A_1016 : vector<1x16xf32> to vector<16xf32>
        %swap3A_1018 = vector.shape_cast %mul3A_1013 : vector<16xf32> to vector<1x16xf32>
        tpu.vector_store %arg10[%swap3A_1014, %swap3A_1015], %swap3A_1018 {strides = array<i32>} : memref<128x128xf32, #tpu.memory_space<vmem>>, vector<1x16xf32>,
        %get3A_1019 = arith.index_cast %add3A_958 : i32 to index
        %get3A_1020 = arith.constant 96 : index
        %get3A_1021 = tpu.vector_load %arg10[%get3A_1019, %get3A_1020] {strides = array<i32>} : memref<128x128xf32, #tpu.memory_space<vmem>>, vector<1x16xf32>,
        %get3A_1022 = vector.shape_cast %get3A_1021 : vector<1x16xf32> to vector<16xf32>
        %mul3A_1023 = arith.mulf %get3A_1022, %gather3A_954 : vector<16xf32>
        %swap3A_1024 = arith.index_cast %add3A_958 : i32 to index
        %swap3A_1025 = arith.constant 96 : index
        %swap3A_1026 = tpu.vector_load %arg10[%swap3A_1024, %swap3A_1025] {strides = array<i32>} : memref<128x128xf32, #tpu.memory_space<vmem>>, vector<1x16xf32>,
        %swap3A_1027 = vector.shape_cast %swap3A_1026 : vector<1x16xf32> to vector<16xf32>
        %swap3A_1028 = vector.shape_cast %mul3A_1023 : vector<16xf32> to vector<1x16xf32>
        tpu.vector_store %arg10[%swap3A_1024, %swap3A_1025], %swap3A_1028 {strides = array<i32>} : memref<128x128xf32, #tpu.memory_space<vmem>>, vector<1x16xf32>,
        %get3A_1029 = arith.index_cast %add3A_958 : i32 to index
        %get3A_1030 = arith.constant 112 : index
        %get3A_1031 = tpu.vector_load %arg10[%get3A_1029, %get3A_1030] {strides = array<i32>} : memref<128x128xf32, #tpu.memory_space<vmem>>, vector<1x16xf32>,
        %get3A_1032 = vector.shape_cast %get3A_1031 : vector<1x16xf32> to vector<16xf32>
        %mul3A_1033 = arith.mulf %get3A_1032, %gather3A_954 : vector<16xf32>
        %swap3A_1034 = arith.index_cast %add3A_958 : i32 to index
        %swap3A_1035 = arith.constant 112 : index
        %swap3A_1036 = tpu.vector_load %arg10[%swap3A_1034, %swap3A_1035] {strides = array<i32>} : memref<128x128xf32, #tpu.memory_space<vmem>>, vector<1x16xf32>,
        %swap3A_1037 = vector.shape_cast %swap3A_1036 : vector<1x16xf32> to vector<16xf32>
        %swap3A_1038 = vector.shape_cast %mul3A_1033 : vector<16xf32> to vector<1x16xf32>
        tpu.vector_store %arg10[%swap3A_1034, %swap3A_1035], %swap3A_1038 {strides = array<i32>} : memref<128x128xf32, #tpu.memory_space<vmem>>, vector<1x16xf32>,
        %broadcast_in_dim3A_1039 = arith.constant 11 : i32
        %broadcast_in_dim3A_1040 = vector.broadcast %broadcast_in_dim3A_1039 : i32 to vector<16x1xi32>
        %gather3A_1041 = vector.shape_cast %broadcast_in_dim3A_1040 : vector<16x1xi32> to vector<16xi32>
        %gather3A_1042 = tpu.dynamic_gather %get3A_73[%gather3A_1041] in [0] : vector<16xf32>, vector<16xi32> -> vector<16xf32>
        %mul3A_1043 = arith.constant 16 : i32
        %mul3A_1044 = arith.muli %scan3A_69, %mul3A_1043 : i32
        %add3A_1045 = arith.constant 11 : i32
        %add3A_1046 = arith.addi %mul3A_1044, %add3A_1045 : i32
        %get3A_1047 = arith.index_cast %add3A_1046 : i32 to index
        %get3A_1048 = arith.constant 0 : index
        %get3A_1049 = tpu.vector_load %arg10[%get3A_1047, %get3A_1048] {strides = array<i32>} : memref<128x128xf32, #tpu.memory_space<vmem>>, vector<1x16xf32>,
        %get3A_1050 = vector.shape_cast %get3A_1049 : vector<1x16xf32> to vector<16xf32>
        %mul3A_1051 = arith.mulf %get3A_1050, %gather3A_1042 : vector<16xf32>
        %swap3A_1052 = arith.index_cast %add3A_1046 : i32 to index
        %swap3A_1053 = arith.constant 0 : index
        %swap3A_1054 = tpu.vector_load %arg10[%swap3A_1052, %swap3A_1053] {strides = array<i32>} : memref<128x128xf32, #tpu.memory_space<vmem>>, vector<1x16xf32>,
        %swap3A_1055 = vector.shape_cast %swap3A_1054 : vector<1x16xf32> to vector<16xf32>
        %swap3A_1056 = vector.shape_cast %mul3A_1051 : vector<16xf32> to vector<1x16xf32>
        tpu.vector_store %arg10[%swap3A_1052, %swap3A_1053], %swap3A_1056 {strides = array<i32>} : memref<128x128xf32, #tpu.memory_space<vmem>>, vector<1x16xf32>,
        %get3A_1057 = arith.index_cast %add3A_1046 : i32 to index
        %get3A_1058 = arith.constant 16 : index
        %get3A_1059 = tpu.vector_load %arg10[%get3A_1057, %get3A_1058] {strides = array<i32>} : memref<128x128xf32, #tpu.memory_space<vmem>>, vector<1x16xf32>,
        %get3A_1060 = vector.shape_cast %get3A_1059 : vector<1x16xf32> to vector<16xf32>
        %mul3A_1061 = arith.mulf %get3A_1060, %gather3A_1042 : vector<16xf32>
        %swap3A_1062 = arith.index_cast %add3A_1046 : i32 to index
        %swap3A_1063 = arith.constant 16 : index
        %swap3A_1064 = tpu.vector_load %arg10[%swap3A_1062, %swap3A_1063] {strides = array<i32>} : memref<128x128xf32, #tpu.memory_space<vmem>>, vector<1x16xf32>,
        %swap3A_1065 = vector.shape_cast %swap3A_1064 : vector<1x16xf32> to vector<16xf32>
        %swap3A_1066 = vector.shape_cast %mul3A_1061 : vector<16xf32> to vector<1x16xf32>
        tpu.vector_store %arg10[%swap3A_1062, %swap3A_1063], %swap3A_1066 {strides = array<i32>} : memref<128x128xf32, #tpu.memory_space<vmem>>, vector<1x16xf32>,
        %get3A_1067 = arith.index_cast %add3A_1046 : i32 to index
        %get3A_1068 = arith.constant 32 : index
        %get3A_1069 = tpu.vector_load %arg10[%get3A_1067, %get3A_1068] {strides = array<i32>} : memref<128x128xf32, #tpu.memory_space<vmem>>, vector<1x16xf32>,
        %get3A_1070 = vector.shape_cast %get3A_1069 : vector<1x16xf32> to vector<16xf32>
        %mul3A_1071 = arith.mulf %get3A_1070, %gather3A_1042 : vector<16xf32>
        %swap3A_1072 = arith.index_cast %add3A_1046 : i32 to index
        %swap3A_1073 = arith.constant 32 : index
        %swap3A_1074 = tpu.vector_load %arg10[%swap3A_1072, %swap3A_1073] {strides = array<i32>} : memref<128x128xf32, #tpu.memory_space<vmem>>, vector<1x16xf32>,
        %swap3A_1075 = vector.shape_cast %swap3A_1074 : vector<1x16xf32> to vector<16xf32>
        %swap3A_1076 = vector.shape_cast %mul3A_1071 : vector<16xf32> to vector<1x16xf32>
        tpu.vector_store %arg10[%swap3A_1072, %swap3A_1073], %swap3A_1076 {strides = array<i32>} : memref<128x128xf32, #tpu.memory_space<vmem>>, vector<1x16xf32>,
        %get3A_1077 = arith.index_cast %add3A_1046 : i32 to index
        %get3A_1078 = arith.constant 48 : index
        %get3A_1079 = tpu.vector_load %arg10[%get3A_1077, %get3A_1078] {strides = array<i32>} : memref<128x128xf32, #tpu.memory_space<vmem>>, vector<1x16xf32>,
        %get3A_1080 = vector.shape_cast %get3A_1079 : vector<1x16xf32> to vector<16xf32>
        %mul3A_1081 = arith.mulf %get3A_1080, %gather3A_1042 : vector<16xf32>
        %swap3A_1082 = arith.index_cast %add3A_1046 : i32 to index
        %swap3A_1083 = arith.constant 48 : index
        %swap3A_1084 = tpu.vector_load %arg10[%swap3A_1082, %swap3A_1083] {strides = array<i32>} : memref<128x128xf32, #tpu.memory_space<vmem>>, vector<1x16xf32>,
        %swap3A_1085 = vector.shape_cast %swap3A_1084 : vector<1x16xf32> to vector<16xf32>
        %swap3A_1086 = vector.shape_cast %mul3A_1081 : vector<16xf32> to vector<1x16xf32>
        tpu.vector_store %arg10[%swap3A_1082, %swap3A_1083], %swap3A_1086 {strides = array<i32>} : memref<128x128xf32, #tpu.memory_space<vmem>>, vector<1x16xf32>,
        %get3A_1087 = arith.index_cast %add3A_1046 : i32 to index
        %get3A_1088 = arith.constant 64 : index
        %get3A_1089 = tpu.vector_load %arg10[%get3A_1087, %get3A_1088] {strides = array<i32>} : memref<128x128xf32, #tpu.memory_space<vmem>>, vector<1x16xf32>,
        %get3A_1090 = vector.shape_cast %get3A_1089 : vector<1x16xf32> to vector<16xf32>
        %mul3A_1091 = arith.mulf %get3A_1090, %gather3A_1042 : vector<16xf32>
        %swap3A_1092 = arith.index_cast %add3A_1046 : i32 to index
        %swap3A_1093 = arith.constant 64 : index
        %swap3A_1094 = tpu.vector_load %arg10[%swap3A_1092, %swap3A_1093] {strides = array<i32>} : memref<128x128xf32, #tpu.memory_space<vmem>>, vector<1x16xf32>,
        %swap3A_1095 = vector.shape_cast %swap3A_1094 : vector<1x16xf32> to vector<16xf32>
        %swap3A_1096 = vector.shape_cast %mul3A_1091 : vector<16xf32> to vector<1x16xf32>
        tpu.vector_store %arg10[%swap3A_1092, %swap3A_1093], %swap3A_1096 {strides = array<i32>} : memref<128x128xf32, #tpu.memory_space<vmem>>, vector<1x16xf32>,
        %get3A_1097 = arith.index_cast %add3A_1046 : i32 to index
        %get3A_1098 = arith.constant 80 : index
        %get3A_1099 = tpu.vector_load %arg10[%get3A_1097, %get3A_1098] {strides = array<i32>} : memref<128x128xf32, #tpu.memory_space<vmem>>, vector<1x16xf32>,
        %get3A_1100 = vector.shape_cast %get3A_1099 : vector<1x16xf32> to vector<16xf32>
        %mul3A_1101 = arith.mulf %get3A_1100, %gather3A_1042 : vector<16xf32>
        %swap3A_1102 = arith.index_cast %add3A_1046 : i32 to index
        %swap3A_1103 = arith.constant 80 : index
        %swap3A_1104 = tpu.vector_load %arg10[%swap3A_1102, %swap3A_1103] {strides = array<i32>} : memref<128x128xf32, #tpu.memory_space<vmem>>, vector<1x16xf32>,
        %swap3A_1105 = vector.shape_cast %swap3A_1104 : vector<1x16xf32> to vector<16xf32>
        %swap3A_1106 = vector.shape_cast %mul3A_1101 : vector<16xf32> to vector<1x16xf32>
        tpu.vector_store %arg10[%swap3A_1102, %swap3A_1103], %swap3A_1106 {strides = array<i32>} : memref<128x128xf32, #tpu.memory_space<vmem>>, vector<1x16xf32>,
        %get3A_1107 = arith.index_cast %add3A_1046 : i32 to index
        %get3A_1108 = arith.constant 96 : index
        %get3A_1109 = tpu.vector_load %arg10[%get3A_1107, %get3A_1108] {strides = array<i32>} : memref<128x128xf32, #tpu.memory_space<vmem>>, vector<1x16xf32>,
        %get3A_1110 = vector.shape_cast %get3A_1109 : vector<1x16xf32> to vector<16xf32>
        %mul3A_1111 = arith.mulf %get3A_1110, %gather3A_1042 : vector<16xf32>
        %swap3A_1112 = arith.index_cast %add3A_1046 : i32 to index
        %swap3A_1113 = arith.constant 96 : index
        %swap3A_1114 = tpu.vector_load %arg10[%swap3A_1112, %swap3A_1113] {strides = array<i32>} : memref<128x128xf32, #tpu.memory_space<vmem>>, vector<1x16xf32>,
        %swap3A_1115 = vector.shape_cast %swap3A_1114 : vector<1x16xf32> to vector<16xf32>
        %swap3A_1116 = vector.shape_cast %mul3A_1111 : vector<16xf32> to vector<1x16xf32>
        tpu.vector_store %arg10[%swap3A_1112, %swap3A_1113], %swap3A_1116 {strides = array<i32>} : memref<128x128xf32, #tpu.memory_space<vmem>>, vector<1x16xf32>,
        %get3A_1117 = arith.index_cast %add3A_1046 : i32 to index
        %get3A_1118 = arith.constant 112 : index
        %get3A_1119 = tpu.vector_load %arg10[%get3A_1117, %get3A_1118] {strides = array<i32>} : memref<128x128xf32, #tpu.memory_space<vmem>>, vector<1x16xf32>,
        %get3A_1120 = vector.shape_cast %get3A_1119 : vector<1x16xf32> to vector<16xf32>
        %mul3A_1121 = arith.mulf %get3A_1120, %gather3A_1042 : vector<16xf32>
        %swap3A_1122 = arith.index_cast %add3A_1046 : i32 to index
        %swap3A_1123 = arith.constant 112 : index
        %swap3A_1124 = tpu.vector_load %arg10[%swap3A_1122, %swap3A_1123] {strides = array<i32>} : memref<128x128xf32, #tpu.memory_space<vmem>>, vector<1x16xf32>,
        %swap3A_1125 = vector.shape_cast %swap3A_1124 : vector<1x16xf32> to vector<16xf32>
        %swap3A_1126 = vector.shape_cast %mul3A_1121 : vector<16xf32> to vector<1x16xf32>
        tpu.vector_store %arg10[%swap3A_1122, %swap3A_1123], %swap3A_1126 {strides = array<i32>} : memref<128x128xf32, #tpu.memory_space<vmem>>, vector<1x16xf32>,
        %broadcast_in_dim3A_1127 = arith.constant 12 : i32
        %broadcast_in_dim3A_1128 = vector.broadcast %broadcast_in_dim3A_1127 : i32 to vector<16x1xi32>
        %gather3A_1129 = vector.shape_cast %broadcast_in_dim3A_1128 : vector<16x1xi32> to vector<16xi32>
        %gather3A_1130 = tpu.dynamic_gather %get3A_73[%gather3A_1129] in [0] : vector<16xf32>, vector<16xi32> -> vector<16xf32>
        %mul3A_1131 = arith.constant 16 : i32
        %mul3A_1132 = arith.muli %scan3A_69, %mul3A_1131 : i32
        %add3A_1133 = arith.constant 12 : i32
        %add3A_1134 = arith.addi %mul3A_1132, %add3A_1133 : i32
        %get3A_1135 = arith.index_cast %add3A_1134 : i32 to index
        %get3A_1136 = arith.constant 0 : index
        %get3A_1137 = tpu.vector_load %arg10[%get3A_1135, %get3A_1136] {strides = array<i32>} : memref<128x128xf32, #tpu.memory_space<vmem>>, vector<1x16xf32>,
        %get3A_1138 = vector.shape_cast %get3A_1137 : vector<1x16xf32> to vector<16xf32>
        %mul3A_1139 = arith.mulf %get3A_1138, %gather3A_1130 : vector<16xf32>
        %swap3A_1140 = arith.index_cast %add3A_1134 : i32 to index
        %swap3A_1141 = arith.constant 0 : index
        %swap3A_1142 = tpu.vector_load %arg10[%swap3A_1140, %swap3A_1141] {strides = array<i32>} : memref<128x128xf32, #tpu.memory_space<vmem>>, vector<1x16xf32>,
        %swap3A_1143 = vector.shape_cast %swap3A_1142 : vector<1x16xf32> to vector<16xf32>
        %swap3A_1144 = vector.shape_cast %mul3A_1139 : vector<16xf32> to vector<1x16xf32>
        tpu.vector_store %arg10[%swap3A_1140, %swap3A_1141], %swap3A_1144 {strides = array<i32>} : memref<128x128xf32, #tpu.memory_space<vmem>>, vector<1x16xf32>,
        %get3A_1145 = arith.index_cast %add3A_1134 : i32 to index
        %get3A_1146 = arith.constant 16 : index
        %get3A_1147 = tpu.vector_load %arg10[%get3A_1145, %get3A_1146] {strides = array<i32>} : memref<128x128xf32, #tpu.memory_space<vmem>>, vector<1x16xf32>,
        %get3A_1148 = vector.shape_cast %get3A_1147 : vector<1x16xf32> to vector<16xf32>
        %mul3A_1149 = arith.mulf %get3A_1148, %gather3A_1130 : vector<16xf32>
        %swap3A_1150 = arith.index_cast %add3A_1134 : i32 to index
        %swap3A_1151 = arith.constant 16 : index
        %swap3A_1152 = tpu.vector_load %arg10[%swap3A_1150, %swap3A_1151] {strides = array<i32>} : memref<128x128xf32, #tpu.memory_space<vmem>>, vector<1x16xf32>,
        %swap3A_1153 = vector.shape_cast %swap3A_1152 : vector<1x16xf32> to vector<16xf32>
        %swap3A_1154 = vector.shape_cast %mul3A_1149 : vector<16xf32> to vector<1x16xf32>
        tpu.vector_store %arg10[%swap3A_1150, %swap3A_1151], %swap3A_1154 {strides = array<i32>} : memref<128x128xf32, #tpu.memory_space<vmem>>, vector<1x16xf32>,
        %get3A_1155 = arith.index_cast %add3A_1134 : i32 to index
        %get3A_1156 = arith.constant 32 : index
        %get3A_1157 = tpu.vector_load %arg10[%get3A_1155, %get3A_1156] {strides = array<i32>} : memref<128x128xf32, #tpu.memory_space<vmem>>, vector<1x16xf32>,
        %get3A_1158 = vector.shape_cast %get3A_1157 : vector<1x16xf32> to vector<16xf32>
        %mul3A_1159 = arith.mulf %get3A_1158, %gather3A_1130 : vector<16xf32>
        %swap3A_1160 = arith.index_cast %add3A_1134 : i32 to index
        %swap3A_1161 = arith.constant 32 : index
        %swap3A_1162 = tpu.vector_load %arg10[%swap3A_1160, %swap3A_1161] {strides = array<i32>} : memref<128x128xf32, #tpu.memory_space<vmem>>, vector<1x16xf32>,
        %swap3A_1163 = vector.shape_cast %swap3A_1162 : vector<1x16xf32> to vector<16xf32>
        %swap3A_1164 = vector.shape_cast %mul3A_1159 : vector<16xf32> to vector<1x16xf32>
        tpu.vector_store %arg10[%swap3A_1160, %swap3A_1161], %swap3A_1164 {strides = array<i32>} : memref<128x128xf32, #tpu.memory_space<vmem>>, vector<1x16xf32>,
        %get3A_1165 = arith.index_cast %add3A_1134 : i32 to index
        %get3A_1166 = arith.constant 48 : index
        %get3A_1167 = tpu.vector_load %arg10[%get3A_1165, %get3A_1166] {strides = array<i32>} : memref<128x128xf32, #tpu.memory_space<vmem>>, vector<1x16xf32>,
        %get3A_1168 = vector.shape_cast %get3A_1167 : vector<1x16xf32> to vector<16xf32>
        %mul3A_1169 = arith.mulf %get3A_1168, %gather3A_1130 : vector<16xf32>
        %swap3A_1170 = arith.index_cast %add3A_1134 : i32 to index
        %swap3A_1171 = arith.constant 48 : index
        %swap3A_1172 = tpu.vector_load %arg10[%swap3A_1170, %swap3A_1171] {strides = array<i32>} : memref<128x128xf32, #tpu.memory_space<vmem>>, vector<1x16xf32>,
        %swap3A_1173 = vector.shape_cast %swap3A_1172 : vector<1x16xf32> to vector<16xf32>
        %swap3A_1174 = vector.shape_cast %mul3A_1169 : vector<16xf32> to vector<1x16xf32>
        tpu.vector_store %arg10[%swap3A_1170, %swap3A_1171], %swap3A_1174 {strides = array<i32>} : memref<128x128xf32, #tpu.memory_space<vmem>>, vector<1x16xf32>,
        %get3A_1175 = arith.index_cast %add3A_1134 : i32 to index
        %get3A_1176 = arith.constant 64 : index
        %get3A_1177 = tpu.vector_load %arg10[%get3A_1175, %get3A_1176] {strides = array<i32>} : memref<128x128xf32, #tpu.memory_space<vmem>>, vector<1x16xf32>,
        %get3A_1178 = vector.shape_cast %get3A_1177 : vector<1x16xf32> to vector<16xf32>
        %mul3A_1179 = arith.mulf %get3A_1178, %gather3A_1130 : vector<16xf32>
        %swap3A_1180 = arith.index_cast %add3A_1134 : i32 to index
        %swap3A_1181 = arith.constant 64 : index
        %swap3A_1182 = tpu.vector_load %arg10[%swap3A_1180, %swap3A_1181] {strides = array<i32>} : memref<128x128xf32, #tpu.memory_space<vmem>>, vector<1x16xf32>,
        %swap3A_1183 = vector.shape_cast %swap3A_1182 : vector<1x16xf32> to vector<16xf32>
        %swap3A_1184 = vector.shape_cast %mul3A_1179 : vector<16xf32> to vector<1x16xf32>
        tpu.vector_store %arg10[%swap3A_1180, %swap3A_1181], %swap3A_1184 {strides = array<i32>} : memref<128x128xf32, #tpu.memory_space<vmem>>, vector<1x16xf32>,
        %get3A_1185 = arith.index_cast %add3A_1134 : i32 to index
        %get3A_1186 = arith.constant 80 : index
        %get3A_1187 = tpu.vector_load %arg10[%get3A_1185, %get3A_1186] {strides = array<i32>} : memref<128x128xf32, #tpu.memory_space<vmem>>, vector<1x16xf32>,
        %get3A_1188 = vector.shape_cast %get3A_1187 : vector<1x16xf32> to vector<16xf32>
        %mul3A_1189 = arith.mulf %get3A_1188, %gather3A_1130 : vector<16xf32>
        %swap3A_1190 = arith.index_cast %add3A_1134 : i32 to index
        %swap3A_1191 = arith.constant 80 : index
        %swap3A_1192 = tpu.vector_load %arg10[%swap3A_1190, %swap3A_1191] {strides = array<i32>} : memref<128x128xf32, #tpu.memory_space<vmem>>, vector<1x16xf32>,
        %swap3A_1193 = vector.shape_cast %swap3A_1192 : vector<1x16xf32> to vector<16xf32>
        %swap3A_1194 = vector.shape_cast %mul3A_1189 : vector<16xf32> to vector<1x16xf32>
        tpu.vector_store %arg10[%swap3A_1190, %swap3A_1191], %swap3A_1194 {strides = array<i32>} : memref<128x128xf32, #tpu.memory_space<vmem>>, vector<1x16xf32>,
        %get3A_1195 = arith.index_cast %add3A_1134 : i32 to index
        %get3A_1196 = arith.constant 96 : index
        %get3A_1197 = tpu.vector_load %arg10[%get3A_1195, %get3A_1196] {strides = array<i32>} : memref<128x128xf32, #tpu.memory_space<vmem>>, vector<1x16xf32>,
        %get3A_1198 = vector.shape_cast %get3A_1197 : vector<1x16xf32> to vector<16xf32>
        %mul3A_1199 = arith.mulf %get3A_1198, %gather3A_1130 : vector<16xf32>
        %swap3A_1200 = arith.index_cast %add3A_1134 : i32 to index
        %swap3A_1201 = arith.constant 96 : index
        %swap3A_1202 = tpu.vector_load %arg10[%swap3A_1200, %swap3A_1201] {strides = array<i32>} : memref<128x128xf32, #tpu.memory_space<vmem>>, vector<1x16xf32>,
        %swap3A_1203 = vector.shape_cast %swap3A_1202 : vector<1x16xf32> to vector<16xf32>
        %swap3A_1204 = vector.shape_cast %mul3A_1199 : vector<16xf32> to vector<1x16xf32>
        tpu.vector_store %arg10[%swap3A_1200, %swap3A_1201], %swap3A_1204 {strides = array<i32>} : memref<128x128xf32, #tpu.memory_space<vmem>>, vector<1x16xf32>,
        %get3A_1205 = arith.index_cast %add3A_1134 : i32 to index
        %get3A_1206 = arith.constant 112 : index
        %get3A_1207 = tpu.vector_load %arg10[%get3A_1205, %get3A_1206] {strides = array<i32>} : memref<128x128xf32, #tpu.memory_space<vmem>>, vector<1x16xf32>,
        %get3A_1208 = vector.shape_cast %get3A_1207 : vector<1x16xf32> to vector<16xf32>
        %mul3A_1209 = arith.mulf %get3A_1208, %gather3A_1130 : vector<16xf32>
        %swap3A_1210 = arith.index_cast %add3A_1134 : i32 to index
        %swap3A_1211 = arith.constant 112 : index
        %swap3A_1212 = tpu.vector_load %arg10[%swap3A_1210, %swap3A_1211] {strides = array<i32>} : memref<128x128xf32, #tpu.memory_space<vmem>>, vector<1x16xf32>,
        %swap3A_1213 = vector.shape_cast %swap3A_1212 : vector<1x16xf32> to vector<16xf32>
        %swap3A_1214 = vector.shape_cast %mul3A_1209 : vector<16xf32> to vector<1x16xf32>
        tpu.vector_store %arg10[%swap3A_1210, %swap3A_1211], %swap3A_1214 {strides = array<i32>} : memref<128x128xf32, #tpu.memory_space<vmem>>, vector<1x16xf32>,
        %broadcast_in_dim3A_1215 = arith.constant 13 : i32
        %broadcast_in_dim3A_1216 = vector.broadcast %broadcast_in_dim3A_1215 : i32 to vector<16x1xi32>
        %gather3A_1217 = vector.shape_cast %broadcast_in_dim3A_1216 : vector<16x1xi32> to vector<16xi32>
        %gather3A_1218 = tpu.dynamic_gather %get3A_73[%gather3A_1217] in [0] : vector<16xf32>, vector<16xi32> -> vector<16xf32>
        %mul3A_1219 = arith.constant 16 : i32
        %mul3A_1220 = arith.muli %scan3A_69, %mul3A_1219 : i32
        %add3A_1221 = arith.constant 13 : i32
        %add3A_1222 = arith.addi %mul3A_1220, %add3A_1221 : i32
        %get3A_1223 = arith.index_cast %add3A_1222 : i32 to index
        %get3A_1224 = arith.constant 0 : index
        %get3A_1225 = tpu.vector_load %arg10[%get3A_1223, %get3A_1224] {strides = array<i32>} : memref<128x128xf32, #tpu.memory_space<vmem>>, vector<1x16xf32>,
        %get3A_1226 = vector.shape_cast %get3A_1225 : vector<1x16xf32> to vector<16xf32>
        %mul3A_1227 = arith.mulf %get3A_1226, %gather3A_1218 : vector<16xf32>
        %swap3A_1228 = arith.index_cast %add3A_1222 : i32 to index
        %swap3A_1229 = arith.constant 0 : index
        %swap3A_1230 = tpu.vector_load %arg10[%swap3A_1228, %swap3A_1229] {strides = array<i32>} : memref<128x128xf32, #tpu.memory_space<vmem>>, vector<1x16xf32>,
        %swap3A_1231 = vector.shape_cast %swap3A_1230 : vector<1x16xf32> to vector<16xf32>
        %swap3A_1232 = vector.shape_cast %mul3A_1227 : vector<16xf32> to vector<1x16xf32>
        tpu.vector_store %arg10[%swap3A_1228, %swap3A_1229], %swap3A_1232 {strides = array<i32>} : memref<128x128xf32, #tpu.memory_space<vmem>>, vector<1x16xf32>,
        %get3A_1233 = arith.index_cast %add3A_1222 : i32 to index
        %get3A_1234 = arith.constant 16 : index
        %get3A_1235 = tpu.vector_load %arg10[%get3A_1233, %get3A_1234] {strides = array<i32>} : memref<128x128xf32, #tpu.memory_space<vmem>>, vector<1x16xf32>,
        %get3A_1236 = vector.shape_cast %get3A_1235 : vector<1x16xf32> to vector<16xf32>
        %mul3A_1237 = arith.mulf %get3A_1236, %gather3A_1218 : vector<16xf32>
        %swap3A_1238 = arith.index_cast %add3A_1222 : i32 to index
        %swap3A_1239 = arith.constant 16 : index
        %swap3A_1240 = tpu.vector_load %arg10[%swap3A_1238, %swap3A_1239] {strides = array<i32>} : memref<128x128xf32, #tpu.memory_space<vmem>>, vector<1x16xf32>,
        %swap3A_1241 = vector.shape_cast %swap3A_1240 : vector<1x16xf32> to vector<16xf32>
        %swap3A_1242 = vector.shape_cast %mul3A_1237 : vector<16xf32> to vector<1x16xf32>
        tpu.vector_store %arg10[%swap3A_1238, %swap3A_1239], %swap3A_1242 {strides = array<i32>} : memref<128x128xf32, #tpu.memory_space<vmem>>, vector<1x16xf32>,
        %get3A_1243 = arith.index_cast %add3A_1222 : i32 to index
        %get3A_1244 = arith.constant 32 : index
        %get3A_1245 = tpu.vector_load %arg10[%get3A_1243, %get3A_1244] {strides = array<i32>} : memref<128x128xf32, #tpu.memory_space<vmem>>, vector<1x16xf32>,
        %get3A_1246 = vector.shape_cast %get3A_1245 : vector<1x16xf32> to vector<16xf32>
        %mul3A_1247 = arith.mulf %get3A_1246, %gather3A_1218 : vector<16xf32>
        %swap3A_1248 = arith.index_cast %add3A_1222 : i32 to index
        %swap3A_1249 = arith.constant 32 : index
        %swap3A_1250 = tpu.vector_load %arg10[%swap3A_1248, %swap3A_1249] {strides = array<i32>} : memref<128x128xf32, #tpu.memory_space<vmem>>, vector<1x16xf32>,
        %swap3A_1251 = vector.shape_cast %swap3A_1250 : vector<1x16xf32> to vector<16xf32>
        %swap3A_1252 = vector.shape_cast %mul3A_1247 : vector<16xf32> to vector<1x16xf32>
        tpu.vector_store %arg10[%swap3A_1248, %swap3A_1249], %swap3A_1252 {strides = array<i32>} : memref<128x128xf32, #tpu.memory_space<vmem>>, vector<1x16xf32>,
        %get3A_1253 = arith.index_cast %add3A_1222 : i32 to index
        %get3A_1254 = arith.constant 48 : index
        %get3A_1255 = tpu.vector_load %arg10[%get3A_1253, %get3A_1254] {strides = array<i32>} : memref<128x128xf32, #tpu.memory_space<vmem>>, vector<1x16xf32>,
        %get3A_1256 = vector.shape_cast %get3A_1255 : vector<1x16xf32> to vector<16xf32>
        %mul3A_1257 = arith.mulf %get3A_1256, %gather3A_1218 : vector<16xf32>
        %swap3A_1258 = arith.index_cast %add3A_1222 : i32 to index
        %swap3A_1259 = arith.constant 48 : index
        %swap3A_1260 = tpu.vector_load %arg10[%swap3A_1258, %swap3A_1259] {strides = array<i32>} : memref<128x128xf32, #tpu.memory_space<vmem>>, vector<1x16xf32>,
        %swap3A_1261 = vector.shape_cast %swap3A_1260 : vector<1x16xf32> to vector<16xf32>
        %swap3A_1262 = vector.shape_cast %mul3A_1257 : vector<16xf32> to vector<1x16xf32>
        tpu.vector_store %arg10[%swap3A_1258, %swap3A_1259], %swap3A_1262 {strides = array<i32>} : memref<128x128xf32, #tpu.memory_space<vmem>>, vector<1x16xf32>,
        %get3A_1263 = arith.index_cast %add3A_1222 : i32 to index
        %get3A_1264 = arith.constant 64 : index
        %get3A_1265 = tpu.vector_load %arg10[%get3A_1263, %get3A_1264] {strides = array<i32>} : memref<128x128xf32, #tpu.memory_space<vmem>>, vector<1x16xf32>,
        %get3A_1266 = vector.shape_cast %get3A_1265 : vector<1x16xf32> to vector<16xf32>
        %mul3A_1267 = arith.mulf %get3A_1266, %gather3A_1218 : vector<16xf32>
        %swap3A_1268 = arith.index_cast %add3A_1222 : i32 to index
        %swap3A_1269 = arith.constant 64 : index
        %swap3A_1270 = tpu.vector_load %arg10[%swap3A_1268, %swap3A_1269] {strides = array<i32>} : memref<128x128xf32, #tpu.memory_space<vmem>>, vector<1x16xf32>,
        %swap3A_1271 = vector.shape_cast %swap3A_1270 : vector<1x16xf32> to vector<16xf32>
        %swap3A_1272 = vector.shape_cast %mul3A_1267 : vector<16xf32> to vector<1x16xf32>
        tpu.vector_store %arg10[%swap3A_1268, %swap3A_1269], %swap3A_1272 {strides = array<i32>} : memref<128x128xf32, #tpu.memory_space<vmem>>, vector<1x16xf32>,
        %get3A_1273 = arith.index_cast %add3A_1222 : i32 to index
        %get3A_1274 = arith.constant 80 : index
        %get3A_1275 = tpu.vector_load %arg10[%get3A_1273, %get3A_1274] {strides = array<i32>} : memref<128x128xf32, #tpu.memory_space<vmem>>, vector<1x16xf32>,
        %get3A_1276 = vector.shape_cast %get3A_1275 : vector<1x16xf32> to vector<16xf32>
        %mul3A_1277 = arith.mulf %get3A_1276, %gather3A_1218 : vector<16xf32>
        %swap3A_1278 = arith.index_cast %add3A_1222 : i32 to index
        %swap3A_1279 = arith.constant 80 : index
        %swap3A_1280 = tpu.vector_load %arg10[%swap3A_1278, %swap3A_1279] {strides = array<i32>} : memref<128x128xf32, #tpu.memory_space<vmem>>, vector<1x16xf32>,
        %swap3A_1281 = vector.shape_cast %swap3A_1280 : vector<1x16xf32> to vector<16xf32>
        %swap3A_1282 = vector.shape_cast %mul3A_1277 : vector<16xf32> to vector<1x16xf32>
        tpu.vector_store %arg10[%swap3A_1278, %swap3A_1279], %swap3A_1282 {strides = array<i32>} : memref<128x128xf32, #tpu.memory_space<vmem>>, vector<1x16xf32>,
        %get3A_1283 = arith.index_cast %add3A_1222 : i32 to index
        %get3A_1284 = arith.constant 96 : index
        %get3A_1285 = tpu.vector_load %arg10[%get3A_1283, %get3A_1284] {strides = array<i32>} : memref<128x128xf32, #tpu.memory_space<vmem>>, vector<1x16xf32>,
        %get3A_1286 = vector.shape_cast %get3A_1285 : vector<1x16xf32> to vector<16xf32>
        %mul3A_1287 = arith.mulf %get3A_1286, %gather3A_1218 : vector<16xf32>
        %swap3A_1288 = arith.index_cast %add3A_1222 : i32 to index
        %swap3A_1289 = arith.constant 96 : index
        %swap3A_1290 = tpu.vector_load %arg10[%swap3A_1288, %swap3A_1289] {strides = array<i32>} : memref<128x128xf32, #tpu.memory_space<vmem>>, vector<1x16xf32>,
        %swap3A_1291 = vector.shape_cast %swap3A_1290 : vector<1x16xf32> to vector<16xf32>
        %swap3A_1292 = vector.shape_cast %mul3A_1287 : vector<16xf32> to vector<1x16xf32>
        tpu.vector_store %arg10[%swap3A_1288, %swap3A_1289], %swap3A_1292 {strides = array<i32>} : memref<128x128xf32, #tpu.memory_space<vmem>>, vector<1x16xf32>,
        %get3A_1293 = arith.index_cast %add3A_1222 : i32 to index
        %get3A_1294 = arith.constant 112 : index
        %get3A_1295 = tpu.vector_load %arg10[%get3A_1293, %get3A_1294] {strides = array<i32>} : memref<128x128xf32, #tpu.memory_space<vmem>>, vector<1x16xf32>,
        %get3A_1296 = vector.shape_cast %get3A_1295 : vector<1x16xf32> to vector<16xf32>
        %mul3A_1297 = arith.mulf %get3A_1296, %gather3A_1218 : vector<16xf32>
        %swap3A_1298 = arith.index_cast %add3A_1222 : i32 to index
        %swap3A_1299 = arith.constant 112 : index
        %swap3A_1300 = tpu.vector_load %arg10[%swap3A_1298, %swap3A_1299] {strides = array<i32>} : memref<128x128xf32, #tpu.memory_space<vmem>>, vector<1x16xf32>,
        %swap3A_1301 = vector.shape_cast %swap3A_1300 : vector<1x16xf32> to vector<16xf32>
        %swap3A_1302 = vector.shape_cast %mul3A_1297 : vector<16xf32> to vector<1x16xf32>
        tpu.vector_store %arg10[%swap3A_1298, %swap3A_1299], %swap3A_1302 {strides = array<i32>} : memref<128x128xf32, #tpu.memory_space<vmem>>, vector<1x16xf32>,
        %broadcast_in_dim3A_1303 = arith.constant 14 : i32
        %broadcast_in_dim3A_1304 = vector.broadcast %broadcast_in_dim3A_1303 : i32 to vector<16x1xi32>
        %gather3A_1305 = vector.shape_cast %broadcast_in_dim3A_1304 : vector<16x1xi32> to vector<16xi32>
        %gather3A_1306 = tpu.dynamic_gather %get3A_73[%gather3A_1305] in [0] : vector<16xf32>, vector<16xi32> -> vector<16xf32>
        %mul3A_1307 = arith.constant 16 : i32
        %mul3A_1308 = arith.muli %scan3A_69, %mul3A_1307 : i32
        %add3A_1309 = arith.constant 14 : i32
        %add3A_1310 = arith.addi %mul3A_1308, %add3A_1309 : i32
        %get3A_1311 = arith.index_cast %add3A_1310 : i32 to index
        %get3A_1312 = arith.constant 0 : index
        %get3A_1313 = tpu.vector_load %arg10[%get3A_1311, %get3A_1312] {strides = array<i32>} : memref<128x128xf32, #tpu.memory_space<vmem>>, vector<1x16xf32>,
        %get3A_1314 = vector.shape_cast %get3A_1313 : vector<1x16xf32> to vector<16xf32>
        %mul3A_1315 = arith.mulf %get3A_1314, %gather3A_1306 : vector<16xf32>
        %swap3A_1316 = arith.index_cast %add3A_1310 : i32 to index
        %swap3A_1317 = arith.constant 0 : index
        %swap3A_1318 = tpu.vector_load %arg10[%swap3A_1316, %swap3A_1317] {strides = array<i32>} : memref<128x128xf32, #tpu.memory_space<vmem>>, vector<1x16xf32>,
        %swap3A_1319 = vector.shape_cast %swap3A_1318 : vector<1x16xf32> to vector<16xf32>
        %swap3A_1320 = vector.shape_cast %mul3A_1315 : vector<16xf32> to vector<1x16xf32>
        tpu.vector_store %arg10[%swap3A_1316, %swap3A_1317], %swap3A_1320 {strides = array<i32>} : memref<128x128xf32, #tpu.memory_space<vmem>>, vector<1x16xf32>,
        %get3A_1321 = arith.index_cast %add3A_1310 : i32 to index
        %get3A_1322 = arith.constant 16 : index
        %get3A_1323 = tpu.vector_load %arg10[%get3A_1321, %get3A_1322] {strides = array<i32>} : memref<128x128xf32, #tpu.memory_space<vmem>>, vector<1x16xf32>,
        %get3A_1324 = vector.shape_cast %get3A_1323 : vector<1x16xf32> to vector<16xf32>
        %mul3A_1325 = arith.mulf %get3A_1324, %gather3A_1306 : vector<16xf32>
        %swap3A_1326 = arith.index_cast %add3A_1310 : i32 to index
        %swap3A_1327 = arith.constant 16 : index
        %swap3A_1328 = tpu.vector_load %arg10[%swap3A_1326, %swap3A_1327] {strides = array<i32>} : memref<128x128xf32, #tpu.memory_space<vmem>>, vector<1x16xf32>,
        %swap3A_1329 = vector.shape_cast %swap3A_1328 : vector<1x16xf32> to vector<16xf32>
        %swap3A_1330 = vector.shape_cast %mul3A_1325 : vector<16xf32> to vector<1x16xf32>
        tpu.vector_store %arg10[%swap3A_1326, %swap3A_1327], %swap3A_1330 {strides = array<i32>} : memref<128x128xf32, #tpu.memory_space<vmem>>, vector<1x16xf32>,
        %get3A_1331 = arith.index_cast %add3A_1310 : i32 to index
        %get3A_1332 = arith.constant 32 : index
        %get3A_1333 = tpu.vector_load %arg10[%get3A_1331, %get3A_1332] {strides = array<i32>} : memref<128x128xf32, #tpu.memory_space<vmem>>, vector<1x16xf32>,
        %get3A_1334 = vector.shape_cast %get3A_1333 : vector<1x16xf32> to vector<16xf32>
        %mul3A_1335 = arith.mulf %get3A_1334, %gather3A_1306 : vector<16xf32>
        %swap3A_1336 = arith.index_cast %add3A_1310 : i32 to index
        %swap3A_1337 = arith.constant 32 : index
        %swap3A_1338 = tpu.vector_load %arg10[%swap3A_1336, %swap3A_1337] {strides = array<i32>} : memref<128x128xf32, #tpu.memory_space<vmem>>, vector<1x16xf32>,
        %swap3A_1339 = vector.shape_cast %swap3A_1338 : vector<1x16xf32> to vector<16xf32>
        %swap3A_1340 = vector.shape_cast %mul3A_1335 : vector<16xf32> to vector<1x16xf32>
        tpu.vector_store %arg10[%swap3A_1336, %swap3A_1337], %swap3A_1340 {strides = array<i32>} : memref<128x128xf32, #tpu.memory_space<vmem>>, vector<1x16xf32>,
        %get3A_1341 = arith.index_cast %add3A_1310 : i32 to index
        %get3A_1342 = arith.constant 48 : index
        %get3A_1343 = tpu.vector_load %arg10[%get3A_1341, %get3A_1342] {strides = array<i32>} : memref<128x128xf32, #tpu.memory_space<vmem>>, vector<1x16xf32>,
        %get3A_1344 = vector.shape_cast %get3A_1343 : vector<1x16xf32> to vector<16xf32>
        %mul3A_1345 = arith.mulf %get3A_1344, %gather3A_1306 : vector<16xf32>
        %swap3A_1346 = arith.index_cast %add3A_1310 : i32 to index
        %swap3A_1347 = arith.constant 48 : index
        %swap3A_1348 = tpu.vector_load %arg10[%swap3A_1346, %swap3A_1347] {strides = array<i32>} : memref<128x128xf32, #tpu.memory_space<vmem>>, vector<1x16xf32>,
        %swap3A_1349 = vector.shape_cast %swap3A_1348 : vector<1x16xf32> to vector<16xf32>
        %swap3A_1350 = vector.shape_cast %mul3A_1345 : vector<16xf32> to vector<1x16xf32>
        tpu.vector_store %arg10[%swap3A_1346, %swap3A_1347], %swap3A_1350 {strides = array<i32>} : memref<128x128xf32, #tpu.memory_space<vmem>>, vector<1x16xf32>,
        %get3A_1351 = arith.index_cast %add3A_1310 : i32 to index
        %get3A_1352 = arith.constant 64 : index
        %get3A_1353 = tpu.vector_load %arg10[%get3A_1351, %get3A_1352] {strides = array<i32>} : memref<128x128xf32, #tpu.memory_space<vmem>>, vector<1x16xf32>,
        %get3A_1354 = vector.shape_cast %get3A_1353 : vector<1x16xf32> to vector<16xf32>
        %mul3A_1355 = arith.mulf %get3A_1354, %gather3A_1306 : vector<16xf32>
        %swap3A_1356 = arith.index_cast %add3A_1310 : i32 to index
        %swap3A_1357 = arith.constant 64 : index
        %swap3A_1358 = tpu.vector_load %arg10[%swap3A_1356, %swap3A_1357] {strides = array<i32>} : memref<128x128xf32, #tpu.memory_space<vmem>>, vector<1x16xf32>,
        %swap3A_1359 = vector.shape_cast %swap3A_1358 : vector<1x16xf32> to vector<16xf32>
        %swap3A_1360 = vector.shape_cast %mul3A_1355 : vector<16xf32> to vector<1x16xf32>
        tpu.vector_store %arg10[%swap3A_1356, %swap3A_1357], %swap3A_1360 {strides = array<i32>} : memref<128x128xf32, #tpu.memory_space<vmem>>, vector<1x16xf32>,
        %get3A_1361 = arith.index_cast %add3A_1310 : i32 to index
        %get3A_1362 = arith.constant 80 : index
        %get3A_1363 = tpu.vector_load %arg10[%get3A_1361, %get3A_1362] {strides = array<i32>} : memref<128x128xf32, #tpu.memory_space<vmem>>, vector<1x16xf32>,
        %get3A_1364 = vector.shape_cast %get3A_1363 : vector<1x16xf32> to vector<16xf32>
        %mul3A_1365 = arith.mulf %get3A_1364, %gather3A_1306 : vector<16xf32>
        %swap3A_1366 = arith.index_cast %add3A_1310 : i32 to index
        %swap3A_1367 = arith.constant 80 : index
        %swap3A_1368 = tpu.vector_load %arg10[%swap3A_1366, %swap3A_1367] {strides = array<i32>} : memref<128x128xf32, #tpu.memory_space<vmem>>, vector<1x16xf32>,
        %swap3A_1369 = vector.shape_cast %swap3A_1368 : vector<1x16xf32> to vector<16xf32>
        %swap3A_1370 = vector.shape_cast %mul3A_1365 : vector<16xf32> to vector<1x16xf32>
        tpu.vector_store %arg10[%swap3A_1366, %swap3A_1367], %swap3A_1370 {strides = array<i32>} : memref<128x128xf32, #tpu.memory_space<vmem>>, vector<1x16xf32>,
        %get3A_1371 = arith.index_cast %add3A_1310 : i32 to index
        %get3A_1372 = arith.constant 96 : index
        %get3A_1373 = tpu.vector_load %arg10[%get3A_1371, %get3A_1372] {strides = array<i32>} : memref<128x128xf32, #tpu.memory_space<vmem>>, vector<1x16xf32>,
        %get3A_1374 = vector.shape_cast %get3A_1373 : vector<1x16xf32> to vector<16xf32>
        %mul3A_1375 = arith.mulf %get3A_1374, %gather3A_1306 : vector<16xf32>
        %swap3A_1376 = arith.index_cast %add3A_1310 : i32 to index
        %swap3A_1377 = arith.constant 96 : index
        %swap3A_1378 = tpu.vector_load %arg10[%swap3A_1376, %swap3A_1377] {strides = array<i32>} : memref<128x128xf32, #tpu.memory_space<vmem>>, vector<1x16xf32>,
        %swap3A_1379 = vector.shape_cast %swap3A_1378 : vector<1x16xf32> to vector<16xf32>
        %swap3A_1380 = vector.shape_cast %mul3A_1375 : vector<16xf32> to vector<1x16xf32>
        tpu.vector_store %arg10[%swap3A_1376, %swap3A_1377], %swap3A_1380 {strides = array<i32>} : memref<128x128xf32, #tpu.memory_space<vmem>>, vector<1x16xf32>,
        %get3A_1381 = arith.index_cast %add3A_1310 : i32 to index
        %get3A_1382 = arith.constant 112 : index
        %get3A_1383 = tpu.vector_load %arg10[%get3A_1381, %get3A_1382] {strides = array<i32>} : memref<128x128xf32, #tpu.memory_space<vmem>>, vector<1x16xf32>,
        %get3A_1384 = vector.shape_cast %get3A_1383 : vector<1x16xf32> to vector<16xf32>
        %mul3A_1385 = arith.mulf %get3A_1384, %gather3A_1306 : vector<16xf32>
        %swap3A_1386 = arith.index_cast %add3A_1310 : i32 to index
        %swap3A_1387 = arith.constant 112 : index
        %swap3A_1388 = tpu.vector_load %arg10[%swap3A_1386, %swap3A_1387] {strides = array<i32>} : memref<128x128xf32, #tpu.memory_space<vmem>>, vector<1x16xf32>,
        %swap3A_1389 = vector.shape_cast %swap3A_1388 : vector<1x16xf32> to vector<16xf32>
        %swap3A_1390 = vector.shape_cast %mul3A_1385 : vector<16xf32> to vector<1x16xf32>
        tpu.vector_store %arg10[%swap3A_1386, %swap3A_1387], %swap3A_1390 {strides = array<i32>} : memref<128x128xf32, #tpu.memory_space<vmem>>, vector<1x16xf32>,
        %broadcast_in_dim3A_1391 = arith.constant 15 : i32
        %broadcast_in_dim3A_1392 = vector.broadcast %broadcast_in_dim3A_1391 : i32 to vector<16x1xi32>
        %gather3A_1393 = vector.shape_cast %broadcast_in_dim3A_1392 : vector<16x1xi32> to vector<16xi32>
        %gather3A_1394 = tpu.dynamic_gather %get3A_73[%gather3A_1393] in [0] : vector<16xf32>, vector<16xi32> -> vector<16xf32>
        %mul3A_1395 = arith.constant 16 : i32
        %mul3A_1396 = arith.muli %scan3A_69, %mul3A_1395 : i32
        %add3A_1397 = arith.constant 15 : i32
        %add3A_1398 = arith.addi %mul3A_1396, %add3A_1397 : i32
        %get3A_1399 = arith.index_cast %add3A_1398 : i32 to index
        %get3A_1400 = arith.constant 0 : index
        %get3A_1401 = tpu.vector_load %arg10[%get3A_1399, %get3A_1400] {strides = array<i32>} : memref<128x128xf32, #tpu.memory_space<vmem>>, vector<1x16xf32>,
        %get3A_1402 = vector.shape_cast %get3A_1401 : vector<1x16xf32> to vector<16xf32>
        %mul3A_1403 = arith.mulf %get3A_1402, %gather3A_1394 : vector<16xf32>
        %swap3A_1404 = arith.index_cast %add3A_1398 : i32 to index
        %swap3A_1405 = arith.constant 0 : index
        %swap3A_1406 = tpu.vector_load %arg10[%swap3A_1404, %swap3A_1405] {strides = array<i32>} : memref<128x128xf32, #tpu.memory_space<vmem>>, vector<1x16xf32>,
        %swap3A_1407 = vector.shape_cast %swap3A_1406 : vector<1x16xf32> to vector<16xf32>
        %swap3A_1408 = vector.shape_cast %mul3A_1403 : vector<16xf32> to vector<1x16xf32>
        tpu.vector_store %arg10[%swap3A_1404, %swap3A_1405], %swap3A_1408 {strides = array<i32>} : memref<128x128xf32, #tpu.memory_space<vmem>>, vector<1x16xf32>,
        %get3A_1409 = arith.index_cast %add3A_1398 : i32 to index
        %get3A_1410 = arith.constant 16 : index
        %get3A_1411 = tpu.vector_load %arg10[%get3A_1409, %get3A_1410] {strides = array<i32>} : memref<128x128xf32, #tpu.memory_space<vmem>>, vector<1x16xf32>,
        %get3A_1412 = vector.shape_cast %get3A_1411 : vector<1x16xf32> to vector<16xf32>
        %mul3A_1413 = arith.mulf %get3A_1412, %gather3A_1394 : vector<16xf32>
        %swap3A_1414 = arith.index_cast %add3A_1398 : i32 to index
        %swap3A_1415 = arith.constant 16 : index
        %swap3A_1416 = tpu.vector_load %arg10[%swap3A_1414, %swap3A_1415] {strides = array<i32>} : memref<128x128xf32, #tpu.memory_space<vmem>>, vector<1x16xf32>,
        %swap3A_1417 = vector.shape_cast %swap3A_1416 : vector<1x16xf32> to vector<16xf32>
        %swap3A_1418 = vector.shape_cast %mul3A_1413 : vector<16xf32> to vector<1x16xf32>
        tpu.vector_store %arg10[%swap3A_1414, %swap3A_1415], %swap3A_1418 {strides = array<i32>} : memref<128x128xf32, #tpu.memory_space<vmem>>, vector<1x16xf32>,
        %get3A_1419 = arith.index_cast %add3A_1398 : i32 to index
        %get3A_1420 = arith.constant 32 : index
        %get3A_1421 = tpu.vector_load %arg10[%get3A_1419, %get3A_1420] {strides = array<i32>} : memref<128x128xf32, #tpu.memory_space<vmem>>, vector<1x16xf32>,
        %get3A_1422 = vector.shape_cast %get3A_1421 : vector<1x16xf32> to vector<16xf32>
        %mul3A_1423 = arith.mulf %get3A_1422, %gather3A_1394 : vector<16xf32>
        %swap3A_1424 = arith.index_cast %add3A_1398 : i32 to index
        %swap3A_1425 = arith.constant 32 : index
        %swap3A_1426 = tpu.vector_load %arg10[%swap3A_1424, %swap3A_1425] {strides = array<i32>} : memref<128x128xf32, #tpu.memory_space<vmem>>, vector<1x16xf32>,
        %swap3A_1427 = vector.shape_cast %swap3A_1426 : vector<1x16xf32> to vector<16xf32>
        %swap3A_1428 = vector.shape_cast %mul3A_1423 : vector<16xf32> to vector<1x16xf32>
        tpu.vector_store %arg10[%swap3A_1424, %swap3A_1425], %swap3A_1428 {strides = array<i32>} : memref<128x128xf32, #tpu.memory_space<vmem>>, vector<1x16xf32>,
        %get3A_1429 = arith.index_cast %add3A_1398 : i32 to index
        %get3A_1430 = arith.constant 48 : index
        %get3A_1431 = tpu.vector_load %arg10[%get3A_1429, %get3A_1430] {strides = array<i32>} : memref<128x128xf32, #tpu.memory_space<vmem>>, vector<1x16xf32>,
        %get3A_1432 = vector.shape_cast %get3A_1431 : vector<1x16xf32> to vector<16xf32>
        %mul3A_1433 = arith.mulf %get3A_1432, %gather3A_1394 : vector<16xf32>
        %swap3A_1434 = arith.index_cast %add3A_1398 : i32 to index
        %swap3A_1435 = arith.constant 48 : index
        %swap3A_1436 = tpu.vector_load %arg10[%swap3A_1434, %swap3A_1435] {strides = array<i32>} : memref<128x128xf32, #tpu.memory_space<vmem>>, vector<1x16xf32>,
        %swap3A_1437 = vector.shape_cast %swap3A_1436 : vector<1x16xf32> to vector<16xf32>
        %swap3A_1438 = vector.shape_cast %mul3A_1433 : vector<16xf32> to vector<1x16xf32>
        tpu.vector_store %arg10[%swap3A_1434, %swap3A_1435], %swap3A_1438 {strides = array<i32>} : memref<128x128xf32, #tpu.memory_space<vmem>>, vector<1x16xf32>,
        %get3A_1439 = arith.index_cast %add3A_1398 : i32 to index
        %get3A_1440 = arith.constant 64 : index
        %get3A_1441 = tpu.vector_load %arg10[%get3A_1439, %get3A_1440] {strides = array<i32>} : memref<128x128xf32, #tpu.memory_space<vmem>>, vector<1x16xf32>,
        %get3A_1442 = vector.shape_cast %get3A_1441 : vector<1x16xf32> to vector<16xf32>
        %mul3A_1443 = arith.mulf %get3A_1442, %gather3A_1394 : vector<16xf32>
        %swap3A_1444 = arith.index_cast %add3A_1398 : i32 to index
        %swap3A_1445 = arith.constant 64 : index
        %swap3A_1446 = tpu.vector_load %arg10[%swap3A_1444, %swap3A_1445] {strides = array<i32>} : memref<128x128xf32, #tpu.memory_space<vmem>>, vector<1x16xf32>,
        %swap3A_1447 = vector.shape_cast %swap3A_1446 : vector<1x16xf32> to vector<16xf32>
        %swap3A_1448 = vector.shape_cast %mul3A_1443 : vector<16xf32> to vector<1x16xf32>
        tpu.vector_store %arg10[%swap3A_1444, %swap3A_1445], %swap3A_1448 {strides = array<i32>} : memref<128x128xf32, #tpu.memory_space<vmem>>, vector<1x16xf32>,
        %get3A_1449 = arith.index_cast %add3A_1398 : i32 to index
        %get3A_1450 = arith.constant 80 : index
        %get3A_1451 = tpu.vector_load %arg10[%get3A_1449, %get3A_1450] {strides = array<i32>} : memref<128x128xf32, #tpu.memory_space<vmem>>, vector<1x16xf32>,
        %get3A_1452 = vector.shape_cast %get3A_1451 : vector<1x16xf32> to vector<16xf32>
        %mul3A_1453 = arith.mulf %get3A_1452, %gather3A_1394 : vector<16xf32>
        %swap3A_1454 = arith.index_cast %add3A_1398 : i32 to index
        %swap3A_1455 = arith.constant 80 : index
        %swap3A_1456 = tpu.vector_load %arg10[%swap3A_1454, %swap3A_1455] {strides = array<i32>} : memref<128x128xf32, #tpu.memory_space<vmem>>, vector<1x16xf32>,
        %swap3A_1457 = vector.shape_cast %swap3A_1456 : vector<1x16xf32> to vector<16xf32>
        %swap3A_1458 = vector.shape_cast %mul3A_1453 : vector<16xf32> to vector<1x16xf32>
        tpu.vector_store %arg10[%swap3A_1454, %swap3A_1455], %swap3A_1458 {strides = array<i32>} : memref<128x128xf32, #tpu.memory_space<vmem>>, vector<1x16xf32>,
        %get3A_1459 = arith.index_cast %add3A_1398 : i32 to index
        %get3A_1460 = arith.constant 96 : index
        %get3A_1461 = tpu.vector_load %arg10[%get3A_1459, %get3A_1460] {strides = array<i32>} : memref<128x128xf32, #tpu.memory_space<vmem>>, vector<1x16xf32>,
        %get3A_1462 = vector.shape_cast %get3A_1461 : vector<1x16xf32> to vector<16xf32>
        %mul3A_1463 = arith.mulf %get3A_1462, %gather3A_1394 : vector<16xf32>
        %swap3A_1464 = arith.index_cast %add3A_1398 : i32 to index
        %swap3A_1465 = arith.constant 96 : index
        %swap3A_1466 = tpu.vector_load %arg10[%swap3A_1464, %swap3A_1465] {strides = array<i32>} : memref<128x128xf32, #tpu.memory_space<vmem>>, vector<1x16xf32>,
        %swap3A_1467 = vector.shape_cast %swap3A_1466 : vector<1x16xf32> to vector<16xf32>
        %swap3A_1468 = vector.shape_cast %mul3A_1463 : vector<16xf32> to vector<1x16xf32>
        tpu.vector_store %arg10[%swap3A_1464, %swap3A_1465], %swap3A_1468 {strides = array<i32>} : memref<128x128xf32, #tpu.memory_space<vmem>>, vector<1x16xf32>,
        %get3A_1469 = arith.index_cast %add3A_1398 : i32 to index
        %get3A_1470 = arith.constant 112 : index
        %get3A_1471 = tpu.vector_load %arg10[%get3A_1469, %get3A_1470] {strides = array<i32>} : memref<128x128xf32, #tpu.memory_space<vmem>>, vector<1x16xf32>,
        %get3A_1472 = vector.shape_cast %get3A_1471 : vector<1x16xf32> to vector<16xf32>
        %mul3A_1473 = arith.mulf %get3A_1472, %gather3A_1394 : vector<16xf32>
        %swap3A_1474 = arith.index_cast %add3A_1398 : i32 to index
        %swap3A_1475 = arith.constant 112 : index
        %swap3A_1476 = tpu.vector_load %arg10[%swap3A_1474, %swap3A_1475] {strides = array<i32>} : memref<128x128xf32, #tpu.memory_space<vmem>>, vector<1x16xf32>,
        %swap3A_1477 = vector.shape_cast %swap3A_1476 : vector<1x16xf32> to vector<16xf32>
        %swap3A_1478 = vector.shape_cast %mul3A_1473 : vector<16xf32> to vector<1x16xf32>
        tpu.vector_store %arg10[%swap3A_1474, %swap3A_1475], %swap3A_1478 {strides = array<i32>} : memref<128x128xf32, #tpu.memory_space<vmem>>, vector<1x16xf32>,
      }
      %scan3A_68 = arith.constant 8 : i32
      "tpu.region"() ({
        %run_scoped3A = tpu.sem_alloc : memref<!tpu.dma_semaphore, #tpu.memory_space<semaphore_mem>>
        %dma_start3A_69 = arith.constant 0 : i32
        %dma_start3A_70 = arith.constant 0 : i32
        %dma_start3A_71 = tpu.memref_slice %arg11[%dma_start3A_69, %dma_start3A_70] : memref<10240x128xf32, #tpu.memory_space<vmem_shared>> -> memref<10240x128xf32, #tpu.memory_space<vmem_shared>>
        tpu.enqueue_indirect_dma source(%arg10 : memref<128x128xf32, #tpu.memory_space<vmem>>) target(%dma_start3A_71 : memref<10240x128xf32, #tpu.memory_space<vmem_shared>>) offsets(%arg8 : memref<128xi32, #tpu.memory_space<vmem>>) semaphore(%run_scoped3A : memref<!tpu.dma_semaphore, #tpu.memory_space<semaphore_mem>>) {add = true}
        %dma_wait3A_72 = arith.constant 0 : i32
        %dma_wait3A_73 = arith.constant 0 : i32
        %dma_wait3A_74 = tpu.memref_slice %arg11[%dma_wait3A_72, %dma_wait3A_73] : memref<10240x128xf32, #tpu.memory_space<vmem_shared>> -> memref<10240x128xf32, #tpu.memory_space<vmem_shared>>
        tpu.wait_indirect_dma semaphore(%run_scoped3A : memref<!tpu.dma_semaphore, #tpu.memory_space<semaphore_mem>>) src(%arg10 : memref<128x128xf32, #tpu.memory_space<vmem>>) dst(%dma_wait3A_74 : memref<10240x128xf32, #tpu.memory_space<vmem_shared>>)
        tpu.yield
      }) : () -> ()
    }
    %scan3A_31 = arith.constant 79 : i32
    %barrier3A_32 = arith.constant 0 : index
    tpu.barrier barrier_id(%barrier3A_32)
    %mul3A_33 = arith.constant 640 : i32
    %mul3A_34 = arith.muli %arg1, %mul3A_33 : i32
    %add3A_35 = arith.constant 0 : i32
    %add3A_36 = arith.addi %mul3A_34, %add3A_35 : i32
    "tpu.region"() ({
      %run_scoped3A = tpu.sem_alloc : memref<!tpu.dma_semaphore, #tpu.memory_space<semaphore_mem>>
      %dma_start3A = arith.constant 0 : i32
      %dma_start3A_53 = tpu.memref_slice %arg6[%arg0, %add3A_36, %dma_start3A] : memref<2x10240x128xf32, #tpu.memory_space<hbm>> -> memref<1x128x128xf32, #tpu.memory_space<hbm>>
      %dma_start3A_54 = tpu.memref_squeeze %dma_start3A_53 : memref<1x128x128xf32, #tpu.memory_space<hbm>> -> memref<128x128xf32, #tpu.memory_space<hbm>>
      %dma_start3A_55 = arith.constant 0 : i32
      %dma_start3A_56 = tpu.memref_slice %arg11[%add3A_36, %dma_start3A_55] : memref<10240x128xf32, #tpu.memory_space<vmem_shared>> -> memref<128x128xf32, #tpu.memory_space<vmem_shared>>
      tpu.enqueue_dma source(%dma_start3A_56 : memref<128x128xf32, #tpu.memory_space<vmem_shared>>) target(%dma_start3A_54 : memref<128x128xf32, #tpu.memory_space<hbm>>) target_semaphore(%run_scoped3A : memref<!tpu.dma_semaphore, #tpu.memory_space<semaphore_mem>>)
      %dma_wait3A = arith.constant 0 : i32
      %dma_wait3A_57 = tpu.memref_slice %arg6[%arg0, %add3A_36, %dma_wait3A] : memref<2x10240x128xf32, #tpu.memory_space<hbm>> -> memref<1x128x128xf32, #tpu.memory_space<hbm>>
      %dma_wait3A_58 = tpu.memref_squeeze %dma_wait3A_57 : memref<1x128x128xf32, #tpu.memory_space<hbm>> -> memref<128x128xf32, #tpu.memory_space<hbm>>
      %dma_wait3A_59 = arith.constant 0 : i32
      %dma_wait3A_60 = tpu.memref_slice %arg11[%add3A_36, %dma_wait3A_59] : memref<10240x128xf32, #tpu.memory_space<vmem_shared>> -> memref<128x128xf32, #tpu.memory_space<vmem_shared>>
      tpu.wait_dma2 semaphore(%run_scoped3A : memref<!tpu.dma_semaphore, #tpu.memory_space<semaphore_mem>>) src(%dma_wait3A_60 : memref<128x128xf32, #tpu.memory_space<vmem_shared>>) dst(%dma_wait3A_58 : memref<128x128xf32, #tpu.memory_space<hbm>>)
      tpu.yield
    }) : () -> ()
    %mul3A_37 = arith.constant 640 : i32
    %mul3A_38 = arith.muli %arg1, %mul3A_37 : i32
    %add3A_39 = arith.constant 128 : i32
    %add3A_40 = arith.addi %mul3A_38, %add3A_39 : i32
    "tpu.region"() ({
      %run_scoped3A = tpu.sem_alloc : memref<!tpu.dma_semaphore, #tpu.memory_space<semaphore_mem>>
      %dma_start3A = arith.constant 0 : i32
      %dma_start3A_53 = tpu.memref_slice %arg6[%arg0, %add3A_40, %dma_start3A] : memref<2x10240x128xf32, #tpu.memory_space<hbm>> -> memref<1x128x128xf32, #tpu.memory_space<hbm>>
      %dma_start3A_54 = tpu.memref_squeeze %dma_start3A_53 : memref<1x128x128xf32, #tpu.memory_space<hbm>> -> memref<128x128xf32, #tpu.memory_space<hbm>>
      %dma_start3A_55 = arith.constant 0 : i32
      %dma_start3A_56 = tpu.memref_slice %arg11[%add3A_40, %dma_start3A_55] : memref<10240x128xf32, #tpu.memory_space<vmem_shared>> -> memref<128x128xf32, #tpu.memory_space<vmem_shared>>
      tpu.enqueue_dma source(%dma_start3A_56 : memref<128x128xf32, #tpu.memory_space<vmem_shared>>) target(%dma_start3A_54 : memref<128x128xf32, #tpu.memory_space<hbm>>) target_semaphore(%run_scoped3A : memref<!tpu.dma_semaphore, #tpu.memory_space<semaphore_mem>>)
      %dma_wait3A = arith.constant 0 : i32
      %dma_wait3A_57 = tpu.memref_slice %arg6[%arg0, %add3A_40, %dma_wait3A] : memref<2x10240x128xf32, #tpu.memory_space<hbm>> -> memref<1x128x128xf32, #tpu.memory_space<hbm>>
      %dma_wait3A_58 = tpu.memref_squeeze %dma_wait3A_57 : memref<1x128x128xf32, #tpu.memory_space<hbm>> -> memref<128x128xf32, #tpu.memory_space<hbm>>
      %dma_wait3A_59 = arith.constant 0 : i32
      %dma_wait3A_60 = tpu.memref_slice %arg11[%add3A_40, %dma_wait3A_59] : memref<10240x128xf32, #tpu.memory_space<vmem_shared>> -> memref<128x128xf32, #tpu.memory_space<vmem_shared>>
      tpu.wait_dma2 semaphore(%run_scoped3A : memref<!tpu.dma_semaphore, #tpu.memory_space<semaphore_mem>>) src(%dma_wait3A_60 : memref<128x128xf32, #tpu.memory_space<vmem_shared>>) dst(%dma_wait3A_58 : memref<128x128xf32, #tpu.memory_space<hbm>>)
      tpu.yield
    }) : () -> ()
    %mul3A_41 = arith.constant 640 : i32
    %mul3A_42 = arith.muli %arg1, %mul3A_41 : i32
    %add3A_43 = arith.constant 256 : i32
    %add3A_44 = arith.addi %mul3A_42, %add3A_43 : i32
    "tpu.region"() ({
      %run_scoped3A = tpu.sem_alloc : memref<!tpu.dma_semaphore, #tpu.memory_space<semaphore_mem>>
      %dma_start3A = arith.constant 0 : i32
      %dma_start3A_53 = tpu.memref_slice %arg6[%arg0, %add3A_44, %dma_start3A] : memref<2x10240x128xf32, #tpu.memory_space<hbm>> -> memref<1x128x128xf32, #tpu.memory_space<hbm>>
      %dma_start3A_54 = tpu.memref_squeeze %dma_start3A_53 : memref<1x128x128xf32, #tpu.memory_space<hbm>> -> memref<128x128xf32, #tpu.memory_space<hbm>>
      %dma_start3A_55 = arith.constant 0 : i32
      %dma_start3A_56 = tpu.memref_slice %arg11[%add3A_44, %dma_start3A_55] : memref<10240x128xf32, #tpu.memory_space<vmem_shared>> -> memref<128x128xf32, #tpu.memory_space<vmem_shared>>
      tpu.enqueue_dma source(%dma_start3A_56 : memref<128x128xf32, #tpu.memory_space<vmem_shared>>) target(%dma_start3A_54 : memref<128x128xf32, #tpu.memory_space<hbm>>) target_semaphore(%run_scoped3A : memref<!tpu.dma_semaphore, #tpu.memory_space<semaphore_mem>>)
      %dma_wait3A = arith.constant 0 : i32
      %dma_wait3A_57 = tpu.memref_slice %arg6[%arg0, %add3A_44, %dma_wait3A] : memref<2x10240x128xf32, #tpu.memory_space<hbm>> -> memref<1x128x128xf32, #tpu.memory_space<hbm>>
      %dma_wait3A_58 = tpu.memref_squeeze %dma_wait3A_57 : memref<1x128x128xf32, #tpu.memory_space<hbm>> -> memref<128x128xf32, #tpu.memory_space<hbm>>
      %dma_wait3A_59 = arith.constant 0 : i32
      %dma_wait3A_60 = tpu.memref_slice %arg11[%add3A_44, %dma_wait3A_59] : memref<10240x128xf32, #tpu.memory_space<vmem_shared>> -> memref<128x128xf32, #tpu.memory_space<vmem_shared>>
      tpu.wait_dma2 semaphore(%run_scoped3A : memref<!tpu.dma_semaphore, #tpu.memory_space<semaphore_mem>>) src(%dma_wait3A_60 : memref<128x128xf32, #tpu.memory_space<vmem_shared>>) dst(%dma_wait3A_58 : memref<128x128xf32, #tpu.memory_space<hbm>>)
      tpu.yield
    }) : () -> ()
    %mul3A_45 = arith.constant 640 : i32
    %mul3A_46 = arith.muli %arg1, %mul3A_45 : i32
    %add3A_47 = arith.constant 384 : i32
    %add3A_48 = arith.addi %mul3A_46, %add3A_47 : i32
    "tpu.region"() ({
      %run_scoped3A = tpu.sem_alloc : memref<!tpu.dma_semaphore, #tpu.memory_space<semaphore_mem>>
      %dma_start3A = arith.constant 0 : i32
      %dma_start3A_53 = tpu.memref_slice %arg6[%arg0, %add3A_48, %dma_start3A] : memref<2x10240x128xf32, #tpu.memory_space<hbm>> -> memref<1x128x128xf32, #tpu.memory_space<hbm>>
      %dma_start3A_54 = tpu.memref_squeeze %dma_start3A_53 : memref<1x128x128xf32, #tpu.memory_space<hbm>> -> memref<128x128xf32, #tpu.memory_space<hbm>>
      %dma_start3A_55 = arith.constant 0 : i32
      %dma_start3A_56 = tpu.memref_slice %arg11[%add3A_48, %dma_start3A_55] : memref<10240x128xf32, #tpu.memory_space<vmem_shared>> -> memref<128x128xf32, #tpu.memory_space<vmem_shared>>
      tpu.enqueue_dma source(%dma_start3A_56 : memref<128x128xf32, #tpu.memory_space<vmem_shared>>) target(%dma_start3A_54 : memref<128x128xf32, #tpu.memory_space<hbm>>) target_semaphore(%run_scoped3A : memref<!tpu.dma_semaphore, #tpu.memory_space<semaphore_mem>>)
      %dma_wait3A = arith.constant 0 : i32
      %dma_wait3A_57 = tpu.memref_slice %arg6[%arg0, %add3A_48, %dma_wait3A] : memref<2x10240x128xf32, #tpu.memory_space<hbm>> -> memref<1x128x128xf32, #tpu.memory_space<hbm>>
      %dma_wait3A_58 = tpu.memref_squeeze %dma_wait3A_57 : memref<1x128x128xf32, #tpu.memory_space<hbm>> -> memref<128x128xf32, #tpu.memory_space<hbm>>
      %dma_wait3A_59 = arith.constant 0 : i32
      %dma_wait3A_60 = tpu.memref_slice %arg11[%add3A_48, %dma_wait3A_59] : memref<10240x128xf32, #tpu.memory_space<vmem_shared>> -> memref<128x128xf32, #tpu.memory_space<vmem_shared>>
      tpu.wait_dma2 semaphore(%run_scoped3A : memref<!tpu.dma_semaphore, #tpu.memory_space<semaphore_mem>>) src(%dma_wait3A_60 : memref<128x128xf32, #tpu.memory_space<vmem_shared>>) dst(%dma_wait3A_58 : memref<128x128xf32, #tpu.memory_space<hbm>>)
      tpu.yield
    }) : () -> ()
    %mul3A_49 = arith.constant 640 : i32
    %mul3A_50 = arith.muli %arg1, %mul3A_49 : i32
    %add3A_51 = arith.constant 512 : i32
    %add3A_52 = arith.addi %mul3A_50, %add3A_51 : i32
    "tpu.region"() ({
      %run_scoped3A = tpu.sem_alloc : memref<!tpu.dma_semaphore, #tpu.memory_space<semaphore_mem>>
      %dma_start3A = arith.constant 0 : i32
      %dma_start3A_53 = tpu.memref_slice %arg6[%arg0, %add3A_52, %dma_start3A] : memref<2x10240x128xf32, #tpu.memory_space<hbm>> -> memref<1x128x128xf32, #tpu.memory_space<hbm>>
      %dma_start3A_54 = tpu.memref_squeeze %dma_start3A_53 : memref<1x128x128xf32, #tpu.memory_space<hbm>> -> memref<128x128xf32, #tpu.memory_space<hbm>>
      %dma_start3A_55 = arith.constant 0 : i32
      %dma_start3A_56 = tpu.memref_slice %arg11[%add3A_52, %dma_start3A_55] : memref<10240x128xf32, #tpu.memory_space<vmem_shared>> -> memref<128x128xf32, #tpu.memory_space<vmem_shared>>
      tpu.enqueue_dma source(%dma_start3A_56 : memref<128x128xf32, #tpu.memory_space<vmem_shared>>) target(%dma_start3A_54 : memref<128x128xf32, #tpu.memory_space<hbm>>) target_semaphore(%run_scoped3A : memref<!tpu.dma_semaphore, #tpu.memory_space<semaphore_mem>>)
      %dma_wait3A = arith.constant 0 : i32
      %dma_wait3A_57 = tpu.memref_slice %arg6[%arg0, %add3A_52, %dma_wait3A] : memref<2x10240x128xf32, #tpu.memory_space<hbm>> -> memref<1x128x128xf32, #tpu.memory_space<hbm>>
      %dma_wait3A_58 = tpu.memref_squeeze %dma_wait3A_57 : memref<1x128x128xf32, #tpu.memory_space<hbm>> -> memref<128x128xf32, #tpu.memory_space<hbm>>
      %dma_wait3A_59 = arith.constant 0 : i32
      %dma_wait3A_60 = tpu.memref_slice %arg11[%add3A_52, %dma_wait3A_59] : memref<10240x128xf32, #tpu.memory_space<vmem_shared>> -> memref<128x128xf32, #tpu.memory_space<vmem_shared>>
      tpu.wait_dma2 semaphore(%run_scoped3A : memref<!tpu.dma_semaphore, #tpu.memory_space<semaphore_mem>>) src(%dma_wait3A_60 : memref<128x128xf32, #tpu.memory_space<vmem_shared>>) dst(%dma_wait3A_58 : memref<128x128xf32, #tpu.memory_space<hbm>>)
      tpu.yield
    }) : () -> ()
    return
  }
}

#map = affine_map<(d0, d1) -> (0)>
#map1 = affine_map<(d0, d1) -> (0, 0)>
module attributes {stable_mosaic.version = 14 : i64} {
  func.func @_sc_degree(%arg0: i32, %arg1: i32, %arg2: memref<323584xi32, #tpu.memory_space<hbm>>, %arg3: memref<323584xf32, #tpu.memory_space<hbm>>, %arg4: memref<2x10240xf32, #tpu.memory_space<hbm>>, %arg5: memref<128xi32, #tpu.memory_space<vmem>>, %arg6: memref<128xf32, #tpu.memory_space<vmem>>, %arg7: memref<640xf32, #tpu.memory_space<vmem>>, %arg8: memref<10240xf32, #tpu.memory_space<vmem_shared>>) attributes {dimension_semantics = [#tpu.dimension_semantics<core_parallel>, #tpu.dimension_semantics<subcore_parallel>], iteration_bounds = array<i64: 2, 16>, scalar_prefetch = 0 : i64, scratch_operands = 4 : i64, tpu.core_type = #tpu.core_type<sc_vector_subcore>, window_params = [{transform_indices = #map}, {transform_indices = #map}, {transform_indices = #map1}]} {
    %mul3A = arith.constant 16 : i32
    %mul3A_0 = arith.muli %arg0, %mul3A : i32
    %add3A = arith.addi %mul3A_0, %arg1 : i32
    %broadcast_in_dim3A = arith.constant 0.000000e+00 : f32
    %broadcast_in_dim3A_1 = vector.broadcast %broadcast_in_dim3A : f32 to vector<16xf32>
    %swap3A = arith.constant 0 : index
    %swap3A_2 = tpu.vector_load %arg7[%swap3A] {strides = array<i32>} : memref<640xf32, #tpu.memory_space<vmem>>, vector<16xf32>,
    %swap3A_3 = vector.shape_cast %swap3A_2 : vector<16xf32> to vector<16xf32>
    %swap3A_4 = vector.shape_cast %broadcast_in_dim3A_1 : vector<16xf32> to vector<16xf32>
    tpu.vector_store %arg7[%swap3A], %swap3A_4 {strides = array<i32>} : memref<640xf32, #tpu.memory_space<vmem>>, vector<16xf32>,
    %broadcast_in_dim3A_5 = arith.constant 0.000000e+00 : f32
    %broadcast_in_dim3A_6 = vector.broadcast %broadcast_in_dim3A_5 : f32 to vector<16xf32>
    %swap3A_7 = arith.constant 16 : index
    %swap3A_8 = tpu.vector_load %arg7[%swap3A_7] {strides = array<i32>} : memref<640xf32, #tpu.memory_space<vmem>>, vector<16xf32>,
    %swap3A_9 = vector.shape_cast %swap3A_8 : vector<16xf32> to vector<16xf32>
    %swap3A_10 = vector.shape_cast %broadcast_in_dim3A_6 : vector<16xf32> to vector<16xf32>
    tpu.vector_store %arg7[%swap3A_7], %swap3A_10 {strides = array<i32>} : memref<640xf32, #tpu.memory_space<vmem>>, vector<16xf32>,
    %broadcast_in_dim3A_11 = arith.constant 0.000000e+00 : f32
    %broadcast_in_dim3A_12 = vector.broadcast %broadcast_in_dim3A_11 : f32 to vector<16xf32>
    %swap3A_13 = arith.constant 32 : index
    %swap3A_14 = tpu.vector_load %arg7[%swap3A_13] {strides = array<i32>} : memref<640xf32, #tpu.memory_space<vmem>>, vector<16xf32>,
    %swap3A_15 = vector.shape_cast %swap3A_14 : vector<16xf32> to vector<16xf32>
    %swap3A_16 = vector.shape_cast %broadcast_in_dim3A_12 : vector<16xf32> to vector<16xf32>
    tpu.vector_store %arg7[%swap3A_13], %swap3A_16 {strides = array<i32>} : memref<640xf32, #tpu.memory_space<vmem>>, vector<16xf32>,
    %broadcast_in_dim3A_17 = arith.constant 0.000000e+00 : f32
    %broadcast_in_dim3A_18 = vector.broadcast %broadcast_in_dim3A_17 : f32 to vector<16xf32>
    %swap3A_19 = arith.constant 48 : index
    %swap3A_20 = tpu.vector_load %arg7[%swap3A_19] {strides = array<i32>} : memref<640xf32, #tpu.memory_space<vmem>>, vector<16xf32>,
    %swap3A_21 = vector.shape_cast %swap3A_20 : vector<16xf32> to vector<16xf32>
    %swap3A_22 = vector.shape_cast %broadcast_in_dim3A_18 : vector<16xf32> to vector<16xf32>
    tpu.vector_store %arg7[%swap3A_19], %swap3A_22 {strides = array<i32>} : memref<640xf32, #tpu.memory_space<vmem>>, vector<16xf32>,
    %broadcast_in_dim3A_23 = arith.constant 0.000000e+00 : f32
    %broadcast_in_dim3A_24 = vector.broadcast %broadcast_in_dim3A_23 : f32 to vector<16xf32>
    %swap3A_25 = arith.constant 64 : index
    %swap3A_26 = tpu.vector_load %arg7[%swap3A_25] {strides = array<i32>} : memref<640xf32, #tpu.memory_space<vmem>>, vector<16xf32>,
    %swap3A_27 = vector.shape_cast %swap3A_26 : vector<16xf32> to vector<16xf32>
    %swap3A_28 = vector.shape_cast %broadcast_in_dim3A_24 : vector<16xf32> to vector<16xf32>
    tpu.vector_store %arg7[%swap3A_25], %swap3A_28 {strides = array<i32>} : memref<640xf32, #tpu.memory_space<vmem>>, vector<16xf32>,
    %broadcast_in_dim3A_29 = arith.constant 0.000000e+00 : f32
    %broadcast_in_dim3A_30 = vector.broadcast %broadcast_in_dim3A_29 : f32 to vector<16xf32>
    %swap3A_31 = arith.constant 80 : index
    %swap3A_32 = tpu.vector_load %arg7[%swap3A_31] {strides = array<i32>} : memref<640xf32, #tpu.memory_space<vmem>>, vector<16xf32>,
    %swap3A_33 = vector.shape_cast %swap3A_32 : vector<16xf32> to vector<16xf32>
    %swap3A_34 = vector.shape_cast %broadcast_in_dim3A_30 : vector<16xf32> to vector<16xf32>
    tpu.vector_store %arg7[%swap3A_31], %swap3A_34 {strides = array<i32>} : memref<640xf32, #tpu.memory_space<vmem>>, vector<16xf32>,
    %broadcast_in_dim3A_35 = arith.constant 0.000000e+00 : f32
    %broadcast_in_dim3A_36 = vector.broadcast %broadcast_in_dim3A_35 : f32 to vector<16xf32>
    %swap3A_37 = arith.constant 96 : index
    %swap3A_38 = tpu.vector_load %arg7[%swap3A_37] {strides = array<i32>} : memref<640xf32, #tpu.memory_space<vmem>>, vector<16xf32>,
    %swap3A_39 = vector.shape_cast %swap3A_38 : vector<16xf32> to vector<16xf32>
    %swap3A_40 = vector.shape_cast %broadcast_in_dim3A_36 : vector<16xf32> to vector<16xf32>
    tpu.vector_store %arg7[%swap3A_37], %swap3A_40 {strides = array<i32>} : memref<640xf32, #tpu.memory_space<vmem>>, vector<16xf32>,
    %broadcast_in_dim3A_41 = arith.constant 0.000000e+00 : f32
    %broadcast_in_dim3A_42 = vector.broadcast %broadcast_in_dim3A_41 : f32 to vector<16xf32>
    %swap3A_43 = arith.constant 112 : index
    %swap3A_44 = tpu.vector_load %arg7[%swap3A_43] {strides = array<i32>} : memref<640xf32, #tpu.memory_space<vmem>>, vector<16xf32>,
    %swap3A_45 = vector.shape_cast %swap3A_44 : vector<16xf32> to vector<16xf32>
    %swap3A_46 = vector.shape_cast %broadcast_in_dim3A_42 : vector<16xf32> to vector<16xf32>
    tpu.vector_store %arg7[%swap3A_43], %swap3A_46 {strides = array<i32>} : memref<640xf32, #tpu.memory_space<vmem>>, vector<16xf32>,
    %broadcast_in_dim3A_47 = arith.constant 0.000000e+00 : f32
    %broadcast_in_dim3A_48 = vector.broadcast %broadcast_in_dim3A_47 : f32 to vector<16xf32>
    %swap3A_49 = arith.constant 128 : index
    %swap3A_50 = tpu.vector_load %arg7[%swap3A_49] {strides = array<i32>} : memref<640xf32, #tpu.memory_space<vmem>>, vector<16xf32>,
    %swap3A_51 = vector.shape_cast %swap3A_50 : vector<16xf32> to vector<16xf32>
    %swap3A_52 = vector.shape_cast %broadcast_in_dim3A_48 : vector<16xf32> to vector<16xf32>
    tpu.vector_store %arg7[%swap3A_49], %swap3A_52 {strides = array<i32>} : memref<640xf32, #tpu.memory_space<vmem>>, vector<16xf32>,
    %broadcast_in_dim3A_53 = arith.constant 0.000000e+00 : f32
    %broadcast_in_dim3A_54 = vector.broadcast %broadcast_in_dim3A_53 : f32 to vector<16xf32>
    %swap3A_55 = arith.constant 144 : index
    %swap3A_56 = tpu.vector_load %arg7[%swap3A_55] {strides = array<i32>} : memref<640xf32, #tpu.memory_space<vmem>>, vector<16xf32>,
    %swap3A_57 = vector.shape_cast %swap3A_56 : vector<16xf32> to vector<16xf32>
    %swap3A_58 = vector.shape_cast %broadcast_in_dim3A_54 : vector<16xf32> to vector<16xf32>
    tpu.vector_store %arg7[%swap3A_55], %swap3A_58 {strides = array<i32>} : memref<640xf32, #tpu.memory_space<vmem>>, vector<16xf32>,
    %broadcast_in_dim3A_59 = arith.constant 0.000000e+00 : f32
    %broadcast_in_dim3A_60 = vector.broadcast %broadcast_in_dim3A_59 : f32 to vector<16xf32>
    %swap3A_61 = arith.constant 160 : index
    %swap3A_62 = tpu.vector_load %arg7[%swap3A_61] {strides = array<i32>} : memref<640xf32, #tpu.memory_space<vmem>>, vector<16xf32>,
    %swap3A_63 = vector.shape_cast %swap3A_62 : vector<16xf32> to vector<16xf32>
    %swap3A_64 = vector.shape_cast %broadcast_in_dim3A_60 : vector<16xf32> to vector<16xf32>
    tpu.vector_store %arg7[%swap3A_61], %swap3A_64 {strides = array<i32>} : memref<640xf32, #tpu.memory_space<vmem>>, vector<16xf32>,
    %broadcast_in_dim3A_65 = arith.constant 0.000000e+00 : f32
    %broadcast_in_dim3A_66 = vector.broadcast %broadcast_in_dim3A_65 : f32 to vector<16xf32>
    %swap3A_67 = arith.constant 176 : index
    %swap3A_68 = tpu.vector_load %arg7[%swap3A_67] {strides = array<i32>} : memref<640xf32, #tpu.memory_space<vmem>>, vector<16xf32>,
    %swap3A_69 = vector.shape_cast %swap3A_68 : vector<16xf32> to vector<16xf32>
    %swap3A_70 = vector.shape_cast %broadcast_in_dim3A_66 : vector<16xf32> to vector<16xf32>
    tpu.vector_store %arg7[%swap3A_67], %swap3A_70 {strides = array<i32>} : memref<640xf32, #tpu.memory_space<vmem>>, vector<16xf32>,
    %broadcast_in_dim3A_71 = arith.constant 0.000000e+00 : f32
    %broadcast_in_dim3A_72 = vector.broadcast %broadcast_in_dim3A_71 : f32 to vector<16xf32>
    %swap3A_73 = arith.constant 192 : index
    %swap3A_74 = tpu.vector_load %arg7[%swap3A_73] {strides = array<i32>} : memref<640xf32, #tpu.memory_space<vmem>>, vector<16xf32>,
    %swap3A_75 = vector.shape_cast %swap3A_74 : vector<16xf32> to vector<16xf32>
    %swap3A_76 = vector.shape_cast %broadcast_in_dim3A_72 : vector<16xf32> to vector<16xf32>
    tpu.vector_store %arg7[%swap3A_73], %swap3A_76 {strides = array<i32>} : memref<640xf32, #tpu.memory_space<vmem>>, vector<16xf32>,
    %broadcast_in_dim3A_77 = arith.constant 0.000000e+00 : f32
    %broadcast_in_dim3A_78 = vector.broadcast %broadcast_in_dim3A_77 : f32 to vector<16xf32>
    %swap3A_79 = arith.constant 208 : index
    %swap3A_80 = tpu.vector_load %arg7[%swap3A_79] {strides = array<i32>} : memref<640xf32, #tpu.memory_space<vmem>>, vector<16xf32>,
    %swap3A_81 = vector.shape_cast %swap3A_80 : vector<16xf32> to vector<16xf32>
    %swap3A_82 = vector.shape_cast %broadcast_in_dim3A_78 : vector<16xf32> to vector<16xf32>
    tpu.vector_store %arg7[%swap3A_79], %swap3A_82 {strides = array<i32>} : memref<640xf32, #tpu.memory_space<vmem>>, vector<16xf32>,
    %broadcast_in_dim3A_83 = arith.constant 0.000000e+00 : f32
    %broadcast_in_dim3A_84 = vector.broadcast %broadcast_in_dim3A_83 : f32 to vector<16xf32>
    %swap3A_85 = arith.constant 224 : index
    %swap3A_86 = tpu.vector_load %arg7[%swap3A_85] {strides = array<i32>} : memref<640xf32, #tpu.memory_space<vmem>>, vector<16xf32>,
    %swap3A_87 = vector.shape_cast %swap3A_86 : vector<16xf32> to vector<16xf32>
    %swap3A_88 = vector.shape_cast %broadcast_in_dim3A_84 : vector<16xf32> to vector<16xf32>
    tpu.vector_store %arg7[%swap3A_85], %swap3A_88 {strides = array<i32>} : memref<640xf32, #tpu.memory_space<vmem>>, vector<16xf32>,
    %broadcast_in_dim3A_89 = arith.constant 0.000000e+00 : f32
    %broadcast_in_dim3A_90 = vector.broadcast %broadcast_in_dim3A_89 : f32 to vector<16xf32>
    %swap3A_91 = arith.constant 240 : index
    %swap3A_92 = tpu.vector_load %arg7[%swap3A_91] {strides = array<i32>} : memref<640xf32, #tpu.memory_space<vmem>>, vector<16xf32>,
    %swap3A_93 = vector.shape_cast %swap3A_92 : vector<16xf32> to vector<16xf32>
    %swap3A_94 = vector.shape_cast %broadcast_in_dim3A_90 : vector<16xf32> to vector<16xf32>
    tpu.vector_store %arg7[%swap3A_91], %swap3A_94 {strides = array<i32>} : memref<640xf32, #tpu.memory_space<vmem>>, vector<16xf32>,
    %broadcast_in_dim3A_95 = arith.constant 0.000000e+00 : f32
    %broadcast_in_dim3A_96 = vector.broadcast %broadcast_in_dim3A_95 : f32 to vector<16xf32>
    %swap3A_97 = arith.constant 256 : index
    %swap3A_98 = tpu.vector_load %arg7[%swap3A_97] {strides = array<i32>} : memref<640xf32, #tpu.memory_space<vmem>>, vector<16xf32>,
    %swap3A_99 = vector.shape_cast %swap3A_98 : vector<16xf32> to vector<16xf32>
    %swap3A_100 = vector.shape_cast %broadcast_in_dim3A_96 : vector<16xf32> to vector<16xf32>
    tpu.vector_store %arg7[%swap3A_97], %swap3A_100 {strides = array<i32>} : memref<640xf32, #tpu.memory_space<vmem>>, vector<16xf32>,
    %broadcast_in_dim3A_101 = arith.constant 0.000000e+00 : f32
    %broadcast_in_dim3A_102 = vector.broadcast %broadcast_in_dim3A_101 : f32 to vector<16xf32>
    %swap3A_103 = arith.constant 272 : index
    %swap3A_104 = tpu.vector_load %arg7[%swap3A_103] {strides = array<i32>} : memref<640xf32, #tpu.memory_space<vmem>>, vector<16xf32>,
    %swap3A_105 = vector.shape_cast %swap3A_104 : vector<16xf32> to vector<16xf32>
    %swap3A_106 = vector.shape_cast %broadcast_in_dim3A_102 : vector<16xf32> to vector<16xf32>
    tpu.vector_store %arg7[%swap3A_103], %swap3A_106 {strides = array<i32>} : memref<640xf32, #tpu.memory_space<vmem>>, vector<16xf32>,
    %broadcast_in_dim3A_107 = arith.constant 0.000000e+00 : f32
    %broadcast_in_dim3A_108 = vector.broadcast %broadcast_in_dim3A_107 : f32 to vector<16xf32>
    %swap3A_109 = arith.constant 288 : index
    %swap3A_110 = tpu.vector_load %arg7[%swap3A_109] {strides = array<i32>} : memref<640xf32, #tpu.memory_space<vmem>>, vector<16xf32>,
    %swap3A_111 = vector.shape_cast %swap3A_110 : vector<16xf32> to vector<16xf32>
    %swap3A_112 = vector.shape_cast %broadcast_in_dim3A_108 : vector<16xf32> to vector<16xf32>
    tpu.vector_store %arg7[%swap3A_109], %swap3A_112 {strides = array<i32>} : memref<640xf32, #tpu.memory_space<vmem>>, vector<16xf32>,
    %broadcast_in_dim3A_113 = arith.constant 0.000000e+00 : f32
    %broadcast_in_dim3A_114 = vector.broadcast %broadcast_in_dim3A_113 : f32 to vector<16xf32>
    %swap3A_115 = arith.constant 304 : index
    %swap3A_116 = tpu.vector_load %arg7[%swap3A_115] {strides = array<i32>} : memref<640xf32, #tpu.memory_space<vmem>>, vector<16xf32>,
    %swap3A_117 = vector.shape_cast %swap3A_116 : vector<16xf32> to vector<16xf32>
    %swap3A_118 = vector.shape_cast %broadcast_in_dim3A_114 : vector<16xf32> to vector<16xf32>
    tpu.vector_store %arg7[%swap3A_115], %swap3A_118 {strides = array<i32>} : memref<640xf32, #tpu.memory_space<vmem>>, vector<16xf32>,
    %broadcast_in_dim3A_119 = arith.constant 0.000000e+00 : f32
    %broadcast_in_dim3A_120 = vector.broadcast %broadcast_in_dim3A_119 : f32 to vector<16xf32>
    %swap3A_121 = arith.constant 320 : index
    %swap3A_122 = tpu.vector_load %arg7[%swap3A_121] {strides = array<i32>} : memref<640xf32, #tpu.memory_space<vmem>>, vector<16xf32>,
    %swap3A_123 = vector.shape_cast %swap3A_122 : vector<16xf32> to vector<16xf32>
    %swap3A_124 = vector.shape_cast %broadcast_in_dim3A_120 : vector<16xf32> to vector<16xf32>
    tpu.vector_store %arg7[%swap3A_121], %swap3A_124 {strides = array<i32>} : memref<640xf32, #tpu.memory_space<vmem>>, vector<16xf32>,
    %broadcast_in_dim3A_125 = arith.constant 0.000000e+00 : f32
    %broadcast_in_dim3A_126 = vector.broadcast %broadcast_in_dim3A_125 : f32 to vector<16xf32>
    %swap3A_127 = arith.constant 336 : index
    %swap3A_128 = tpu.vector_load %arg7[%swap3A_127] {strides = array<i32>} : memref<640xf32, #tpu.memory_space<vmem>>, vector<16xf32>,
    %swap3A_129 = vector.shape_cast %swap3A_128 : vector<16xf32> to vector<16xf32>
    %swap3A_130 = vector.shape_cast %broadcast_in_dim3A_126 : vector<16xf32> to vector<16xf32>
    tpu.vector_store %arg7[%swap3A_127], %swap3A_130 {strides = array<i32>} : memref<640xf32, #tpu.memory_space<vmem>>, vector<16xf32>,
    %broadcast_in_dim3A_131 = arith.constant 0.000000e+00 : f32
    %broadcast_in_dim3A_132 = vector.broadcast %broadcast_in_dim3A_131 : f32 to vector<16xf32>
    %swap3A_133 = arith.constant 352 : index
    %swap3A_134 = tpu.vector_load %arg7[%swap3A_133] {strides = array<i32>} : memref<640xf32, #tpu.memory_space<vmem>>, vector<16xf32>,
    %swap3A_135 = vector.shape_cast %swap3A_134 : vector<16xf32> to vector<16xf32>
    %swap3A_136 = vector.shape_cast %broadcast_in_dim3A_132 : vector<16xf32> to vector<16xf32>
    tpu.vector_store %arg7[%swap3A_133], %swap3A_136 {strides = array<i32>} : memref<640xf32, #tpu.memory_space<vmem>>, vector<16xf32>,
    %broadcast_in_dim3A_137 = arith.constant 0.000000e+00 : f32
    %broadcast_in_dim3A_138 = vector.broadcast %broadcast_in_dim3A_137 : f32 to vector<16xf32>
    %swap3A_139 = arith.constant 368 : index
    %swap3A_140 = tpu.vector_load %arg7[%swap3A_139] {strides = array<i32>} : memref<640xf32, #tpu.memory_space<vmem>>, vector<16xf32>,
    %swap3A_141 = vector.shape_cast %swap3A_140 : vector<16xf32> to vector<16xf32>
    %swap3A_142 = vector.shape_cast %broadcast_in_dim3A_138 : vector<16xf32> to vector<16xf32>
    tpu.vector_store %arg7[%swap3A_139], %swap3A_142 {strides = array<i32>} : memref<640xf32, #tpu.memory_space<vmem>>, vector<16xf32>,
    %broadcast_in_dim3A_143 = arith.constant 0.000000e+00 : f32
    %broadcast_in_dim3A_144 = vector.broadcast %broadcast_in_dim3A_143 : f32 to vector<16xf32>
    %swap3A_145 = arith.constant 384 : index
    %swap3A_146 = tpu.vector_load %arg7[%swap3A_145] {strides = array<i32>} : memref<640xf32, #tpu.memory_space<vmem>>, vector<16xf32>,
    %swap3A_147 = vector.shape_cast %swap3A_146 : vector<16xf32> to vector<16xf32>
    %swap3A_148 = vector.shape_cast %broadcast_in_dim3A_144 : vector<16xf32> to vector<16xf32>
    tpu.vector_store %arg7[%swap3A_145], %swap3A_148 {strides = array<i32>} : memref<640xf32, #tpu.memory_space<vmem>>, vector<16xf32>,
    %broadcast_in_dim3A_149 = arith.constant 0.000000e+00 : f32
    %broadcast_in_dim3A_150 = vector.broadcast %broadcast_in_dim3A_149 : f32 to vector<16xf32>
    %swap3A_151 = arith.constant 400 : index
    %swap3A_152 = tpu.vector_load %arg7[%swap3A_151] {strides = array<i32>} : memref<640xf32, #tpu.memory_space<vmem>>, vector<16xf32>,
    %swap3A_153 = vector.shape_cast %swap3A_152 : vector<16xf32> to vector<16xf32>
    %swap3A_154 = vector.shape_cast %broadcast_in_dim3A_150 : vector<16xf32> to vector<16xf32>
    tpu.vector_store %arg7[%swap3A_151], %swap3A_154 {strides = array<i32>} : memref<640xf32, #tpu.memory_space<vmem>>, vector<16xf32>,
    %broadcast_in_dim3A_155 = arith.constant 0.000000e+00 : f32
    %broadcast_in_dim3A_156 = vector.broadcast %broadcast_in_dim3A_155 : f32 to vector<16xf32>
    %swap3A_157 = arith.constant 416 : index
    %swap3A_158 = tpu.vector_load %arg7[%swap3A_157] {strides = array<i32>} : memref<640xf32, #tpu.memory_space<vmem>>, vector<16xf32>,
    %swap3A_159 = vector.shape_cast %swap3A_158 : vector<16xf32> to vector<16xf32>
    %swap3A_160 = vector.shape_cast %broadcast_in_dim3A_156 : vector<16xf32> to vector<16xf32>
    tpu.vector_store %arg7[%swap3A_157], %swap3A_160 {strides = array<i32>} : memref<640xf32, #tpu.memory_space<vmem>>, vector<16xf32>,
    %broadcast_in_dim3A_161 = arith.constant 0.000000e+00 : f32
    %broadcast_in_dim3A_162 = vector.broadcast %broadcast_in_dim3A_161 : f32 to vector<16xf32>
    %swap3A_163 = arith.constant 432 : index
    %swap3A_164 = tpu.vector_load %arg7[%swap3A_163] {strides = array<i32>} : memref<640xf32, #tpu.memory_space<vmem>>, vector<16xf32>,
    %swap3A_165 = vector.shape_cast %swap3A_164 : vector<16xf32> to vector<16xf32>
    %swap3A_166 = vector.shape_cast %broadcast_in_dim3A_162 : vector<16xf32> to vector<16xf32>
    tpu.vector_store %arg7[%swap3A_163], %swap3A_166 {strides = array<i32>} : memref<640xf32, #tpu.memory_space<vmem>>, vector<16xf32>,
    %broadcast_in_dim3A_167 = arith.constant 0.000000e+00 : f32
    %broadcast_in_dim3A_168 = vector.broadcast %broadcast_in_dim3A_167 : f32 to vector<16xf32>
    %swap3A_169 = arith.constant 448 : index
    %swap3A_170 = tpu.vector_load %arg7[%swap3A_169] {strides = array<i32>} : memref<640xf32, #tpu.memory_space<vmem>>, vector<16xf32>,
    %swap3A_171 = vector.shape_cast %swap3A_170 : vector<16xf32> to vector<16xf32>
    %swap3A_172 = vector.shape_cast %broadcast_in_dim3A_168 : vector<16xf32> to vector<16xf32>
    tpu.vector_store %arg7[%swap3A_169], %swap3A_172 {strides = array<i32>} : memref<640xf32, #tpu.memory_space<vmem>>, vector<16xf32>,
    %broadcast_in_dim3A_173 = arith.constant 0.000000e+00 : f32
    %broadcast_in_dim3A_174 = vector.broadcast %broadcast_in_dim3A_173 : f32 to vector<16xf32>
    %swap3A_175 = arith.constant 464 : index
    %swap3A_176 = tpu.vector_load %arg7[%swap3A_175] {strides = array<i32>} : memref<640xf32, #tpu.memory_space<vmem>>, vector<16xf32>,
    %swap3A_177 = vector.shape_cast %swap3A_176 : vector<16xf32> to vector<16xf32>
    %swap3A_178 = vector.shape_cast %broadcast_in_dim3A_174 : vector<16xf32> to vector<16xf32>
    tpu.vector_store %arg7[%swap3A_175], %swap3A_178 {strides = array<i32>} : memref<640xf32, #tpu.memory_space<vmem>>, vector<16xf32>,
    %broadcast_in_dim3A_179 = arith.constant 0.000000e+00 : f32
    %broadcast_in_dim3A_180 = vector.broadcast %broadcast_in_dim3A_179 : f32 to vector<16xf32>
    %swap3A_181 = arith.constant 480 : index
    %swap3A_182 = tpu.vector_load %arg7[%swap3A_181] {strides = array<i32>} : memref<640xf32, #tpu.memory_space<vmem>>, vector<16xf32>,
    %swap3A_183 = vector.shape_cast %swap3A_182 : vector<16xf32> to vector<16xf32>
    %swap3A_184 = vector.shape_cast %broadcast_in_dim3A_180 : vector<16xf32> to vector<16xf32>
    tpu.vector_store %arg7[%swap3A_181], %swap3A_184 {strides = array<i32>} : memref<640xf32, #tpu.memory_space<vmem>>, vector<16xf32>,
    %broadcast_in_dim3A_185 = arith.constant 0.000000e+00 : f32
    %broadcast_in_dim3A_186 = vector.broadcast %broadcast_in_dim3A_185 : f32 to vector<16xf32>
    %swap3A_187 = arith.constant 496 : index
    %swap3A_188 = tpu.vector_load %arg7[%swap3A_187] {strides = array<i32>} : memref<640xf32, #tpu.memory_space<vmem>>, vector<16xf32>,
    %swap3A_189 = vector.shape_cast %swap3A_188 : vector<16xf32> to vector<16xf32>
    %swap3A_190 = vector.shape_cast %broadcast_in_dim3A_186 : vector<16xf32> to vector<16xf32>
    tpu.vector_store %arg7[%swap3A_187], %swap3A_190 {strides = array<i32>} : memref<640xf32, #tpu.memory_space<vmem>>, vector<16xf32>,
    %broadcast_in_dim3A_191 = arith.constant 0.000000e+00 : f32
    %broadcast_in_dim3A_192 = vector.broadcast %broadcast_in_dim3A_191 : f32 to vector<16xf32>
    %swap3A_193 = arith.constant 512 : index
    %swap3A_194 = tpu.vector_load %arg7[%swap3A_193] {strides = array<i32>} : memref<640xf32, #tpu.memory_space<vmem>>, vector<16xf32>,
    %swap3A_195 = vector.shape_cast %swap3A_194 : vector<16xf32> to vector<16xf32>
    %swap3A_196 = vector.shape_cast %broadcast_in_dim3A_192 : vector<16xf32> to vector<16xf32>
    tpu.vector_store %arg7[%swap3A_193], %swap3A_196 {strides = array<i32>} : memref<640xf32, #tpu.memory_space<vmem>>, vector<16xf32>,
    %broadcast_in_dim3A_197 = arith.constant 0.000000e+00 : f32
    %broadcast_in_dim3A_198 = vector.broadcast %broadcast_in_dim3A_197 : f32 to vector<16xf32>
    %swap3A_199 = arith.constant 528 : index
    %swap3A_200 = tpu.vector_load %arg7[%swap3A_199] {strides = array<i32>} : memref<640xf32, #tpu.memory_space<vmem>>, vector<16xf32>,
    %swap3A_201 = vector.shape_cast %swap3A_200 : vector<16xf32> to vector<16xf32>
    %swap3A_202 = vector.shape_cast %broadcast_in_dim3A_198 : vector<16xf32> to vector<16xf32>
    tpu.vector_store %arg7[%swap3A_199], %swap3A_202 {strides = array<i32>} : memref<640xf32, #tpu.memory_space<vmem>>, vector<16xf32>,
    %broadcast_in_dim3A_203 = arith.constant 0.000000e+00 : f32
    %broadcast_in_dim3A_204 = vector.broadcast %broadcast_in_dim3A_203 : f32 to vector<16xf32>
    %swap3A_205 = arith.constant 544 : index
    %swap3A_206 = tpu.vector_load %arg7[%swap3A_205] {strides = array<i32>} : memref<640xf32, #tpu.memory_space<vmem>>, vector<16xf32>,
    %swap3A_207 = vector.shape_cast %swap3A_206 : vector<16xf32> to vector<16xf32>
    %swap3A_208 = vector.shape_cast %broadcast_in_dim3A_204 : vector<16xf32> to vector<16xf32>
    tpu.vector_store %arg7[%swap3A_205], %swap3A_208 {strides = array<i32>} : memref<640xf32, #tpu.memory_space<vmem>>, vector<16xf32>,
    %broadcast_in_dim3A_209 = arith.constant 0.000000e+00 : f32
    %broadcast_in_dim3A_210 = vector.broadcast %broadcast_in_dim3A_209 : f32 to vector<16xf32>
    %swap3A_211 = arith.constant 560 : index
    %swap3A_212 = tpu.vector_load %arg7[%swap3A_211] {strides = array<i32>} : memref<640xf32, #tpu.memory_space<vmem>>, vector<16xf32>,
    %swap3A_213 = vector.shape_cast %swap3A_212 : vector<16xf32> to vector<16xf32>
    %swap3A_214 = vector.shape_cast %broadcast_in_dim3A_210 : vector<16xf32> to vector<16xf32>
    tpu.vector_store %arg7[%swap3A_211], %swap3A_214 {strides = array<i32>} : memref<640xf32, #tpu.memory_space<vmem>>, vector<16xf32>,
    %broadcast_in_dim3A_215 = arith.constant 0.000000e+00 : f32
    %broadcast_in_dim3A_216 = vector.broadcast %broadcast_in_dim3A_215 : f32 to vector<16xf32>
    %swap3A_217 = arith.constant 576 : index
    %swap3A_218 = tpu.vector_load %arg7[%swap3A_217] {strides = array<i32>} : memref<640xf32, #tpu.memory_space<vmem>>, vector<16xf32>,
    %swap3A_219 = vector.shape_cast %swap3A_218 : vector<16xf32> to vector<16xf32>
    %swap3A_220 = vector.shape_cast %broadcast_in_dim3A_216 : vector<16xf32> to vector<16xf32>
    tpu.vector_store %arg7[%swap3A_217], %swap3A_220 {strides = array<i32>} : memref<640xf32, #tpu.memory_space<vmem>>, vector<16xf32>,
    %broadcast_in_dim3A_221 = arith.constant 0.000000e+00 : f32
    %broadcast_in_dim3A_222 = vector.broadcast %broadcast_in_dim3A_221 : f32 to vector<16xf32>
    %swap3A_223 = arith.constant 592 : index
    %swap3A_224 = tpu.vector_load %arg7[%swap3A_223] {strides = array<i32>} : memref<640xf32, #tpu.memory_space<vmem>>, vector<16xf32>,
    %swap3A_225 = vector.shape_cast %swap3A_224 : vector<16xf32> to vector<16xf32>
    %swap3A_226 = vector.shape_cast %broadcast_in_dim3A_222 : vector<16xf32> to vector<16xf32>
    tpu.vector_store %arg7[%swap3A_223], %swap3A_226 {strides = array<i32>} : memref<640xf32, #tpu.memory_space<vmem>>, vector<16xf32>,
    %broadcast_in_dim3A_227 = arith.constant 0.000000e+00 : f32
    %broadcast_in_dim3A_228 = vector.broadcast %broadcast_in_dim3A_227 : f32 to vector<16xf32>
    %swap3A_229 = arith.constant 608 : index
    %swap3A_230 = tpu.vector_load %arg7[%swap3A_229] {strides = array<i32>} : memref<640xf32, #tpu.memory_space<vmem>>, vector<16xf32>,
    %swap3A_231 = vector.shape_cast %swap3A_230 : vector<16xf32> to vector<16xf32>
    %swap3A_232 = vector.shape_cast %broadcast_in_dim3A_228 : vector<16xf32> to vector<16xf32>
    tpu.vector_store %arg7[%swap3A_229], %swap3A_232 {strides = array<i32>} : memref<640xf32, #tpu.memory_space<vmem>>, vector<16xf32>,
    %broadcast_in_dim3A_233 = arith.constant 0.000000e+00 : f32
    %broadcast_in_dim3A_234 = vector.broadcast %broadcast_in_dim3A_233 : f32 to vector<16xf32>
    %swap3A_235 = arith.constant 624 : index
    %swap3A_236 = tpu.vector_load %arg7[%swap3A_235] {strides = array<i32>} : memref<640xf32, #tpu.memory_space<vmem>>, vector<16xf32>,
    %swap3A_237 = vector.shape_cast %swap3A_236 : vector<16xf32> to vector<16xf32>
    %swap3A_238 = vector.shape_cast %broadcast_in_dim3A_234 : vector<16xf32> to vector<16xf32>
    tpu.vector_store %arg7[%swap3A_235], %swap3A_238 {strides = array<i32>} : memref<640xf32, #tpu.memory_space<vmem>>, vector<16xf32>,
    %mul3A_239 = arith.constant 640 : i32
    %mul3A_240 = arith.muli %arg1, %mul3A_239 : i32
    "tpu.region"() ({
      %run_scoped3A = tpu.sem_alloc : memref<!tpu.dma_semaphore, #tpu.memory_space<semaphore_mem>>
      %dma_start3A = tpu.memref_slice %arg8[%mul3A_240] : memref<10240xf32, #tpu.memory_space<vmem_shared>> -> memref<640xf32, #tpu.memory_space<vmem_shared>>
      %dma_start3A_251 = tpu.memref_slice %arg8[%mul3A_240] : memref<10240xf32, #tpu.memory_space<vmem_shared>> -> memref<640xf32, #tpu.memory_space<vmem_shared>>
      tpu.enqueue_dma source(%arg7 : memref<640xf32, #tpu.memory_space<vmem>>) target(%dma_start3A_251 : memref<640xf32, #tpu.memory_space<vmem_shared>>) target_semaphore(%run_scoped3A : memref<!tpu.dma_semaphore, #tpu.memory_space<semaphore_mem>>)
      %dma_wait3A = tpu.memref_slice %arg8[%mul3A_240] : memref<10240xf32, #tpu.memory_space<vmem_shared>> -> memref<640xf32, #tpu.memory_space<vmem_shared>>
      %dma_wait3A_252 = tpu.memref_slice %arg8[%mul3A_240] : memref<10240xf32, #tpu.memory_space<vmem_shared>> -> memref<640xf32, #tpu.memory_space<vmem_shared>>
      tpu.wait_dma2 semaphore(%run_scoped3A : memref<!tpu.dma_semaphore, #tpu.memory_space<semaphore_mem>>) src(%arg7 : memref<640xf32, #tpu.memory_space<vmem>>) dst(%dma_wait3A_252 : memref<640xf32, #tpu.memory_space<vmem_shared>>)
      tpu.yield
    }) : () -> ()
    %barrier3A = arith.constant 0 : index
    tpu.barrier barrier_id(%barrier3A)
    %scan3A = arith.constant 0 : i32
    %scan3A_241 = arith.constant 0 : i32
    %scan3A_242 = arith.constant 79 : i32
    %scan3A_243 = arith.addi %scan3A_241, %scan3A_242 : i32
    %scan3A_244 = arith.constant 1 : i32
    scf.for %scan3A_251 = %scan3A_241 to %scan3A_243 step %scan3A_244  : i32 {
      %mul3A_252 = arith.constant 10112 : i32
      %mul3A_253 = arith.muli %add3A, %mul3A_252 : i32
      %mul3A_254 = arith.constant 128 : i32
      %mul3A_255 = arith.muli %scan3A_251, %mul3A_254 : i32
      %add3A_256 = arith.addi %mul3A_253, %mul3A_255 : i32
      "tpu.region"() ({
        %run_scoped3A = tpu.sem_alloc : memref<!tpu.dma_semaphore, #tpu.memory_space<semaphore_mem>>
        %dma_start3A = tpu.memref_slice %arg2[%add3A_256] : memref<323584xi32, #tpu.memory_space<hbm>> -> memref<128xi32, #tpu.memory_space<hbm>>
        %dma_start3A_257 = tpu.memref_slice %arg2[%add3A_256] : memref<323584xi32, #tpu.memory_space<hbm>> -> memref<128xi32, #tpu.memory_space<hbm>>
        tpu.enqueue_dma source(%dma_start3A_257 : memref<128xi32, #tpu.memory_space<hbm>>) target(%arg5 : memref<128xi32, #tpu.memory_space<vmem>>) target_semaphore(%run_scoped3A : memref<!tpu.dma_semaphore, #tpu.memory_space<semaphore_mem>>)
        %dma_wait3A = tpu.memref_slice %arg2[%add3A_256] : memref<323584xi32, #tpu.memory_space<hbm>> -> memref<128xi32, #tpu.memory_space<hbm>>
        %dma_wait3A_258 = tpu.memref_slice %arg2[%add3A_256] : memref<323584xi32, #tpu.memory_space<hbm>> -> memref<128xi32, #tpu.memory_space<hbm>>
        tpu.wait_dma2 semaphore(%run_scoped3A : memref<!tpu.dma_semaphore, #tpu.memory_space<semaphore_mem>>) src(%dma_wait3A_258 : memref<128xi32, #tpu.memory_space<hbm>>) dst(%arg5 : memref<128xi32, #tpu.memory_space<vmem>>)
        tpu.yield
      }) : () -> ()
      "tpu.region"() ({
        %run_scoped3A = tpu.sem_alloc : memref<!tpu.dma_semaphore, #tpu.memory_space<semaphore_mem>>
        %dma_start3A = tpu.memref_slice %arg3[%add3A_256] : memref<323584xf32, #tpu.memory_space<hbm>> -> memref<128xf32, #tpu.memory_space<hbm>>
        %dma_start3A_257 = tpu.memref_slice %arg3[%add3A_256] : memref<323584xf32, #tpu.memory_space<hbm>> -> memref<128xf32, #tpu.memory_space<hbm>>
        tpu.enqueue_dma source(%dma_start3A_257 : memref<128xf32, #tpu.memory_space<hbm>>) target(%arg6 : memref<128xf32, #tpu.memory_space<vmem>>) target_semaphore(%run_scoped3A : memref<!tpu.dma_semaphore, #tpu.memory_space<semaphore_mem>>)
        %dma_wait3A = tpu.memref_slice %arg3[%add3A_256] : memref<323584xf32, #tpu.memory_space<hbm>> -> memref<128xf32, #tpu.memory_space<hbm>>
        %dma_wait3A_258 = tpu.memref_slice %arg3[%add3A_256] : memref<323584xf32, #tpu.memory_space<hbm>> -> memref<128xf32, #tpu.memory_space<hbm>>
        tpu.wait_dma2 semaphore(%run_scoped3A : memref<!tpu.dma_semaphore, #tpu.memory_space<semaphore_mem>>) src(%dma_wait3A_258 : memref<128xf32, #tpu.memory_space<hbm>>) dst(%arg6 : memref<128xf32, #tpu.memory_space<vmem>>)
        tpu.yield
      }) : () -> ()
      "tpu.region"() ({
        %run_scoped3A = tpu.sem_alloc : memref<!tpu.dma_semaphore, #tpu.memory_space<semaphore_mem>>
        %dma_start3A = arith.constant 0 : i32
        %dma_start3A_257 = tpu.memref_slice %arg8[%dma_start3A] : memref<10240xf32, #tpu.memory_space<vmem_shared>> -> memref<10240xf32, #tpu.memory_space<vmem_shared>>
        tpu.enqueue_indirect_dma source(%arg6 : memref<128xf32, #tpu.memory_space<vmem>>) target(%dma_start3A_257 : memref<10240xf32, #tpu.memory_space<vmem_shared>>) offsets(%arg5 : memref<128xi32, #tpu.memory_space<vmem>>) semaphore(%run_scoped3A : memref<!tpu.dma_semaphore, #tpu.memory_space<semaphore_mem>>) {add = true}
        %dma_wait3A = arith.constant 0 : i32
        %dma_wait3A_258 = tpu.memref_slice %arg8[%dma_wait3A] : memref<10240xf32, #tpu.memory_space<vmem_shared>> -> memref<10240xf32, #tpu.memory_space<vmem_shared>>
        tpu.wait_indirect_dma semaphore(%run_scoped3A : memref<!tpu.dma_semaphore, #tpu.memory_space<semaphore_mem>>) src(%arg6 : memref<128xf32, #tpu.memory_space<vmem>>) dst(%dma_wait3A_258 : memref<10240xf32, #tpu.memory_space<vmem_shared>>)
        tpu.yield
      }) : () -> ()
    }
    %scan3A_245 = arith.constant 79 : i32
    %barrier3A_246 = arith.constant 0 : index
    tpu.barrier barrier_id(%barrier3A_246)
    %mul3A_247 = arith.constant 640 : i32
    %mul3A_248 = arith.muli %arg1, %mul3A_247 : i32
    %mul3A_249 = arith.constant 640 : i32
    %mul3A_250 = arith.muli %arg1, %mul3A_249 : i32
    "tpu.region"() ({
      %run_scoped3A = tpu.sem_alloc : memref<!tpu.dma_semaphore, #tpu.memory_space<semaphore_mem>>
      %dma_start3A = tpu.memref_slice %arg4[%arg0, %mul3A_250] : memref<2x10240xf32, #tpu.memory_space<hbm>> -> memref<1x640xf32, #tpu.memory_space<hbm>>
      %dma_start3A_251 = tpu.memref_squeeze %dma_start3A : memref<1x640xf32, #tpu.memory_space<hbm>> -> memref<640xf32, #tpu.memory_space<hbm>>
      %dma_start3A_252 = tpu.memref_slice %arg8[%mul3A_248] : memref<10240xf32, #tpu.memory_space<vmem_shared>> -> memref<640xf32, #tpu.memory_space<vmem_shared>>
      tpu.enqueue_dma source(%dma_start3A_252 : memref<640xf32, #tpu.memory_space<vmem_shared>>) target(%dma_start3A_251 : memref<640xf32, #tpu.memory_space<hbm>>) target_semaphore(%run_scoped3A : memref<!tpu.dma_semaphore, #tpu.memory_space<semaphore_mem>>)
      %dma_wait3A = tpu.memref_slice %arg4[%arg0, %mul3A_250] : memref<2x10240xf32, #tpu.memory_space<hbm>> -> memref<1x640xf32, #tpu.memory_space<hbm>>
      %dma_wait3A_253 = tpu.memref_squeeze %dma_wait3A : memref<1x640xf32, #tpu.memory_space<hbm>> -> memref<640xf32, #tpu.memory_space<hbm>>
      %dma_wait3A_254 = tpu.memref_slice %arg8[%mul3A_248] : memref<10240xf32, #tpu.memory_space<vmem_shared>> -> memref<640xf32, #tpu.memory_space<vmem_shared>>
      tpu.wait_dma2 semaphore(%run_scoped3A : memref<!tpu.dma_semaphore, #tpu.memory_space<semaphore_mem>>) src(%dma_wait3A_254 : memref<640xf32, #tpu.memory_space<vmem_shared>>) dst(%dma_wait3A_253 : memref<640xf32, #tpu.memory_space<hbm>>)
      tpu.yield
    }) : () -> ()
    return
  }
}

#map = affine_map<(d0, d1) -> (0, 0)>
#map1 = affine_map<(d0, d1) -> (0)>
#map2 = affine_map<(d0, d1) -> (0, 0, 0)>
module attributes {stable_mosaic.version = 14 : i64} {
  func.func @_sc_aggregate(%arg0: i32, %arg1: i32, %arg2: memref<10000x128xf32, #tpu.memory_space<hbm>>, %arg3: memref<323584xi32, #tpu.memory_space<hbm>>, %arg4: memref<323584xi32, #tpu.memory_space<hbm>>, %arg5: memref<323584xf32, #tpu.memory_space<hbm>>, %arg6: memref<2x10240x128xf32, #tpu.memory_space<hbm>>, %arg7: memref<128xi32, #tpu.memory_space<vmem>>, %arg8: memref<128xi32, #tpu.memory_space<vmem>>, %arg9: memref<128xf32, #tpu.memory_space<vmem>>, %arg10: memref<128x128xf32, #tpu.memory_space<vmem>>, %arg11: memref<10240x128xf32, #tpu.memory_space<vmem_shared>>, %arg12: memref<!tpu.dma_semaphore, #tpu.memory_space<semaphore_mem>>) attributes {dimension_semantics = [#tpu.dimension_semantics<core_parallel>, #tpu.dimension_semantics<subcore_parallel>], iteration_bounds = array<i64: 2, 16>, scalar_prefetch = 0 : i64, scratch_operands = 6 : i64, tpu.core_type = #tpu.core_type<sc_vector_subcore>, window_params = [{transform_indices = #map}, {transform_indices = #map1}, {transform_indices = #map1}, {transform_indices = #map1}, {transform_indices = #map2}]} {
    %mul3A = arith.constant 16 : i32
    %mul3A_0 = arith.muli %arg0, %mul3A : i32
    %add3A = arith.addi %mul3A_0, %arg1 : i32
    %scan3A = arith.constant 0 : i32
    %scan3A_1 = arith.constant 0 : i32
    %scan3A_2 = arith.constant 128 : i32
    %scan3A_3 = arith.addi %scan3A_1, %scan3A_2 : i32
    %scan3A_4 = arith.constant 1 : i32
    scf.for %scan3A_53 = %scan3A_1 to %scan3A_3 step %scan3A_4  : i32 {
      %broadcast_in_dim3A = arith.constant 0.000000e+00 : f32
      %broadcast_in_dim3A_54 = vector.broadcast %broadcast_in_dim3A : f32 to vector<16xf32>
      %swap3A = arith.index_cast %scan3A_53 : i32 to index
      %swap3A_55 = arith.constant 0 : index
      %swap3A_56 = tpu.vector_load %arg10[%swap3A, %swap3A_55] {strides = array<i32>} : memref<128x128xf32, #tpu.memory_space<vmem>>, vector<1x16xf32>,
      %swap3A_57 = vector.shape_cast %swap3A_56 : vector<1x16xf32> to vector<16xf32>
      %swap3A_58 = vector.shape_cast %broadcast_in_dim3A_54 : vector<16xf32> to vector<1x16xf32>
      tpu.vector_store %arg10[%swap3A, %swap3A_55], %swap3A_58 {strides = array<i32>} : memref<128x128xf32, #tpu.memory_space<vmem>>, vector<1x16xf32>,
      %broadcast_in_dim3A_59 = arith.constant 0.000000e+00 : f32
      %broadcast_in_dim3A_60 = vector.broadcast %broadcast_in_dim3A_59 : f32 to vector<16xf32>
      %swap3A_61 = arith.index_cast %scan3A_53 : i32 to index
      %swap3A_62 = arith.constant 16 : index
      %swap3A_63 = tpu.vector_load %arg10[%swap3A_61, %swap3A_62] {strides = array<i32>} : memref<128x128xf32, #tpu.memory_space<vmem>>, vector<1x16xf32>,
      %swap3A_64 = vector.shape_cast %swap3A_63 : vector<1x16xf32> to vector<16xf32>
      %swap3A_65 = vector.shape_cast %broadcast_in_dim3A_60 : vector<16xf32> to vector<1x16xf32>
      tpu.vector_store %arg10[%swap3A_61, %swap3A_62], %swap3A_65 {strides = array<i32>} : memref<128x128xf32, #tpu.memory_space<vmem>>, vector<1x16xf32>,
      %broadcast_in_dim3A_66 = arith.constant 0.000000e+00 : f32
      %broadcast_in_dim3A_67 = vector.broadcast %broadcast_in_dim3A_66 : f32 to vector<16xf32>
      %swap3A_68 = arith.index_cast %scan3A_53 : i32 to index
      %swap3A_69 = arith.constant 32 : index
      %swap3A_70 = tpu.vector_load %arg10[%swap3A_68, %swap3A_69] {strides = array<i32>} : memref<128x128xf32, #tpu.memory_space<vmem>>, vector<1x16xf32>,
      %swap3A_71 = vector.shape_cast %swap3A_70 : vector<1x16xf32> to vector<16xf32>
      %swap3A_72 = vector.shape_cast %broadcast_in_dim3A_67 : vector<16xf32> to vector<1x16xf32>
      tpu.vector_store %arg10[%swap3A_68, %swap3A_69], %swap3A_72 {strides = array<i32>} : memref<128x128xf32, #tpu.memory_space<vmem>>, vector<1x16xf32>,
      %broadcast_in_dim3A_73 = arith.constant 0.000000e+00 : f32
      %broadcast_in_dim3A_74 = vector.broadcast %broadcast_in_dim3A_73 : f32 to vector<16xf32>
      %swap3A_75 = arith.index_cast %scan3A_53 : i32 to index
      %swap3A_76 = arith.constant 48 : index
      %swap3A_77 = tpu.vector_load %arg10[%swap3A_75, %swap3A_76] {strides = array<i32>} : memref<128x128xf32, #tpu.memory_space<vmem>>, vector<1x16xf32>,
      %swap3A_78 = vector.shape_cast %swap3A_77 : vector<1x16xf32> to vector<16xf32>
      %swap3A_79 = vector.shape_cast %broadcast_in_dim3A_74 : vector<16xf32> to vector<1x16xf32>
      tpu.vector_store %arg10[%swap3A_75, %swap3A_76], %swap3A_79 {strides = array<i32>} : memref<128x128xf32, #tpu.memory_space<vmem>>, vector<1x16xf32>,
      %broadcast_in_dim3A_80 = arith.constant 0.000000e+00 : f32
      %broadcast_in_dim3A_81 = vector.broadcast %broadcast_in_dim3A_80 : f32 to vector<16xf32>
      %swap3A_82 = arith.index_cast %scan3A_53 : i32 to index
      %swap3A_83 = arith.constant 64 : index
      %swap3A_84 = tpu.vector_load %arg10[%swap3A_82, %swap3A_83] {strides = array<i32>} : memref<128x128xf32, #tpu.memory_space<vmem>>, vector<1x16xf32>,
      %swap3A_85 = vector.shape_cast %swap3A_84 : vector<1x16xf32> to vector<16xf32>
      %swap3A_86 = vector.shape_cast %broadcast_in_dim3A_81 : vector<16xf32> to vector<1x16xf32>
      tpu.vector_store %arg10[%swap3A_82, %swap3A_83], %swap3A_86 {strides = array<i32>} : memref<128x128xf32, #tpu.memory_space<vmem>>, vector<1x16xf32>,
      %broadcast_in_dim3A_87 = arith.constant 0.000000e+00 : f32
      %broadcast_in_dim3A_88 = vector.broadcast %broadcast_in_dim3A_87 : f32 to vector<16xf32>
      %swap3A_89 = arith.index_cast %scan3A_53 : i32 to index
      %swap3A_90 = arith.constant 80 : index
      %swap3A_91 = tpu.vector_load %arg10[%swap3A_89, %swap3A_90] {strides = array<i32>} : memref<128x128xf32, #tpu.memory_space<vmem>>, vector<1x16xf32>,
      %swap3A_92 = vector.shape_cast %swap3A_91 : vector<1x16xf32> to vector<16xf32>
      %swap3A_93 = vector.shape_cast %broadcast_in_dim3A_88 : vector<16xf32> to vector<1x16xf32>
      tpu.vector_store %arg10[%swap3A_89, %swap3A_90], %swap3A_93 {strides = array<i32>} : memref<128x128xf32, #tpu.memory_space<vmem>>, vector<1x16xf32>,
      %broadcast_in_dim3A_94 = arith.constant 0.000000e+00 : f32
      %broadcast_in_dim3A_95 = vector.broadcast %broadcast_in_dim3A_94 : f32 to vector<16xf32>
      %swap3A_96 = arith.index_cast %scan3A_53 : i32 to index
      %swap3A_97 = arith.constant 96 : index
      %swap3A_98 = tpu.vector_load %arg10[%swap3A_96, %swap3A_97] {strides = array<i32>} : memref<128x128xf32, #tpu.memory_space<vmem>>, vector<1x16xf32>,
      %swap3A_99 = vector.shape_cast %swap3A_98 : vector<1x16xf32> to vector<16xf32>
      %swap3A_100 = vector.shape_cast %broadcast_in_dim3A_95 : vector<16xf32> to vector<1x16xf32>
      tpu.vector_store %arg10[%swap3A_96, %swap3A_97], %swap3A_100 {strides = array<i32>} : memref<128x128xf32, #tpu.memory_space<vmem>>, vector<1x16xf32>,
      %broadcast_in_dim3A_101 = arith.constant 0.000000e+00 : f32
      %broadcast_in_dim3A_102 = vector.broadcast %broadcast_in_dim3A_101 : f32 to vector<16xf32>
      %swap3A_103 = arith.index_cast %scan3A_53 : i32 to index
      %swap3A_104 = arith.constant 112 : index
      %swap3A_105 = tpu.vector_load %arg10[%swap3A_103, %swap3A_104] {strides = array<i32>} : memref<128x128xf32, #tpu.memory_space<vmem>>, vector<1x16xf32>,
      %swap3A_106 = vector.shape_cast %swap3A_105 : vector<1x16xf32> to vector<16xf32>
      %swap3A_107 = vector.shape_cast %broadcast_in_dim3A_102 : vector<16xf32> to vector<1x16xf32>
      tpu.vector_store %arg10[%swap3A_103, %swap3A_104], %swap3A_107 {strides = array<i32>} : memref<128x128xf32, #tpu.memory_space<vmem>>, vector<1x16xf32>,
    }
    %scan3A_5 = arith.constant 128 : i32
    %mul3A_6 = arith.constant 640 : i32
    %mul3A_7 = arith.muli %arg1, %mul3A_6 : i32
    %add3A_8 = arith.constant 0 : i32
    %add3A_9 = arith.addi %mul3A_7, %add3A_8 : i32
    "tpu.region"() ({
      %run_scoped3A = tpu.sem_alloc : memref<!tpu.dma_semaphore, #tpu.memory_space<semaphore_mem>>
      %dma_start3A = arith.constant 0 : i32
      %dma_start3A_53 = arith.constant 0 : i32
      %dma_start3A_54 = tpu.memref_slice %arg10[%dma_start3A, %dma_start3A_53] : memref<128x128xf32, #tpu.memory_space<vmem>> -> memref<128x128xf32, #tpu.memory_space<vmem>>
      %dma_start3A_55 = arith.constant 0 : i32
      %dma_start3A_56 = tpu.memref_slice %arg11[%add3A_9, %dma_start3A_55] : memref<10240x128xf32, #tpu.memory_space<vmem_shared>> -> memref<128x128xf32, #tpu.memory_space<vmem_shared>>
      %dma_start3A_57 = arith.constant 0 : i32
      %dma_start3A_58 = tpu.memref_slice %arg11[%add3A_9, %dma_start3A_57] : memref<10240x128xf32, #tpu.memory_space<vmem_shared>> -> memref<128x128xf32, #tpu.memory_space<vmem_shared>>
      %dma_start3A_59 = arith.constant 0 : i32
      %dma_start3A_60 = arith.constant 0 : i32
      %dma_start3A_61 = tpu.memref_slice %arg10[%dma_start3A_59, %dma_start3A_60] : memref<128x128xf32, #tpu.memory_space<vmem>> -> memref<128x128xf32, #tpu.memory_space<vmem>>
      tpu.enqueue_dma source(%dma_start3A_61 : memref<128x128xf32, #tpu.memory_space<vmem>>) target(%dma_start3A_58 : memref<128x128xf32, #tpu.memory_space<vmem_shared>>) target_semaphore(%run_scoped3A : memref<!tpu.dma_semaphore, #tpu.memory_space<semaphore_mem>>)
      %dma_wait3A = arith.constant 0 : i32
      %dma_wait3A_62 = arith.constant 0 : i32
      %dma_wait3A_63 = tpu.memref_slice %arg10[%dma_wait3A, %dma_wait3A_62] : memref<128x128xf32, #tpu.memory_space<vmem>> -> memref<128x128xf32, #tpu.memory_space<vmem>>
      %dma_wait3A_64 = arith.constant 0 : i32
      %dma_wait3A_65 = tpu.memref_slice %arg11[%add3A_9, %dma_wait3A_64] : memref<10240x128xf32, #tpu.memory_space<vmem_shared>> -> memref<128x128xf32, #tpu.memory_space<vmem_shared>>
      %dma_wait3A_66 = arith.constant 0 : i32
      %dma_wait3A_67 = tpu.memref_slice %arg11[%add3A_9, %dma_wait3A_66] : memref<10240x128xf32, #tpu.memory_space<vmem_shared>> -> memref<128x128xf32, #tpu.memory_space<vmem_shared>>
      %dma_wait3A_68 = arith.constant 0 : i32
      %dma_wait3A_69 = arith.constant 0 : i32
      %dma_wait3A_70 = tpu.memref_slice %arg10[%dma_wait3A_68, %dma_wait3A_69] : memref<128x128xf32, #tpu.memory_space<vmem>> -> memref<128x128xf32, #tpu.memory_space<vmem>>
      tpu.wait_dma2 semaphore(%run_scoped3A : memref<!tpu.dma_semaphore, #tpu.memory_space<semaphore_mem>>) src(%dma_wait3A_70 : memref<128x128xf32, #tpu.memory_space<vmem>>) dst(%dma_wait3A_67 : memref<128x128xf32, #tpu.memory_space<vmem_shared>>)
      tpu.yield
    }) : () -> ()
    %mul3A_10 = arith.constant 640 : i32
    %mul3A_11 = arith.muli %arg1, %mul3A_10 : i32
    %add3A_12 = arith.constant 128 : i32
    %add3A_13 = arith.addi %mul3A_11, %add3A_12 : i32
    "tpu.region"() ({
      %run_scoped3A = tpu.sem_alloc : memref<!tpu.dma_semaphore, #tpu.memory_space<semaphore_mem>>
      %dma_start3A = arith.constant 0 : i32
      %dma_start3A_53 = arith.constant 0 : i32
      %dma_start3A_54 = tpu.memref_slice %arg10[%dma_start3A, %dma_start3A_53] : memref<128x128xf32, #tpu.memory_space<vmem>> -> memref<128x128xf32, #tpu.memory_space<vmem>>
      %dma_start3A_55 = arith.constant 0 : i32
      %dma_start3A_56 = tpu.memref_slice %arg11[%add3A_13, %dma_start3A_55] : memref<10240x128xf32, #tpu.memory_space<vmem_shared>> -> memref<128x128xf32, #tpu.memory_space<vmem_shared>>
      %dma_start3A_57 = arith.constant 0 : i32
      %dma_start3A_58 = tpu.memref_slice %arg11[%add3A_13, %dma_start3A_57] : memref<10240x128xf32, #tpu.memory_space<vmem_shared>> -> memref<128x128xf32, #tpu.memory_space<vmem_shared>>
      %dma_start3A_59 = arith.constant 0 : i32
      %dma_start3A_60 = arith.constant 0 : i32
      %dma_start3A_61 = tpu.memref_slice %arg10[%dma_start3A_59, %dma_start3A_60] : memref<128x128xf32, #tpu.memory_space<vmem>> -> memref<128x128xf32, #tpu.memory_space<vmem>>
      tpu.enqueue_dma source(%dma_start3A_61 : memref<128x128xf32, #tpu.memory_space<vmem>>) target(%dma_start3A_58 : memref<128x128xf32, #tpu.memory_space<vmem_shared>>) target_semaphore(%run_scoped3A : memref<!tpu.dma_semaphore, #tpu.memory_space<semaphore_mem>>)
      %dma_wait3A = arith.constant 0 : i32
      %dma_wait3A_62 = arith.constant 0 : i32
      %dma_wait3A_63 = tpu.memref_slice %arg10[%dma_wait3A, %dma_wait3A_62] : memref<128x128xf32, #tpu.memory_space<vmem>> -> memref<128x128xf32, #tpu.memory_space<vmem>>
      %dma_wait3A_64 = arith.constant 0 : i32
      %dma_wait3A_65 = tpu.memref_slice %arg11[%add3A_13, %dma_wait3A_64] : memref<10240x128xf32, #tpu.memory_space<vmem_shared>> -> memref<128x128xf32, #tpu.memory_space<vmem_shared>>
      %dma_wait3A_66 = arith.constant 0 : i32
      %dma_wait3A_67 = tpu.memref_slice %arg11[%add3A_13, %dma_wait3A_66] : memref<10240x128xf32, #tpu.memory_space<vmem_shared>> -> memref<128x128xf32, #tpu.memory_space<vmem_shared>>
      %dma_wait3A_68 = arith.constant 0 : i32
      %dma_wait3A_69 = arith.constant 0 : i32
      %dma_wait3A_70 = tpu.memref_slice %arg10[%dma_wait3A_68, %dma_wait3A_69] : memref<128x128xf32, #tpu.memory_space<vmem>> -> memref<128x128xf32, #tpu.memory_space<vmem>>
      tpu.wait_dma2 semaphore(%run_scoped3A : memref<!tpu.dma_semaphore, #tpu.memory_space<semaphore_mem>>) src(%dma_wait3A_70 : memref<128x128xf32, #tpu.memory_space<vmem>>) dst(%dma_wait3A_67 : memref<128x128xf32, #tpu.memory_space<vmem_shared>>)
      tpu.yield
    }) : () -> ()
    %mul3A_14 = arith.constant 640 : i32
    %mul3A_15 = arith.muli %arg1, %mul3A_14 : i32
    %add3A_16 = arith.constant 256 : i32
    %add3A_17 = arith.addi %mul3A_15, %add3A_16 : i32
    "tpu.region"() ({
      %run_scoped3A = tpu.sem_alloc : memref<!tpu.dma_semaphore, #tpu.memory_space<semaphore_mem>>
      %dma_start3A = arith.constant 0 : i32
      %dma_start3A_53 = arith.constant 0 : i32
      %dma_start3A_54 = tpu.memref_slice %arg10[%dma_start3A, %dma_start3A_53] : memref<128x128xf32, #tpu.memory_space<vmem>> -> memref<128x128xf32, #tpu.memory_space<vmem>>
      %dma_start3A_55 = arith.constant 0 : i32
      %dma_start3A_56 = tpu.memref_slice %arg11[%add3A_17, %dma_start3A_55] : memref<10240x128xf32, #tpu.memory_space<vmem_shared>> -> memref<128x128xf32, #tpu.memory_space<vmem_shared>>
      %dma_start3A_57 = arith.constant 0 : i32
      %dma_start3A_58 = tpu.memref_slice %arg11[%add3A_17, %dma_start3A_57] : memref<10240x128xf32, #tpu.memory_space<vmem_shared>> -> memref<128x128xf32, #tpu.memory_space<vmem_shared>>
      %dma_start3A_59 = arith.constant 0 : i32
      %dma_start3A_60 = arith.constant 0 : i32
      %dma_start3A_61 = tpu.memref_slice %arg10[%dma_start3A_59, %dma_start3A_60] : memref<128x128xf32, #tpu.memory_space<vmem>> -> memref<128x128xf32, #tpu.memory_space<vmem>>
      tpu.enqueue_dma source(%dma_start3A_61 : memref<128x128xf32, #tpu.memory_space<vmem>>) target(%dma_start3A_58 : memref<128x128xf32, #tpu.memory_space<vmem_shared>>) target_semaphore(%run_scoped3A : memref<!tpu.dma_semaphore, #tpu.memory_space<semaphore_mem>>)
      %dma_wait3A = arith.constant 0 : i32
      %dma_wait3A_62 = arith.constant 0 : i32
      %dma_wait3A_63 = tpu.memref_slice %arg10[%dma_wait3A, %dma_wait3A_62] : memref<128x128xf32, #tpu.memory_space<vmem>> -> memref<128x128xf32, #tpu.memory_space<vmem>>
      %dma_wait3A_64 = arith.constant 0 : i32
      %dma_wait3A_65 = tpu.memref_slice %arg11[%add3A_17, %dma_wait3A_64] : memref<10240x128xf32, #tpu.memory_space<vmem_shared>> -> memref<128x128xf32, #tpu.memory_space<vmem_shared>>
      %dma_wait3A_66 = arith.constant 0 : i32
      %dma_wait3A_67 = tpu.memref_slice %arg11[%add3A_17, %dma_wait3A_66] : memref<10240x128xf32, #tpu.memory_space<vmem_shared>> -> memref<128x128xf32, #tpu.memory_space<vmem_shared>>
      %dma_wait3A_68 = arith.constant 0 : i32
      %dma_wait3A_69 = arith.constant 0 : i32
      %dma_wait3A_70 = tpu.memref_slice %arg10[%dma_wait3A_68, %dma_wait3A_69] : memref<128x128xf32, #tpu.memory_space<vmem>> -> memref<128x128xf32, #tpu.memory_space<vmem>>
      tpu.wait_dma2 semaphore(%run_scoped3A : memref<!tpu.dma_semaphore, #tpu.memory_space<semaphore_mem>>) src(%dma_wait3A_70 : memref<128x128xf32, #tpu.memory_space<vmem>>) dst(%dma_wait3A_67 : memref<128x128xf32, #tpu.memory_space<vmem_shared>>)
      tpu.yield
    }) : () -> ()
    %mul3A_18 = arith.constant 640 : i32
    %mul3A_19 = arith.muli %arg1, %mul3A_18 : i32
    %add3A_20 = arith.constant 384 : i32
    %add3A_21 = arith.addi %mul3A_19, %add3A_20 : i32
    "tpu.region"() ({
      %run_scoped3A = tpu.sem_alloc : memref<!tpu.dma_semaphore, #tpu.memory_space<semaphore_mem>>
      %dma_start3A = arith.constant 0 : i32
      %dma_start3A_53 = arith.constant 0 : i32
      %dma_start3A_54 = tpu.memref_slice %arg10[%dma_start3A, %dma_start3A_53] : memref<128x128xf32, #tpu.memory_space<vmem>> -> memref<128x128xf32, #tpu.memory_space<vmem>>
      %dma_start3A_55 = arith.constant 0 : i32
      %dma_start3A_56 = tpu.memref_slice %arg11[%add3A_21, %dma_start3A_55] : memref<10240x128xf32, #tpu.memory_space<vmem_shared>> -> memref<128x128xf32, #tpu.memory_space<vmem_shared>>
      %dma_start3A_57 = arith.constant 0 : i32
      %dma_start3A_58 = tpu.memref_slice %arg11[%add3A_21, %dma_start3A_57] : memref<10240x128xf32, #tpu.memory_space<vmem_shared>> -> memref<128x128xf32, #tpu.memory_space<vmem_shared>>
      %dma_start3A_59 = arith.constant 0 : i32
      %dma_start3A_60 = arith.constant 0 : i32
      %dma_start3A_61 = tpu.memref_slice %arg10[%dma_start3A_59, %dma_start3A_60] : memref<128x128xf32, #tpu.memory_space<vmem>> -> memref<128x128xf32, #tpu.memory_space<vmem>>
      tpu.enqueue_dma source(%dma_start3A_61 : memref<128x128xf32, #tpu.memory_space<vmem>>) target(%dma_start3A_58 : memref<128x128xf32, #tpu.memory_space<vmem_shared>>) target_semaphore(%run_scoped3A : memref<!tpu.dma_semaphore, #tpu.memory_space<semaphore_mem>>)
      %dma_wait3A = arith.constant 0 : i32
      %dma_wait3A_62 = arith.constant 0 : i32
      %dma_wait3A_63 = tpu.memref_slice %arg10[%dma_wait3A, %dma_wait3A_62] : memref<128x128xf32, #tpu.memory_space<vmem>> -> memref<128x128xf32, #tpu.memory_space<vmem>>
      %dma_wait3A_64 = arith.constant 0 : i32
      %dma_wait3A_65 = tpu.memref_slice %arg11[%add3A_21, %dma_wait3A_64] : memref<10240x128xf32, #tpu.memory_space<vmem_shared>> -> memref<128x128xf32, #tpu.memory_space<vmem_shared>>
      %dma_wait3A_66 = arith.constant 0 : i32
      %dma_wait3A_67 = tpu.memref_slice %arg11[%add3A_21, %dma_wait3A_66] : memref<10240x128xf32, #tpu.memory_space<vmem_shared>> -> memref<128x128xf32, #tpu.memory_space<vmem_shared>>
      %dma_wait3A_68 = arith.constant 0 : i32
      %dma_wait3A_69 = arith.constant 0 : i32
      %dma_wait3A_70 = tpu.memref_slice %arg10[%dma_wait3A_68, %dma_wait3A_69] : memref<128x128xf32, #tpu.memory_space<vmem>> -> memref<128x128xf32, #tpu.memory_space<vmem>>
      tpu.wait_dma2 semaphore(%run_scoped3A : memref<!tpu.dma_semaphore, #tpu.memory_space<semaphore_mem>>) src(%dma_wait3A_70 : memref<128x128xf32, #tpu.memory_space<vmem>>) dst(%dma_wait3A_67 : memref<128x128xf32, #tpu.memory_space<vmem_shared>>)
      tpu.yield
    }) : () -> ()
    %mul3A_22 = arith.constant 640 : i32
    %mul3A_23 = arith.muli %arg1, %mul3A_22 : i32
    %add3A_24 = arith.constant 512 : i32
    %add3A_25 = arith.addi %mul3A_23, %add3A_24 : i32
    "tpu.region"() ({
      %run_scoped3A = tpu.sem_alloc : memref<!tpu.dma_semaphore, #tpu.memory_space<semaphore_mem>>
      %dma_start3A = arith.constant 0 : i32
      %dma_start3A_53 = arith.constant 0 : i32
      %dma_start3A_54 = tpu.memref_slice %arg10[%dma_start3A, %dma_start3A_53] : memref<128x128xf32, #tpu.memory_space<vmem>> -> memref<128x128xf32, #tpu.memory_space<vmem>>
      %dma_start3A_55 = arith.constant 0 : i32
      %dma_start3A_56 = tpu.memref_slice %arg11[%add3A_25, %dma_start3A_55] : memref<10240x128xf32, #tpu.memory_space<vmem_shared>> -> memref<128x128xf32, #tpu.memory_space<vmem_shared>>
      %dma_start3A_57 = arith.constant 0 : i32
      %dma_start3A_58 = tpu.memref_slice %arg11[%add3A_25, %dma_start3A_57] : memref<10240x128xf32, #tpu.memory_space<vmem_shared>> -> memref<128x128xf32, #tpu.memory_space<vmem_shared>>
      %dma_start3A_59 = arith.constant 0 : i32
      %dma_start3A_60 = arith.constant 0 : i32
      %dma_start3A_61 = tpu.memref_slice %arg10[%dma_start3A_59, %dma_start3A_60] : memref<128x128xf32, #tpu.memory_space<vmem>> -> memref<128x128xf32, #tpu.memory_space<vmem>>
      tpu.enqueue_dma source(%dma_start3A_61 : memref<128x128xf32, #tpu.memory_space<vmem>>) target(%dma_start3A_58 : memref<128x128xf32, #tpu.memory_space<vmem_shared>>) target_semaphore(%run_scoped3A : memref<!tpu.dma_semaphore, #tpu.memory_space<semaphore_mem>>)
      %dma_wait3A = arith.constant 0 : i32
      %dma_wait3A_62 = arith.constant 0 : i32
      %dma_wait3A_63 = tpu.memref_slice %arg10[%dma_wait3A, %dma_wait3A_62] : memref<128x128xf32, #tpu.memory_space<vmem>> -> memref<128x128xf32, #tpu.memory_space<vmem>>
      %dma_wait3A_64 = arith.constant 0 : i32
      %dma_wait3A_65 = tpu.memref_slice %arg11[%add3A_25, %dma_wait3A_64] : memref<10240x128xf32, #tpu.memory_space<vmem_shared>> -> memref<128x128xf32, #tpu.memory_space<vmem_shared>>
      %dma_wait3A_66 = arith.constant 0 : i32
      %dma_wait3A_67 = tpu.memref_slice %arg11[%add3A_25, %dma_wait3A_66] : memref<10240x128xf32, #tpu.memory_space<vmem_shared>> -> memref<128x128xf32, #tpu.memory_space<vmem_shared>>
      %dma_wait3A_68 = arith.constant 0 : i32
      %dma_wait3A_69 = arith.constant 0 : i32
      %dma_wait3A_70 = tpu.memref_slice %arg10[%dma_wait3A_68, %dma_wait3A_69] : memref<128x128xf32, #tpu.memory_space<vmem>> -> memref<128x128xf32, #tpu.memory_space<vmem>>
      tpu.wait_dma2 semaphore(%run_scoped3A : memref<!tpu.dma_semaphore, #tpu.memory_space<semaphore_mem>>) src(%dma_wait3A_70 : memref<128x128xf32, #tpu.memory_space<vmem>>) dst(%dma_wait3A_67 : memref<128x128xf32, #tpu.memory_space<vmem_shared>>)
      tpu.yield
    }) : () -> ()
    %barrier3A = arith.constant 0 : index
    tpu.barrier barrier_id(%barrier3A)
    %scan3A_26 = arith.constant 0 : i32
    %scan3A_27 = arith.constant 0 : i32
    %scan3A_28 = arith.constant 79 : i32
    %scan3A_29 = arith.addi %scan3A_27, %scan3A_28 : i32
    %scan3A_30 = arith.constant 1 : i32
    scf.for %scan3A_53 = %scan3A_27 to %scan3A_29 step %scan3A_30  : i32 {
      %mul3A_54 = arith.constant 10112 : i32
      %mul3A_55 = arith.muli %add3A, %mul3A_54 : i32
      %mul3A_56 = arith.constant 128 : i32
      %mul3A_57 = arith.muli %scan3A_53, %mul3A_56 : i32
      %add3A_58 = arith.addi %mul3A_55, %mul3A_57 : i32
      "tpu.region"() ({
        %run_scoped3A = tpu.sem_alloc : memref<!tpu.dma_semaphore, #tpu.memory_space<semaphore_mem>>
        %dma_start3A_69 = tpu.memref_slice %arg3[%add3A_58] : memref<323584xi32, #tpu.memory_space<hbm>> -> memref<128xi32, #tpu.memory_space<hbm>>
        %dma_start3A_70 = tpu.memref_slice %arg3[%add3A_58] : memref<323584xi32, #tpu.memory_space<hbm>> -> memref<128xi32, #tpu.memory_space<hbm>>
        tpu.enqueue_dma source(%dma_start3A_70 : memref<128xi32, #tpu.memory_space<hbm>>) target(%arg7 : memref<128xi32, #tpu.memory_space<vmem>>) target_semaphore(%run_scoped3A : memref<!tpu.dma_semaphore, #tpu.memory_space<semaphore_mem>>)
        %dma_wait3A_71 = tpu.memref_slice %arg3[%add3A_58] : memref<323584xi32, #tpu.memory_space<hbm>> -> memref<128xi32, #tpu.memory_space<hbm>>
        %dma_wait3A_72 = tpu.memref_slice %arg3[%add3A_58] : memref<323584xi32, #tpu.memory_space<hbm>> -> memref<128xi32, #tpu.memory_space<hbm>>
        tpu.wait_dma2 semaphore(%run_scoped3A : memref<!tpu.dma_semaphore, #tpu.memory_space<semaphore_mem>>) src(%dma_wait3A_72 : memref<128xi32, #tpu.memory_space<hbm>>) dst(%arg7 : memref<128xi32, #tpu.memory_space<vmem>>)
        tpu.yield
      }) : () -> ()
      "tpu.region"() ({
        %run_scoped3A = tpu.sem_alloc : memref<!tpu.dma_semaphore, #tpu.memory_space<semaphore_mem>>
        %dma_start3A_69 = tpu.memref_slice %arg4[%add3A_58] : memref<323584xi32, #tpu.memory_space<hbm>> -> memref<128xi32, #tpu.memory_space<hbm>>
        %dma_start3A_70 = tpu.memref_slice %arg4[%add3A_58] : memref<323584xi32, #tpu.memory_space<hbm>> -> memref<128xi32, #tpu.memory_space<hbm>>
        tpu.enqueue_dma source(%dma_start3A_70 : memref<128xi32, #tpu.memory_space<hbm>>) target(%arg8 : memref<128xi32, #tpu.memory_space<vmem>>) target_semaphore(%run_scoped3A : memref<!tpu.dma_semaphore, #tpu.memory_space<semaphore_mem>>)
        %dma_wait3A_71 = tpu.memref_slice %arg4[%add3A_58] : memref<323584xi32, #tpu.memory_space<hbm>> -> memref<128xi32, #tpu.memory_space<hbm>>
        %dma_wait3A_72 = tpu.memref_slice %arg4[%add3A_58] : memref<323584xi32, #tpu.memory_space<hbm>> -> memref<128xi32, #tpu.memory_space<hbm>>
        tpu.wait_dma2 semaphore(%run_scoped3A : memref<!tpu.dma_semaphore, #tpu.memory_space<semaphore_mem>>) src(%dma_wait3A_72 : memref<128xi32, #tpu.memory_space<hbm>>) dst(%arg8 : memref<128xi32, #tpu.memory_space<vmem>>)
        tpu.yield
      }) : () -> ()
      "tpu.region"() ({
        %run_scoped3A = tpu.sem_alloc : memref<!tpu.dma_semaphore, #tpu.memory_space<semaphore_mem>>
        %dma_start3A_69 = tpu.memref_slice %arg5[%add3A_58] : memref<323584xf32, #tpu.memory_space<hbm>> -> memref<128xf32, #tpu.memory_space<hbm>>
        %dma_start3A_70 = tpu.memref_slice %arg5[%add3A_58] : memref<323584xf32, #tpu.memory_space<hbm>> -> memref<128xf32, #tpu.memory_space<hbm>>
        tpu.enqueue_dma source(%dma_start3A_70 : memref<128xf32, #tpu.memory_space<hbm>>) target(%arg9 : memref<128xf32, #tpu.memory_space<vmem>>) target_semaphore(%run_scoped3A : memref<!tpu.dma_semaphore, #tpu.memory_space<semaphore_mem>>)
        %dma_wait3A_71 = tpu.memref_slice %arg5[%add3A_58] : memref<323584xf32, #tpu.memory_space<hbm>> -> memref<128xf32, #tpu.memory_space<hbm>>
        %dma_wait3A_72 = tpu.memref_slice %arg5[%add3A_58] : memref<323584xf32, #tpu.memory_space<hbm>> -> memref<128xf32, #tpu.memory_space<hbm>>
        tpu.wait_dma2 semaphore(%run_scoped3A : memref<!tpu.dma_semaphore, #tpu.memory_space<semaphore_mem>>) src(%dma_wait3A_72 : memref<128xf32, #tpu.memory_space<hbm>>) dst(%arg9 : memref<128xf32, #tpu.memory_space<vmem>>)
        tpu.yield
      }) : () -> ()
      %dma_start3A = arith.constant 0 : i32
      %dma_start3A_59 = arith.constant 0 : i32
      %dma_start3A_60 = tpu.memref_slice %arg2[%dma_start3A, %dma_start3A_59] : memref<10000x128xf32, #tpu.memory_space<hbm>> -> memref<10000x128xf32, #tpu.memory_space<hbm>>
      tpu.enqueue_indirect_dma source(%dma_start3A_60 : memref<10000x128xf32, #tpu.memory_space<hbm>>) target(%arg10 : memref<128x128xf32, #tpu.memory_space<vmem>>) offsets(%arg7 : memref<128xi32, #tpu.memory_space<vmem>>) semaphore(%arg12 : memref<!tpu.dma_semaphore, #tpu.memory_space<semaphore_mem>>)
      %dma_wait3A = arith.constant 0 : i32
      %dma_wait3A_61 = arith.constant 0 : i32
      %dma_wait3A_62 = tpu.memref_slice %arg2[%dma_wait3A, %dma_wait3A_61] : memref<10000x128xf32, #tpu.memory_space<hbm>> -> memref<10000x128xf32, #tpu.memory_space<hbm>>
      tpu.wait_indirect_dma semaphore(%arg12 : memref<!tpu.dma_semaphore, #tpu.memory_space<semaphore_mem>>) src(%dma_wait3A_62 : memref<10000x128xf32, #tpu.memory_space<hbm>>) dst(%arg10 : memref<128x128xf32, #tpu.memory_space<vmem>>)
      %scan3A_63 = arith.constant 0 : i32
      %scan3A_64 = arith.constant 0 : i32
      %scan3A_65 = arith.constant 8 : i32
      %scan3A_66 = arith.addi %scan3A_64, %scan3A_65 : i32
      %scan3A_67 = arith.constant 1 : i32
      scf.for %scan3A_69 = %scan3A_64 to %scan3A_66 step %scan3A_67  : i32 {
        %mul3A_70 = arith.constant 16 : i32
        %mul3A_71 = arith.muli %scan3A_69, %mul3A_70 : i32
        %get3A = arith.index_cast %mul3A_71 : i32 to index
        %get3A_72 = tpu.vector_load %arg9[%get3A] {strides = array<i32>} : memref<128xf32, #tpu.memory_space<vmem>>, vector<16xf32>,
        %get3A_73 = vector.shape_cast %get3A_72 : vector<16xf32> to vector<16xf32>
        %broadcast_in_dim3A = arith.constant 0 : i32
        %broadcast_in_dim3A_74 = vector.broadcast %broadcast_in_dim3A : i32 to vector<16x1xi32>
        %gather3A = vector.shape_cast %broadcast_in_dim3A_74 : vector<16x1xi32> to vector<16xi32>
        %gather3A_75 = tpu.dynamic_gather %get3A_73[%gather3A] in [0] : vector<16xf32>, vector<16xi32> -> vector<16xf32>
        %mul3A_76 = arith.constant 16 : i32
        %mul3A_77 = arith.muli %scan3A_69, %mul3A_76 : i32
        %add3A_78 = arith.constant 0 : i32
        %add3A_79 = arith.addi %mul3A_77, %add3A_78 : i32
        %get3A_80 = arith.index_cast %add3A_79 : i32 to index
        %get3A_81 = arith.constant 0 : index
        %get3A_82 = tpu.vector_load %arg10[%get3A_80, %get3A_81] {strides = array<i32>} : memref<128x128xf32, #tpu.memory_space<vmem>>, vector<1x16xf32>,
        %get3A_83 = vector.shape_cast %get3A_82 : vector<1x16xf32> to vector<16xf32>
        %mul3A_84 = arith.mulf %get3A_83, %gather3A_75 : vector<16xf32>
        %swap3A = arith.index_cast %add3A_79 : i32 to index
        %swap3A_85 = arith.constant 0 : index
        %swap3A_86 = tpu.vector_load %arg10[%swap3A, %swap3A_85] {strides = array<i32>} : memref<128x128xf32, #tpu.memory_space<vmem>>, vector<1x16xf32>,
        %swap3A_87 = vector.shape_cast %swap3A_86 : vector<1x16xf32> to vector<16xf32>
        %swap3A_88 = vector.shape_cast %mul3A_84 : vector<16xf32> to vector<1x16xf32>
        tpu.vector_store %arg10[%swap3A, %swap3A_85], %swap3A_88 {strides = array<i32>} : memref<128x128xf32, #tpu.memory_space<vmem>>, vector<1x16xf32>,
        %get3A_89 = arith.index_cast %add3A_79 : i32 to index
        %get3A_90 = arith.constant 16 : index
        %get3A_91 = tpu.vector_load %arg10[%get3A_89, %get3A_90] {strides = array<i32>} : memref<128x128xf32, #tpu.memory_space<vmem>>, vector<1x16xf32>,
        %get3A_92 = vector.shape_cast %get3A_91 : vector<1x16xf32> to vector<16xf32>
        %mul3A_93 = arith.mulf %get3A_92, %gather3A_75 : vector<16xf32>
        %swap3A_94 = arith.index_cast %add3A_79 : i32 to index
        %swap3A_95 = arith.constant 16 : index
        %swap3A_96 = tpu.vector_load %arg10[%swap3A_94, %swap3A_95] {strides = array<i32>} : memref<128x128xf32, #tpu.memory_space<vmem>>, vector<1x16xf32>,
        %swap3A_97 = vector.shape_cast %swap3A_96 : vector<1x16xf32> to vector<16xf32>
        %swap3A_98 = vector.shape_cast %mul3A_93 : vector<16xf32> to vector<1x16xf32>
        tpu.vector_store %arg10[%swap3A_94, %swap3A_95], %swap3A_98 {strides = array<i32>} : memref<128x128xf32, #tpu.memory_space<vmem>>, vector<1x16xf32>,
        %get3A_99 = arith.index_cast %add3A_79 : i32 to index
        %get3A_100 = arith.constant 32 : index
        %get3A_101 = tpu.vector_load %arg10[%get3A_99, %get3A_100] {strides = array<i32>} : memref<128x128xf32, #tpu.memory_space<vmem>>, vector<1x16xf32>,
        %get3A_102 = vector.shape_cast %get3A_101 : vector<1x16xf32> to vector<16xf32>
        %mul3A_103 = arith.mulf %get3A_102, %gather3A_75 : vector<16xf32>
        %swap3A_104 = arith.index_cast %add3A_79 : i32 to index
        %swap3A_105 = arith.constant 32 : index
        %swap3A_106 = tpu.vector_load %arg10[%swap3A_104, %swap3A_105] {strides = array<i32>} : memref<128x128xf32, #tpu.memory_space<vmem>>, vector<1x16xf32>,
        %swap3A_107 = vector.shape_cast %swap3A_106 : vector<1x16xf32> to vector<16xf32>
        %swap3A_108 = vector.shape_cast %mul3A_103 : vector<16xf32> to vector<1x16xf32>
        tpu.vector_store %arg10[%swap3A_104, %swap3A_105], %swap3A_108 {strides = array<i32>} : memref<128x128xf32, #tpu.memory_space<vmem>>, vector<1x16xf32>,
        %get3A_109 = arith.index_cast %add3A_79 : i32 to index
        %get3A_110 = arith.constant 48 : index
        %get3A_111 = tpu.vector_load %arg10[%get3A_109, %get3A_110] {strides = array<i32>} : memref<128x128xf32, #tpu.memory_space<vmem>>, vector<1x16xf32>,
        %get3A_112 = vector.shape_cast %get3A_111 : vector<1x16xf32> to vector<16xf32>
        %mul3A_113 = arith.mulf %get3A_112, %gather3A_75 : vector<16xf32>
        %swap3A_114 = arith.index_cast %add3A_79 : i32 to index
        %swap3A_115 = arith.constant 48 : index
        %swap3A_116 = tpu.vector_load %arg10[%swap3A_114, %swap3A_115] {strides = array<i32>} : memref<128x128xf32, #tpu.memory_space<vmem>>, vector<1x16xf32>,
        %swap3A_117 = vector.shape_cast %swap3A_116 : vector<1x16xf32> to vector<16xf32>
        %swap3A_118 = vector.shape_cast %mul3A_113 : vector<16xf32> to vector<1x16xf32>
        tpu.vector_store %arg10[%swap3A_114, %swap3A_115], %swap3A_118 {strides = array<i32>} : memref<128x128xf32, #tpu.memory_space<vmem>>, vector<1x16xf32>,
        %get3A_119 = arith.index_cast %add3A_79 : i32 to index
        %get3A_120 = arith.constant 64 : index
        %get3A_121 = tpu.vector_load %arg10[%get3A_119, %get3A_120] {strides = array<i32>} : memref<128x128xf32, #tpu.memory_space<vmem>>, vector<1x16xf32>,
        %get3A_122 = vector.shape_cast %get3A_121 : vector<1x16xf32> to vector<16xf32>
        %mul3A_123 = arith.mulf %get3A_122, %gather3A_75 : vector<16xf32>
        %swap3A_124 = arith.index_cast %add3A_79 : i32 to index
        %swap3A_125 = arith.constant 64 : index
        %swap3A_126 = tpu.vector_load %arg10[%swap3A_124, %swap3A_125] {strides = array<i32>} : memref<128x128xf32, #tpu.memory_space<vmem>>, vector<1x16xf32>,
        %swap3A_127 = vector.shape_cast %swap3A_126 : vector<1x16xf32> to vector<16xf32>
        %swap3A_128 = vector.shape_cast %mul3A_123 : vector<16xf32> to vector<1x16xf32>
        tpu.vector_store %arg10[%swap3A_124, %swap3A_125], %swap3A_128 {strides = array<i32>} : memref<128x128xf32, #tpu.memory_space<vmem>>, vector<1x16xf32>,
        %get3A_129 = arith.index_cast %add3A_79 : i32 to index
        %get3A_130 = arith.constant 80 : index
        %get3A_131 = tpu.vector_load %arg10[%get3A_129, %get3A_130] {strides = array<i32>} : memref<128x128xf32, #tpu.memory_space<vmem>>, vector<1x16xf32>,
        %get3A_132 = vector.shape_cast %get3A_131 : vector<1x16xf32> to vector<16xf32>
        %mul3A_133 = arith.mulf %get3A_132, %gather3A_75 : vector<16xf32>
        %swap3A_134 = arith.index_cast %add3A_79 : i32 to index
        %swap3A_135 = arith.constant 80 : index
        %swap3A_136 = tpu.vector_load %arg10[%swap3A_134, %swap3A_135] {strides = array<i32>} : memref<128x128xf32, #tpu.memory_space<vmem>>, vector<1x16xf32>,
        %swap3A_137 = vector.shape_cast %swap3A_136 : vector<1x16xf32> to vector<16xf32>
        %swap3A_138 = vector.shape_cast %mul3A_133 : vector<16xf32> to vector<1x16xf32>
        tpu.vector_store %arg10[%swap3A_134, %swap3A_135], %swap3A_138 {strides = array<i32>} : memref<128x128xf32, #tpu.memory_space<vmem>>, vector<1x16xf32>,
        %get3A_139 = arith.index_cast %add3A_79 : i32 to index
        %get3A_140 = arith.constant 96 : index
        %get3A_141 = tpu.vector_load %arg10[%get3A_139, %get3A_140] {strides = array<i32>} : memref<128x128xf32, #tpu.memory_space<vmem>>, vector<1x16xf32>,
        %get3A_142 = vector.shape_cast %get3A_141 : vector<1x16xf32> to vector<16xf32>
        %mul3A_143 = arith.mulf %get3A_142, %gather3A_75 : vector<16xf32>
        %swap3A_144 = arith.index_cast %add3A_79 : i32 to index
        %swap3A_145 = arith.constant 96 : index
        %swap3A_146 = tpu.vector_load %arg10[%swap3A_144, %swap3A_145] {strides = array<i32>} : memref<128x128xf32, #tpu.memory_space<vmem>>, vector<1x16xf32>,
        %swap3A_147 = vector.shape_cast %swap3A_146 : vector<1x16xf32> to vector<16xf32>
        %swap3A_148 = vector.shape_cast %mul3A_143 : vector<16xf32> to vector<1x16xf32>
        tpu.vector_store %arg10[%swap3A_144, %swap3A_145], %swap3A_148 {strides = array<i32>} : memref<128x128xf32, #tpu.memory_space<vmem>>, vector<1x16xf32>,
        %get3A_149 = arith.index_cast %add3A_79 : i32 to index
        %get3A_150 = arith.constant 112 : index
        %get3A_151 = tpu.vector_load %arg10[%get3A_149, %get3A_150] {strides = array<i32>} : memref<128x128xf32, #tpu.memory_space<vmem>>, vector<1x16xf32>,
        %get3A_152 = vector.shape_cast %get3A_151 : vector<1x16xf32> to vector<16xf32>
        %mul3A_153 = arith.mulf %get3A_152, %gather3A_75 : vector<16xf32>
        %swap3A_154 = arith.index_cast %add3A_79 : i32 to index
        %swap3A_155 = arith.constant 112 : index
        %swap3A_156 = tpu.vector_load %arg10[%swap3A_154, %swap3A_155] {strides = array<i32>} : memref<128x128xf32, #tpu.memory_space<vmem>>, vector<1x16xf32>,
        %swap3A_157 = vector.shape_cast %swap3A_156 : vector<1x16xf32> to vector<16xf32>
        %swap3A_158 = vector.shape_cast %mul3A_153 : vector<16xf32> to vector<1x16xf32>
        tpu.vector_store %arg10[%swap3A_154, %swap3A_155], %swap3A_158 {strides = array<i32>} : memref<128x128xf32, #tpu.memory_space<vmem>>, vector<1x16xf32>,
        %broadcast_in_dim3A_159 = arith.constant 1 : i32
        %broadcast_in_dim3A_160 = vector.broadcast %broadcast_in_dim3A_159 : i32 to vector<16x1xi32>
        %gather3A_161 = vector.shape_cast %broadcast_in_dim3A_160 : vector<16x1xi32> to vector<16xi32>
        %gather3A_162 = tpu.dynamic_gather %get3A_73[%gather3A_161] in [0] : vector<16xf32>, vector<16xi32> -> vector<16xf32>
        %mul3A_163 = arith.constant 16 : i32
        %mul3A_164 = arith.muli %scan3A_69, %mul3A_163 : i32
        %add3A_165 = arith.constant 1 : i32
        %add3A_166 = arith.addi %mul3A_164, %add3A_165 : i32
        %get3A_167 = arith.index_cast %add3A_166 : i32 to index
        %get3A_168 = arith.constant 0 : index
        %get3A_169 = tpu.vector_load %arg10[%get3A_167, %get3A_168] {strides = array<i32>} : memref<128x128xf32, #tpu.memory_space<vmem>>, vector<1x16xf32>,
        %get3A_170 = vector.shape_cast %get3A_169 : vector<1x16xf32> to vector<16xf32>
        %mul3A_171 = arith.mulf %get3A_170, %gather3A_162 : vector<16xf32>
        %swap3A_172 = arith.index_cast %add3A_166 : i32 to index
        %swap3A_173 = arith.constant 0 : index
        %swap3A_174 = tpu.vector_load %arg10[%swap3A_172, %swap3A_173] {strides = array<i32>} : memref<128x128xf32, #tpu.memory_space<vmem>>, vector<1x16xf32>,
        %swap3A_175 = vector.shape_cast %swap3A_174 : vector<1x16xf32> to vector<16xf32>
        %swap3A_176 = vector.shape_cast %mul3A_171 : vector<16xf32> to vector<1x16xf32>
        tpu.vector_store %arg10[%swap3A_172, %swap3A_173], %swap3A_176 {strides = array<i32>} : memref<128x128xf32, #tpu.memory_space<vmem>>, vector<1x16xf32>,
        %get3A_177 = arith.index_cast %add3A_166 : i32 to index
        %get3A_178 = arith.constant 16 : index
        %get3A_179 = tpu.vector_load %arg10[%get3A_177, %get3A_178] {strides = array<i32>} : memref<128x128xf32, #tpu.memory_space<vmem>>, vector<1x16xf32>,
        %get3A_180 = vector.shape_cast %get3A_179 : vector<1x16xf32> to vector<16xf32>
        %mul3A_181 = arith.mulf %get3A_180, %gather3A_162 : vector<16xf32>
        %swap3A_182 = arith.index_cast %add3A_166 : i32 to index
        %swap3A_183 = arith.constant 16 : index
        %swap3A_184 = tpu.vector_load %arg10[%swap3A_182, %swap3A_183] {strides = array<i32>} : memref<128x128xf32, #tpu.memory_space<vmem>>, vector<1x16xf32>,
        %swap3A_185 = vector.shape_cast %swap3A_184 : vector<1x16xf32> to vector<16xf32>
        %swap3A_186 = vector.shape_cast %mul3A_181 : vector<16xf32> to vector<1x16xf32>
        tpu.vector_store %arg10[%swap3A_182, %swap3A_183], %swap3A_186 {strides = array<i32>} : memref<128x128xf32, #tpu.memory_space<vmem>>, vector<1x16xf32>,
        %get3A_187 = arith.index_cast %add3A_166 : i32 to index
        %get3A_188 = arith.constant 32 : index
        %get3A_189 = tpu.vector_load %arg10[%get3A_187, %get3A_188] {strides = array<i32>} : memref<128x128xf32, #tpu.memory_space<vmem>>, vector<1x16xf32>,
        %get3A_190 = vector.shape_cast %get3A_189 : vector<1x16xf32> to vector<16xf32>
        %mul3A_191 = arith.mulf %get3A_190, %gather3A_162 : vector<16xf32>
        %swap3A_192 = arith.index_cast %add3A_166 : i32 to index
        %swap3A_193 = arith.constant 32 : index
        %swap3A_194 = tpu.vector_load %arg10[%swap3A_192, %swap3A_193] {strides = array<i32>} : memref<128x128xf32, #tpu.memory_space<vmem>>, vector<1x16xf32>,
        %swap3A_195 = vector.shape_cast %swap3A_194 : vector<1x16xf32> to vector<16xf32>
        %swap3A_196 = vector.shape_cast %mul3A_191 : vector<16xf32> to vector<1x16xf32>
        tpu.vector_store %arg10[%swap3A_192, %swap3A_193], %swap3A_196 {strides = array<i32>} : memref<128x128xf32, #tpu.memory_space<vmem>>, vector<1x16xf32>,
        %get3A_197 = arith.index_cast %add3A_166 : i32 to index
        %get3A_198 = arith.constant 48 : index
        %get3A_199 = tpu.vector_load %arg10[%get3A_197, %get3A_198] {strides = array<i32>} : memref<128x128xf32, #tpu.memory_space<vmem>>, vector<1x16xf32>,
        %get3A_200 = vector.shape_cast %get3A_199 : vector<1x16xf32> to vector<16xf32>
        %mul3A_201 = arith.mulf %get3A_200, %gather3A_162 : vector<16xf32>
        %swap3A_202 = arith.index_cast %add3A_166 : i32 to index
        %swap3A_203 = arith.constant 48 : index
        %swap3A_204 = tpu.vector_load %arg10[%swap3A_202, %swap3A_203] {strides = array<i32>} : memref<128x128xf32, #tpu.memory_space<vmem>>, vector<1x16xf32>,
        %swap3A_205 = vector.shape_cast %swap3A_204 : vector<1x16xf32> to vector<16xf32>
        %swap3A_206 = vector.shape_cast %mul3A_201 : vector<16xf32> to vector<1x16xf32>
        tpu.vector_store %arg10[%swap3A_202, %swap3A_203], %swap3A_206 {strides = array<i32>} : memref<128x128xf32, #tpu.memory_space<vmem>>, vector<1x16xf32>,
        %get3A_207 = arith.index_cast %add3A_166 : i32 to index
        %get3A_208 = arith.constant 64 : index
        %get3A_209 = tpu.vector_load %arg10[%get3A_207, %get3A_208] {strides = array<i32>} : memref<128x128xf32, #tpu.memory_space<vmem>>, vector<1x16xf32>,
        %get3A_210 = vector.shape_cast %get3A_209 : vector<1x16xf32> to vector<16xf32>
        %mul3A_211 = arith.mulf %get3A_210, %gather3A_162 : vector<16xf32>
        %swap3A_212 = arith.index_cast %add3A_166 : i32 to index
        %swap3A_213 = arith.constant 64 : index
        %swap3A_214 = tpu.vector_load %arg10[%swap3A_212, %swap3A_213] {strides = array<i32>} : memref<128x128xf32, #tpu.memory_space<vmem>>, vector<1x16xf32>,
        %swap3A_215 = vector.shape_cast %swap3A_214 : vector<1x16xf32> to vector<16xf32>
        %swap3A_216 = vector.shape_cast %mul3A_211 : vector<16xf32> to vector<1x16xf32>
        tpu.vector_store %arg10[%swap3A_212, %swap3A_213], %swap3A_216 {strides = array<i32>} : memref<128x128xf32, #tpu.memory_space<vmem>>, vector<1x16xf32>,
        %get3A_217 = arith.index_cast %add3A_166 : i32 to index
        %get3A_218 = arith.constant 80 : index
        %get3A_219 = tpu.vector_load %arg10[%get3A_217, %get3A_218] {strides = array<i32>} : memref<128x128xf32, #tpu.memory_space<vmem>>, vector<1x16xf32>,
        %get3A_220 = vector.shape_cast %get3A_219 : vector<1x16xf32> to vector<16xf32>
        %mul3A_221 = arith.mulf %get3A_220, %gather3A_162 : vector<16xf32>
        %swap3A_222 = arith.index_cast %add3A_166 : i32 to index
        %swap3A_223 = arith.constant 80 : index
        %swap3A_224 = tpu.vector_load %arg10[%swap3A_222, %swap3A_223] {strides = array<i32>} : memref<128x128xf32, #tpu.memory_space<vmem>>, vector<1x16xf32>,
        %swap3A_225 = vector.shape_cast %swap3A_224 : vector<1x16xf32> to vector<16xf32>
        %swap3A_226 = vector.shape_cast %mul3A_221 : vector<16xf32> to vector<1x16xf32>
        tpu.vector_store %arg10[%swap3A_222, %swap3A_223], %swap3A_226 {strides = array<i32>} : memref<128x128xf32, #tpu.memory_space<vmem>>, vector<1x16xf32>,
        %get3A_227 = arith.index_cast %add3A_166 : i32 to index
        %get3A_228 = arith.constant 96 : index
        %get3A_229 = tpu.vector_load %arg10[%get3A_227, %get3A_228] {strides = array<i32>} : memref<128x128xf32, #tpu.memory_space<vmem>>, vector<1x16xf32>,
        %get3A_230 = vector.shape_cast %get3A_229 : vector<1x16xf32> to vector<16xf32>
        %mul3A_231 = arith.mulf %get3A_230, %gather3A_162 : vector<16xf32>
        %swap3A_232 = arith.index_cast %add3A_166 : i32 to index
        %swap3A_233 = arith.constant 96 : index
        %swap3A_234 = tpu.vector_load %arg10[%swap3A_232, %swap3A_233] {strides = array<i32>} : memref<128x128xf32, #tpu.memory_space<vmem>>, vector<1x16xf32>,
        %swap3A_235 = vector.shape_cast %swap3A_234 : vector<1x16xf32> to vector<16xf32>
        %swap3A_236 = vector.shape_cast %mul3A_231 : vector<16xf32> to vector<1x16xf32>
        tpu.vector_store %arg10[%swap3A_232, %swap3A_233], %swap3A_236 {strides = array<i32>} : memref<128x128xf32, #tpu.memory_space<vmem>>, vector<1x16xf32>,
        %get3A_237 = arith.index_cast %add3A_166 : i32 to index
        %get3A_238 = arith.constant 112 : index
        %get3A_239 = tpu.vector_load %arg10[%get3A_237, %get3A_238] {strides = array<i32>} : memref<128x128xf32, #tpu.memory_space<vmem>>, vector<1x16xf32>,
        %get3A_240 = vector.shape_cast %get3A_239 : vector<1x16xf32> to vector<16xf32>
        %mul3A_241 = arith.mulf %get3A_240, %gather3A_162 : vector<16xf32>
        %swap3A_242 = arith.index_cast %add3A_166 : i32 to index
        %swap3A_243 = arith.constant 112 : index
        %swap3A_244 = tpu.vector_load %arg10[%swap3A_242, %swap3A_243] {strides = array<i32>} : memref<128x128xf32, #tpu.memory_space<vmem>>, vector<1x16xf32>,
        %swap3A_245 = vector.shape_cast %swap3A_244 : vector<1x16xf32> to vector<16xf32>
        %swap3A_246 = vector.shape_cast %mul3A_241 : vector<16xf32> to vector<1x16xf32>
        tpu.vector_store %arg10[%swap3A_242, %swap3A_243], %swap3A_246 {strides = array<i32>} : memref<128x128xf32, #tpu.memory_space<vmem>>, vector<1x16xf32>,
        %broadcast_in_dim3A_247 = arith.constant 2 : i32
        %broadcast_in_dim3A_248 = vector.broadcast %broadcast_in_dim3A_247 : i32 to vector<16x1xi32>
        %gather3A_249 = vector.shape_cast %broadcast_in_dim3A_248 : vector<16x1xi32> to vector<16xi32>
        %gather3A_250 = tpu.dynamic_gather %get3A_73[%gather3A_249] in [0] : vector<16xf32>, vector<16xi32> -> vector<16xf32>
        %mul3A_251 = arith.constant 16 : i32
        %mul3A_252 = arith.muli %scan3A_69, %mul3A_251 : i32
        %add3A_253 = arith.constant 2 : i32
        %add3A_254 = arith.addi %mul3A_252, %add3A_253 : i32
        %get3A_255 = arith.index_cast %add3A_254 : i32 to index
        %get3A_256 = arith.constant 0 : index
        %get3A_257 = tpu.vector_load %arg10[%get3A_255, %get3A_256] {strides = array<i32>} : memref<128x128xf32, #tpu.memory_space<vmem>>, vector<1x16xf32>,
        %get3A_258 = vector.shape_cast %get3A_257 : vector<1x16xf32> to vector<16xf32>
        %mul3A_259 = arith.mulf %get3A_258, %gather3A_250 : vector<16xf32>
        %swap3A_260 = arith.index_cast %add3A_254 : i32 to index
        %swap3A_261 = arith.constant 0 : index
        %swap3A_262 = tpu.vector_load %arg10[%swap3A_260, %swap3A_261] {strides = array<i32>} : memref<128x128xf32, #tpu.memory_space<vmem>>, vector<1x16xf32>,
        %swap3A_263 = vector.shape_cast %swap3A_262 : vector<1x16xf32> to vector<16xf32>
        %swap3A_264 = vector.shape_cast %mul3A_259 : vector<16xf32> to vector<1x16xf32>
        tpu.vector_store %arg10[%swap3A_260, %swap3A_261], %swap3A_264 {strides = array<i32>} : memref<128x128xf32, #tpu.memory_space<vmem>>, vector<1x16xf32>,
        %get3A_265 = arith.index_cast %add3A_254 : i32 to index
        %get3A_266 = arith.constant 16 : index
        %get3A_267 = tpu.vector_load %arg10[%get3A_265, %get3A_266] {strides = array<i32>} : memref<128x128xf32, #tpu.memory_space<vmem>>, vector<1x16xf32>,
        %get3A_268 = vector.shape_cast %get3A_267 : vector<1x16xf32> to vector<16xf32>
        %mul3A_269 = arith.mulf %get3A_268, %gather3A_250 : vector<16xf32>
        %swap3A_270 = arith.index_cast %add3A_254 : i32 to index
        %swap3A_271 = arith.constant 16 : index
        %swap3A_272 = tpu.vector_load %arg10[%swap3A_270, %swap3A_271] {strides = array<i32>} : memref<128x128xf32, #tpu.memory_space<vmem>>, vector<1x16xf32>,
        %swap3A_273 = vector.shape_cast %swap3A_272 : vector<1x16xf32> to vector<16xf32>
        %swap3A_274 = vector.shape_cast %mul3A_269 : vector<16xf32> to vector<1x16xf32>
        tpu.vector_store %arg10[%swap3A_270, %swap3A_271], %swap3A_274 {strides = array<i32>} : memref<128x128xf32, #tpu.memory_space<vmem>>, vector<1x16xf32>,
        %get3A_275 = arith.index_cast %add3A_254 : i32 to index
        %get3A_276 = arith.constant 32 : index
        %get3A_277 = tpu.vector_load %arg10[%get3A_275, %get3A_276] {strides = array<i32>} : memref<128x128xf32, #tpu.memory_space<vmem>>, vector<1x16xf32>,
        %get3A_278 = vector.shape_cast %get3A_277 : vector<1x16xf32> to vector<16xf32>
        %mul3A_279 = arith.mulf %get3A_278, %gather3A_250 : vector<16xf32>
        %swap3A_280 = arith.index_cast %add3A_254 : i32 to index
        %swap3A_281 = arith.constant 32 : index
        %swap3A_282 = tpu.vector_load %arg10[%swap3A_280, %swap3A_281] {strides = array<i32>} : memref<128x128xf32, #tpu.memory_space<vmem>>, vector<1x16xf32>,
        %swap3A_283 = vector.shape_cast %swap3A_282 : vector<1x16xf32> to vector<16xf32>
        %swap3A_284 = vector.shape_cast %mul3A_279 : vector<16xf32> to vector<1x16xf32>
        tpu.vector_store %arg10[%swap3A_280, %swap3A_281], %swap3A_284 {strides = array<i32>} : memref<128x128xf32, #tpu.memory_space<vmem>>, vector<1x16xf32>,
        %get3A_285 = arith.index_cast %add3A_254 : i32 to index
        %get3A_286 = arith.constant 48 : index
        %get3A_287 = tpu.vector_load %arg10[%get3A_285, %get3A_286] {strides = array<i32>} : memref<128x128xf32, #tpu.memory_space<vmem>>, vector<1x16xf32>,
        %get3A_288 = vector.shape_cast %get3A_287 : vector<1x16xf32> to vector<16xf32>
        %mul3A_289 = arith.mulf %get3A_288, %gather3A_250 : vector<16xf32>
        %swap3A_290 = arith.index_cast %add3A_254 : i32 to index
        %swap3A_291 = arith.constant 48 : index
        %swap3A_292 = tpu.vector_load %arg10[%swap3A_290, %swap3A_291] {strides = array<i32>} : memref<128x128xf32, #tpu.memory_space<vmem>>, vector<1x16xf32>,
        %swap3A_293 = vector.shape_cast %swap3A_292 : vector<1x16xf32> to vector<16xf32>
        %swap3A_294 = vector.shape_cast %mul3A_289 : vector<16xf32> to vector<1x16xf32>
        tpu.vector_store %arg10[%swap3A_290, %swap3A_291], %swap3A_294 {strides = array<i32>} : memref<128x128xf32, #tpu.memory_space<vmem>>, vector<1x16xf32>,
        %get3A_295 = arith.index_cast %add3A_254 : i32 to index
        %get3A_296 = arith.constant 64 : index
        %get3A_297 = tpu.vector_load %arg10[%get3A_295, %get3A_296] {strides = array<i32>} : memref<128x128xf32, #tpu.memory_space<vmem>>, vector<1x16xf32>,
        %get3A_298 = vector.shape_cast %get3A_297 : vector<1x16xf32> to vector<16xf32>
        %mul3A_299 = arith.mulf %get3A_298, %gather3A_250 : vector<16xf32>
        %swap3A_300 = arith.index_cast %add3A_254 : i32 to index
        %swap3A_301 = arith.constant 64 : index
        %swap3A_302 = tpu.vector_load %arg10[%swap3A_300, %swap3A_301] {strides = array<i32>} : memref<128x128xf32, #tpu.memory_space<vmem>>, vector<1x16xf32>,
        %swap3A_303 = vector.shape_cast %swap3A_302 : vector<1x16xf32> to vector<16xf32>
        %swap3A_304 = vector.shape_cast %mul3A_299 : vector<16xf32> to vector<1x16xf32>
        tpu.vector_store %arg10[%swap3A_300, %swap3A_301], %swap3A_304 {strides = array<i32>} : memref<128x128xf32, #tpu.memory_space<vmem>>, vector<1x16xf32>,
        %get3A_305 = arith.index_cast %add3A_254 : i32 to index
        %get3A_306 = arith.constant 80 : index
        %get3A_307 = tpu.vector_load %arg10[%get3A_305, %get3A_306] {strides = array<i32>} : memref<128x128xf32, #tpu.memory_space<vmem>>, vector<1x16xf32>,
        %get3A_308 = vector.shape_cast %get3A_307 : vector<1x16xf32> to vector<16xf32>
        %mul3A_309 = arith.mulf %get3A_308, %gather3A_250 : vector<16xf32>
        %swap3A_310 = arith.index_cast %add3A_254 : i32 to index
        %swap3A_311 = arith.constant 80 : index
        %swap3A_312 = tpu.vector_load %arg10[%swap3A_310, %swap3A_311] {strides = array<i32>} : memref<128x128xf32, #tpu.memory_space<vmem>>, vector<1x16xf32>,
        %swap3A_313 = vector.shape_cast %swap3A_312 : vector<1x16xf32> to vector<16xf32>
        %swap3A_314 = vector.shape_cast %mul3A_309 : vector<16xf32> to vector<1x16xf32>
        tpu.vector_store %arg10[%swap3A_310, %swap3A_311], %swap3A_314 {strides = array<i32>} : memref<128x128xf32, #tpu.memory_space<vmem>>, vector<1x16xf32>,
        %get3A_315 = arith.index_cast %add3A_254 : i32 to index
        %get3A_316 = arith.constant 96 : index
        %get3A_317 = tpu.vector_load %arg10[%get3A_315, %get3A_316] {strides = array<i32>} : memref<128x128xf32, #tpu.memory_space<vmem>>, vector<1x16xf32>,
        %get3A_318 = vector.shape_cast %get3A_317 : vector<1x16xf32> to vector<16xf32>
        %mul3A_319 = arith.mulf %get3A_318, %gather3A_250 : vector<16xf32>
        %swap3A_320 = arith.index_cast %add3A_254 : i32 to index
        %swap3A_321 = arith.constant 96 : index
        %swap3A_322 = tpu.vector_load %arg10[%swap3A_320, %swap3A_321] {strides = array<i32>} : memref<128x128xf32, #tpu.memory_space<vmem>>, vector<1x16xf32>,
        %swap3A_323 = vector.shape_cast %swap3A_322 : vector<1x16xf32> to vector<16xf32>
        %swap3A_324 = vector.shape_cast %mul3A_319 : vector<16xf32> to vector<1x16xf32>
        tpu.vector_store %arg10[%swap3A_320, %swap3A_321], %swap3A_324 {strides = array<i32>} : memref<128x128xf32, #tpu.memory_space<vmem>>, vector<1x16xf32>,
        %get3A_325 = arith.index_cast %add3A_254 : i32 to index
        %get3A_326 = arith.constant 112 : index
        %get3A_327 = tpu.vector_load %arg10[%get3A_325, %get3A_326] {strides = array<i32>} : memref<128x128xf32, #tpu.memory_space<vmem>>, vector<1x16xf32>,
        %get3A_328 = vector.shape_cast %get3A_327 : vector<1x16xf32> to vector<16xf32>
        %mul3A_329 = arith.mulf %get3A_328, %gather3A_250 : vector<16xf32>
        %swap3A_330 = arith.index_cast %add3A_254 : i32 to index
        %swap3A_331 = arith.constant 112 : index
        %swap3A_332 = tpu.vector_load %arg10[%swap3A_330, %swap3A_331] {strides = array<i32>} : memref<128x128xf32, #tpu.memory_space<vmem>>, vector<1x16xf32>,
        %swap3A_333 = vector.shape_cast %swap3A_332 : vector<1x16xf32> to vector<16xf32>
        %swap3A_334 = vector.shape_cast %mul3A_329 : vector<16xf32> to vector<1x16xf32>
        tpu.vector_store %arg10[%swap3A_330, %swap3A_331], %swap3A_334 {strides = array<i32>} : memref<128x128xf32, #tpu.memory_space<vmem>>, vector<1x16xf32>,
        %broadcast_in_dim3A_335 = arith.constant 3 : i32
        %broadcast_in_dim3A_336 = vector.broadcast %broadcast_in_dim3A_335 : i32 to vector<16x1xi32>
        %gather3A_337 = vector.shape_cast %broadcast_in_dim3A_336 : vector<16x1xi32> to vector<16xi32>
        %gather3A_338 = tpu.dynamic_gather %get3A_73[%gather3A_337] in [0] : vector<16xf32>, vector<16xi32> -> vector<16xf32>
        %mul3A_339 = arith.constant 16 : i32
        %mul3A_340 = arith.muli %scan3A_69, %mul3A_339 : i32
        %add3A_341 = arith.constant 3 : i32
        %add3A_342 = arith.addi %mul3A_340, %add3A_341 : i32
        %get3A_343 = arith.index_cast %add3A_342 : i32 to index
        %get3A_344 = arith.constant 0 : index
        %get3A_345 = tpu.vector_load %arg10[%get3A_343, %get3A_344] {strides = array<i32>} : memref<128x128xf32, #tpu.memory_space<vmem>>, vector<1x16xf32>,
        %get3A_346 = vector.shape_cast %get3A_345 : vector<1x16xf32> to vector<16xf32>
        %mul3A_347 = arith.mulf %get3A_346, %gather3A_338 : vector<16xf32>
        %swap3A_348 = arith.index_cast %add3A_342 : i32 to index
        %swap3A_349 = arith.constant 0 : index
        %swap3A_350 = tpu.vector_load %arg10[%swap3A_348, %swap3A_349] {strides = array<i32>} : memref<128x128xf32, #tpu.memory_space<vmem>>, vector<1x16xf32>,
        %swap3A_351 = vector.shape_cast %swap3A_350 : vector<1x16xf32> to vector<16xf32>
        %swap3A_352 = vector.shape_cast %mul3A_347 : vector<16xf32> to vector<1x16xf32>
        tpu.vector_store %arg10[%swap3A_348, %swap3A_349], %swap3A_352 {strides = array<i32>} : memref<128x128xf32, #tpu.memory_space<vmem>>, vector<1x16xf32>,
        %get3A_353 = arith.index_cast %add3A_342 : i32 to index
        %get3A_354 = arith.constant 16 : index
        %get3A_355 = tpu.vector_load %arg10[%get3A_353, %get3A_354] {strides = array<i32>} : memref<128x128xf32, #tpu.memory_space<vmem>>, vector<1x16xf32>,
        %get3A_356 = vector.shape_cast %get3A_355 : vector<1x16xf32> to vector<16xf32>
        %mul3A_357 = arith.mulf %get3A_356, %gather3A_338 : vector<16xf32>
        %swap3A_358 = arith.index_cast %add3A_342 : i32 to index
        %swap3A_359 = arith.constant 16 : index
        %swap3A_360 = tpu.vector_load %arg10[%swap3A_358, %swap3A_359] {strides = array<i32>} : memref<128x128xf32, #tpu.memory_space<vmem>>, vector<1x16xf32>,
        %swap3A_361 = vector.shape_cast %swap3A_360 : vector<1x16xf32> to vector<16xf32>
        %swap3A_362 = vector.shape_cast %mul3A_357 : vector<16xf32> to vector<1x16xf32>
        tpu.vector_store %arg10[%swap3A_358, %swap3A_359], %swap3A_362 {strides = array<i32>} : memref<128x128xf32, #tpu.memory_space<vmem>>, vector<1x16xf32>,
        %get3A_363 = arith.index_cast %add3A_342 : i32 to index
        %get3A_364 = arith.constant 32 : index
        %get3A_365 = tpu.vector_load %arg10[%get3A_363, %get3A_364] {strides = array<i32>} : memref<128x128xf32, #tpu.memory_space<vmem>>, vector<1x16xf32>,
        %get3A_366 = vector.shape_cast %get3A_365 : vector<1x16xf32> to vector<16xf32>
        %mul3A_367 = arith.mulf %get3A_366, %gather3A_338 : vector<16xf32>
        %swap3A_368 = arith.index_cast %add3A_342 : i32 to index
        %swap3A_369 = arith.constant 32 : index
        %swap3A_370 = tpu.vector_load %arg10[%swap3A_368, %swap3A_369] {strides = array<i32>} : memref<128x128xf32, #tpu.memory_space<vmem>>, vector<1x16xf32>,
        %swap3A_371 = vector.shape_cast %swap3A_370 : vector<1x16xf32> to vector<16xf32>
        %swap3A_372 = vector.shape_cast %mul3A_367 : vector<16xf32> to vector<1x16xf32>
        tpu.vector_store %arg10[%swap3A_368, %swap3A_369], %swap3A_372 {strides = array<i32>} : memref<128x128xf32, #tpu.memory_space<vmem>>, vector<1x16xf32>,
        %get3A_373 = arith.index_cast %add3A_342 : i32 to index
        %get3A_374 = arith.constant 48 : index
        %get3A_375 = tpu.vector_load %arg10[%get3A_373, %get3A_374] {strides = array<i32>} : memref<128x128xf32, #tpu.memory_space<vmem>>, vector<1x16xf32>,
        %get3A_376 = vector.shape_cast %get3A_375 : vector<1x16xf32> to vector<16xf32>
        %mul3A_377 = arith.mulf %get3A_376, %gather3A_338 : vector<16xf32>
        %swap3A_378 = arith.index_cast %add3A_342 : i32 to index
        %swap3A_379 = arith.constant 48 : index
        %swap3A_380 = tpu.vector_load %arg10[%swap3A_378, %swap3A_379] {strides = array<i32>} : memref<128x128xf32, #tpu.memory_space<vmem>>, vector<1x16xf32>,
        %swap3A_381 = vector.shape_cast %swap3A_380 : vector<1x16xf32> to vector<16xf32>
        %swap3A_382 = vector.shape_cast %mul3A_377 : vector<16xf32> to vector<1x16xf32>
        tpu.vector_store %arg10[%swap3A_378, %swap3A_379], %swap3A_382 {strides = array<i32>} : memref<128x128xf32, #tpu.memory_space<vmem>>, vector<1x16xf32>,
        %get3A_383 = arith.index_cast %add3A_342 : i32 to index
        %get3A_384 = arith.constant 64 : index
        %get3A_385 = tpu.vector_load %arg10[%get3A_383, %get3A_384] {strides = array<i32>} : memref<128x128xf32, #tpu.memory_space<vmem>>, vector<1x16xf32>,
        %get3A_386 = vector.shape_cast %get3A_385 : vector<1x16xf32> to vector<16xf32>
        %mul3A_387 = arith.mulf %get3A_386, %gather3A_338 : vector<16xf32>
        %swap3A_388 = arith.index_cast %add3A_342 : i32 to index
        %swap3A_389 = arith.constant 64 : index
        %swap3A_390 = tpu.vector_load %arg10[%swap3A_388, %swap3A_389] {strides = array<i32>} : memref<128x128xf32, #tpu.memory_space<vmem>>, vector<1x16xf32>,
        %swap3A_391 = vector.shape_cast %swap3A_390 : vector<1x16xf32> to vector<16xf32>
        %swap3A_392 = vector.shape_cast %mul3A_387 : vector<16xf32> to vector<1x16xf32>
        tpu.vector_store %arg10[%swap3A_388, %swap3A_389], %swap3A_392 {strides = array<i32>} : memref<128x128xf32, #tpu.memory_space<vmem>>, vector<1x16xf32>,
        %get3A_393 = arith.index_cast %add3A_342 : i32 to index
        %get3A_394 = arith.constant 80 : index
        %get3A_395 = tpu.vector_load %arg10[%get3A_393, %get3A_394] {strides = array<i32>} : memref<128x128xf32, #tpu.memory_space<vmem>>, vector<1x16xf32>,
        %get3A_396 = vector.shape_cast %get3A_395 : vector<1x16xf32> to vector<16xf32>
        %mul3A_397 = arith.mulf %get3A_396, %gather3A_338 : vector<16xf32>
        %swap3A_398 = arith.index_cast %add3A_342 : i32 to index
        %swap3A_399 = arith.constant 80 : index
        %swap3A_400 = tpu.vector_load %arg10[%swap3A_398, %swap3A_399] {strides = array<i32>} : memref<128x128xf32, #tpu.memory_space<vmem>>, vector<1x16xf32>,
        %swap3A_401 = vector.shape_cast %swap3A_400 : vector<1x16xf32> to vector<16xf32>
        %swap3A_402 = vector.shape_cast %mul3A_397 : vector<16xf32> to vector<1x16xf32>
        tpu.vector_store %arg10[%swap3A_398, %swap3A_399], %swap3A_402 {strides = array<i32>} : memref<128x128xf32, #tpu.memory_space<vmem>>, vector<1x16xf32>,
        %get3A_403 = arith.index_cast %add3A_342 : i32 to index
        %get3A_404 = arith.constant 96 : index
        %get3A_405 = tpu.vector_load %arg10[%get3A_403, %get3A_404] {strides = array<i32>} : memref<128x128xf32, #tpu.memory_space<vmem>>, vector<1x16xf32>,
        %get3A_406 = vector.shape_cast %get3A_405 : vector<1x16xf32> to vector<16xf32>
        %mul3A_407 = arith.mulf %get3A_406, %gather3A_338 : vector<16xf32>
        %swap3A_408 = arith.index_cast %add3A_342 : i32 to index
        %swap3A_409 = arith.constant 96 : index
        %swap3A_410 = tpu.vector_load %arg10[%swap3A_408, %swap3A_409] {strides = array<i32>} : memref<128x128xf32, #tpu.memory_space<vmem>>, vector<1x16xf32>,
        %swap3A_411 = vector.shape_cast %swap3A_410 : vector<1x16xf32> to vector<16xf32>
        %swap3A_412 = vector.shape_cast %mul3A_407 : vector<16xf32> to vector<1x16xf32>
        tpu.vector_store %arg10[%swap3A_408, %swap3A_409], %swap3A_412 {strides = array<i32>} : memref<128x128xf32, #tpu.memory_space<vmem>>, vector<1x16xf32>,
        %get3A_413 = arith.index_cast %add3A_342 : i32 to index
        %get3A_414 = arith.constant 112 : index
        %get3A_415 = tpu.vector_load %arg10[%get3A_413, %get3A_414] {strides = array<i32>} : memref<128x128xf32, #tpu.memory_space<vmem>>, vector<1x16xf32>,
        %get3A_416 = vector.shape_cast %get3A_415 : vector<1x16xf32> to vector<16xf32>
        %mul3A_417 = arith.mulf %get3A_416, %gather3A_338 : vector<16xf32>
        %swap3A_418 = arith.index_cast %add3A_342 : i32 to index
        %swap3A_419 = arith.constant 112 : index
        %swap3A_420 = tpu.vector_load %arg10[%swap3A_418, %swap3A_419] {strides = array<i32>} : memref<128x128xf32, #tpu.memory_space<vmem>>, vector<1x16xf32>,
        %swap3A_421 = vector.shape_cast %swap3A_420 : vector<1x16xf32> to vector<16xf32>
        %swap3A_422 = vector.shape_cast %mul3A_417 : vector<16xf32> to vector<1x16xf32>
        tpu.vector_store %arg10[%swap3A_418, %swap3A_419], %swap3A_422 {strides = array<i32>} : memref<128x128xf32, #tpu.memory_space<vmem>>, vector<1x16xf32>,
        %broadcast_in_dim3A_423 = arith.constant 4 : i32
        %broadcast_in_dim3A_424 = vector.broadcast %broadcast_in_dim3A_423 : i32 to vector<16x1xi32>
        %gather3A_425 = vector.shape_cast %broadcast_in_dim3A_424 : vector<16x1xi32> to vector<16xi32>
        %gather3A_426 = tpu.dynamic_gather %get3A_73[%gather3A_425] in [0] : vector<16xf32>, vector<16xi32> -> vector<16xf32>
        %mul3A_427 = arith.constant 16 : i32
        %mul3A_428 = arith.muli %scan3A_69, %mul3A_427 : i32
        %add3A_429 = arith.constant 4 : i32
        %add3A_430 = arith.addi %mul3A_428, %add3A_429 : i32
        %get3A_431 = arith.index_cast %add3A_430 : i32 to index
        %get3A_432 = arith.constant 0 : index
        %get3A_433 = tpu.vector_load %arg10[%get3A_431, %get3A_432] {strides = array<i32>} : memref<128x128xf32, #tpu.memory_space<vmem>>, vector<1x16xf32>,
        %get3A_434 = vector.shape_cast %get3A_433 : vector<1x16xf32> to vector<16xf32>
        %mul3A_435 = arith.mulf %get3A_434, %gather3A_426 : vector<16xf32>
        %swap3A_436 = arith.index_cast %add3A_430 : i32 to index
        %swap3A_437 = arith.constant 0 : index
        %swap3A_438 = tpu.vector_load %arg10[%swap3A_436, %swap3A_437] {strides = array<i32>} : memref<128x128xf32, #tpu.memory_space<vmem>>, vector<1x16xf32>,
        %swap3A_439 = vector.shape_cast %swap3A_438 : vector<1x16xf32> to vector<16xf32>
        %swap3A_440 = vector.shape_cast %mul3A_435 : vector<16xf32> to vector<1x16xf32>
        tpu.vector_store %arg10[%swap3A_436, %swap3A_437], %swap3A_440 {strides = array<i32>} : memref<128x128xf32, #tpu.memory_space<vmem>>, vector<1x16xf32>,
        %get3A_441 = arith.index_cast %add3A_430 : i32 to index
        %get3A_442 = arith.constant 16 : index
        %get3A_443 = tpu.vector_load %arg10[%get3A_441, %get3A_442] {strides = array<i32>} : memref<128x128xf32, #tpu.memory_space<vmem>>, vector<1x16xf32>,
        %get3A_444 = vector.shape_cast %get3A_443 : vector<1x16xf32> to vector<16xf32>
        %mul3A_445 = arith.mulf %get3A_444, %gather3A_426 : vector<16xf32>
        %swap3A_446 = arith.index_cast %add3A_430 : i32 to index
        %swap3A_447 = arith.constant 16 : index
        %swap3A_448 = tpu.vector_load %arg10[%swap3A_446, %swap3A_447] {strides = array<i32>} : memref<128x128xf32, #tpu.memory_space<vmem>>, vector<1x16xf32>,
        %swap3A_449 = vector.shape_cast %swap3A_448 : vector<1x16xf32> to vector<16xf32>
        %swap3A_450 = vector.shape_cast %mul3A_445 : vector<16xf32> to vector<1x16xf32>
        tpu.vector_store %arg10[%swap3A_446, %swap3A_447], %swap3A_450 {strides = array<i32>} : memref<128x128xf32, #tpu.memory_space<vmem>>, vector<1x16xf32>,
        %get3A_451 = arith.index_cast %add3A_430 : i32 to index
        %get3A_452 = arith.constant 32 : index
        %get3A_453 = tpu.vector_load %arg10[%get3A_451, %get3A_452] {strides = array<i32>} : memref<128x128xf32, #tpu.memory_space<vmem>>, vector<1x16xf32>,
        %get3A_454 = vector.shape_cast %get3A_453 : vector<1x16xf32> to vector<16xf32>
        %mul3A_455 = arith.mulf %get3A_454, %gather3A_426 : vector<16xf32>
        %swap3A_456 = arith.index_cast %add3A_430 : i32 to index
        %swap3A_457 = arith.constant 32 : index
        %swap3A_458 = tpu.vector_load %arg10[%swap3A_456, %swap3A_457] {strides = array<i32>} : memref<128x128xf32, #tpu.memory_space<vmem>>, vector<1x16xf32>,
        %swap3A_459 = vector.shape_cast %swap3A_458 : vector<1x16xf32> to vector<16xf32>
        %swap3A_460 = vector.shape_cast %mul3A_455 : vector<16xf32> to vector<1x16xf32>
        tpu.vector_store %arg10[%swap3A_456, %swap3A_457], %swap3A_460 {strides = array<i32>} : memref<128x128xf32, #tpu.memory_space<vmem>>, vector<1x16xf32>,
        %get3A_461 = arith.index_cast %add3A_430 : i32 to index
        %get3A_462 = arith.constant 48 : index
        %get3A_463 = tpu.vector_load %arg10[%get3A_461, %get3A_462] {strides = array<i32>} : memref<128x128xf32, #tpu.memory_space<vmem>>, vector<1x16xf32>,
        %get3A_464 = vector.shape_cast %get3A_463 : vector<1x16xf32> to vector<16xf32>
        %mul3A_465 = arith.mulf %get3A_464, %gather3A_426 : vector<16xf32>
        %swap3A_466 = arith.index_cast %add3A_430 : i32 to index
        %swap3A_467 = arith.constant 48 : index
        %swap3A_468 = tpu.vector_load %arg10[%swap3A_466, %swap3A_467] {strides = array<i32>} : memref<128x128xf32, #tpu.memory_space<vmem>>, vector<1x16xf32>,
        %swap3A_469 = vector.shape_cast %swap3A_468 : vector<1x16xf32> to vector<16xf32>
        %swap3A_470 = vector.shape_cast %mul3A_465 : vector<16xf32> to vector<1x16xf32>
        tpu.vector_store %arg10[%swap3A_466, %swap3A_467], %swap3A_470 {strides = array<i32>} : memref<128x128xf32, #tpu.memory_space<vmem>>, vector<1x16xf32>,
        %get3A_471 = arith.index_cast %add3A_430 : i32 to index
        %get3A_472 = arith.constant 64 : index
        %get3A_473 = tpu.vector_load %arg10[%get3A_471, %get3A_472] {strides = array<i32>} : memref<128x128xf32, #tpu.memory_space<vmem>>, vector<1x16xf32>,
        %get3A_474 = vector.shape_cast %get3A_473 : vector<1x16xf32> to vector<16xf32>
        %mul3A_475 = arith.mulf %get3A_474, %gather3A_426 : vector<16xf32>
        %swap3A_476 = arith.index_cast %add3A_430 : i32 to index
        %swap3A_477 = arith.constant 64 : index
        %swap3A_478 = tpu.vector_load %arg10[%swap3A_476, %swap3A_477] {strides = array<i32>} : memref<128x128xf32, #tpu.memory_space<vmem>>, vector<1x16xf32>,
        %swap3A_479 = vector.shape_cast %swap3A_478 : vector<1x16xf32> to vector<16xf32>
        %swap3A_480 = vector.shape_cast %mul3A_475 : vector<16xf32> to vector<1x16xf32>
        tpu.vector_store %arg10[%swap3A_476, %swap3A_477], %swap3A_480 {strides = array<i32>} : memref<128x128xf32, #tpu.memory_space<vmem>>, vector<1x16xf32>,
        %get3A_481 = arith.index_cast %add3A_430 : i32 to index
        %get3A_482 = arith.constant 80 : index
        %get3A_483 = tpu.vector_load %arg10[%get3A_481, %get3A_482] {strides = array<i32>} : memref<128x128xf32, #tpu.memory_space<vmem>>, vector<1x16xf32>,
        %get3A_484 = vector.shape_cast %get3A_483 : vector<1x16xf32> to vector<16xf32>
        %mul3A_485 = arith.mulf %get3A_484, %gather3A_426 : vector<16xf32>
        %swap3A_486 = arith.index_cast %add3A_430 : i32 to index
        %swap3A_487 = arith.constant 80 : index
        %swap3A_488 = tpu.vector_load %arg10[%swap3A_486, %swap3A_487] {strides = array<i32>} : memref<128x128xf32, #tpu.memory_space<vmem>>, vector<1x16xf32>,
        %swap3A_489 = vector.shape_cast %swap3A_488 : vector<1x16xf32> to vector<16xf32>
        %swap3A_490 = vector.shape_cast %mul3A_485 : vector<16xf32> to vector<1x16xf32>
        tpu.vector_store %arg10[%swap3A_486, %swap3A_487], %swap3A_490 {strides = array<i32>} : memref<128x128xf32, #tpu.memory_space<vmem>>, vector<1x16xf32>,
        %get3A_491 = arith.index_cast %add3A_430 : i32 to index
        %get3A_492 = arith.constant 96 : index
        %get3A_493 = tpu.vector_load %arg10[%get3A_491, %get3A_492] {strides = array<i32>} : memref<128x128xf32, #tpu.memory_space<vmem>>, vector<1x16xf32>,
        %get3A_494 = vector.shape_cast %get3A_493 : vector<1x16xf32> to vector<16xf32>
        %mul3A_495 = arith.mulf %get3A_494, %gather3A_426 : vector<16xf32>
        %swap3A_496 = arith.index_cast %add3A_430 : i32 to index
        %swap3A_497 = arith.constant 96 : index
        %swap3A_498 = tpu.vector_load %arg10[%swap3A_496, %swap3A_497] {strides = array<i32>} : memref<128x128xf32, #tpu.memory_space<vmem>>, vector<1x16xf32>,
        %swap3A_499 = vector.shape_cast %swap3A_498 : vector<1x16xf32> to vector<16xf32>
        %swap3A_500 = vector.shape_cast %mul3A_495 : vector<16xf32> to vector<1x16xf32>
        tpu.vector_store %arg10[%swap3A_496, %swap3A_497], %swap3A_500 {strides = array<i32>} : memref<128x128xf32, #tpu.memory_space<vmem>>, vector<1x16xf32>,
        %get3A_501 = arith.index_cast %add3A_430 : i32 to index
        %get3A_502 = arith.constant 112 : index
        %get3A_503 = tpu.vector_load %arg10[%get3A_501, %get3A_502] {strides = array<i32>} : memref<128x128xf32, #tpu.memory_space<vmem>>, vector<1x16xf32>,
        %get3A_504 = vector.shape_cast %get3A_503 : vector<1x16xf32> to vector<16xf32>
        %mul3A_505 = arith.mulf %get3A_504, %gather3A_426 : vector<16xf32>
        %swap3A_506 = arith.index_cast %add3A_430 : i32 to index
        %swap3A_507 = arith.constant 112 : index
        %swap3A_508 = tpu.vector_load %arg10[%swap3A_506, %swap3A_507] {strides = array<i32>} : memref<128x128xf32, #tpu.memory_space<vmem>>, vector<1x16xf32>,
        %swap3A_509 = vector.shape_cast %swap3A_508 : vector<1x16xf32> to vector<16xf32>
        %swap3A_510 = vector.shape_cast %mul3A_505 : vector<16xf32> to vector<1x16xf32>
        tpu.vector_store %arg10[%swap3A_506, %swap3A_507], %swap3A_510 {strides = array<i32>} : memref<128x128xf32, #tpu.memory_space<vmem>>, vector<1x16xf32>,
        %broadcast_in_dim3A_511 = arith.constant 5 : i32
        %broadcast_in_dim3A_512 = vector.broadcast %broadcast_in_dim3A_511 : i32 to vector<16x1xi32>
        %gather3A_513 = vector.shape_cast %broadcast_in_dim3A_512 : vector<16x1xi32> to vector<16xi32>
        %gather3A_514 = tpu.dynamic_gather %get3A_73[%gather3A_513] in [0] : vector<16xf32>, vector<16xi32> -> vector<16xf32>
        %mul3A_515 = arith.constant 16 : i32
        %mul3A_516 = arith.muli %scan3A_69, %mul3A_515 : i32
        %add3A_517 = arith.constant 5 : i32
        %add3A_518 = arith.addi %mul3A_516, %add3A_517 : i32
        %get3A_519 = arith.index_cast %add3A_518 : i32 to index
        %get3A_520 = arith.constant 0 : index
        %get3A_521 = tpu.vector_load %arg10[%get3A_519, %get3A_520] {strides = array<i32>} : memref<128x128xf32, #tpu.memory_space<vmem>>, vector<1x16xf32>,
        %get3A_522 = vector.shape_cast %get3A_521 : vector<1x16xf32> to vector<16xf32>
        %mul3A_523 = arith.mulf %get3A_522, %gather3A_514 : vector<16xf32>
        %swap3A_524 = arith.index_cast %add3A_518 : i32 to index
        %swap3A_525 = arith.constant 0 : index
        %swap3A_526 = tpu.vector_load %arg10[%swap3A_524, %swap3A_525] {strides = array<i32>} : memref<128x128xf32, #tpu.memory_space<vmem>>, vector<1x16xf32>,
        %swap3A_527 = vector.shape_cast %swap3A_526 : vector<1x16xf32> to vector<16xf32>
        %swap3A_528 = vector.shape_cast %mul3A_523 : vector<16xf32> to vector<1x16xf32>
        tpu.vector_store %arg10[%swap3A_524, %swap3A_525], %swap3A_528 {strides = array<i32>} : memref<128x128xf32, #tpu.memory_space<vmem>>, vector<1x16xf32>,
        %get3A_529 = arith.index_cast %add3A_518 : i32 to index
        %get3A_530 = arith.constant 16 : index
        %get3A_531 = tpu.vector_load %arg10[%get3A_529, %get3A_530] {strides = array<i32>} : memref<128x128xf32, #tpu.memory_space<vmem>>, vector<1x16xf32>,
        %get3A_532 = vector.shape_cast %get3A_531 : vector<1x16xf32> to vector<16xf32>
        %mul3A_533 = arith.mulf %get3A_532, %gather3A_514 : vector<16xf32>
        %swap3A_534 = arith.index_cast %add3A_518 : i32 to index
        %swap3A_535 = arith.constant 16 : index
        %swap3A_536 = tpu.vector_load %arg10[%swap3A_534, %swap3A_535] {strides = array<i32>} : memref<128x128xf32, #tpu.memory_space<vmem>>, vector<1x16xf32>,
        %swap3A_537 = vector.shape_cast %swap3A_536 : vector<1x16xf32> to vector<16xf32>
        %swap3A_538 = vector.shape_cast %mul3A_533 : vector<16xf32> to vector<1x16xf32>
        tpu.vector_store %arg10[%swap3A_534, %swap3A_535], %swap3A_538 {strides = array<i32>} : memref<128x128xf32, #tpu.memory_space<vmem>>, vector<1x16xf32>,
        %get3A_539 = arith.index_cast %add3A_518 : i32 to index
        %get3A_540 = arith.constant 32 : index
        %get3A_541 = tpu.vector_load %arg10[%get3A_539, %get3A_540] {strides = array<i32>} : memref<128x128xf32, #tpu.memory_space<vmem>>, vector<1x16xf32>,
        %get3A_542 = vector.shape_cast %get3A_541 : vector<1x16xf32> to vector<16xf32>
        %mul3A_543 = arith.mulf %get3A_542, %gather3A_514 : vector<16xf32>
        %swap3A_544 = arith.index_cast %add3A_518 : i32 to index
        %swap3A_545 = arith.constant 32 : index
        %swap3A_546 = tpu.vector_load %arg10[%swap3A_544, %swap3A_545] {strides = array<i32>} : memref<128x128xf32, #tpu.memory_space<vmem>>, vector<1x16xf32>,
        %swap3A_547 = vector.shape_cast %swap3A_546 : vector<1x16xf32> to vector<16xf32>
        %swap3A_548 = vector.shape_cast %mul3A_543 : vector<16xf32> to vector<1x16xf32>
        tpu.vector_store %arg10[%swap3A_544, %swap3A_545], %swap3A_548 {strides = array<i32>} : memref<128x128xf32, #tpu.memory_space<vmem>>, vector<1x16xf32>,
        %get3A_549 = arith.index_cast %add3A_518 : i32 to index
        %get3A_550 = arith.constant 48 : index
        %get3A_551 = tpu.vector_load %arg10[%get3A_549, %get3A_550] {strides = array<i32>} : memref<128x128xf32, #tpu.memory_space<vmem>>, vector<1x16xf32>,
        %get3A_552 = vector.shape_cast %get3A_551 : vector<1x16xf32> to vector<16xf32>
        %mul3A_553 = arith.mulf %get3A_552, %gather3A_514 : vector<16xf32>
        %swap3A_554 = arith.index_cast %add3A_518 : i32 to index
        %swap3A_555 = arith.constant 48 : index
        %swap3A_556 = tpu.vector_load %arg10[%swap3A_554, %swap3A_555] {strides = array<i32>} : memref<128x128xf32, #tpu.memory_space<vmem>>, vector<1x16xf32>,
        %swap3A_557 = vector.shape_cast %swap3A_556 : vector<1x16xf32> to vector<16xf32>
        %swap3A_558 = vector.shape_cast %mul3A_553 : vector<16xf32> to vector<1x16xf32>
        tpu.vector_store %arg10[%swap3A_554, %swap3A_555], %swap3A_558 {strides = array<i32>} : memref<128x128xf32, #tpu.memory_space<vmem>>, vector<1x16xf32>,
        %get3A_559 = arith.index_cast %add3A_518 : i32 to index
        %get3A_560 = arith.constant 64 : index
        %get3A_561 = tpu.vector_load %arg10[%get3A_559, %get3A_560] {strides = array<i32>} : memref<128x128xf32, #tpu.memory_space<vmem>>, vector<1x16xf32>,
        %get3A_562 = vector.shape_cast %get3A_561 : vector<1x16xf32> to vector<16xf32>
        %mul3A_563 = arith.mulf %get3A_562, %gather3A_514 : vector<16xf32>
        %swap3A_564 = arith.index_cast %add3A_518 : i32 to index
        %swap3A_565 = arith.constant 64 : index
        %swap3A_566 = tpu.vector_load %arg10[%swap3A_564, %swap3A_565] {strides = array<i32>} : memref<128x128xf32, #tpu.memory_space<vmem>>, vector<1x16xf32>,
        %swap3A_567 = vector.shape_cast %swap3A_566 : vector<1x16xf32> to vector<16xf32>
        %swap3A_568 = vector.shape_cast %mul3A_563 : vector<16xf32> to vector<1x16xf32>
        tpu.vector_store %arg10[%swap3A_564, %swap3A_565], %swap3A_568 {strides = array<i32>} : memref<128x128xf32, #tpu.memory_space<vmem>>, vector<1x16xf32>,
        %get3A_569 = arith.index_cast %add3A_518 : i32 to index
        %get3A_570 = arith.constant 80 : index
        %get3A_571 = tpu.vector_load %arg10[%get3A_569, %get3A_570] {strides = array<i32>} : memref<128x128xf32, #tpu.memory_space<vmem>>, vector<1x16xf32>,
        %get3A_572 = vector.shape_cast %get3A_571 : vector<1x16xf32> to vector<16xf32>
        %mul3A_573 = arith.mulf %get3A_572, %gather3A_514 : vector<16xf32>
        %swap3A_574 = arith.index_cast %add3A_518 : i32 to index
        %swap3A_575 = arith.constant 80 : index
        %swap3A_576 = tpu.vector_load %arg10[%swap3A_574, %swap3A_575] {strides = array<i32>} : memref<128x128xf32, #tpu.memory_space<vmem>>, vector<1x16xf32>,
        %swap3A_577 = vector.shape_cast %swap3A_576 : vector<1x16xf32> to vector<16xf32>
        %swap3A_578 = vector.shape_cast %mul3A_573 : vector<16xf32> to vector<1x16xf32>
        tpu.vector_store %arg10[%swap3A_574, %swap3A_575], %swap3A_578 {strides = array<i32>} : memref<128x128xf32, #tpu.memory_space<vmem>>, vector<1x16xf32>,
        %get3A_579 = arith.index_cast %add3A_518 : i32 to index
        %get3A_580 = arith.constant 96 : index
        %get3A_581 = tpu.vector_load %arg10[%get3A_579, %get3A_580] {strides = array<i32>} : memref<128x128xf32, #tpu.memory_space<vmem>>, vector<1x16xf32>,
        %get3A_582 = vector.shape_cast %get3A_581 : vector<1x16xf32> to vector<16xf32>
        %mul3A_583 = arith.mulf %get3A_582, %gather3A_514 : vector<16xf32>
        %swap3A_584 = arith.index_cast %add3A_518 : i32 to index
        %swap3A_585 = arith.constant 96 : index
        %swap3A_586 = tpu.vector_load %arg10[%swap3A_584, %swap3A_585] {strides = array<i32>} : memref<128x128xf32, #tpu.memory_space<vmem>>, vector<1x16xf32>,
        %swap3A_587 = vector.shape_cast %swap3A_586 : vector<1x16xf32> to vector<16xf32>
        %swap3A_588 = vector.shape_cast %mul3A_583 : vector<16xf32> to vector<1x16xf32>
        tpu.vector_store %arg10[%swap3A_584, %swap3A_585], %swap3A_588 {strides = array<i32>} : memref<128x128xf32, #tpu.memory_space<vmem>>, vector<1x16xf32>,
        %get3A_589 = arith.index_cast %add3A_518 : i32 to index
        %get3A_590 = arith.constant 112 : index
        %get3A_591 = tpu.vector_load %arg10[%get3A_589, %get3A_590] {strides = array<i32>} : memref<128x128xf32, #tpu.memory_space<vmem>>, vector<1x16xf32>,
        %get3A_592 = vector.shape_cast %get3A_591 : vector<1x16xf32> to vector<16xf32>
        %mul3A_593 = arith.mulf %get3A_592, %gather3A_514 : vector<16xf32>
        %swap3A_594 = arith.index_cast %add3A_518 : i32 to index
        %swap3A_595 = arith.constant 112 : index
        %swap3A_596 = tpu.vector_load %arg10[%swap3A_594, %swap3A_595] {strides = array<i32>} : memref<128x128xf32, #tpu.memory_space<vmem>>, vector<1x16xf32>,
        %swap3A_597 = vector.shape_cast %swap3A_596 : vector<1x16xf32> to vector<16xf32>
        %swap3A_598 = vector.shape_cast %mul3A_593 : vector<16xf32> to vector<1x16xf32>
        tpu.vector_store %arg10[%swap3A_594, %swap3A_595], %swap3A_598 {strides = array<i32>} : memref<128x128xf32, #tpu.memory_space<vmem>>, vector<1x16xf32>,
        %broadcast_in_dim3A_599 = arith.constant 6 : i32
        %broadcast_in_dim3A_600 = vector.broadcast %broadcast_in_dim3A_599 : i32 to vector<16x1xi32>
        %gather3A_601 = vector.shape_cast %broadcast_in_dim3A_600 : vector<16x1xi32> to vector<16xi32>
        %gather3A_602 = tpu.dynamic_gather %get3A_73[%gather3A_601] in [0] : vector<16xf32>, vector<16xi32> -> vector<16xf32>
        %mul3A_603 = arith.constant 16 : i32
        %mul3A_604 = arith.muli %scan3A_69, %mul3A_603 : i32
        %add3A_605 = arith.constant 6 : i32
        %add3A_606 = arith.addi %mul3A_604, %add3A_605 : i32
        %get3A_607 = arith.index_cast %add3A_606 : i32 to index
        %get3A_608 = arith.constant 0 : index
        %get3A_609 = tpu.vector_load %arg10[%get3A_607, %get3A_608] {strides = array<i32>} : memref<128x128xf32, #tpu.memory_space<vmem>>, vector<1x16xf32>,
        %get3A_610 = vector.shape_cast %get3A_609 : vector<1x16xf32> to vector<16xf32>
        %mul3A_611 = arith.mulf %get3A_610, %gather3A_602 : vector<16xf32>
        %swap3A_612 = arith.index_cast %add3A_606 : i32 to index
        %swap3A_613 = arith.constant 0 : index
        %swap3A_614 = tpu.vector_load %arg10[%swap3A_612, %swap3A_613] {strides = array<i32>} : memref<128x128xf32, #tpu.memory_space<vmem>>, vector<1x16xf32>,
        %swap3A_615 = vector.shape_cast %swap3A_614 : vector<1x16xf32> to vector<16xf32>
        %swap3A_616 = vector.shape_cast %mul3A_611 : vector<16xf32> to vector<1x16xf32>
        tpu.vector_store %arg10[%swap3A_612, %swap3A_613], %swap3A_616 {strides = array<i32>} : memref<128x128xf32, #tpu.memory_space<vmem>>, vector<1x16xf32>,
        %get3A_617 = arith.index_cast %add3A_606 : i32 to index
        %get3A_618 = arith.constant 16 : index
        %get3A_619 = tpu.vector_load %arg10[%get3A_617, %get3A_618] {strides = array<i32>} : memref<128x128xf32, #tpu.memory_space<vmem>>, vector<1x16xf32>,
        %get3A_620 = vector.shape_cast %get3A_619 : vector<1x16xf32> to vector<16xf32>
        %mul3A_621 = arith.mulf %get3A_620, %gather3A_602 : vector<16xf32>
        %swap3A_622 = arith.index_cast %add3A_606 : i32 to index
        %swap3A_623 = arith.constant 16 : index
        %swap3A_624 = tpu.vector_load %arg10[%swap3A_622, %swap3A_623] {strides = array<i32>} : memref<128x128xf32, #tpu.memory_space<vmem>>, vector<1x16xf32>,
        %swap3A_625 = vector.shape_cast %swap3A_624 : vector<1x16xf32> to vector<16xf32>
        %swap3A_626 = vector.shape_cast %mul3A_621 : vector<16xf32> to vector<1x16xf32>
        tpu.vector_store %arg10[%swap3A_622, %swap3A_623], %swap3A_626 {strides = array<i32>} : memref<128x128xf32, #tpu.memory_space<vmem>>, vector<1x16xf32>,
        %get3A_627 = arith.index_cast %add3A_606 : i32 to index
        %get3A_628 = arith.constant 32 : index
        %get3A_629 = tpu.vector_load %arg10[%get3A_627, %get3A_628] {strides = array<i32>} : memref<128x128xf32, #tpu.memory_space<vmem>>, vector<1x16xf32>,
        %get3A_630 = vector.shape_cast %get3A_629 : vector<1x16xf32> to vector<16xf32>
        %mul3A_631 = arith.mulf %get3A_630, %gather3A_602 : vector<16xf32>
        %swap3A_632 = arith.index_cast %add3A_606 : i32 to index
        %swap3A_633 = arith.constant 32 : index
        %swap3A_634 = tpu.vector_load %arg10[%swap3A_632, %swap3A_633] {strides = array<i32>} : memref<128x128xf32, #tpu.memory_space<vmem>>, vector<1x16xf32>,
        %swap3A_635 = vector.shape_cast %swap3A_634 : vector<1x16xf32> to vector<16xf32>
        %swap3A_636 = vector.shape_cast %mul3A_631 : vector<16xf32> to vector<1x16xf32>
        tpu.vector_store %arg10[%swap3A_632, %swap3A_633], %swap3A_636 {strides = array<i32>} : memref<128x128xf32, #tpu.memory_space<vmem>>, vector<1x16xf32>,
        %get3A_637 = arith.index_cast %add3A_606 : i32 to index
        %get3A_638 = arith.constant 48 : index
        %get3A_639 = tpu.vector_load %arg10[%get3A_637, %get3A_638] {strides = array<i32>} : memref<128x128xf32, #tpu.memory_space<vmem>>, vector<1x16xf32>,
        %get3A_640 = vector.shape_cast %get3A_639 : vector<1x16xf32> to vector<16xf32>
        %mul3A_641 = arith.mulf %get3A_640, %gather3A_602 : vector<16xf32>
        %swap3A_642 = arith.index_cast %add3A_606 : i32 to index
        %swap3A_643 = arith.constant 48 : index
        %swap3A_644 = tpu.vector_load %arg10[%swap3A_642, %swap3A_643] {strides = array<i32>} : memref<128x128xf32, #tpu.memory_space<vmem>>, vector<1x16xf32>,
        %swap3A_645 = vector.shape_cast %swap3A_644 : vector<1x16xf32> to vector<16xf32>
        %swap3A_646 = vector.shape_cast %mul3A_641 : vector<16xf32> to vector<1x16xf32>
        tpu.vector_store %arg10[%swap3A_642, %swap3A_643], %swap3A_646 {strides = array<i32>} : memref<128x128xf32, #tpu.memory_space<vmem>>, vector<1x16xf32>,
        %get3A_647 = arith.index_cast %add3A_606 : i32 to index
        %get3A_648 = arith.constant 64 : index
        %get3A_649 = tpu.vector_load %arg10[%get3A_647, %get3A_648] {strides = array<i32>} : memref<128x128xf32, #tpu.memory_space<vmem>>, vector<1x16xf32>,
        %get3A_650 = vector.shape_cast %get3A_649 : vector<1x16xf32> to vector<16xf32>
        %mul3A_651 = arith.mulf %get3A_650, %gather3A_602 : vector<16xf32>
        %swap3A_652 = arith.index_cast %add3A_606 : i32 to index
        %swap3A_653 = arith.constant 64 : index
        %swap3A_654 = tpu.vector_load %arg10[%swap3A_652, %swap3A_653] {strides = array<i32>} : memref<128x128xf32, #tpu.memory_space<vmem>>, vector<1x16xf32>,
        %swap3A_655 = vector.shape_cast %swap3A_654 : vector<1x16xf32> to vector<16xf32>
        %swap3A_656 = vector.shape_cast %mul3A_651 : vector<16xf32> to vector<1x16xf32>
        tpu.vector_store %arg10[%swap3A_652, %swap3A_653], %swap3A_656 {strides = array<i32>} : memref<128x128xf32, #tpu.memory_space<vmem>>, vector<1x16xf32>,
        %get3A_657 = arith.index_cast %add3A_606 : i32 to index
        %get3A_658 = arith.constant 80 : index
        %get3A_659 = tpu.vector_load %arg10[%get3A_657, %get3A_658] {strides = array<i32>} : memref<128x128xf32, #tpu.memory_space<vmem>>, vector<1x16xf32>,
        %get3A_660 = vector.shape_cast %get3A_659 : vector<1x16xf32> to vector<16xf32>
        %mul3A_661 = arith.mulf %get3A_660, %gather3A_602 : vector<16xf32>
        %swap3A_662 = arith.index_cast %add3A_606 : i32 to index
        %swap3A_663 = arith.constant 80 : index
        %swap3A_664 = tpu.vector_load %arg10[%swap3A_662, %swap3A_663] {strides = array<i32>} : memref<128x128xf32, #tpu.memory_space<vmem>>, vector<1x16xf32>,
        %swap3A_665 = vector.shape_cast %swap3A_664 : vector<1x16xf32> to vector<16xf32>
        %swap3A_666 = vector.shape_cast %mul3A_661 : vector<16xf32> to vector<1x16xf32>
        tpu.vector_store %arg10[%swap3A_662, %swap3A_663], %swap3A_666 {strides = array<i32>} : memref<128x128xf32, #tpu.memory_space<vmem>>, vector<1x16xf32>,
        %get3A_667 = arith.index_cast %add3A_606 : i32 to index
        %get3A_668 = arith.constant 96 : index
        %get3A_669 = tpu.vector_load %arg10[%get3A_667, %get3A_668] {strides = array<i32>} : memref<128x128xf32, #tpu.memory_space<vmem>>, vector<1x16xf32>,
        %get3A_670 = vector.shape_cast %get3A_669 : vector<1x16xf32> to vector<16xf32>
        %mul3A_671 = arith.mulf %get3A_670, %gather3A_602 : vector<16xf32>
        %swap3A_672 = arith.index_cast %add3A_606 : i32 to index
        %swap3A_673 = arith.constant 96 : index
        %swap3A_674 = tpu.vector_load %arg10[%swap3A_672, %swap3A_673] {strides = array<i32>} : memref<128x128xf32, #tpu.memory_space<vmem>>, vector<1x16xf32>,
        %swap3A_675 = vector.shape_cast %swap3A_674 : vector<1x16xf32> to vector<16xf32>
        %swap3A_676 = vector.shape_cast %mul3A_671 : vector<16xf32> to vector<1x16xf32>
        tpu.vector_store %arg10[%swap3A_672, %swap3A_673], %swap3A_676 {strides = array<i32>} : memref<128x128xf32, #tpu.memory_space<vmem>>, vector<1x16xf32>,
        %get3A_677 = arith.index_cast %add3A_606 : i32 to index
        %get3A_678 = arith.constant 112 : index
        %get3A_679 = tpu.vector_load %arg10[%get3A_677, %get3A_678] {strides = array<i32>} : memref<128x128xf32, #tpu.memory_space<vmem>>, vector<1x16xf32>,
        %get3A_680 = vector.shape_cast %get3A_679 : vector<1x16xf32> to vector<16xf32>
        %mul3A_681 = arith.mulf %get3A_680, %gather3A_602 : vector<16xf32>
        %swap3A_682 = arith.index_cast %add3A_606 : i32 to index
        %swap3A_683 = arith.constant 112 : index
        %swap3A_684 = tpu.vector_load %arg10[%swap3A_682, %swap3A_683] {strides = array<i32>} : memref<128x128xf32, #tpu.memory_space<vmem>>, vector<1x16xf32>,
        %swap3A_685 = vector.shape_cast %swap3A_684 : vector<1x16xf32> to vector<16xf32>
        %swap3A_686 = vector.shape_cast %mul3A_681 : vector<16xf32> to vector<1x16xf32>
        tpu.vector_store %arg10[%swap3A_682, %swap3A_683], %swap3A_686 {strides = array<i32>} : memref<128x128xf32, #tpu.memory_space<vmem>>, vector<1x16xf32>,
        %broadcast_in_dim3A_687 = arith.constant 7 : i32
        %broadcast_in_dim3A_688 = vector.broadcast %broadcast_in_dim3A_687 : i32 to vector<16x1xi32>
        %gather3A_689 = vector.shape_cast %broadcast_in_dim3A_688 : vector<16x1xi32> to vector<16xi32>
        %gather3A_690 = tpu.dynamic_gather %get3A_73[%gather3A_689] in [0] : vector<16xf32>, vector<16xi32> -> vector<16xf32>
        %mul3A_691 = arith.constant 16 : i32
        %mul3A_692 = arith.muli %scan3A_69, %mul3A_691 : i32
        %add3A_693 = arith.constant 7 : i32
        %add3A_694 = arith.addi %mul3A_692, %add3A_693 : i32
        %get3A_695 = arith.index_cast %add3A_694 : i32 to index
        %get3A_696 = arith.constant 0 : index
        %get3A_697 = tpu.vector_load %arg10[%get3A_695, %get3A_696] {strides = array<i32>} : memref<128x128xf32, #tpu.memory_space<vmem>>, vector<1x16xf32>,
        %get3A_698 = vector.shape_cast %get3A_697 : vector<1x16xf32> to vector<16xf32>
        %mul3A_699 = arith.mulf %get3A_698, %gather3A_690 : vector<16xf32>
        %swap3A_700 = arith.index_cast %add3A_694 : i32 to index
        %swap3A_701 = arith.constant 0 : index
        %swap3A_702 = tpu.vector_load %arg10[%swap3A_700, %swap3A_701] {strides = array<i32>} : memref<128x128xf32, #tpu.memory_space<vmem>>, vector<1x16xf32>,
        %swap3A_703 = vector.shape_cast %swap3A_702 : vector<1x16xf32> to vector<16xf32>
        %swap3A_704 = vector.shape_cast %mul3A_699 : vector<16xf32> to vector<1x16xf32>
        tpu.vector_store %arg10[%swap3A_700, %swap3A_701], %swap3A_704 {strides = array<i32>} : memref<128x128xf32, #tpu.memory_space<vmem>>, vector<1x16xf32>,
        %get3A_705 = arith.index_cast %add3A_694 : i32 to index
        %get3A_706 = arith.constant 16 : index
        %get3A_707 = tpu.vector_load %arg10[%get3A_705, %get3A_706] {strides = array<i32>} : memref<128x128xf32, #tpu.memory_space<vmem>>, vector<1x16xf32>,
        %get3A_708 = vector.shape_cast %get3A_707 : vector<1x16xf32> to vector<16xf32>
        %mul3A_709 = arith.mulf %get3A_708, %gather3A_690 : vector<16xf32>
        %swap3A_710 = arith.index_cast %add3A_694 : i32 to index
        %swap3A_711 = arith.constant 16 : index
        %swap3A_712 = tpu.vector_load %arg10[%swap3A_710, %swap3A_711] {strides = array<i32>} : memref<128x128xf32, #tpu.memory_space<vmem>>, vector<1x16xf32>,
        %swap3A_713 = vector.shape_cast %swap3A_712 : vector<1x16xf32> to vector<16xf32>
        %swap3A_714 = vector.shape_cast %mul3A_709 : vector<16xf32> to vector<1x16xf32>
        tpu.vector_store %arg10[%swap3A_710, %swap3A_711], %swap3A_714 {strides = array<i32>} : memref<128x128xf32, #tpu.memory_space<vmem>>, vector<1x16xf32>,
        %get3A_715 = arith.index_cast %add3A_694 : i32 to index
        %get3A_716 = arith.constant 32 : index
        %get3A_717 = tpu.vector_load %arg10[%get3A_715, %get3A_716] {strides = array<i32>} : memref<128x128xf32, #tpu.memory_space<vmem>>, vector<1x16xf32>,
        %get3A_718 = vector.shape_cast %get3A_717 : vector<1x16xf32> to vector<16xf32>
        %mul3A_719 = arith.mulf %get3A_718, %gather3A_690 : vector<16xf32>
        %swap3A_720 = arith.index_cast %add3A_694 : i32 to index
        %swap3A_721 = arith.constant 32 : index
        %swap3A_722 = tpu.vector_load %arg10[%swap3A_720, %swap3A_721] {strides = array<i32>} : memref<128x128xf32, #tpu.memory_space<vmem>>, vector<1x16xf32>,
        %swap3A_723 = vector.shape_cast %swap3A_722 : vector<1x16xf32> to vector<16xf32>
        %swap3A_724 = vector.shape_cast %mul3A_719 : vector<16xf32> to vector<1x16xf32>
        tpu.vector_store %arg10[%swap3A_720, %swap3A_721], %swap3A_724 {strides = array<i32>} : memref<128x128xf32, #tpu.memory_space<vmem>>, vector<1x16xf32>,
        %get3A_725 = arith.index_cast %add3A_694 : i32 to index
        %get3A_726 = arith.constant 48 : index
        %get3A_727 = tpu.vector_load %arg10[%get3A_725, %get3A_726] {strides = array<i32>} : memref<128x128xf32, #tpu.memory_space<vmem>>, vector<1x16xf32>,
        %get3A_728 = vector.shape_cast %get3A_727 : vector<1x16xf32> to vector<16xf32>
        %mul3A_729 = arith.mulf %get3A_728, %gather3A_690 : vector<16xf32>
        %swap3A_730 = arith.index_cast %add3A_694 : i32 to index
        %swap3A_731 = arith.constant 48 : index
        %swap3A_732 = tpu.vector_load %arg10[%swap3A_730, %swap3A_731] {strides = array<i32>} : memref<128x128xf32, #tpu.memory_space<vmem>>, vector<1x16xf32>,
        %swap3A_733 = vector.shape_cast %swap3A_732 : vector<1x16xf32> to vector<16xf32>
        %swap3A_734 = vector.shape_cast %mul3A_729 : vector<16xf32> to vector<1x16xf32>
        tpu.vector_store %arg10[%swap3A_730, %swap3A_731], %swap3A_734 {strides = array<i32>} : memref<128x128xf32, #tpu.memory_space<vmem>>, vector<1x16xf32>,
        %get3A_735 = arith.index_cast %add3A_694 : i32 to index
        %get3A_736 = arith.constant 64 : index
        %get3A_737 = tpu.vector_load %arg10[%get3A_735, %get3A_736] {strides = array<i32>} : memref<128x128xf32, #tpu.memory_space<vmem>>, vector<1x16xf32>,
        %get3A_738 = vector.shape_cast %get3A_737 : vector<1x16xf32> to vector<16xf32>
        %mul3A_739 = arith.mulf %get3A_738, %gather3A_690 : vector<16xf32>
        %swap3A_740 = arith.index_cast %add3A_694 : i32 to index
        %swap3A_741 = arith.constant 64 : index
        %swap3A_742 = tpu.vector_load %arg10[%swap3A_740, %swap3A_741] {strides = array<i32>} : memref<128x128xf32, #tpu.memory_space<vmem>>, vector<1x16xf32>,
        %swap3A_743 = vector.shape_cast %swap3A_742 : vector<1x16xf32> to vector<16xf32>
        %swap3A_744 = vector.shape_cast %mul3A_739 : vector<16xf32> to vector<1x16xf32>
        tpu.vector_store %arg10[%swap3A_740, %swap3A_741], %swap3A_744 {strides = array<i32>} : memref<128x128xf32, #tpu.memory_space<vmem>>, vector<1x16xf32>,
        %get3A_745 = arith.index_cast %add3A_694 : i32 to index
        %get3A_746 = arith.constant 80 : index
        %get3A_747 = tpu.vector_load %arg10[%get3A_745, %get3A_746] {strides = array<i32>} : memref<128x128xf32, #tpu.memory_space<vmem>>, vector<1x16xf32>,
        %get3A_748 = vector.shape_cast %get3A_747 : vector<1x16xf32> to vector<16xf32>
        %mul3A_749 = arith.mulf %get3A_748, %gather3A_690 : vector<16xf32>
        %swap3A_750 = arith.index_cast %add3A_694 : i32 to index
        %swap3A_751 = arith.constant 80 : index
        %swap3A_752 = tpu.vector_load %arg10[%swap3A_750, %swap3A_751] {strides = array<i32>} : memref<128x128xf32, #tpu.memory_space<vmem>>, vector<1x16xf32>,
        %swap3A_753 = vector.shape_cast %swap3A_752 : vector<1x16xf32> to vector<16xf32>
        %swap3A_754 = vector.shape_cast %mul3A_749 : vector<16xf32> to vector<1x16xf32>
        tpu.vector_store %arg10[%swap3A_750, %swap3A_751], %swap3A_754 {strides = array<i32>} : memref<128x128xf32, #tpu.memory_space<vmem>>, vector<1x16xf32>,
        %get3A_755 = arith.index_cast %add3A_694 : i32 to index
        %get3A_756 = arith.constant 96 : index
        %get3A_757 = tpu.vector_load %arg10[%get3A_755, %get3A_756] {strides = array<i32>} : memref<128x128xf32, #tpu.memory_space<vmem>>, vector<1x16xf32>,
        %get3A_758 = vector.shape_cast %get3A_757 : vector<1x16xf32> to vector<16xf32>
        %mul3A_759 = arith.mulf %get3A_758, %gather3A_690 : vector<16xf32>
        %swap3A_760 = arith.index_cast %add3A_694 : i32 to index
        %swap3A_761 = arith.constant 96 : index
        %swap3A_762 = tpu.vector_load %arg10[%swap3A_760, %swap3A_761] {strides = array<i32>} : memref<128x128xf32, #tpu.memory_space<vmem>>, vector<1x16xf32>,
        %swap3A_763 = vector.shape_cast %swap3A_762 : vector<1x16xf32> to vector<16xf32>
        %swap3A_764 = vector.shape_cast %mul3A_759 : vector<16xf32> to vector<1x16xf32>
        tpu.vector_store %arg10[%swap3A_760, %swap3A_761], %swap3A_764 {strides = array<i32>} : memref<128x128xf32, #tpu.memory_space<vmem>>, vector<1x16xf32>,
        %get3A_765 = arith.index_cast %add3A_694 : i32 to index
        %get3A_766 = arith.constant 112 : index
        %get3A_767 = tpu.vector_load %arg10[%get3A_765, %get3A_766] {strides = array<i32>} : memref<128x128xf32, #tpu.memory_space<vmem>>, vector<1x16xf32>,
        %get3A_768 = vector.shape_cast %get3A_767 : vector<1x16xf32> to vector<16xf32>
        %mul3A_769 = arith.mulf %get3A_768, %gather3A_690 : vector<16xf32>
        %swap3A_770 = arith.index_cast %add3A_694 : i32 to index
        %swap3A_771 = arith.constant 112 : index
        %swap3A_772 = tpu.vector_load %arg10[%swap3A_770, %swap3A_771] {strides = array<i32>} : memref<128x128xf32, #tpu.memory_space<vmem>>, vector<1x16xf32>,
        %swap3A_773 = vector.shape_cast %swap3A_772 : vector<1x16xf32> to vector<16xf32>
        %swap3A_774 = vector.shape_cast %mul3A_769 : vector<16xf32> to vector<1x16xf32>
        tpu.vector_store %arg10[%swap3A_770, %swap3A_771], %swap3A_774 {strides = array<i32>} : memref<128x128xf32, #tpu.memory_space<vmem>>, vector<1x16xf32>,
        %broadcast_in_dim3A_775 = arith.constant 8 : i32
        %broadcast_in_dim3A_776 = vector.broadcast %broadcast_in_dim3A_775 : i32 to vector<16x1xi32>
        %gather3A_777 = vector.shape_cast %broadcast_in_dim3A_776 : vector<16x1xi32> to vector<16xi32>
        %gather3A_778 = tpu.dynamic_gather %get3A_73[%gather3A_777] in [0] : vector<16xf32>, vector<16xi32> -> vector<16xf32>
        %mul3A_779 = arith.constant 16 : i32
        %mul3A_780 = arith.muli %scan3A_69, %mul3A_779 : i32
        %add3A_781 = arith.constant 8 : i32
        %add3A_782 = arith.addi %mul3A_780, %add3A_781 : i32
        %get3A_783 = arith.index_cast %add3A_782 : i32 to index
        %get3A_784 = arith.constant 0 : index
        %get3A_785 = tpu.vector_load %arg10[%get3A_783, %get3A_784] {strides = array<i32>} : memref<128x128xf32, #tpu.memory_space<vmem>>, vector<1x16xf32>,
        %get3A_786 = vector.shape_cast %get3A_785 : vector<1x16xf32> to vector<16xf32>
        %mul3A_787 = arith.mulf %get3A_786, %gather3A_778 : vector<16xf32>
        %swap3A_788 = arith.index_cast %add3A_782 : i32 to index
        %swap3A_789 = arith.constant 0 : index
        %swap3A_790 = tpu.vector_load %arg10[%swap3A_788, %swap3A_789] {strides = array<i32>} : memref<128x128xf32, #tpu.memory_space<vmem>>, vector<1x16xf32>,
        %swap3A_791 = vector.shape_cast %swap3A_790 : vector<1x16xf32> to vector<16xf32>
        %swap3A_792 = vector.shape_cast %mul3A_787 : vector<16xf32> to vector<1x16xf32>
        tpu.vector_store %arg10[%swap3A_788, %swap3A_789], %swap3A_792 {strides = array<i32>} : memref<128x128xf32, #tpu.memory_space<vmem>>, vector<1x16xf32>,
        %get3A_793 = arith.index_cast %add3A_782 : i32 to index
        %get3A_794 = arith.constant 16 : index
        %get3A_795 = tpu.vector_load %arg10[%get3A_793, %get3A_794] {strides = array<i32>} : memref<128x128xf32, #tpu.memory_space<vmem>>, vector<1x16xf32>,
        %get3A_796 = vector.shape_cast %get3A_795 : vector<1x16xf32> to vector<16xf32>
        %mul3A_797 = arith.mulf %get3A_796, %gather3A_778 : vector<16xf32>
        %swap3A_798 = arith.index_cast %add3A_782 : i32 to index
        %swap3A_799 = arith.constant 16 : index
        %swap3A_800 = tpu.vector_load %arg10[%swap3A_798, %swap3A_799] {strides = array<i32>} : memref<128x128xf32, #tpu.memory_space<vmem>>, vector<1x16xf32>,
        %swap3A_801 = vector.shape_cast %swap3A_800 : vector<1x16xf32> to vector<16xf32>
        %swap3A_802 = vector.shape_cast %mul3A_797 : vector<16xf32> to vector<1x16xf32>
        tpu.vector_store %arg10[%swap3A_798, %swap3A_799], %swap3A_802 {strides = array<i32>} : memref<128x128xf32, #tpu.memory_space<vmem>>, vector<1x16xf32>,
        %get3A_803 = arith.index_cast %add3A_782 : i32 to index
        %get3A_804 = arith.constant 32 : index
        %get3A_805 = tpu.vector_load %arg10[%get3A_803, %get3A_804] {strides = array<i32>} : memref<128x128xf32, #tpu.memory_space<vmem>>, vector<1x16xf32>,
        %get3A_806 = vector.shape_cast %get3A_805 : vector<1x16xf32> to vector<16xf32>
        %mul3A_807 = arith.mulf %get3A_806, %gather3A_778 : vector<16xf32>
        %swap3A_808 = arith.index_cast %add3A_782 : i32 to index
        %swap3A_809 = arith.constant 32 : index
        %swap3A_810 = tpu.vector_load %arg10[%swap3A_808, %swap3A_809] {strides = array<i32>} : memref<128x128xf32, #tpu.memory_space<vmem>>, vector<1x16xf32>,
        %swap3A_811 = vector.shape_cast %swap3A_810 : vector<1x16xf32> to vector<16xf32>
        %swap3A_812 = vector.shape_cast %mul3A_807 : vector<16xf32> to vector<1x16xf32>
        tpu.vector_store %arg10[%swap3A_808, %swap3A_809], %swap3A_812 {strides = array<i32>} : memref<128x128xf32, #tpu.memory_space<vmem>>, vector<1x16xf32>,
        %get3A_813 = arith.index_cast %add3A_782 : i32 to index
        %get3A_814 = arith.constant 48 : index
        %get3A_815 = tpu.vector_load %arg10[%get3A_813, %get3A_814] {strides = array<i32>} : memref<128x128xf32, #tpu.memory_space<vmem>>, vector<1x16xf32>,
        %get3A_816 = vector.shape_cast %get3A_815 : vector<1x16xf32> to vector<16xf32>
        %mul3A_817 = arith.mulf %get3A_816, %gather3A_778 : vector<16xf32>
        %swap3A_818 = arith.index_cast %add3A_782 : i32 to index
        %swap3A_819 = arith.constant 48 : index
        %swap3A_820 = tpu.vector_load %arg10[%swap3A_818, %swap3A_819] {strides = array<i32>} : memref<128x128xf32, #tpu.memory_space<vmem>>, vector<1x16xf32>,
        %swap3A_821 = vector.shape_cast %swap3A_820 : vector<1x16xf32> to vector<16xf32>
        %swap3A_822 = vector.shape_cast %mul3A_817 : vector<16xf32> to vector<1x16xf32>
        tpu.vector_store %arg10[%swap3A_818, %swap3A_819], %swap3A_822 {strides = array<i32>} : memref<128x128xf32, #tpu.memory_space<vmem>>, vector<1x16xf32>,
        %get3A_823 = arith.index_cast %add3A_782 : i32 to index
        %get3A_824 = arith.constant 64 : index
        %get3A_825 = tpu.vector_load %arg10[%get3A_823, %get3A_824] {strides = array<i32>} : memref<128x128xf32, #tpu.memory_space<vmem>>, vector<1x16xf32>,
        %get3A_826 = vector.shape_cast %get3A_825 : vector<1x16xf32> to vector<16xf32>
        %mul3A_827 = arith.mulf %get3A_826, %gather3A_778 : vector<16xf32>
        %swap3A_828 = arith.index_cast %add3A_782 : i32 to index
        %swap3A_829 = arith.constant 64 : index
        %swap3A_830 = tpu.vector_load %arg10[%swap3A_828, %swap3A_829] {strides = array<i32>} : memref<128x128xf32, #tpu.memory_space<vmem>>, vector<1x16xf32>,
        %swap3A_831 = vector.shape_cast %swap3A_830 : vector<1x16xf32> to vector<16xf32>
        %swap3A_832 = vector.shape_cast %mul3A_827 : vector<16xf32> to vector<1x16xf32>
        tpu.vector_store %arg10[%swap3A_828, %swap3A_829], %swap3A_832 {strides = array<i32>} : memref<128x128xf32, #tpu.memory_space<vmem>>, vector<1x16xf32>,
        %get3A_833 = arith.index_cast %add3A_782 : i32 to index
        %get3A_834 = arith.constant 80 : index
        %get3A_835 = tpu.vector_load %arg10[%get3A_833, %get3A_834] {strides = array<i32>} : memref<128x128xf32, #tpu.memory_space<vmem>>, vector<1x16xf32>,
        %get3A_836 = vector.shape_cast %get3A_835 : vector<1x16xf32> to vector<16xf32>
        %mul3A_837 = arith.mulf %get3A_836, %gather3A_778 : vector<16xf32>
        %swap3A_838 = arith.index_cast %add3A_782 : i32 to index
        %swap3A_839 = arith.constant 80 : index
        %swap3A_840 = tpu.vector_load %arg10[%swap3A_838, %swap3A_839] {strides = array<i32>} : memref<128x128xf32, #tpu.memory_space<vmem>>, vector<1x16xf32>,
        %swap3A_841 = vector.shape_cast %swap3A_840 : vector<1x16xf32> to vector<16xf32>
        %swap3A_842 = vector.shape_cast %mul3A_837 : vector<16xf32> to vector<1x16xf32>
        tpu.vector_store %arg10[%swap3A_838, %swap3A_839], %swap3A_842 {strides = array<i32>} : memref<128x128xf32, #tpu.memory_space<vmem>>, vector<1x16xf32>,
        %get3A_843 = arith.index_cast %add3A_782 : i32 to index
        %get3A_844 = arith.constant 96 : index
        %get3A_845 = tpu.vector_load %arg10[%get3A_843, %get3A_844] {strides = array<i32>} : memref<128x128xf32, #tpu.memory_space<vmem>>, vector<1x16xf32>,
        %get3A_846 = vector.shape_cast %get3A_845 : vector<1x16xf32> to vector<16xf32>
        %mul3A_847 = arith.mulf %get3A_846, %gather3A_778 : vector<16xf32>
        %swap3A_848 = arith.index_cast %add3A_782 : i32 to index
        %swap3A_849 = arith.constant 96 : index
        %swap3A_850 = tpu.vector_load %arg10[%swap3A_848, %swap3A_849] {strides = array<i32>} : memref<128x128xf32, #tpu.memory_space<vmem>>, vector<1x16xf32>,
        %swap3A_851 = vector.shape_cast %swap3A_850 : vector<1x16xf32> to vector<16xf32>
        %swap3A_852 = vector.shape_cast %mul3A_847 : vector<16xf32> to vector<1x16xf32>
        tpu.vector_store %arg10[%swap3A_848, %swap3A_849], %swap3A_852 {strides = array<i32>} : memref<128x128xf32, #tpu.memory_space<vmem>>, vector<1x16xf32>,
        %get3A_853 = arith.index_cast %add3A_782 : i32 to index
        %get3A_854 = arith.constant 112 : index
        %get3A_855 = tpu.vector_load %arg10[%get3A_853, %get3A_854] {strides = array<i32>} : memref<128x128xf32, #tpu.memory_space<vmem>>, vector<1x16xf32>,
        %get3A_856 = vector.shape_cast %get3A_855 : vector<1x16xf32> to vector<16xf32>
        %mul3A_857 = arith.mulf %get3A_856, %gather3A_778 : vector<16xf32>
        %swap3A_858 = arith.index_cast %add3A_782 : i32 to index
        %swap3A_859 = arith.constant 112 : index
        %swap3A_860 = tpu.vector_load %arg10[%swap3A_858, %swap3A_859] {strides = array<i32>} : memref<128x128xf32, #tpu.memory_space<vmem>>, vector<1x16xf32>,
        %swap3A_861 = vector.shape_cast %swap3A_860 : vector<1x16xf32> to vector<16xf32>
        %swap3A_862 = vector.shape_cast %mul3A_857 : vector<16xf32> to vector<1x16xf32>
        tpu.vector_store %arg10[%swap3A_858, %swap3A_859], %swap3A_862 {strides = array<i32>} : memref<128x128xf32, #tpu.memory_space<vmem>>, vector<1x16xf32>,
        %broadcast_in_dim3A_863 = arith.constant 9 : i32
        %broadcast_in_dim3A_864 = vector.broadcast %broadcast_in_dim3A_863 : i32 to vector<16x1xi32>
        %gather3A_865 = vector.shape_cast %broadcast_in_dim3A_864 : vector<16x1xi32> to vector<16xi32>
        %gather3A_866 = tpu.dynamic_gather %get3A_73[%gather3A_865] in [0] : vector<16xf32>, vector<16xi32> -> vector<16xf32>
        %mul3A_867 = arith.constant 16 : i32
        %mul3A_868 = arith.muli %scan3A_69, %mul3A_867 : i32
        %add3A_869 = arith.constant 9 : i32
        %add3A_870 = arith.addi %mul3A_868, %add3A_869 : i32
        %get3A_871 = arith.index_cast %add3A_870 : i32 to index
        %get3A_872 = arith.constant 0 : index
        %get3A_873 = tpu.vector_load %arg10[%get3A_871, %get3A_872] {strides = array<i32>} : memref<128x128xf32, #tpu.memory_space<vmem>>, vector<1x16xf32>,
        %get3A_874 = vector.shape_cast %get3A_873 : vector<1x16xf32> to vector<16xf32>
        %mul3A_875 = arith.mulf %get3A_874, %gather3A_866 : vector<16xf32>
        %swap3A_876 = arith.index_cast %add3A_870 : i32 to index
        %swap3A_877 = arith.constant 0 : index
        %swap3A_878 = tpu.vector_load %arg10[%swap3A_876, %swap3A_877] {strides = array<i32>} : memref<128x128xf32, #tpu.memory_space<vmem>>, vector<1x16xf32>,
        %swap3A_879 = vector.shape_cast %swap3A_878 : vector<1x16xf32> to vector<16xf32>
        %swap3A_880 = vector.shape_cast %mul3A_875 : vector<16xf32> to vector<1x16xf32>
        tpu.vector_store %arg10[%swap3A_876, %swap3A_877], %swap3A_880 {strides = array<i32>} : memref<128x128xf32, #tpu.memory_space<vmem>>, vector<1x16xf32>,
        %get3A_881 = arith.index_cast %add3A_870 : i32 to index
        %get3A_882 = arith.constant 16 : index
        %get3A_883 = tpu.vector_load %arg10[%get3A_881, %get3A_882] {strides = array<i32>} : memref<128x128xf32, #tpu.memory_space<vmem>>, vector<1x16xf32>,
        %get3A_884 = vector.shape_cast %get3A_883 : vector<1x16xf32> to vector<16xf32>
        %mul3A_885 = arith.mulf %get3A_884, %gather3A_866 : vector<16xf32>
        %swap3A_886 = arith.index_cast %add3A_870 : i32 to index
        %swap3A_887 = arith.constant 16 : index
        %swap3A_888 = tpu.vector_load %arg10[%swap3A_886, %swap3A_887] {strides = array<i32>} : memref<128x128xf32, #tpu.memory_space<vmem>>, vector<1x16xf32>,
        %swap3A_889 = vector.shape_cast %swap3A_888 : vector<1x16xf32> to vector<16xf32>
        %swap3A_890 = vector.shape_cast %mul3A_885 : vector<16xf32> to vector<1x16xf32>
        tpu.vector_store %arg10[%swap3A_886, %swap3A_887], %swap3A_890 {strides = array<i32>} : memref<128x128xf32, #tpu.memory_space<vmem>>, vector<1x16xf32>,
        %get3A_891 = arith.index_cast %add3A_870 : i32 to index
        %get3A_892 = arith.constant 32 : index
        %get3A_893 = tpu.vector_load %arg10[%get3A_891, %get3A_892] {strides = array<i32>} : memref<128x128xf32, #tpu.memory_space<vmem>>, vector<1x16xf32>,
        %get3A_894 = vector.shape_cast %get3A_893 : vector<1x16xf32> to vector<16xf32>
        %mul3A_895 = arith.mulf %get3A_894, %gather3A_866 : vector<16xf32>
        %swap3A_896 = arith.index_cast %add3A_870 : i32 to index
        %swap3A_897 = arith.constant 32 : index
        %swap3A_898 = tpu.vector_load %arg10[%swap3A_896, %swap3A_897] {strides = array<i32>} : memref<128x128xf32, #tpu.memory_space<vmem>>, vector<1x16xf32>,
        %swap3A_899 = vector.shape_cast %swap3A_898 : vector<1x16xf32> to vector<16xf32>
        %swap3A_900 = vector.shape_cast %mul3A_895 : vector<16xf32> to vector<1x16xf32>
        tpu.vector_store %arg10[%swap3A_896, %swap3A_897], %swap3A_900 {strides = array<i32>} : memref<128x128xf32, #tpu.memory_space<vmem>>, vector<1x16xf32>,
        %get3A_901 = arith.index_cast %add3A_870 : i32 to index
        %get3A_902 = arith.constant 48 : index
        %get3A_903 = tpu.vector_load %arg10[%get3A_901, %get3A_902] {strides = array<i32>} : memref<128x128xf32, #tpu.memory_space<vmem>>, vector<1x16xf32>,
        %get3A_904 = vector.shape_cast %get3A_903 : vector<1x16xf32> to vector<16xf32>
        %mul3A_905 = arith.mulf %get3A_904, %gather3A_866 : vector<16xf32>
        %swap3A_906 = arith.index_cast %add3A_870 : i32 to index
        %swap3A_907 = arith.constant 48 : index
        %swap3A_908 = tpu.vector_load %arg10[%swap3A_906, %swap3A_907] {strides = array<i32>} : memref<128x128xf32, #tpu.memory_space<vmem>>, vector<1x16xf32>,
        %swap3A_909 = vector.shape_cast %swap3A_908 : vector<1x16xf32> to vector<16xf32>
        %swap3A_910 = vector.shape_cast %mul3A_905 : vector<16xf32> to vector<1x16xf32>
        tpu.vector_store %arg10[%swap3A_906, %swap3A_907], %swap3A_910 {strides = array<i32>} : memref<128x128xf32, #tpu.memory_space<vmem>>, vector<1x16xf32>,
        %get3A_911 = arith.index_cast %add3A_870 : i32 to index
        %get3A_912 = arith.constant 64 : index
        %get3A_913 = tpu.vector_load %arg10[%get3A_911, %get3A_912] {strides = array<i32>} : memref<128x128xf32, #tpu.memory_space<vmem>>, vector<1x16xf32>,
        %get3A_914 = vector.shape_cast %get3A_913 : vector<1x16xf32> to vector<16xf32>
        %mul3A_915 = arith.mulf %get3A_914, %gather3A_866 : vector<16xf32>
        %swap3A_916 = arith.index_cast %add3A_870 : i32 to index
        %swap3A_917 = arith.constant 64 : index
        %swap3A_918 = tpu.vector_load %arg10[%swap3A_916, %swap3A_917] {strides = array<i32>} : memref<128x128xf32, #tpu.memory_space<vmem>>, vector<1x16xf32>,
        %swap3A_919 = vector.shape_cast %swap3A_918 : vector<1x16xf32> to vector<16xf32>
        %swap3A_920 = vector.shape_cast %mul3A_915 : vector<16xf32> to vector<1x16xf32>
        tpu.vector_store %arg10[%swap3A_916, %swap3A_917], %swap3A_920 {strides = array<i32>} : memref<128x128xf32, #tpu.memory_space<vmem>>, vector<1x16xf32>,
        %get3A_921 = arith.index_cast %add3A_870 : i32 to index
        %get3A_922 = arith.constant 80 : index
        %get3A_923 = tpu.vector_load %arg10[%get3A_921, %get3A_922] {strides = array<i32>} : memref<128x128xf32, #tpu.memory_space<vmem>>, vector<1x16xf32>,
        %get3A_924 = vector.shape_cast %get3A_923 : vector<1x16xf32> to vector<16xf32>
        %mul3A_925 = arith.mulf %get3A_924, %gather3A_866 : vector<16xf32>
        %swap3A_926 = arith.index_cast %add3A_870 : i32 to index
        %swap3A_927 = arith.constant 80 : index
        %swap3A_928 = tpu.vector_load %arg10[%swap3A_926, %swap3A_927] {strides = array<i32>} : memref<128x128xf32, #tpu.memory_space<vmem>>, vector<1x16xf32>,
        %swap3A_929 = vector.shape_cast %swap3A_928 : vector<1x16xf32> to vector<16xf32>
        %swap3A_930 = vector.shape_cast %mul3A_925 : vector<16xf32> to vector<1x16xf32>
        tpu.vector_store %arg10[%swap3A_926, %swap3A_927], %swap3A_930 {strides = array<i32>} : memref<128x128xf32, #tpu.memory_space<vmem>>, vector<1x16xf32>,
        %get3A_931 = arith.index_cast %add3A_870 : i32 to index
        %get3A_932 = arith.constant 96 : index
        %get3A_933 = tpu.vector_load %arg10[%get3A_931, %get3A_932] {strides = array<i32>} : memref<128x128xf32, #tpu.memory_space<vmem>>, vector<1x16xf32>,
        %get3A_934 = vector.shape_cast %get3A_933 : vector<1x16xf32> to vector<16xf32>
        %mul3A_935 = arith.mulf %get3A_934, %gather3A_866 : vector<16xf32>
        %swap3A_936 = arith.index_cast %add3A_870 : i32 to index
        %swap3A_937 = arith.constant 96 : index
        %swap3A_938 = tpu.vector_load %arg10[%swap3A_936, %swap3A_937] {strides = array<i32>} : memref<128x128xf32, #tpu.memory_space<vmem>>, vector<1x16xf32>,
        %swap3A_939 = vector.shape_cast %swap3A_938 : vector<1x16xf32> to vector<16xf32>
        %swap3A_940 = vector.shape_cast %mul3A_935 : vector<16xf32> to vector<1x16xf32>
        tpu.vector_store %arg10[%swap3A_936, %swap3A_937], %swap3A_940 {strides = array<i32>} : memref<128x128xf32, #tpu.memory_space<vmem>>, vector<1x16xf32>,
        %get3A_941 = arith.index_cast %add3A_870 : i32 to index
        %get3A_942 = arith.constant 112 : index
        %get3A_943 = tpu.vector_load %arg10[%get3A_941, %get3A_942] {strides = array<i32>} : memref<128x128xf32, #tpu.memory_space<vmem>>, vector<1x16xf32>,
        %get3A_944 = vector.shape_cast %get3A_943 : vector<1x16xf32> to vector<16xf32>
        %mul3A_945 = arith.mulf %get3A_944, %gather3A_866 : vector<16xf32>
        %swap3A_946 = arith.index_cast %add3A_870 : i32 to index
        %swap3A_947 = arith.constant 112 : index
        %swap3A_948 = tpu.vector_load %arg10[%swap3A_946, %swap3A_947] {strides = array<i32>} : memref<128x128xf32, #tpu.memory_space<vmem>>, vector<1x16xf32>,
        %swap3A_949 = vector.shape_cast %swap3A_948 : vector<1x16xf32> to vector<16xf32>
        %swap3A_950 = vector.shape_cast %mul3A_945 : vector<16xf32> to vector<1x16xf32>
        tpu.vector_store %arg10[%swap3A_946, %swap3A_947], %swap3A_950 {strides = array<i32>} : memref<128x128xf32, #tpu.memory_space<vmem>>, vector<1x16xf32>,
        %broadcast_in_dim3A_951 = arith.constant 10 : i32
        %broadcast_in_dim3A_952 = vector.broadcast %broadcast_in_dim3A_951 : i32 to vector<16x1xi32>
        %gather3A_953 = vector.shape_cast %broadcast_in_dim3A_952 : vector<16x1xi32> to vector<16xi32>
        %gather3A_954 = tpu.dynamic_gather %get3A_73[%gather3A_953] in [0] : vector<16xf32>, vector<16xi32> -> vector<16xf32>
        %mul3A_955 = arith.constant 16 : i32
        %mul3A_956 = arith.muli %scan3A_69, %mul3A_955 : i32
        %add3A_957 = arith.constant 10 : i32
        %add3A_958 = arith.addi %mul3A_956, %add3A_957 : i32
        %get3A_959 = arith.index_cast %add3A_958 : i32 to index
        %get3A_960 = arith.constant 0 : index
        %get3A_961 = tpu.vector_load %arg10[%get3A_959, %get3A_960] {strides = array<i32>} : memref<128x128xf32, #tpu.memory_space<vmem>>, vector<1x16xf32>,
        %get3A_962 = vector.shape_cast %get3A_961 : vector<1x16xf32> to vector<16xf32>
        %mul3A_963 = arith.mulf %get3A_962, %gather3A_954 : vector<16xf32>
        %swap3A_964 = arith.index_cast %add3A_958 : i32 to index
        %swap3A_965 = arith.constant 0 : index
        %swap3A_966 = tpu.vector_load %arg10[%swap3A_964, %swap3A_965] {strides = array<i32>} : memref<128x128xf32, #tpu.memory_space<vmem>>, vector<1x16xf32>,
        %swap3A_967 = vector.shape_cast %swap3A_966 : vector<1x16xf32> to vector<16xf32>
        %swap3A_968 = vector.shape_cast %mul3A_963 : vector<16xf32> to vector<1x16xf32>
        tpu.vector_store %arg10[%swap3A_964, %swap3A_965], %swap3A_968 {strides = array<i32>} : memref<128x128xf32, #tpu.memory_space<vmem>>, vector<1x16xf32>,
        %get3A_969 = arith.index_cast %add3A_958 : i32 to index
        %get3A_970 = arith.constant 16 : index
        %get3A_971 = tpu.vector_load %arg10[%get3A_969, %get3A_970] {strides = array<i32>} : memref<128x128xf32, #tpu.memory_space<vmem>>, vector<1x16xf32>,
        %get3A_972 = vector.shape_cast %get3A_971 : vector<1x16xf32> to vector<16xf32>
        %mul3A_973 = arith.mulf %get3A_972, %gather3A_954 : vector<16xf32>
        %swap3A_974 = arith.index_cast %add3A_958 : i32 to index
        %swap3A_975 = arith.constant 16 : index
        %swap3A_976 = tpu.vector_load %arg10[%swap3A_974, %swap3A_975] {strides = array<i32>} : memref<128x128xf32, #tpu.memory_space<vmem>>, vector<1x16xf32>,
        %swap3A_977 = vector.shape_cast %swap3A_976 : vector<1x16xf32> to vector<16xf32>
        %swap3A_978 = vector.shape_cast %mul3A_973 : vector<16xf32> to vector<1x16xf32>
        tpu.vector_store %arg10[%swap3A_974, %swap3A_975], %swap3A_978 {strides = array<i32>} : memref<128x128xf32, #tpu.memory_space<vmem>>, vector<1x16xf32>,
        %get3A_979 = arith.index_cast %add3A_958 : i32 to index
        %get3A_980 = arith.constant 32 : index
        %get3A_981 = tpu.vector_load %arg10[%get3A_979, %get3A_980] {strides = array<i32>} : memref<128x128xf32, #tpu.memory_space<vmem>>, vector<1x16xf32>,
        %get3A_982 = vector.shape_cast %get3A_981 : vector<1x16xf32> to vector<16xf32>
        %mul3A_983 = arith.mulf %get3A_982, %gather3A_954 : vector<16xf32>
        %swap3A_984 = arith.index_cast %add3A_958 : i32 to index
        %swap3A_985 = arith.constant 32 : index
        %swap3A_986 = tpu.vector_load %arg10[%swap3A_984, %swap3A_985] {strides = array<i32>} : memref<128x128xf32, #tpu.memory_space<vmem>>, vector<1x16xf32>,
        %swap3A_987 = vector.shape_cast %swap3A_986 : vector<1x16xf32> to vector<16xf32>
        %swap3A_988 = vector.shape_cast %mul3A_983 : vector<16xf32> to vector<1x16xf32>
        tpu.vector_store %arg10[%swap3A_984, %swap3A_985], %swap3A_988 {strides = array<i32>} : memref<128x128xf32, #tpu.memory_space<vmem>>, vector<1x16xf32>,
        %get3A_989 = arith.index_cast %add3A_958 : i32 to index
        %get3A_990 = arith.constant 48 : index
        %get3A_991 = tpu.vector_load %arg10[%get3A_989, %get3A_990] {strides = array<i32>} : memref<128x128xf32, #tpu.memory_space<vmem>>, vector<1x16xf32>,
        %get3A_992 = vector.shape_cast %get3A_991 : vector<1x16xf32> to vector<16xf32>
        %mul3A_993 = arith.mulf %get3A_992, %gather3A_954 : vector<16xf32>
        %swap3A_994 = arith.index_cast %add3A_958 : i32 to index
        %swap3A_995 = arith.constant 48 : index
        %swap3A_996 = tpu.vector_load %arg10[%swap3A_994, %swap3A_995] {strides = array<i32>} : memref<128x128xf32, #tpu.memory_space<vmem>>, vector<1x16xf32>,
        %swap3A_997 = vector.shape_cast %swap3A_996 : vector<1x16xf32> to vector<16xf32>
        %swap3A_998 = vector.shape_cast %mul3A_993 : vector<16xf32> to vector<1x16xf32>
        tpu.vector_store %arg10[%swap3A_994, %swap3A_995], %swap3A_998 {strides = array<i32>} : memref<128x128xf32, #tpu.memory_space<vmem>>, vector<1x16xf32>,
        %get3A_999 = arith.index_cast %add3A_958 : i32 to index
        %get3A_1000 = arith.constant 64 : index
        %get3A_1001 = tpu.vector_load %arg10[%get3A_999, %get3A_1000] {strides = array<i32>} : memref<128x128xf32, #tpu.memory_space<vmem>>, vector<1x16xf32>,
        %get3A_1002 = vector.shape_cast %get3A_1001 : vector<1x16xf32> to vector<16xf32>
        %mul3A_1003 = arith.mulf %get3A_1002, %gather3A_954 : vector<16xf32>
        %swap3A_1004 = arith.index_cast %add3A_958 : i32 to index
        %swap3A_1005 = arith.constant 64 : index
        %swap3A_1006 = tpu.vector_load %arg10[%swap3A_1004, %swap3A_1005] {strides = array<i32>} : memref<128x128xf32, #tpu.memory_space<vmem>>, vector<1x16xf32>,
        %swap3A_1007 = vector.shape_cast %swap3A_1006 : vector<1x16xf32> to vector<16xf32>
        %swap3A_1008 = vector.shape_cast %mul3A_1003 : vector<16xf32> to vector<1x16xf32>
        tpu.vector_store %arg10[%swap3A_1004, %swap3A_1005], %swap3A_1008 {strides = array<i32>} : memref<128x128xf32, #tpu.memory_space<vmem>>, vector<1x16xf32>,
        %get3A_1009 = arith.index_cast %add3A_958 : i32 to index
        %get3A_1010 = arith.constant 80 : index
        %get3A_1011 = tpu.vector_load %arg10[%get3A_1009, %get3A_1010] {strides = array<i32>} : memref<128x128xf32, #tpu.memory_space<vmem>>, vector<1x16xf32>,
        %get3A_1012 = vector.shape_cast %get3A_1011 : vector<1x16xf32> to vector<16xf32>
        %mul3A_1013 = arith.mulf %get3A_1012, %gather3A_954 : vector<16xf32>
        %swap3A_1014 = arith.index_cast %add3A_958 : i32 to index
        %swap3A_1015 = arith.constant 80 : index
        %swap3A_1016 = tpu.vector_load %arg10[%swap3A_1014, %swap3A_1015] {strides = array<i32>} : memref<128x128xf32, #tpu.memory_space<vmem>>, vector<1x16xf32>,
        %swap3A_1017 = vector.shape_cast %swap3A_1016 : vector<1x16xf32> to vector<16xf32>
        %swap3A_1018 = vector.shape_cast %mul3A_1013 : vector<16xf32> to vector<1x16xf32>
        tpu.vector_store %arg10[%swap3A_1014, %swap3A_1015], %swap3A_1018 {strides = array<i32>} : memref<128x128xf32, #tpu.memory_space<vmem>>, vector<1x16xf32>,
        %get3A_1019 = arith.index_cast %add3A_958 : i32 to index
        %get3A_1020 = arith.constant 96 : index
        %get3A_1021 = tpu.vector_load %arg10[%get3A_1019, %get3A_1020] {strides = array<i32>} : memref<128x128xf32, #tpu.memory_space<vmem>>, vector<1x16xf32>,
        %get3A_1022 = vector.shape_cast %get3A_1021 : vector<1x16xf32> to vector<16xf32>
        %mul3A_1023 = arith.mulf %get3A_1022, %gather3A_954 : vector<16xf32>
        %swap3A_1024 = arith.index_cast %add3A_958 : i32 to index
        %swap3A_1025 = arith.constant 96 : index
        %swap3A_1026 = tpu.vector_load %arg10[%swap3A_1024, %swap3A_1025] {strides = array<i32>} : memref<128x128xf32, #tpu.memory_space<vmem>>, vector<1x16xf32>,
        %swap3A_1027 = vector.shape_cast %swap3A_1026 : vector<1x16xf32> to vector<16xf32>
        %swap3A_1028 = vector.shape_cast %mul3A_1023 : vector<16xf32> to vector<1x16xf32>
        tpu.vector_store %arg10[%swap3A_1024, %swap3A_1025], %swap3A_1028 {strides = array<i32>} : memref<128x128xf32, #tpu.memory_space<vmem>>, vector<1x16xf32>,
        %get3A_1029 = arith.index_cast %add3A_958 : i32 to index
        %get3A_1030 = arith.constant 112 : index
        %get3A_1031 = tpu.vector_load %arg10[%get3A_1029, %get3A_1030] {strides = array<i32>} : memref<128x128xf32, #tpu.memory_space<vmem>>, vector<1x16xf32>,
        %get3A_1032 = vector.shape_cast %get3A_1031 : vector<1x16xf32> to vector<16xf32>
        %mul3A_1033 = arith.mulf %get3A_1032, %gather3A_954 : vector<16xf32>
        %swap3A_1034 = arith.index_cast %add3A_958 : i32 to index
        %swap3A_1035 = arith.constant 112 : index
        %swap3A_1036 = tpu.vector_load %arg10[%swap3A_1034, %swap3A_1035] {strides = array<i32>} : memref<128x128xf32, #tpu.memory_space<vmem>>, vector<1x16xf32>,
        %swap3A_1037 = vector.shape_cast %swap3A_1036 : vector<1x16xf32> to vector<16xf32>
        %swap3A_1038 = vector.shape_cast %mul3A_1033 : vector<16xf32> to vector<1x16xf32>
        tpu.vector_store %arg10[%swap3A_1034, %swap3A_1035], %swap3A_1038 {strides = array<i32>} : memref<128x128xf32, #tpu.memory_space<vmem>>, vector<1x16xf32>,
        %broadcast_in_dim3A_1039 = arith.constant 11 : i32
        %broadcast_in_dim3A_1040 = vector.broadcast %broadcast_in_dim3A_1039 : i32 to vector<16x1xi32>
        %gather3A_1041 = vector.shape_cast %broadcast_in_dim3A_1040 : vector<16x1xi32> to vector<16xi32>
        %gather3A_1042 = tpu.dynamic_gather %get3A_73[%gather3A_1041] in [0] : vector<16xf32>, vector<16xi32> -> vector<16xf32>
        %mul3A_1043 = arith.constant 16 : i32
        %mul3A_1044 = arith.muli %scan3A_69, %mul3A_1043 : i32
        %add3A_1045 = arith.constant 11 : i32
        %add3A_1046 = arith.addi %mul3A_1044, %add3A_1045 : i32
        %get3A_1047 = arith.index_cast %add3A_1046 : i32 to index
        %get3A_1048 = arith.constant 0 : index
        %get3A_1049 = tpu.vector_load %arg10[%get3A_1047, %get3A_1048] {strides = array<i32>} : memref<128x128xf32, #tpu.memory_space<vmem>>, vector<1x16xf32>,
        %get3A_1050 = vector.shape_cast %get3A_1049 : vector<1x16xf32> to vector<16xf32>
        %mul3A_1051 = arith.mulf %get3A_1050, %gather3A_1042 : vector<16xf32>
        %swap3A_1052 = arith.index_cast %add3A_1046 : i32 to index
        %swap3A_1053 = arith.constant 0 : index
        %swap3A_1054 = tpu.vector_load %arg10[%swap3A_1052, %swap3A_1053] {strides = array<i32>} : memref<128x128xf32, #tpu.memory_space<vmem>>, vector<1x16xf32>,
        %swap3A_1055 = vector.shape_cast %swap3A_1054 : vector<1x16xf32> to vector<16xf32>
        %swap3A_1056 = vector.shape_cast %mul3A_1051 : vector<16xf32> to vector<1x16xf32>
        tpu.vector_store %arg10[%swap3A_1052, %swap3A_1053], %swap3A_1056 {strides = array<i32>} : memref<128x128xf32, #tpu.memory_space<vmem>>, vector<1x16xf32>,
        %get3A_1057 = arith.index_cast %add3A_1046 : i32 to index
        %get3A_1058 = arith.constant 16 : index
        %get3A_1059 = tpu.vector_load %arg10[%get3A_1057, %get3A_1058] {strides = array<i32>} : memref<128x128xf32, #tpu.memory_space<vmem>>, vector<1x16xf32>,
        %get3A_1060 = vector.shape_cast %get3A_1059 : vector<1x16xf32> to vector<16xf32>
        %mul3A_1061 = arith.mulf %get3A_1060, %gather3A_1042 : vector<16xf32>
        %swap3A_1062 = arith.index_cast %add3A_1046 : i32 to index
        %swap3A_1063 = arith.constant 16 : index
        %swap3A_1064 = tpu.vector_load %arg10[%swap3A_1062, %swap3A_1063] {strides = array<i32>} : memref<128x128xf32, #tpu.memory_space<vmem>>, vector<1x16xf32>,
        %swap3A_1065 = vector.shape_cast %swap3A_1064 : vector<1x16xf32> to vector<16xf32>
        %swap3A_1066 = vector.shape_cast %mul3A_1061 : vector<16xf32> to vector<1x16xf32>
        tpu.vector_store %arg10[%swap3A_1062, %swap3A_1063], %swap3A_1066 {strides = array<i32>} : memref<128x128xf32, #tpu.memory_space<vmem>>, vector<1x16xf32>,
        %get3A_1067 = arith.index_cast %add3A_1046 : i32 to index
        %get3A_1068 = arith.constant 32 : index
        %get3A_1069 = tpu.vector_load %arg10[%get3A_1067, %get3A_1068] {strides = array<i32>} : memref<128x128xf32, #tpu.memory_space<vmem>>, vector<1x16xf32>,
        %get3A_1070 = vector.shape_cast %get3A_1069 : vector<1x16xf32> to vector<16xf32>
        %mul3A_1071 = arith.mulf %get3A_1070, %gather3A_1042 : vector<16xf32>
        %swap3A_1072 = arith.index_cast %add3A_1046 : i32 to index
        %swap3A_1073 = arith.constant 32 : index
        %swap3A_1074 = tpu.vector_load %arg10[%swap3A_1072, %swap3A_1073] {strides = array<i32>} : memref<128x128xf32, #tpu.memory_space<vmem>>, vector<1x16xf32>,
        %swap3A_1075 = vector.shape_cast %swap3A_1074 : vector<1x16xf32> to vector<16xf32>
        %swap3A_1076 = vector.shape_cast %mul3A_1071 : vector<16xf32> to vector<1x16xf32>
        tpu.vector_store %arg10[%swap3A_1072, %swap3A_1073], %swap3A_1076 {strides = array<i32>} : memref<128x128xf32, #tpu.memory_space<vmem>>, vector<1x16xf32>,
        %get3A_1077 = arith.index_cast %add3A_1046 : i32 to index
        %get3A_1078 = arith.constant 48 : index
        %get3A_1079 = tpu.vector_load %arg10[%get3A_1077, %get3A_1078] {strides = array<i32>} : memref<128x128xf32, #tpu.memory_space<vmem>>, vector<1x16xf32>,
        %get3A_1080 = vector.shape_cast %get3A_1079 : vector<1x16xf32> to vector<16xf32>
        %mul3A_1081 = arith.mulf %get3A_1080, %gather3A_1042 : vector<16xf32>
        %swap3A_1082 = arith.index_cast %add3A_1046 : i32 to index
        %swap3A_1083 = arith.constant 48 : index
        %swap3A_1084 = tpu.vector_load %arg10[%swap3A_1082, %swap3A_1083] {strides = array<i32>} : memref<128x128xf32, #tpu.memory_space<vmem>>, vector<1x16xf32>,
        %swap3A_1085 = vector.shape_cast %swap3A_1084 : vector<1x16xf32> to vector<16xf32>
        %swap3A_1086 = vector.shape_cast %mul3A_1081 : vector<16xf32> to vector<1x16xf32>
        tpu.vector_store %arg10[%swap3A_1082, %swap3A_1083], %swap3A_1086 {strides = array<i32>} : memref<128x128xf32, #tpu.memory_space<vmem>>, vector<1x16xf32>,
        %get3A_1087 = arith.index_cast %add3A_1046 : i32 to index
        %get3A_1088 = arith.constant 64 : index
        %get3A_1089 = tpu.vector_load %arg10[%get3A_1087, %get3A_1088] {strides = array<i32>} : memref<128x128xf32, #tpu.memory_space<vmem>>, vector<1x16xf32>,
        %get3A_1090 = vector.shape_cast %get3A_1089 : vector<1x16xf32> to vector<16xf32>
        %mul3A_1091 = arith.mulf %get3A_1090, %gather3A_1042 : vector<16xf32>
        %swap3A_1092 = arith.index_cast %add3A_1046 : i32 to index
        %swap3A_1093 = arith.constant 64 : index
        %swap3A_1094 = tpu.vector_load %arg10[%swap3A_1092, %swap3A_1093] {strides = array<i32>} : memref<128x128xf32, #tpu.memory_space<vmem>>, vector<1x16xf32>,
        %swap3A_1095 = vector.shape_cast %swap3A_1094 : vector<1x16xf32> to vector<16xf32>
        %swap3A_1096 = vector.shape_cast %mul3A_1091 : vector<16xf32> to vector<1x16xf32>
        tpu.vector_store %arg10[%swap3A_1092, %swap3A_1093], %swap3A_1096 {strides = array<i32>} : memref<128x128xf32, #tpu.memory_space<vmem>>, vector<1x16xf32>,
        %get3A_1097 = arith.index_cast %add3A_1046 : i32 to index
        %get3A_1098 = arith.constant 80 : index
        %get3A_1099 = tpu.vector_load %arg10[%get3A_1097, %get3A_1098] {strides = array<i32>} : memref<128x128xf32, #tpu.memory_space<vmem>>, vector<1x16xf32>,
        %get3A_1100 = vector.shape_cast %get3A_1099 : vector<1x16xf32> to vector<16xf32>
        %mul3A_1101 = arith.mulf %get3A_1100, %gather3A_1042 : vector<16xf32>
        %swap3A_1102 = arith.index_cast %add3A_1046 : i32 to index
        %swap3A_1103 = arith.constant 80 : index
        %swap3A_1104 = tpu.vector_load %arg10[%swap3A_1102, %swap3A_1103] {strides = array<i32>} : memref<128x128xf32, #tpu.memory_space<vmem>>, vector<1x16xf32>,
        %swap3A_1105 = vector.shape_cast %swap3A_1104 : vector<1x16xf32> to vector<16xf32>
        %swap3A_1106 = vector.shape_cast %mul3A_1101 : vector<16xf32> to vector<1x16xf32>
        tpu.vector_store %arg10[%swap3A_1102, %swap3A_1103], %swap3A_1106 {strides = array<i32>} : memref<128x128xf32, #tpu.memory_space<vmem>>, vector<1x16xf32>,
        %get3A_1107 = arith.index_cast %add3A_1046 : i32 to index
        %get3A_1108 = arith.constant 96 : index
        %get3A_1109 = tpu.vector_load %arg10[%get3A_1107, %get3A_1108] {strides = array<i32>} : memref<128x128xf32, #tpu.memory_space<vmem>>, vector<1x16xf32>,
        %get3A_1110 = vector.shape_cast %get3A_1109 : vector<1x16xf32> to vector<16xf32>
        %mul3A_1111 = arith.mulf %get3A_1110, %gather3A_1042 : vector<16xf32>
        %swap3A_1112 = arith.index_cast %add3A_1046 : i32 to index
        %swap3A_1113 = arith.constant 96 : index
        %swap3A_1114 = tpu.vector_load %arg10[%swap3A_1112, %swap3A_1113] {strides = array<i32>} : memref<128x128xf32, #tpu.memory_space<vmem>>, vector<1x16xf32>,
        %swap3A_1115 = vector.shape_cast %swap3A_1114 : vector<1x16xf32> to vector<16xf32>
        %swap3A_1116 = vector.shape_cast %mul3A_1111 : vector<16xf32> to vector<1x16xf32>
        tpu.vector_store %arg10[%swap3A_1112, %swap3A_1113], %swap3A_1116 {strides = array<i32>} : memref<128x128xf32, #tpu.memory_space<vmem>>, vector<1x16xf32>,
        %get3A_1117 = arith.index_cast %add3A_1046 : i32 to index
        %get3A_1118 = arith.constant 112 : index
        %get3A_1119 = tpu.vector_load %arg10[%get3A_1117, %get3A_1118] {strides = array<i32>} : memref<128x128xf32, #tpu.memory_space<vmem>>, vector<1x16xf32>,
        %get3A_1120 = vector.shape_cast %get3A_1119 : vector<1x16xf32> to vector<16xf32>
        %mul3A_1121 = arith.mulf %get3A_1120, %gather3A_1042 : vector<16xf32>
        %swap3A_1122 = arith.index_cast %add3A_1046 : i32 to index
        %swap3A_1123 = arith.constant 112 : index
        %swap3A_1124 = tpu.vector_load %arg10[%swap3A_1122, %swap3A_1123] {strides = array<i32>} : memref<128x128xf32, #tpu.memory_space<vmem>>, vector<1x16xf32>,
        %swap3A_1125 = vector.shape_cast %swap3A_1124 : vector<1x16xf32> to vector<16xf32>
        %swap3A_1126 = vector.shape_cast %mul3A_1121 : vector<16xf32> to vector<1x16xf32>
        tpu.vector_store %arg10[%swap3A_1122, %swap3A_1123], %swap3A_1126 {strides = array<i32>} : memref<128x128xf32, #tpu.memory_space<vmem>>, vector<1x16xf32>,
        %broadcast_in_dim3A_1127 = arith.constant 12 : i32
        %broadcast_in_dim3A_1128 = vector.broadcast %broadcast_in_dim3A_1127 : i32 to vector<16x1xi32>
        %gather3A_1129 = vector.shape_cast %broadcast_in_dim3A_1128 : vector<16x1xi32> to vector<16xi32>
        %gather3A_1130 = tpu.dynamic_gather %get3A_73[%gather3A_1129] in [0] : vector<16xf32>, vector<16xi32> -> vector<16xf32>
        %mul3A_1131 = arith.constant 16 : i32
        %mul3A_1132 = arith.muli %scan3A_69, %mul3A_1131 : i32
        %add3A_1133 = arith.constant 12 : i32
        %add3A_1134 = arith.addi %mul3A_1132, %add3A_1133 : i32
        %get3A_1135 = arith.index_cast %add3A_1134 : i32 to index
        %get3A_1136 = arith.constant 0 : index
        %get3A_1137 = tpu.vector_load %arg10[%get3A_1135, %get3A_1136] {strides = array<i32>} : memref<128x128xf32, #tpu.memory_space<vmem>>, vector<1x16xf32>,
        %get3A_1138 = vector.shape_cast %get3A_1137 : vector<1x16xf32> to vector<16xf32>
        %mul3A_1139 = arith.mulf %get3A_1138, %gather3A_1130 : vector<16xf32>
        %swap3A_1140 = arith.index_cast %add3A_1134 : i32 to index
        %swap3A_1141 = arith.constant 0 : index
        %swap3A_1142 = tpu.vector_load %arg10[%swap3A_1140, %swap3A_1141] {strides = array<i32>} : memref<128x128xf32, #tpu.memory_space<vmem>>, vector<1x16xf32>,
        %swap3A_1143 = vector.shape_cast %swap3A_1142 : vector<1x16xf32> to vector<16xf32>
        %swap3A_1144 = vector.shape_cast %mul3A_1139 : vector<16xf32> to vector<1x16xf32>
        tpu.vector_store %arg10[%swap3A_1140, %swap3A_1141], %swap3A_1144 {strides = array<i32>} : memref<128x128xf32, #tpu.memory_space<vmem>>, vector<1x16xf32>,
        %get3A_1145 = arith.index_cast %add3A_1134 : i32 to index
        %get3A_1146 = arith.constant 16 : index
        %get3A_1147 = tpu.vector_load %arg10[%get3A_1145, %get3A_1146] {strides = array<i32>} : memref<128x128xf32, #tpu.memory_space<vmem>>, vector<1x16xf32>,
        %get3A_1148 = vector.shape_cast %get3A_1147 : vector<1x16xf32> to vector<16xf32>
        %mul3A_1149 = arith.mulf %get3A_1148, %gather3A_1130 : vector<16xf32>
        %swap3A_1150 = arith.index_cast %add3A_1134 : i32 to index
        %swap3A_1151 = arith.constant 16 : index
        %swap3A_1152 = tpu.vector_load %arg10[%swap3A_1150, %swap3A_1151] {strides = array<i32>} : memref<128x128xf32, #tpu.memory_space<vmem>>, vector<1x16xf32>,
        %swap3A_1153 = vector.shape_cast %swap3A_1152 : vector<1x16xf32> to vector<16xf32>
        %swap3A_1154 = vector.shape_cast %mul3A_1149 : vector<16xf32> to vector<1x16xf32>
        tpu.vector_store %arg10[%swap3A_1150, %swap3A_1151], %swap3A_1154 {strides = array<i32>} : memref<128x128xf32, #tpu.memory_space<vmem>>, vector<1x16xf32>,
        %get3A_1155 = arith.index_cast %add3A_1134 : i32 to index
        %get3A_1156 = arith.constant 32 : index
        %get3A_1157 = tpu.vector_load %arg10[%get3A_1155, %get3A_1156] {strides = array<i32>} : memref<128x128xf32, #tpu.memory_space<vmem>>, vector<1x16xf32>,
        %get3A_1158 = vector.shape_cast %get3A_1157 : vector<1x16xf32> to vector<16xf32>
        %mul3A_1159 = arith.mulf %get3A_1158, %gather3A_1130 : vector<16xf32>
        %swap3A_1160 = arith.index_cast %add3A_1134 : i32 to index
        %swap3A_1161 = arith.constant 32 : index
        %swap3A_1162 = tpu.vector_load %arg10[%swap3A_1160, %swap3A_1161] {strides = array<i32>} : memref<128x128xf32, #tpu.memory_space<vmem>>, vector<1x16xf32>,
        %swap3A_1163 = vector.shape_cast %swap3A_1162 : vector<1x16xf32> to vector<16xf32>
        %swap3A_1164 = vector.shape_cast %mul3A_1159 : vector<16xf32> to vector<1x16xf32>
        tpu.vector_store %arg10[%swap3A_1160, %swap3A_1161], %swap3A_1164 {strides = array<i32>} : memref<128x128xf32, #tpu.memory_space<vmem>>, vector<1x16xf32>,
        %get3A_1165 = arith.index_cast %add3A_1134 : i32 to index
        %get3A_1166 = arith.constant 48 : index
        %get3A_1167 = tpu.vector_load %arg10[%get3A_1165, %get3A_1166] {strides = array<i32>} : memref<128x128xf32, #tpu.memory_space<vmem>>, vector<1x16xf32>,
        %get3A_1168 = vector.shape_cast %get3A_1167 : vector<1x16xf32> to vector<16xf32>
        %mul3A_1169 = arith.mulf %get3A_1168, %gather3A_1130 : vector<16xf32>
        %swap3A_1170 = arith.index_cast %add3A_1134 : i32 to index
        %swap3A_1171 = arith.constant 48 : index
        %swap3A_1172 = tpu.vector_load %arg10[%swap3A_1170, %swap3A_1171] {strides = array<i32>} : memref<128x128xf32, #tpu.memory_space<vmem>>, vector<1x16xf32>,
        %swap3A_1173 = vector.shape_cast %swap3A_1172 : vector<1x16xf32> to vector<16xf32>
        %swap3A_1174 = vector.shape_cast %mul3A_1169 : vector<16xf32> to vector<1x16xf32>
        tpu.vector_store %arg10[%swap3A_1170, %swap3A_1171], %swap3A_1174 {strides = array<i32>} : memref<128x128xf32, #tpu.memory_space<vmem>>, vector<1x16xf32>,
        %get3A_1175 = arith.index_cast %add3A_1134 : i32 to index
        %get3A_1176 = arith.constant 64 : index
        %get3A_1177 = tpu.vector_load %arg10[%get3A_1175, %get3A_1176] {strides = array<i32>} : memref<128x128xf32, #tpu.memory_space<vmem>>, vector<1x16xf32>,
        %get3A_1178 = vector.shape_cast %get3A_1177 : vector<1x16xf32> to vector<16xf32>
        %mul3A_1179 = arith.mulf %get3A_1178, %gather3A_1130 : vector<16xf32>
        %swap3A_1180 = arith.index_cast %add3A_1134 : i32 to index
        %swap3A_1181 = arith.constant 64 : index
        %swap3A_1182 = tpu.vector_load %arg10[%swap3A_1180, %swap3A_1181] {strides = array<i32>} : memref<128x128xf32, #tpu.memory_space<vmem>>, vector<1x16xf32>,
        %swap3A_1183 = vector.shape_cast %swap3A_1182 : vector<1x16xf32> to vector<16xf32>
        %swap3A_1184 = vector.shape_cast %mul3A_1179 : vector<16xf32> to vector<1x16xf32>
        tpu.vector_store %arg10[%swap3A_1180, %swap3A_1181], %swap3A_1184 {strides = array<i32>} : memref<128x128xf32, #tpu.memory_space<vmem>>, vector<1x16xf32>,
        %get3A_1185 = arith.index_cast %add3A_1134 : i32 to index
        %get3A_1186 = arith.constant 80 : index
        %get3A_1187 = tpu.vector_load %arg10[%get3A_1185, %get3A_1186] {strides = array<i32>} : memref<128x128xf32, #tpu.memory_space<vmem>>, vector<1x16xf32>,
        %get3A_1188 = vector.shape_cast %get3A_1187 : vector<1x16xf32> to vector<16xf32>
        %mul3A_1189 = arith.mulf %get3A_1188, %gather3A_1130 : vector<16xf32>
        %swap3A_1190 = arith.index_cast %add3A_1134 : i32 to index
        %swap3A_1191 = arith.constant 80 : index
        %swap3A_1192 = tpu.vector_load %arg10[%swap3A_1190, %swap3A_1191] {strides = array<i32>} : memref<128x128xf32, #tpu.memory_space<vmem>>, vector<1x16xf32>,
        %swap3A_1193 = vector.shape_cast %swap3A_1192 : vector<1x16xf32> to vector<16xf32>
        %swap3A_1194 = vector.shape_cast %mul3A_1189 : vector<16xf32> to vector<1x16xf32>
        tpu.vector_store %arg10[%swap3A_1190, %swap3A_1191], %swap3A_1194 {strides = array<i32>} : memref<128x128xf32, #tpu.memory_space<vmem>>, vector<1x16xf32>,
        %get3A_1195 = arith.index_cast %add3A_1134 : i32 to index
        %get3A_1196 = arith.constant 96 : index
        %get3A_1197 = tpu.vector_load %arg10[%get3A_1195, %get3A_1196] {strides = array<i32>} : memref<128x128xf32, #tpu.memory_space<vmem>>, vector<1x16xf32>,
        %get3A_1198 = vector.shape_cast %get3A_1197 : vector<1x16xf32> to vector<16xf32>
        %mul3A_1199 = arith.mulf %get3A_1198, %gather3A_1130 : vector<16xf32>
        %swap3A_1200 = arith.index_cast %add3A_1134 : i32 to index
        %swap3A_1201 = arith.constant 96 : index
        %swap3A_1202 = tpu.vector_load %arg10[%swap3A_1200, %swap3A_1201] {strides = array<i32>} : memref<128x128xf32, #tpu.memory_space<vmem>>, vector<1x16xf32>,
        %swap3A_1203 = vector.shape_cast %swap3A_1202 : vector<1x16xf32> to vector<16xf32>
        %swap3A_1204 = vector.shape_cast %mul3A_1199 : vector<16xf32> to vector<1x16xf32>
        tpu.vector_store %arg10[%swap3A_1200, %swap3A_1201], %swap3A_1204 {strides = array<i32>} : memref<128x128xf32, #tpu.memory_space<vmem>>, vector<1x16xf32>,
        %get3A_1205 = arith.index_cast %add3A_1134 : i32 to index
        %get3A_1206 = arith.constant 112 : index
        %get3A_1207 = tpu.vector_load %arg10[%get3A_1205, %get3A_1206] {strides = array<i32>} : memref<128x128xf32, #tpu.memory_space<vmem>>, vector<1x16xf32>,
        %get3A_1208 = vector.shape_cast %get3A_1207 : vector<1x16xf32> to vector<16xf32>
        %mul3A_1209 = arith.mulf %get3A_1208, %gather3A_1130 : vector<16xf32>
        %swap3A_1210 = arith.index_cast %add3A_1134 : i32 to index
        %swap3A_1211 = arith.constant 112 : index
        %swap3A_1212 = tpu.vector_load %arg10[%swap3A_1210, %swap3A_1211] {strides = array<i32>} : memref<128x128xf32, #tpu.memory_space<vmem>>, vector<1x16xf32>,
        %swap3A_1213 = vector.shape_cast %swap3A_1212 : vector<1x16xf32> to vector<16xf32>
        %swap3A_1214 = vector.shape_cast %mul3A_1209 : vector<16xf32> to vector<1x16xf32>
        tpu.vector_store %arg10[%swap3A_1210, %swap3A_1211], %swap3A_1214 {strides = array<i32>} : memref<128x128xf32, #tpu.memory_space<vmem>>, vector<1x16xf32>,
        %broadcast_in_dim3A_1215 = arith.constant 13 : i32
        %broadcast_in_dim3A_1216 = vector.broadcast %broadcast_in_dim3A_1215 : i32 to vector<16x1xi32>
        %gather3A_1217 = vector.shape_cast %broadcast_in_dim3A_1216 : vector<16x1xi32> to vector<16xi32>
        %gather3A_1218 = tpu.dynamic_gather %get3A_73[%gather3A_1217] in [0] : vector<16xf32>, vector<16xi32> -> vector<16xf32>
        %mul3A_1219 = arith.constant 16 : i32
        %mul3A_1220 = arith.muli %scan3A_69, %mul3A_1219 : i32
        %add3A_1221 = arith.constant 13 : i32
        %add3A_1222 = arith.addi %mul3A_1220, %add3A_1221 : i32
        %get3A_1223 = arith.index_cast %add3A_1222 : i32 to index
        %get3A_1224 = arith.constant 0 : index
        %get3A_1225 = tpu.vector_load %arg10[%get3A_1223, %get3A_1224] {strides = array<i32>} : memref<128x128xf32, #tpu.memory_space<vmem>>, vector<1x16xf32>,
        %get3A_1226 = vector.shape_cast %get3A_1225 : vector<1x16xf32> to vector<16xf32>
        %mul3A_1227 = arith.mulf %get3A_1226, %gather3A_1218 : vector<16xf32>
        %swap3A_1228 = arith.index_cast %add3A_1222 : i32 to index
        %swap3A_1229 = arith.constant 0 : index
        %swap3A_1230 = tpu.vector_load %arg10[%swap3A_1228, %swap3A_1229] {strides = array<i32>} : memref<128x128xf32, #tpu.memory_space<vmem>>, vector<1x16xf32>,
        %swap3A_1231 = vector.shape_cast %swap3A_1230 : vector<1x16xf32> to vector<16xf32>
        %swap3A_1232 = vector.shape_cast %mul3A_1227 : vector<16xf32> to vector<1x16xf32>
        tpu.vector_store %arg10[%swap3A_1228, %swap3A_1229], %swap3A_1232 {strides = array<i32>} : memref<128x128xf32, #tpu.memory_space<vmem>>, vector<1x16xf32>,
        %get3A_1233 = arith.index_cast %add3A_1222 : i32 to index
        %get3A_1234 = arith.constant 16 : index
        %get3A_1235 = tpu.vector_load %arg10[%get3A_1233, %get3A_1234] {strides = array<i32>} : memref<128x128xf32, #tpu.memory_space<vmem>>, vector<1x16xf32>,
        %get3A_1236 = vector.shape_cast %get3A_1235 : vector<1x16xf32> to vector<16xf32>
        %mul3A_1237 = arith.mulf %get3A_1236, %gather3A_1218 : vector<16xf32>
        %swap3A_1238 = arith.index_cast %add3A_1222 : i32 to index
        %swap3A_1239 = arith.constant 16 : index
        %swap3A_1240 = tpu.vector_load %arg10[%swap3A_1238, %swap3A_1239] {strides = array<i32>} : memref<128x128xf32, #tpu.memory_space<vmem>>, vector<1x16xf32>,
        %swap3A_1241 = vector.shape_cast %swap3A_1240 : vector<1x16xf32> to vector<16xf32>
        %swap3A_1242 = vector.shape_cast %mul3A_1237 : vector<16xf32> to vector<1x16xf32>
        tpu.vector_store %arg10[%swap3A_1238, %swap3A_1239], %swap3A_1242 {strides = array<i32>} : memref<128x128xf32, #tpu.memory_space<vmem>>, vector<1x16xf32>,
        %get3A_1243 = arith.index_cast %add3A_1222 : i32 to index
        %get3A_1244 = arith.constant 32 : index
        %get3A_1245 = tpu.vector_load %arg10[%get3A_1243, %get3A_1244] {strides = array<i32>} : memref<128x128xf32, #tpu.memory_space<vmem>>, vector<1x16xf32>,
        %get3A_1246 = vector.shape_cast %get3A_1245 : vector<1x16xf32> to vector<16xf32>
        %mul3A_1247 = arith.mulf %get3A_1246, %gather3A_1218 : vector<16xf32>
        %swap3A_1248 = arith.index_cast %add3A_1222 : i32 to index
        %swap3A_1249 = arith.constant 32 : index
        %swap3A_1250 = tpu.vector_load %arg10[%swap3A_1248, %swap3A_1249] {strides = array<i32>} : memref<128x128xf32, #tpu.memory_space<vmem>>, vector<1x16xf32>,
        %swap3A_1251 = vector.shape_cast %swap3A_1250 : vector<1x16xf32> to vector<16xf32>
        %swap3A_1252 = vector.shape_cast %mul3A_1247 : vector<16xf32> to vector<1x16xf32>
        tpu.vector_store %arg10[%swap3A_1248, %swap3A_1249], %swap3A_1252 {strides = array<i32>} : memref<128x128xf32, #tpu.memory_space<vmem>>, vector<1x16xf32>,
        %get3A_1253 = arith.index_cast %add3A_1222 : i32 to index
        %get3A_1254 = arith.constant 48 : index
        %get3A_1255 = tpu.vector_load %arg10[%get3A_1253, %get3A_1254] {strides = array<i32>} : memref<128x128xf32, #tpu.memory_space<vmem>>, vector<1x16xf32>,
        %get3A_1256 = vector.shape_cast %get3A_1255 : vector<1x16xf32> to vector<16xf32>
        %mul3A_1257 = arith.mulf %get3A_1256, %gather3A_1218 : vector<16xf32>
        %swap3A_1258 = arith.index_cast %add3A_1222 : i32 to index
        %swap3A_1259 = arith.constant 48 : index
        %swap3A_1260 = tpu.vector_load %arg10[%swap3A_1258, %swap3A_1259] {strides = array<i32>} : memref<128x128xf32, #tpu.memory_space<vmem>>, vector<1x16xf32>,
        %swap3A_1261 = vector.shape_cast %swap3A_1260 : vector<1x16xf32> to vector<16xf32>
        %swap3A_1262 = vector.shape_cast %mul3A_1257 : vector<16xf32> to vector<1x16xf32>
        tpu.vector_store %arg10[%swap3A_1258, %swap3A_1259], %swap3A_1262 {strides = array<i32>} : memref<128x128xf32, #tpu.memory_space<vmem>>, vector<1x16xf32>,
        %get3A_1263 = arith.index_cast %add3A_1222 : i32 to index
        %get3A_1264 = arith.constant 64 : index
        %get3A_1265 = tpu.vector_load %arg10[%get3A_1263, %get3A_1264] {strides = array<i32>} : memref<128x128xf32, #tpu.memory_space<vmem>>, vector<1x16xf32>,
        %get3A_1266 = vector.shape_cast %get3A_1265 : vector<1x16xf32> to vector<16xf32>
        %mul3A_1267 = arith.mulf %get3A_1266, %gather3A_1218 : vector<16xf32>
        %swap3A_1268 = arith.index_cast %add3A_1222 : i32 to index
        %swap3A_1269 = arith.constant 64 : index
        %swap3A_1270 = tpu.vector_load %arg10[%swap3A_1268, %swap3A_1269] {strides = array<i32>} : memref<128x128xf32, #tpu.memory_space<vmem>>, vector<1x16xf32>,
        %swap3A_1271 = vector.shape_cast %swap3A_1270 : vector<1x16xf32> to vector<16xf32>
        %swap3A_1272 = vector.shape_cast %mul3A_1267 : vector<16xf32> to vector<1x16xf32>
        tpu.vector_store %arg10[%swap3A_1268, %swap3A_1269], %swap3A_1272 {strides = array<i32>} : memref<128x128xf32, #tpu.memory_space<vmem>>, vector<1x16xf32>,
        %get3A_1273 = arith.index_cast %add3A_1222 : i32 to index
        %get3A_1274 = arith.constant 80 : index
        %get3A_1275 = tpu.vector_load %arg10[%get3A_1273, %get3A_1274] {strides = array<i32>} : memref<128x128xf32, #tpu.memory_space<vmem>>, vector<1x16xf32>,
        %get3A_1276 = vector.shape_cast %get3A_1275 : vector<1x16xf32> to vector<16xf32>
        %mul3A_1277 = arith.mulf %get3A_1276, %gather3A_1218 : vector<16xf32>
        %swap3A_1278 = arith.index_cast %add3A_1222 : i32 to index
        %swap3A_1279 = arith.constant 80 : index
        %swap3A_1280 = tpu.vector_load %arg10[%swap3A_1278, %swap3A_1279] {strides = array<i32>} : memref<128x128xf32, #tpu.memory_space<vmem>>, vector<1x16xf32>,
        %swap3A_1281 = vector.shape_cast %swap3A_1280 : vector<1x16xf32> to vector<16xf32>
        %swap3A_1282 = vector.shape_cast %mul3A_1277 : vector<16xf32> to vector<1x16xf32>
        tpu.vector_store %arg10[%swap3A_1278, %swap3A_1279], %swap3A_1282 {strides = array<i32>} : memref<128x128xf32, #tpu.memory_space<vmem>>, vector<1x16xf32>,
        %get3A_1283 = arith.index_cast %add3A_1222 : i32 to index
        %get3A_1284 = arith.constant 96 : index
        %get3A_1285 = tpu.vector_load %arg10[%get3A_1283, %get3A_1284] {strides = array<i32>} : memref<128x128xf32, #tpu.memory_space<vmem>>, vector<1x16xf32>,
        %get3A_1286 = vector.shape_cast %get3A_1285 : vector<1x16xf32> to vector<16xf32>
        %mul3A_1287 = arith.mulf %get3A_1286, %gather3A_1218 : vector<16xf32>
        %swap3A_1288 = arith.index_cast %add3A_1222 : i32 to index
        %swap3A_1289 = arith.constant 96 : index
        %swap3A_1290 = tpu.vector_load %arg10[%swap3A_1288, %swap3A_1289] {strides = array<i32>} : memref<128x128xf32, #tpu.memory_space<vmem>>, vector<1x16xf32>,
        %swap3A_1291 = vector.shape_cast %swap3A_1290 : vector<1x16xf32> to vector<16xf32>
        %swap3A_1292 = vector.shape_cast %mul3A_1287 : vector<16xf32> to vector<1x16xf32>
        tpu.vector_store %arg10[%swap3A_1288, %swap3A_1289], %swap3A_1292 {strides = array<i32>} : memref<128x128xf32, #tpu.memory_space<vmem>>, vector<1x16xf32>,
        %get3A_1293 = arith.index_cast %add3A_1222 : i32 to index
        %get3A_1294 = arith.constant 112 : index
        %get3A_1295 = tpu.vector_load %arg10[%get3A_1293, %get3A_1294] {strides = array<i32>} : memref<128x128xf32, #tpu.memory_space<vmem>>, vector<1x16xf32>,
        %get3A_1296 = vector.shape_cast %get3A_1295 : vector<1x16xf32> to vector<16xf32>
        %mul3A_1297 = arith.mulf %get3A_1296, %gather3A_1218 : vector<16xf32>
        %swap3A_1298 = arith.index_cast %add3A_1222 : i32 to index
        %swap3A_1299 = arith.constant 112 : index
        %swap3A_1300 = tpu.vector_load %arg10[%swap3A_1298, %swap3A_1299] {strides = array<i32>} : memref<128x128xf32, #tpu.memory_space<vmem>>, vector<1x16xf32>,
        %swap3A_1301 = vector.shape_cast %swap3A_1300 : vector<1x16xf32> to vector<16xf32>
        %swap3A_1302 = vector.shape_cast %mul3A_1297 : vector<16xf32> to vector<1x16xf32>
        tpu.vector_store %arg10[%swap3A_1298, %swap3A_1299], %swap3A_1302 {strides = array<i32>} : memref<128x128xf32, #tpu.memory_space<vmem>>, vector<1x16xf32>,
        %broadcast_in_dim3A_1303 = arith.constant 14 : i32
        %broadcast_in_dim3A_1304 = vector.broadcast %broadcast_in_dim3A_1303 : i32 to vector<16x1xi32>
        %gather3A_1305 = vector.shape_cast %broadcast_in_dim3A_1304 : vector<16x1xi32> to vector<16xi32>
        %gather3A_1306 = tpu.dynamic_gather %get3A_73[%gather3A_1305] in [0] : vector<16xf32>, vector<16xi32> -> vector<16xf32>
        %mul3A_1307 = arith.constant 16 : i32
        %mul3A_1308 = arith.muli %scan3A_69, %mul3A_1307 : i32
        %add3A_1309 = arith.constant 14 : i32
        %add3A_1310 = arith.addi %mul3A_1308, %add3A_1309 : i32
        %get3A_1311 = arith.index_cast %add3A_1310 : i32 to index
        %get3A_1312 = arith.constant 0 : index
        %get3A_1313 = tpu.vector_load %arg10[%get3A_1311, %get3A_1312] {strides = array<i32>} : memref<128x128xf32, #tpu.memory_space<vmem>>, vector<1x16xf32>,
        %get3A_1314 = vector.shape_cast %get3A_1313 : vector<1x16xf32> to vector<16xf32>
        %mul3A_1315 = arith.mulf %get3A_1314, %gather3A_1306 : vector<16xf32>
        %swap3A_1316 = arith.index_cast %add3A_1310 : i32 to index
        %swap3A_1317 = arith.constant 0 : index
        %swap3A_1318 = tpu.vector_load %arg10[%swap3A_1316, %swap3A_1317] {strides = array<i32>} : memref<128x128xf32, #tpu.memory_space<vmem>>, vector<1x16xf32>,
        %swap3A_1319 = vector.shape_cast %swap3A_1318 : vector<1x16xf32> to vector<16xf32>
        %swap3A_1320 = vector.shape_cast %mul3A_1315 : vector<16xf32> to vector<1x16xf32>
        tpu.vector_store %arg10[%swap3A_1316, %swap3A_1317], %swap3A_1320 {strides = array<i32>} : memref<128x128xf32, #tpu.memory_space<vmem>>, vector<1x16xf32>,
        %get3A_1321 = arith.index_cast %add3A_1310 : i32 to index
        %get3A_1322 = arith.constant 16 : index
        %get3A_1323 = tpu.vector_load %arg10[%get3A_1321, %get3A_1322] {strides = array<i32>} : memref<128x128xf32, #tpu.memory_space<vmem>>, vector<1x16xf32>,
        %get3A_1324 = vector.shape_cast %get3A_1323 : vector<1x16xf32> to vector<16xf32>
        %mul3A_1325 = arith.mulf %get3A_1324, %gather3A_1306 : vector<16xf32>
        %swap3A_1326 = arith.index_cast %add3A_1310 : i32 to index
        %swap3A_1327 = arith.constant 16 : index
        %swap3A_1328 = tpu.vector_load %arg10[%swap3A_1326, %swap3A_1327] {strides = array<i32>} : memref<128x128xf32, #tpu.memory_space<vmem>>, vector<1x16xf32>,
        %swap3A_1329 = vector.shape_cast %swap3A_1328 : vector<1x16xf32> to vector<16xf32>
        %swap3A_1330 = vector.shape_cast %mul3A_1325 : vector<16xf32> to vector<1x16xf32>
        tpu.vector_store %arg10[%swap3A_1326, %swap3A_1327], %swap3A_1330 {strides = array<i32>} : memref<128x128xf32, #tpu.memory_space<vmem>>, vector<1x16xf32>,
        %get3A_1331 = arith.index_cast %add3A_1310 : i32 to index
        %get3A_1332 = arith.constant 32 : index
        %get3A_1333 = tpu.vector_load %arg10[%get3A_1331, %get3A_1332] {strides = array<i32>} : memref<128x128xf32, #tpu.memory_space<vmem>>, vector<1x16xf32>,
        %get3A_1334 = vector.shape_cast %get3A_1333 : vector<1x16xf32> to vector<16xf32>
        %mul3A_1335 = arith.mulf %get3A_1334, %gather3A_1306 : vector<16xf32>
        %swap3A_1336 = arith.index_cast %add3A_1310 : i32 to index
        %swap3A_1337 = arith.constant 32 : index
        %swap3A_1338 = tpu.vector_load %arg10[%swap3A_1336, %swap3A_1337] {strides = array<i32>} : memref<128x128xf32, #tpu.memory_space<vmem>>, vector<1x16xf32>,
        %swap3A_1339 = vector.shape_cast %swap3A_1338 : vector<1x16xf32> to vector<16xf32>
        %swap3A_1340 = vector.shape_cast %mul3A_1335 : vector<16xf32> to vector<1x16xf32>
        tpu.vector_store %arg10[%swap3A_1336, %swap3A_1337], %swap3A_1340 {strides = array<i32>} : memref<128x128xf32, #tpu.memory_space<vmem>>, vector<1x16xf32>,
        %get3A_1341 = arith.index_cast %add3A_1310 : i32 to index
        %get3A_1342 = arith.constant 48 : index
        %get3A_1343 = tpu.vector_load %arg10[%get3A_1341, %get3A_1342] {strides = array<i32>} : memref<128x128xf32, #tpu.memory_space<vmem>>, vector<1x16xf32>,
        %get3A_1344 = vector.shape_cast %get3A_1343 : vector<1x16xf32> to vector<16xf32>
        %mul3A_1345 = arith.mulf %get3A_1344, %gather3A_1306 : vector<16xf32>
        %swap3A_1346 = arith.index_cast %add3A_1310 : i32 to index
        %swap3A_1347 = arith.constant 48 : index
        %swap3A_1348 = tpu.vector_load %arg10[%swap3A_1346, %swap3A_1347] {strides = array<i32>} : memref<128x128xf32, #tpu.memory_space<vmem>>, vector<1x16xf32>,
        %swap3A_1349 = vector.shape_cast %swap3A_1348 : vector<1x16xf32> to vector<16xf32>
        %swap3A_1350 = vector.shape_cast %mul3A_1345 : vector<16xf32> to vector<1x16xf32>
        tpu.vector_store %arg10[%swap3A_1346, %swap3A_1347], %swap3A_1350 {strides = array<i32>} : memref<128x128xf32, #tpu.memory_space<vmem>>, vector<1x16xf32>,
        %get3A_1351 = arith.index_cast %add3A_1310 : i32 to index
        %get3A_1352 = arith.constant 64 : index
        %get3A_1353 = tpu.vector_load %arg10[%get3A_1351, %get3A_1352] {strides = array<i32>} : memref<128x128xf32, #tpu.memory_space<vmem>>, vector<1x16xf32>,
        %get3A_1354 = vector.shape_cast %get3A_1353 : vector<1x16xf32> to vector<16xf32>
        %mul3A_1355 = arith.mulf %get3A_1354, %gather3A_1306 : vector<16xf32>
        %swap3A_1356 = arith.index_cast %add3A_1310 : i32 to index
        %swap3A_1357 = arith.constant 64 : index
        %swap3A_1358 = tpu.vector_load %arg10[%swap3A_1356, %swap3A_1357] {strides = array<i32>} : memref<128x128xf32, #tpu.memory_space<vmem>>, vector<1x16xf32>,
        %swap3A_1359 = vector.shape_cast %swap3A_1358 : vector<1x16xf32> to vector<16xf32>
        %swap3A_1360 = vector.shape_cast %mul3A_1355 : vector<16xf32> to vector<1x16xf32>
        tpu.vector_store %arg10[%swap3A_1356, %swap3A_1357], %swap3A_1360 {strides = array<i32>} : memref<128x128xf32, #tpu.memory_space<vmem>>, vector<1x16xf32>,
        %get3A_1361 = arith.index_cast %add3A_1310 : i32 to index
        %get3A_1362 = arith.constant 80 : index
        %get3A_1363 = tpu.vector_load %arg10[%get3A_1361, %get3A_1362] {strides = array<i32>} : memref<128x128xf32, #tpu.memory_space<vmem>>, vector<1x16xf32>,
        %get3A_1364 = vector.shape_cast %get3A_1363 : vector<1x16xf32> to vector<16xf32>
        %mul3A_1365 = arith.mulf %get3A_1364, %gather3A_1306 : vector<16xf32>
        %swap3A_1366 = arith.index_cast %add3A_1310 : i32 to index
        %swap3A_1367 = arith.constant 80 : index
        %swap3A_1368 = tpu.vector_load %arg10[%swap3A_1366, %swap3A_1367] {strides = array<i32>} : memref<128x128xf32, #tpu.memory_space<vmem>>, vector<1x16xf32>,
        %swap3A_1369 = vector.shape_cast %swap3A_1368 : vector<1x16xf32> to vector<16xf32>
        %swap3A_1370 = vector.shape_cast %mul3A_1365 : vector<16xf32> to vector<1x16xf32>
        tpu.vector_store %arg10[%swap3A_1366, %swap3A_1367], %swap3A_1370 {strides = array<i32>} : memref<128x128xf32, #tpu.memory_space<vmem>>, vector<1x16xf32>,
        %get3A_1371 = arith.index_cast %add3A_1310 : i32 to index
        %get3A_1372 = arith.constant 96 : index
        %get3A_1373 = tpu.vector_load %arg10[%get3A_1371, %get3A_1372] {strides = array<i32>} : memref<128x128xf32, #tpu.memory_space<vmem>>, vector<1x16xf32>,
        %get3A_1374 = vector.shape_cast %get3A_1373 : vector<1x16xf32> to vector<16xf32>
        %mul3A_1375 = arith.mulf %get3A_1374, %gather3A_1306 : vector<16xf32>
        %swap3A_1376 = arith.index_cast %add3A_1310 : i32 to index
        %swap3A_1377 = arith.constant 96 : index
        %swap3A_1378 = tpu.vector_load %arg10[%swap3A_1376, %swap3A_1377] {strides = array<i32>} : memref<128x128xf32, #tpu.memory_space<vmem>>, vector<1x16xf32>,
        %swap3A_1379 = vector.shape_cast %swap3A_1378 : vector<1x16xf32> to vector<16xf32>
        %swap3A_1380 = vector.shape_cast %mul3A_1375 : vector<16xf32> to vector<1x16xf32>
        tpu.vector_store %arg10[%swap3A_1376, %swap3A_1377], %swap3A_1380 {strides = array<i32>} : memref<128x128xf32, #tpu.memory_space<vmem>>, vector<1x16xf32>,
        %get3A_1381 = arith.index_cast %add3A_1310 : i32 to index
        %get3A_1382 = arith.constant 112 : index
        %get3A_1383 = tpu.vector_load %arg10[%get3A_1381, %get3A_1382] {strides = array<i32>} : memref<128x128xf32, #tpu.memory_space<vmem>>, vector<1x16xf32>,
        %get3A_1384 = vector.shape_cast %get3A_1383 : vector<1x16xf32> to vector<16xf32>
        %mul3A_1385 = arith.mulf %get3A_1384, %gather3A_1306 : vector<16xf32>
        %swap3A_1386 = arith.index_cast %add3A_1310 : i32 to index
        %swap3A_1387 = arith.constant 112 : index
        %swap3A_1388 = tpu.vector_load %arg10[%swap3A_1386, %swap3A_1387] {strides = array<i32>} : memref<128x128xf32, #tpu.memory_space<vmem>>, vector<1x16xf32>,
        %swap3A_1389 = vector.shape_cast %swap3A_1388 : vector<1x16xf32> to vector<16xf32>
        %swap3A_1390 = vector.shape_cast %mul3A_1385 : vector<16xf32> to vector<1x16xf32>
        tpu.vector_store %arg10[%swap3A_1386, %swap3A_1387], %swap3A_1390 {strides = array<i32>} : memref<128x128xf32, #tpu.memory_space<vmem>>, vector<1x16xf32>,
        %broadcast_in_dim3A_1391 = arith.constant 15 : i32
        %broadcast_in_dim3A_1392 = vector.broadcast %broadcast_in_dim3A_1391 : i32 to vector<16x1xi32>
        %gather3A_1393 = vector.shape_cast %broadcast_in_dim3A_1392 : vector<16x1xi32> to vector<16xi32>
        %gather3A_1394 = tpu.dynamic_gather %get3A_73[%gather3A_1393] in [0] : vector<16xf32>, vector<16xi32> -> vector<16xf32>
        %mul3A_1395 = arith.constant 16 : i32
        %mul3A_1396 = arith.muli %scan3A_69, %mul3A_1395 : i32
        %add3A_1397 = arith.constant 15 : i32
        %add3A_1398 = arith.addi %mul3A_1396, %add3A_1397 : i32
        %get3A_1399 = arith.index_cast %add3A_1398 : i32 to index
        %get3A_1400 = arith.constant 0 : index
        %get3A_1401 = tpu.vector_load %arg10[%get3A_1399, %get3A_1400] {strides = array<i32>} : memref<128x128xf32, #tpu.memory_space<vmem>>, vector<1x16xf32>,
        %get3A_1402 = vector.shape_cast %get3A_1401 : vector<1x16xf32> to vector<16xf32>
        %mul3A_1403 = arith.mulf %get3A_1402, %gather3A_1394 : vector<16xf32>
        %swap3A_1404 = arith.index_cast %add3A_1398 : i32 to index
        %swap3A_1405 = arith.constant 0 : index
        %swap3A_1406 = tpu.vector_load %arg10[%swap3A_1404, %swap3A_1405] {strides = array<i32>} : memref<128x128xf32, #tpu.memory_space<vmem>>, vector<1x16xf32>,
        %swap3A_1407 = vector.shape_cast %swap3A_1406 : vector<1x16xf32> to vector<16xf32>
        %swap3A_1408 = vector.shape_cast %mul3A_1403 : vector<16xf32> to vector<1x16xf32>
        tpu.vector_store %arg10[%swap3A_1404, %swap3A_1405], %swap3A_1408 {strides = array<i32>} : memref<128x128xf32, #tpu.memory_space<vmem>>, vector<1x16xf32>,
        %get3A_1409 = arith.index_cast %add3A_1398 : i32 to index
        %get3A_1410 = arith.constant 16 : index
        %get3A_1411 = tpu.vector_load %arg10[%get3A_1409, %get3A_1410] {strides = array<i32>} : memref<128x128xf32, #tpu.memory_space<vmem>>, vector<1x16xf32>,
        %get3A_1412 = vector.shape_cast %get3A_1411 : vector<1x16xf32> to vector<16xf32>
        %mul3A_1413 = arith.mulf %get3A_1412, %gather3A_1394 : vector<16xf32>
        %swap3A_1414 = arith.index_cast %add3A_1398 : i32 to index
        %swap3A_1415 = arith.constant 16 : index
        %swap3A_1416 = tpu.vector_load %arg10[%swap3A_1414, %swap3A_1415] {strides = array<i32>} : memref<128x128xf32, #tpu.memory_space<vmem>>, vector<1x16xf32>,
        %swap3A_1417 = vector.shape_cast %swap3A_1416 : vector<1x16xf32> to vector<16xf32>
        %swap3A_1418 = vector.shape_cast %mul3A_1413 : vector<16xf32> to vector<1x16xf32>
        tpu.vector_store %arg10[%swap3A_1414, %swap3A_1415], %swap3A_1418 {strides = array<i32>} : memref<128x128xf32, #tpu.memory_space<vmem>>, vector<1x16xf32>,
        %get3A_1419 = arith.index_cast %add3A_1398 : i32 to index
        %get3A_1420 = arith.constant 32 : index
        %get3A_1421 = tpu.vector_load %arg10[%get3A_1419, %get3A_1420] {strides = array<i32>} : memref<128x128xf32, #tpu.memory_space<vmem>>, vector<1x16xf32>,
        %get3A_1422 = vector.shape_cast %get3A_1421 : vector<1x16xf32> to vector<16xf32>
        %mul3A_1423 = arith.mulf %get3A_1422, %gather3A_1394 : vector<16xf32>
        %swap3A_1424 = arith.index_cast %add3A_1398 : i32 to index
        %swap3A_1425 = arith.constant 32 : index
        %swap3A_1426 = tpu.vector_load %arg10[%swap3A_1424, %swap3A_1425] {strides = array<i32>} : memref<128x128xf32, #tpu.memory_space<vmem>>, vector<1x16xf32>,
        %swap3A_1427 = vector.shape_cast %swap3A_1426 : vector<1x16xf32> to vector<16xf32>
        %swap3A_1428 = vector.shape_cast %mul3A_1423 : vector<16xf32> to vector<1x16xf32>
        tpu.vector_store %arg10[%swap3A_1424, %swap3A_1425], %swap3A_1428 {strides = array<i32>} : memref<128x128xf32, #tpu.memory_space<vmem>>, vector<1x16xf32>,
        %get3A_1429 = arith.index_cast %add3A_1398 : i32 to index
        %get3A_1430 = arith.constant 48 : index
        %get3A_1431 = tpu.vector_load %arg10[%get3A_1429, %get3A_1430] {strides = array<i32>} : memref<128x128xf32, #tpu.memory_space<vmem>>, vector<1x16xf32>,
        %get3A_1432 = vector.shape_cast %get3A_1431 : vector<1x16xf32> to vector<16xf32>
        %mul3A_1433 = arith.mulf %get3A_1432, %gather3A_1394 : vector<16xf32>
        %swap3A_1434 = arith.index_cast %add3A_1398 : i32 to index
        %swap3A_1435 = arith.constant 48 : index
        %swap3A_1436 = tpu.vector_load %arg10[%swap3A_1434, %swap3A_1435] {strides = array<i32>} : memref<128x128xf32, #tpu.memory_space<vmem>>, vector<1x16xf32>,
        %swap3A_1437 = vector.shape_cast %swap3A_1436 : vector<1x16xf32> to vector<16xf32>
        %swap3A_1438 = vector.shape_cast %mul3A_1433 : vector<16xf32> to vector<1x16xf32>
        tpu.vector_store %arg10[%swap3A_1434, %swap3A_1435], %swap3A_1438 {strides = array<i32>} : memref<128x128xf32, #tpu.memory_space<vmem>>, vector<1x16xf32>,
        %get3A_1439 = arith.index_cast %add3A_1398 : i32 to index
        %get3A_1440 = arith.constant 64 : index
        %get3A_1441 = tpu.vector_load %arg10[%get3A_1439, %get3A_1440] {strides = array<i32>} : memref<128x128xf32, #tpu.memory_space<vmem>>, vector<1x16xf32>,
        %get3A_1442 = vector.shape_cast %get3A_1441 : vector<1x16xf32> to vector<16xf32>
        %mul3A_1443 = arith.mulf %get3A_1442, %gather3A_1394 : vector<16xf32>
        %swap3A_1444 = arith.index_cast %add3A_1398 : i32 to index
        %swap3A_1445 = arith.constant 64 : index
        %swap3A_1446 = tpu.vector_load %arg10[%swap3A_1444, %swap3A_1445] {strides = array<i32>} : memref<128x128xf32, #tpu.memory_space<vmem>>, vector<1x16xf32>,
        %swap3A_1447 = vector.shape_cast %swap3A_1446 : vector<1x16xf32> to vector<16xf32>
        %swap3A_1448 = vector.shape_cast %mul3A_1443 : vector<16xf32> to vector<1x16xf32>
        tpu.vector_store %arg10[%swap3A_1444, %swap3A_1445], %swap3A_1448 {strides = array<i32>} : memref<128x128xf32, #tpu.memory_space<vmem>>, vector<1x16xf32>,
        %get3A_1449 = arith.index_cast %add3A_1398 : i32 to index
        %get3A_1450 = arith.constant 80 : index
        %get3A_1451 = tpu.vector_load %arg10[%get3A_1449, %get3A_1450] {strides = array<i32>} : memref<128x128xf32, #tpu.memory_space<vmem>>, vector<1x16xf32>,
        %get3A_1452 = vector.shape_cast %get3A_1451 : vector<1x16xf32> to vector<16xf32>
        %mul3A_1453 = arith.mulf %get3A_1452, %gather3A_1394 : vector<16xf32>
        %swap3A_1454 = arith.index_cast %add3A_1398 : i32 to index
        %swap3A_1455 = arith.constant 80 : index
        %swap3A_1456 = tpu.vector_load %arg10[%swap3A_1454, %swap3A_1455] {strides = array<i32>} : memref<128x128xf32, #tpu.memory_space<vmem>>, vector<1x16xf32>,
        %swap3A_1457 = vector.shape_cast %swap3A_1456 : vector<1x16xf32> to vector<16xf32>
        %swap3A_1458 = vector.shape_cast %mul3A_1453 : vector<16xf32> to vector<1x16xf32>
        tpu.vector_store %arg10[%swap3A_1454, %swap3A_1455], %swap3A_1458 {strides = array<i32>} : memref<128x128xf32, #tpu.memory_space<vmem>>, vector<1x16xf32>,
        %get3A_1459 = arith.index_cast %add3A_1398 : i32 to index
        %get3A_1460 = arith.constant 96 : index
        %get3A_1461 = tpu.vector_load %arg10[%get3A_1459, %get3A_1460] {strides = array<i32>} : memref<128x128xf32, #tpu.memory_space<vmem>>, vector<1x16xf32>,
        %get3A_1462 = vector.shape_cast %get3A_1461 : vector<1x16xf32> to vector<16xf32>
        %mul3A_1463 = arith.mulf %get3A_1462, %gather3A_1394 : vector<16xf32>
        %swap3A_1464 = arith.index_cast %add3A_1398 : i32 to index
        %swap3A_1465 = arith.constant 96 : index
        %swap3A_1466 = tpu.vector_load %arg10[%swap3A_1464, %swap3A_1465] {strides = array<i32>} : memref<128x128xf32, #tpu.memory_space<vmem>>, vector<1x16xf32>,
        %swap3A_1467 = vector.shape_cast %swap3A_1466 : vector<1x16xf32> to vector<16xf32>
        %swap3A_1468 = vector.shape_cast %mul3A_1463 : vector<16xf32> to vector<1x16xf32>
        tpu.vector_store %arg10[%swap3A_1464, %swap3A_1465], %swap3A_1468 {strides = array<i32>} : memref<128x128xf32, #tpu.memory_space<vmem>>, vector<1x16xf32>,
        %get3A_1469 = arith.index_cast %add3A_1398 : i32 to index
        %get3A_1470 = arith.constant 112 : index
        %get3A_1471 = tpu.vector_load %arg10[%get3A_1469, %get3A_1470] {strides = array<i32>} : memref<128x128xf32, #tpu.memory_space<vmem>>, vector<1x16xf32>,
        %get3A_1472 = vector.shape_cast %get3A_1471 : vector<1x16xf32> to vector<16xf32>
        %mul3A_1473 = arith.mulf %get3A_1472, %gather3A_1394 : vector<16xf32>
        %swap3A_1474 = arith.index_cast %add3A_1398 : i32 to index
        %swap3A_1475 = arith.constant 112 : index
        %swap3A_1476 = tpu.vector_load %arg10[%swap3A_1474, %swap3A_1475] {strides = array<i32>} : memref<128x128xf32, #tpu.memory_space<vmem>>, vector<1x16xf32>,
        %swap3A_1477 = vector.shape_cast %swap3A_1476 : vector<1x16xf32> to vector<16xf32>
        %swap3A_1478 = vector.shape_cast %mul3A_1473 : vector<16xf32> to vector<1x16xf32>
        tpu.vector_store %arg10[%swap3A_1474, %swap3A_1475], %swap3A_1478 {strides = array<i32>} : memref<128x128xf32, #tpu.memory_space<vmem>>, vector<1x16xf32>,
      }
      %scan3A_68 = arith.constant 8 : i32
      "tpu.region"() ({
        %run_scoped3A = tpu.sem_alloc : memref<!tpu.dma_semaphore, #tpu.memory_space<semaphore_mem>>
        %dma_start3A_69 = arith.constant 0 : i32
        %dma_start3A_70 = arith.constant 0 : i32
        %dma_start3A_71 = tpu.memref_slice %arg11[%dma_start3A_69, %dma_start3A_70] : memref<10240x128xf32, #tpu.memory_space<vmem_shared>> -> memref<10240x128xf32, #tpu.memory_space<vmem_shared>>
        tpu.enqueue_indirect_dma source(%arg10 : memref<128x128xf32, #tpu.memory_space<vmem>>) target(%dma_start3A_71 : memref<10240x128xf32, #tpu.memory_space<vmem_shared>>) offsets(%arg8 : memref<128xi32, #tpu.memory_space<vmem>>) semaphore(%run_scoped3A : memref<!tpu.dma_semaphore, #tpu.memory_space<semaphore_mem>>) {add = true}
        %dma_wait3A_72 = arith.constant 0 : i32
        %dma_wait3A_73 = arith.constant 0 : i32
        %dma_wait3A_74 = tpu.memref_slice %arg11[%dma_wait3A_72, %dma_wait3A_73] : memref<10240x128xf32, #tpu.memory_space<vmem_shared>> -> memref<10240x128xf32, #tpu.memory_space<vmem_shared>>
        tpu.wait_indirect_dma semaphore(%run_scoped3A : memref<!tpu.dma_semaphore, #tpu.memory_space<semaphore_mem>>) src(%arg10 : memref<128x128xf32, #tpu.memory_space<vmem>>) dst(%dma_wait3A_74 : memref<10240x128xf32, #tpu.memory_space<vmem_shared>>)
        tpu.yield
      }) : () -> ()
    }
    %scan3A_31 = arith.constant 79 : i32
    %barrier3A_32 = arith.constant 0 : index
    tpu.barrier barrier_id(%barrier3A_32)
    %mul3A_33 = arith.constant 640 : i32
    %mul3A_34 = arith.muli %arg1, %mul3A_33 : i32
    %add3A_35 = arith.constant 0 : i32
    %add3A_36 = arith.addi %mul3A_34, %add3A_35 : i32
    "tpu.region"() ({
      %run_scoped3A = tpu.sem_alloc : memref<!tpu.dma_semaphore, #tpu.memory_space<semaphore_mem>>
      %dma_start3A = arith.constant 0 : i32
      %dma_start3A_53 = tpu.memref_slice %arg6[%arg0, %add3A_36, %dma_start3A] : memref<2x10240x128xf32, #tpu.memory_space<hbm>> -> memref<1x128x128xf32, #tpu.memory_space<hbm>>
      %dma_start3A_54 = tpu.memref_squeeze %dma_start3A_53 : memref<1x128x128xf32, #tpu.memory_space<hbm>> -> memref<128x128xf32, #tpu.memory_space<hbm>>
      %dma_start3A_55 = arith.constant 0 : i32
      %dma_start3A_56 = tpu.memref_slice %arg11[%add3A_36, %dma_start3A_55] : memref<10240x128xf32, #tpu.memory_space<vmem_shared>> -> memref<128x128xf32, #tpu.memory_space<vmem_shared>>
      tpu.enqueue_dma source(%dma_start3A_56 : memref<128x128xf32, #tpu.memory_space<vmem_shared>>) target(%dma_start3A_54 : memref<128x128xf32, #tpu.memory_space<hbm>>) target_semaphore(%run_scoped3A : memref<!tpu.dma_semaphore, #tpu.memory_space<semaphore_mem>>)
      %dma_wait3A = arith.constant 0 : i32
      %dma_wait3A_57 = tpu.memref_slice %arg6[%arg0, %add3A_36, %dma_wait3A] : memref<2x10240x128xf32, #tpu.memory_space<hbm>> -> memref<1x128x128xf32, #tpu.memory_space<hbm>>
      %dma_wait3A_58 = tpu.memref_squeeze %dma_wait3A_57 : memref<1x128x128xf32, #tpu.memory_space<hbm>> -> memref<128x128xf32, #tpu.memory_space<hbm>>
      %dma_wait3A_59 = arith.constant 0 : i32
      %dma_wait3A_60 = tpu.memref_slice %arg11[%add3A_36, %dma_wait3A_59] : memref<10240x128xf32, #tpu.memory_space<vmem_shared>> -> memref<128x128xf32, #tpu.memory_space<vmem_shared>>
      tpu.wait_dma2 semaphore(%run_scoped3A : memref<!tpu.dma_semaphore, #tpu.memory_space<semaphore_mem>>) src(%dma_wait3A_60 : memref<128x128xf32, #tpu.memory_space<vmem_shared>>) dst(%dma_wait3A_58 : memref<128x128xf32, #tpu.memory_space<hbm>>)
      tpu.yield
    }) : () -> ()
    %mul3A_37 = arith.constant 640 : i32
    %mul3A_38 = arith.muli %arg1, %mul3A_37 : i32
    %add3A_39 = arith.constant 128 : i32
    %add3A_40 = arith.addi %mul3A_38, %add3A_39 : i32
    "tpu.region"() ({
      %run_scoped3A = tpu.sem_alloc : memref<!tpu.dma_semaphore, #tpu.memory_space<semaphore_mem>>
      %dma_start3A = arith.constant 0 : i32
      %dma_start3A_53 = tpu.memref_slice %arg6[%arg0, %add3A_40, %dma_start3A] : memref<2x10240x128xf32, #tpu.memory_space<hbm>> -> memref<1x128x128xf32, #tpu.memory_space<hbm>>
      %dma_start3A_54 = tpu.memref_squeeze %dma_start3A_53 : memref<1x128x128xf32, #tpu.memory_space<hbm>> -> memref<128x128xf32, #tpu.memory_space<hbm>>
      %dma_start3A_55 = arith.constant 0 : i32
      %dma_start3A_56 = tpu.memref_slice %arg11[%add3A_40, %dma_start3A_55] : memref<10240x128xf32, #tpu.memory_space<vmem_shared>> -> memref<128x128xf32, #tpu.memory_space<vmem_shared>>
      tpu.enqueue_dma source(%dma_start3A_56 : memref<128x128xf32, #tpu.memory_space<vmem_shared>>) target(%dma_start3A_54 : memref<128x128xf32, #tpu.memory_space<hbm>>) target_semaphore(%run_scoped3A : memref<!tpu.dma_semaphore, #tpu.memory_space<semaphore_mem>>)
      %dma_wait3A = arith.constant 0 : i32
      %dma_wait3A_57 = tpu.memref_slice %arg6[%arg0, %add3A_40, %dma_wait3A] : memref<2x10240x128xf32, #tpu.memory_space<hbm>> -> memref<1x128x128xf32, #tpu.memory_space<hbm>>
      %dma_wait3A_58 = tpu.memref_squeeze %dma_wait3A_57 : memref<1x128x128xf32, #tpu.memory_space<hbm>> -> memref<128x128xf32, #tpu.memory_space<hbm>>
      %dma_wait3A_59 = arith.constant 0 : i32
      %dma_wait3A_60 = tpu.memref_slice %arg11[%add3A_40, %dma_wait3A_59] : memref<10240x128xf32, #tpu.memory_space<vmem_shared>> -> memref<128x128xf32, #tpu.memory_space<vmem_shared>>
      tpu.wait_dma2 semaphore(%run_scoped3A : memref<!tpu.dma_semaphore, #tpu.memory_space<semaphore_mem>>) src(%dma_wait3A_60 : memref<128x128xf32, #tpu.memory_space<vmem_shared>>) dst(%dma_wait3A_58 : memref<128x128xf32, #tpu.memory_space<hbm>>)
      tpu.yield
    }) : () -> ()
    %mul3A_41 = arith.constant 640 : i32
    %mul3A_42 = arith.muli %arg1, %mul3A_41 : i32
    %add3A_43 = arith.constant 256 : i32
    %add3A_44 = arith.addi %mul3A_42, %add3A_43 : i32
    "tpu.region"() ({
      %run_scoped3A = tpu.sem_alloc : memref<!tpu.dma_semaphore, #tpu.memory_space<semaphore_mem>>
      %dma_start3A = arith.constant 0 : i32
      %dma_start3A_53 = tpu.memref_slice %arg6[%arg0, %add3A_44, %dma_start3A] : memref<2x10240x128xf32, #tpu.memory_space<hbm>> -> memref<1x128x128xf32, #tpu.memory_space<hbm>>
      %dma_start3A_54 = tpu.memref_squeeze %dma_start3A_53 : memref<1x128x128xf32, #tpu.memory_space<hbm>> -> memref<128x128xf32, #tpu.memory_space<hbm>>
      %dma_start3A_55 = arith.constant 0 : i32
      %dma_start3A_56 = tpu.memref_slice %arg11[%add3A_44, %dma_start3A_55] : memref<10240x128xf32, #tpu.memory_space<vmem_shared>> -> memref<128x128xf32, #tpu.memory_space<vmem_shared>>
      tpu.enqueue_dma source(%dma_start3A_56 : memref<128x128xf32, #tpu.memory_space<vmem_shared>>) target(%dma_start3A_54 : memref<128x128xf32, #tpu.memory_space<hbm>>) target_semaphore(%run_scoped3A : memref<!tpu.dma_semaphore, #tpu.memory_space<semaphore_mem>>)
      %dma_wait3A = arith.constant 0 : i32
      %dma_wait3A_57 = tpu.memref_slice %arg6[%arg0, %add3A_44, %dma_wait3A] : memref<2x10240x128xf32, #tpu.memory_space<hbm>> -> memref<1x128x128xf32, #tpu.memory_space<hbm>>
      %dma_wait3A_58 = tpu.memref_squeeze %dma_wait3A_57 : memref<1x128x128xf32, #tpu.memory_space<hbm>> -> memref<128x128xf32, #tpu.memory_space<hbm>>
      %dma_wait3A_59 = arith.constant 0 : i32
      %dma_wait3A_60 = tpu.memref_slice %arg11[%add3A_44, %dma_wait3A_59] : memref<10240x128xf32, #tpu.memory_space<vmem_shared>> -> memref<128x128xf32, #tpu.memory_space<vmem_shared>>
      tpu.wait_dma2 semaphore(%run_scoped3A : memref<!tpu.dma_semaphore, #tpu.memory_space<semaphore_mem>>) src(%dma_wait3A_60 : memref<128x128xf32, #tpu.memory_space<vmem_shared>>) dst(%dma_wait3A_58 : memref<128x128xf32, #tpu.memory_space<hbm>>)
      tpu.yield
    }) : () -> ()
    %mul3A_45 = arith.constant 640 : i32
    %mul3A_46 = arith.muli %arg1, %mul3A_45 : i32
    %add3A_47 = arith.constant 384 : i32
    %add3A_48 = arith.addi %mul3A_46, %add3A_47 : i32
    "tpu.region"() ({
      %run_scoped3A = tpu.sem_alloc : memref<!tpu.dma_semaphore, #tpu.memory_space<semaphore_mem>>
      %dma_start3A = arith.constant 0 : i32
      %dma_start3A_53 = tpu.memref_slice %arg6[%arg0, %add3A_48, %dma_start3A] : memref<2x10240x128xf32, #tpu.memory_space<hbm>> -> memref<1x128x128xf32, #tpu.memory_space<hbm>>
      %dma_start3A_54 = tpu.memref_squeeze %dma_start3A_53 : memref<1x128x128xf32, #tpu.memory_space<hbm>> -> memref<128x128xf32, #tpu.memory_space<hbm>>
      %dma_start3A_55 = arith.constant 0 : i32
      %dma_start3A_56 = tpu.memref_slice %arg11[%add3A_48, %dma_start3A_55] : memref<10240x128xf32, #tpu.memory_space<vmem_shared>> -> memref<128x128xf32, #tpu.memory_space<vmem_shared>>
      tpu.enqueue_dma source(%dma_start3A_56 : memref<128x128xf32, #tpu.memory_space<vmem_shared>>) target(%dma_start3A_54 : memref<128x128xf32, #tpu.memory_space<hbm>>) target_semaphore(%run_scoped3A : memref<!tpu.dma_semaphore, #tpu.memory_space<semaphore_mem>>)
      %dma_wait3A = arith.constant 0 : i32
      %dma_wait3A_57 = tpu.memref_slice %arg6[%arg0, %add3A_48, %dma_wait3A] : memref<2x10240x128xf32, #tpu.memory_space<hbm>> -> memref<1x128x128xf32, #tpu.memory_space<hbm>>
      %dma_wait3A_58 = tpu.memref_squeeze %dma_wait3A_57 : memref<1x128x128xf32, #tpu.memory_space<hbm>> -> memref<128x128xf32, #tpu.memory_space<hbm>>
      %dma_wait3A_59 = arith.constant 0 : i32
      %dma_wait3A_60 = tpu.memref_slice %arg11[%add3A_48, %dma_wait3A_59] : memref<10240x128xf32, #tpu.memory_space<vmem_shared>> -> memref<128x128xf32, #tpu.memory_space<vmem_shared>>
      tpu.wait_dma2 semaphore(%run_scoped3A : memref<!tpu.dma_semaphore, #tpu.memory_space<semaphore_mem>>) src(%dma_wait3A_60 : memref<128x128xf32, #tpu.memory_space<vmem_shared>>) dst(%dma_wait3A_58 : memref<128x128xf32, #tpu.memory_space<hbm>>)
      tpu.yield
    }) : () -> ()
    %mul3A_49 = arith.constant 640 : i32
    %mul3A_50 = arith.muli %arg1, %mul3A_49 : i32
    %add3A_51 = arith.constant 512 : i32
    %add3A_52 = arith.addi %mul3A_50, %add3A_51 : i32
    "tpu.region"() ({
      %run_scoped3A = tpu.sem_alloc : memref<!tpu.dma_semaphore, #tpu.memory_space<semaphore_mem>>
      %dma_start3A = arith.constant 0 : i32
      %dma_start3A_53 = tpu.memref_slice %arg6[%arg0, %add3A_52, %dma_start3A] : memref<2x10240x128xf32, #tpu.memory_space<hbm>> -> memref<1x128x128xf32, #tpu.memory_space<hbm>>
      %dma_start3A_54 = tpu.memref_squeeze %dma_start3A_53 : memref<1x128x128xf32, #tpu.memory_space<hbm>> -> memref<128x128xf32, #tpu.memory_space<hbm>>
      %dma_start3A_55 = arith.constant 0 : i32
      %dma_start3A_56 = tpu.memref_slice %arg11[%add3A_52, %dma_start3A_55] : memref<10240x128xf32, #tpu.memory_space<vmem_shared>> -> memref<128x128xf32, #tpu.memory_space<vmem_shared>>
      tpu.enqueue_dma source(%dma_start3A_56 : memref<128x128xf32, #tpu.memory_space<vmem_shared>>) target(%dma_start3A_54 : memref<128x128xf32, #tpu.memory_space<hbm>>) target_semaphore(%run_scoped3A : memref<!tpu.dma_semaphore, #tpu.memory_space<semaphore_mem>>)
      %dma_wait3A = arith.constant 0 : i32
      %dma_wait3A_57 = tpu.memref_slice %arg6[%arg0, %add3A_52, %dma_wait3A] : memref<2x10240x128xf32, #tpu.memory_space<hbm>> -> memref<1x128x128xf32, #tpu.memory_space<hbm>>
      %dma_wait3A_58 = tpu.memref_squeeze %dma_wait3A_57 : memref<1x128x128xf32, #tpu.memory_space<hbm>> -> memref<128x128xf32, #tpu.memory_space<hbm>>
      %dma_wait3A_59 = arith.constant 0 : i32
      %dma_wait3A_60 = tpu.memref_slice %arg11[%add3A_52, %dma_wait3A_59] : memref<10240x128xf32, #tpu.memory_space<vmem_shared>> -> memref<128x128xf32, #tpu.memory_space<vmem_shared>>
      tpu.wait_dma2 semaphore(%run_scoped3A : memref<!tpu.dma_semaphore, #tpu.memory_space<semaphore_mem>>) src(%dma_wait3A_60 : memref<128x128xf32, #tpu.memory_space<vmem_shared>>) dst(%dma_wait3A_58 : memref<128x128xf32, #tpu.memory_space<hbm>>)
      tpu.yield
    }) : () -> ()
    return
  }
}

module attributes {stable_mosaic.version = 14 : i64} {
  func.func @_tc_prolog_body(%arg0: memref<10000x128xf32, #tpu.memory_space<vmem>>, %arg1: memref<128x128xf32, #tpu.memory_space<vmem>>, %arg2: memref<2x10240x1xf32, #tpu.memory_space<vmem>>, %arg3: memref<10000x128xf32, #tpu.memory_space<vmem>>, %arg4: memref<10000x1xf32, #tpu.memory_space<vmem>>) attributes {dimension_semantics = [], scalar_prefetch = 0 : i64, scratch_operands = 0 : i64, tpu.core_type = #tpu.core_type<tc>} {
    %get3A = arith.constant 0 : index
    %get3A_0 = arith.constant 0 : index
    %get3A_1 = arith.constant 0 : index
    %get3A_2 = vector.load %arg2[%get3A, %get3A_0, %get3A_1] : memref<2x10240x1xf32, #tpu.memory_space<vmem>>, vector<1x10000x1xf32>
    %get3A_3 = vector.shape_cast %get3A_2 : vector<1x10000x1xf32> to vector<10000x1xf32>
    %get3A_4 = arith.constant 1 : index
    %get3A_5 = arith.constant 0 : index
    %get3A_6 = arith.constant 0 : index
    %get3A_7 = vector.load %arg2[%get3A_4, %get3A_5, %get3A_6] : memref<2x10240x1xf32, #tpu.memory_space<vmem>>, vector<1x10000x1xf32>
    %get3A_8 = vector.shape_cast %get3A_7 : vector<1x10000x1xf32> to vector<10000x1xf32>
    %add3A = arith.addf %get3A_3, %get3A_8 : vector<10000x1xf32>
    %add3A_9 = arith.constant 1.000000e+00 : f32
    %add3A_10 = vector.broadcast %add3A_9 : f32 to vector<10000x1xf32>
    %add3A_11 = arith.addf %add3A, %add3A_10 : vector<10000x1xf32>
    %gt3A = arith.constant 0.000000e+00 : f32
    %gt3A_12 = vector.broadcast %gt3A : f32 to vector<10000x1xf32>
    %gt3A_13 = arith.cmpf ogt, %add3A_11, %gt3A_12 : vector<10000x1xf32>
    %rsqrt3A = math.rsqrt %add3A_11 : vector<10000x1xf32>
    %jit3A = arith.constant 0.000000e+00 : f32
    %broadcast_in_dim3A = vector.broadcast %jit3A : f32 to vector<10000x1xf32>
    %select_n3A = arith.select %gt3A_13, %rsqrt3A, %broadcast_in_dim3A : vector<10000x1xi1>, vector<10000x1xf32>
    %get3A_14 = arith.constant 0 : index
    %get3A_15 = arith.constant 0 : index
    %get3A_16 = vector.load %arg0[%get3A_14, %get3A_15] : memref<10000x128xf32, #tpu.memory_space<vmem>>, vector<10000x128xf32>
    %get3A_17 = arith.constant 0 : index
    %get3A_18 = arith.constant 0 : index
    %get3A_19 = vector.load %arg1[%get3A_17, %get3A_18] : memref<128x128xf32, #tpu.memory_space<vmem>>, vector<128x128xf32>
    %dot_general3A = arith.constant dense<0.000000e+00> : vector<10000x128xf32>
    %dot_general3A_20 = tpu.matmul %get3A_16, %get3A_19, %dot_general3A {dimension_numbers = #tpu.dot_dimension_numbers<[1], [0], [0], [1], [0, 0, 1, 1], [], []>, transpose_lhs_hint = false} : vector<10000x128xf32>, vector<128x128xf32>, vector<10000x128xf32> -> vector<10000x128xf32>
    %mul3A = vector.broadcast %select_n3A : vector<10000x1xf32> to vector<10000x128xf32>
    %mul3A_21 = arith.mulf %dot_general3A_20, %mul3A : vector<10000x128xf32>
    %swap3A = arith.constant 0 : index
    %swap3A_22 = arith.constant 0 : index
    %swap3A_23 = vector.load %arg3[%swap3A, %swap3A_22] : memref<10000x128xf32, #tpu.memory_space<vmem>>, vector<10000x128xf32>
    tpu.vector_store %arg3[%swap3A, %swap3A_22], %mul3A_21 {strides = array<i32>} : memref<10000x128xf32, #tpu.memory_space<vmem>>, vector<10000x128xf32>,
    %swap3A_24 = arith.constant 0 : index
    %swap3A_25 = arith.constant 0 : index
    %swap3A_26 = vector.load %arg4[%swap3A_24, %swap3A_25] : memref<10000x1xf32, #tpu.memory_space<vmem>>, vector<10000x1xf32>
    tpu.vector_store %arg4[%swap3A_24, %swap3A_25], %select_n3A {strides = array<i32>} : memref<10000x1xf32, #tpu.memory_space<vmem>>, vector<10000x1xf32>,
    return
  }
}

module attributes {stable_mosaic.version = 14 : i64} {
  func.func @_tc_mid_body(%arg0: memref<2x10240x128xf32, #tpu.memory_space<vmem>>, %arg1: memref<10000x128xf32, #tpu.memory_space<vmem>>, %arg2: memref<10000x1xf32, #tpu.memory_space<vmem>>, %arg3: memref<128x128xf32, #tpu.memory_space<vmem>>, %arg4: memref<1x128xf32, #tpu.memory_space<vmem>>, %arg5: memref<1x128xf32, #tpu.memory_space<vmem>>, %arg6: memref<1x128xf32, #tpu.memory_space<vmem>>, %arg7: memref<10000x128xf32, #tpu.memory_space<vmem>>) attributes {dimension_semantics = [], scalar_prefetch = 0 : i64, scratch_operands = 0 : i64, tpu.core_type = #tpu.core_type<tc>} {
    %get3A = arith.constant 0 : index
    %get3A_0 = arith.constant 0 : index
    %get3A_1 = vector.load %arg2[%get3A, %get3A_0] : memref<10000x1xf32, #tpu.memory_space<vmem>>, vector<10000x1xf32>
    %get3A_2 = arith.constant 0 : index
    %get3A_3 = arith.constant 0 : index
    %get3A_4 = arith.constant 0 : index
    %get3A_5 = vector.load %arg0[%get3A_2, %get3A_3, %get3A_4] : memref<2x10240x128xf32, #tpu.memory_space<vmem>>, vector<1x10000x128xf32>
    %get3A_6 = vector.shape_cast %get3A_5 : vector<1x10000x128xf32> to vector<10000x128xf32>
    %get3A_7 = arith.constant 1 : index
    %get3A_8 = arith.constant 0 : index
    %get3A_9 = arith.constant 0 : index
    %get3A_10 = vector.load %arg0[%get3A_7, %get3A_8, %get3A_9] : memref<2x10240x128xf32, #tpu.memory_space<vmem>>, vector<1x10000x128xf32>
    %get3A_11 = vector.shape_cast %get3A_10 : vector<1x10000x128xf32> to vector<10000x128xf32>
    %add3A = arith.addf %get3A_6, %get3A_11 : vector<10000x128xf32>
    %get3A_12 = arith.constant 0 : index
    %get3A_13 = arith.constant 0 : index
    %get3A_14 = vector.load %arg1[%get3A_12, %get3A_13] : memref<10000x128xf32, #tpu.memory_space<vmem>>, vector<10000x128xf32>
    %add3A_15 = arith.addf %add3A, %get3A_14 : vector<10000x128xf32>
    %mul3A = vector.broadcast %get3A_1 : vector<10000x1xf32> to vector<10000x128xf32>
    %mul3A_16 = arith.mulf %mul3A, %add3A_15 : vector<10000x128xf32>
    %get3A_17 = arith.constant 0 : index
    %get3A_18 = arith.constant 0 : index
    %get3A_19 = vector.load %arg4[%get3A_17, %get3A_18] : memref<1x128xf32, #tpu.memory_space<vmem>>, vector<1x128xf32>
    %add3A_20 = vector.broadcast %get3A_19 : vector<1x128xf32> to vector<10000x128xf32>
    %add3A_21 = arith.addf %mul3A_16, %add3A_20 : vector<10000x128xf32>
    %get3A_22 = arith.constant 0 : index
    %get3A_23 = arith.constant 0 : index
    %get3A_24 = vector.load %arg5[%get3A_22, %get3A_23] : memref<1x128xf32, #tpu.memory_space<vmem>>, vector<1x128xf32>
    %sqrt3A = arith.constant 1.000010e+00 : f32
    %sqrt3A_25 = math.sqrt %sqrt3A : f32
    %div3A = arith.constant 1.000000e+00 : f32
    %div3A_26 = arith.divf %div3A, %sqrt3A_25 : f32
    %mul3A_27 = vector.broadcast %div3A_26 : f32 to vector<1x128xf32>
    %mul3A_28 = arith.mulf %get3A_24, %mul3A_27 : vector<1x128xf32>
    %mul3A_29 = vector.broadcast %mul3A_28 : vector<1x128xf32> to vector<10000x128xf32>
    %mul3A_30 = arith.mulf %add3A_21, %mul3A_29 : vector<10000x128xf32>
    %get3A_31 = arith.constant 0 : index
    %get3A_32 = arith.constant 0 : index
    %get3A_33 = vector.load %arg6[%get3A_31, %get3A_32] : memref<1x128xf32, #tpu.memory_space<vmem>>, vector<1x128xf32>
    %add3A_34 = vector.broadcast %get3A_33 : vector<1x128xf32> to vector<10000x128xf32>
    %add3A_35 = arith.addf %mul3A_30, %add3A_34 : vector<10000x128xf32>
    %max3A = arith.constant 0.000000e+00 : f32
    %max3A_36 = vector.broadcast %max3A : f32 to vector<10000x128xf32>
    %max3A_37 = arith.maximumf %add3A_35, %max3A_36 : vector<10000x128xf32>
    %get3A_38 = arith.constant 0 : index
    %get3A_39 = arith.constant 0 : index
    %get3A_40 = vector.load %arg3[%get3A_38, %get3A_39] : memref<128x128xf32, #tpu.memory_space<vmem>>, vector<128x128xf32>
    %dot_general3A = arith.constant dense<0.000000e+00> : vector<10000x128xf32>
    %dot_general3A_41 = tpu.matmul %max3A_37, %get3A_40, %dot_general3A {dimension_numbers = #tpu.dot_dimension_numbers<[1], [0], [0], [1], [0, 0, 1, 1], [], []>, transpose_lhs_hint = false} : vector<10000x128xf32>, vector<128x128xf32>, vector<10000x128xf32> -> vector<10000x128xf32>
    %mul3A_42 = vector.broadcast %get3A_1 : vector<10000x1xf32> to vector<10000x128xf32>
    %mul3A_43 = arith.mulf %dot_general3A_41, %mul3A_42 : vector<10000x128xf32>
    %swap3A = arith.constant 0 : index
    %swap3A_44 = arith.constant 0 : index
    %swap3A_45 = vector.load %arg7[%swap3A, %swap3A_44] : memref<10000x128xf32, #tpu.memory_space<vmem>>, vector<10000x128xf32>
    tpu.vector_store %arg7[%swap3A, %swap3A_44], %mul3A_43 {strides = array<i32>} : memref<10000x128xf32, #tpu.memory_space<vmem>>, vector<10000x128xf32>,
    return
  }
}

module attributes {stable_mosaic.version = 14 : i64} {
  func.func @_tc_epilog_body(%arg0: memref<2x10240x128xf32, #tpu.memory_space<vmem>>, %arg1: memref<10000x128xf32, #tpu.memory_space<vmem>>, %arg2: memref<10000x1xf32, #tpu.memory_space<vmem>>, %arg3: memref<1x128xf32, #tpu.memory_space<vmem>>, %arg4: memref<1x128xf32, #tpu.memory_space<vmem>>, %arg5: memref<1x128xf32, #tpu.memory_space<vmem>>, %arg6: memref<128x64xf32, #tpu.memory_space<vmem>>, %arg7: memref<1x64xf32, #tpu.memory_space<vmem>>, %arg8: memref<64x64xf32, #tpu.memory_space<vmem>>, %arg9: memref<1x64xf32, #tpu.memory_space<vmem>>, %arg10: memref<128x64xf32, #tpu.memory_space<vmem>>, %arg11: memref<1x64xf32, #tpu.memory_space<vmem>>, %arg12: memref<64x1xf32, #tpu.memory_space<vmem>>, %arg13: memref<1x1xf32, #tpu.memory_space<vmem>>, %arg14: memref<10000x64xf32, #tpu.memory_space<vmem>>, %arg15: memref<10000x1xf32, #tpu.memory_space<vmem>>, %arg16: memref<10000x128xf32, #tpu.memory_space<vmem>>) attributes {dimension_semantics = [], scalar_prefetch = 0 : i64, scratch_operands = 0 : i64, tpu.core_type = #tpu.core_type<tc>} {
    %get3A = arith.constant 0 : index
    %get3A_0 = arith.constant 0 : index
    %get3A_1 = vector.load %arg2[%get3A, %get3A_0] : memref<10000x1xf32, #tpu.memory_space<vmem>>, vector<10000x1xf32>
    %get3A_2 = arith.constant 0 : index
    %get3A_3 = arith.constant 0 : index
    %get3A_4 = arith.constant 0 : index
    %get3A_5 = vector.load %arg0[%get3A_2, %get3A_3, %get3A_4] : memref<2x10240x128xf32, #tpu.memory_space<vmem>>, vector<1x10000x128xf32>
    %get3A_6 = vector.shape_cast %get3A_5 : vector<1x10000x128xf32> to vector<10000x128xf32>
    %get3A_7 = arith.constant 1 : index
    %get3A_8 = arith.constant 0 : index
    %get3A_9 = arith.constant 0 : index
    %get3A_10 = vector.load %arg0[%get3A_7, %get3A_8, %get3A_9] : memref<2x10240x128xf32, #tpu.memory_space<vmem>>, vector<1x10000x128xf32>
    %get3A_11 = vector.shape_cast %get3A_10 : vector<1x10000x128xf32> to vector<10000x128xf32>
    %add3A = arith.addf %get3A_6, %get3A_11 : vector<10000x128xf32>
    %get3A_12 = arith.constant 0 : index
    %get3A_13 = arith.constant 0 : index
    %get3A_14 = vector.load %arg1[%get3A_12, %get3A_13] : memref<10000x128xf32, #tpu.memory_space<vmem>>, vector<10000x128xf32>
    %add3A_15 = arith.addf %add3A, %get3A_14 : vector<10000x128xf32>
    %mul3A = vector.broadcast %get3A_1 : vector<10000x1xf32> to vector<10000x128xf32>
    %mul3A_16 = arith.mulf %mul3A, %add3A_15 : vector<10000x128xf32>
    %get3A_17 = arith.constant 0 : index
    %get3A_18 = arith.constant 0 : index
    %get3A_19 = vector.load %arg3[%get3A_17, %get3A_18] : memref<1x128xf32, #tpu.memory_space<vmem>>, vector<1x128xf32>
    %add3A_20 = vector.broadcast %get3A_19 : vector<1x128xf32> to vector<10000x128xf32>
    %add3A_21 = arith.addf %mul3A_16, %add3A_20 : vector<10000x128xf32>
    %get3A_22 = arith.constant 0 : index
    %get3A_23 = arith.constant 0 : index
    %get3A_24 = vector.load %arg4[%get3A_22, %get3A_23] : memref<1x128xf32, #tpu.memory_space<vmem>>, vector<1x128xf32>
    %sqrt3A = arith.constant 1.000010e+00 : f32
    %sqrt3A_25 = math.sqrt %sqrt3A : f32
    %div3A = arith.constant 1.000000e+00 : f32
    %div3A_26 = arith.divf %div3A, %sqrt3A_25 : f32
    %mul3A_27 = vector.broadcast %div3A_26 : f32 to vector<1x128xf32>
    %mul3A_28 = arith.mulf %get3A_24, %mul3A_27 : vector<1x128xf32>
    %mul3A_29 = vector.broadcast %mul3A_28 : vector<1x128xf32> to vector<10000x128xf32>
    %mul3A_30 = arith.mulf %add3A_21, %mul3A_29 : vector<10000x128xf32>
    %get3A_31 = arith.constant 0 : index
    %get3A_32 = arith.constant 0 : index
    %get3A_33 = vector.load %arg5[%get3A_31, %get3A_32] : memref<1x128xf32, #tpu.memory_space<vmem>>, vector<1x128xf32>
    %add3A_34 = vector.broadcast %get3A_33 : vector<1x128xf32> to vector<10000x128xf32>
    %add3A_35 = arith.addf %mul3A_30, %add3A_34 : vector<10000x128xf32>
    %max3A = arith.constant 0.000000e+00 : f32
    %max3A_36 = vector.broadcast %max3A : f32 to vector<10000x128xf32>
    %max3A_37 = arith.maximumf %add3A_35, %max3A_36 : vector<10000x128xf32>
    %swap3A = arith.constant 0 : index
    %swap3A_38 = arith.constant 0 : index
    %swap3A_39 = vector.load %arg16[%swap3A, %swap3A_38] : memref<10000x128xf32, #tpu.memory_space<vmem>>, vector<10000x128xf32>
    tpu.vector_store %arg16[%swap3A, %swap3A_38], %max3A_37 {strides = array<i32>} : memref<10000x128xf32, #tpu.memory_space<vmem>>, vector<10000x128xf32>,
    %get3A_40 = arith.constant 0 : index
    %get3A_41 = arith.constant 0 : index
    %get3A_42 = vector.load %arg6[%get3A_40, %get3A_41] : memref<128x64xf32, #tpu.memory_space<vmem>>, vector<128x64xf32>
    %dot_general3A = arith.constant dense<0.000000e+00> : vector<10000x64xf32>
    %dot_general3A_43 = tpu.matmul %max3A_37, %get3A_42, %dot_general3A {dimension_numbers = #tpu.dot_dimension_numbers<[1], [0], [0], [1], [0, 0, 1, 1], [], []>, transpose_lhs_hint = false} : vector<10000x128xf32>, vector<128x64xf32>, vector<10000x64xf32> -> vector<10000x64xf32>
    %get3A_44 = arith.constant 0 : index
    %get3A_45 = arith.constant 0 : index
    %get3A_46 = vector.load %arg7[%get3A_44, %get3A_45] : memref<1x64xf32, #tpu.memory_space<vmem>>, vector<1x64xf32>
    %add3A_47 = vector.broadcast %get3A_46 : vector<1x64xf32> to vector<10000x64xf32>
    %add3A_48 = arith.addf %dot_general3A_43, %add3A_47 : vector<10000x64xf32>
    %max3A_49 = arith.constant 0.000000e+00 : f32
    %max3A_50 = vector.broadcast %max3A_49 : f32 to vector<10000x64xf32>
    %max3A_51 = arith.maximumf %add3A_48, %max3A_50 : vector<10000x64xf32>
    %get3A_52 = arith.constant 0 : index
    %get3A_53 = arith.constant 0 : index
    %get3A_54 = vector.load %arg8[%get3A_52, %get3A_53] : memref<64x64xf32, #tpu.memory_space<vmem>>, vector<64x64xf32>
    %dot_general3A_55 = arith.constant dense<0.000000e+00> : vector<10000x64xf32>
    %dot_general3A_56 = tpu.matmul %max3A_51, %get3A_54, %dot_general3A_55 {dimension_numbers = #tpu.dot_dimension_numbers<[1], [0], [0], [1], [0, 0, 1, 1], [], []>, transpose_lhs_hint = false} : vector<10000x64xf32>, vector<64x64xf32>, vector<10000x64xf32> -> vector<10000x64xf32>
    %get3A_57 = arith.constant 0 : index
    %get3A_58 = arith.constant 0 : index
    %get3A_59 = vector.load %arg9[%get3A_57, %get3A_58] : memref<1x64xf32, #tpu.memory_space<vmem>>, vector<1x64xf32>
    %add3A_60 = vector.broadcast %get3A_59 : vector<1x64xf32> to vector<10000x64xf32>
    %add3A_61 = arith.addf %dot_general3A_56, %add3A_60 : vector<10000x64xf32>
    %swap3A_62 = arith.constant 0 : index
    %swap3A_63 = arith.constant 0 : index
    %swap3A_64 = vector.load %arg14[%swap3A_62, %swap3A_63] : memref<10000x64xf32, #tpu.memory_space<vmem>>, vector<10000x64xf32>
    tpu.vector_store %arg14[%swap3A_62, %swap3A_63], %add3A_61 {strides = array<i32>} : memref<10000x64xf32, #tpu.memory_space<vmem>>, vector<10000x64xf32>,
    %get3A_65 = arith.constant 0 : index
    %get3A_66 = arith.constant 0 : index
    %get3A_67 = vector.load %arg10[%get3A_65, %get3A_66] : memref<128x64xf32, #tpu.memory_space<vmem>>, vector<128x64xf32>
    %dot_general3A_68 = arith.constant dense<0.000000e+00> : vector<10000x64xf32>
    %dot_general3A_69 = tpu.matmul %max3A_37, %get3A_67, %dot_general3A_68 {dimension_numbers = #tpu.dot_dimension_numbers<[1], [0], [0], [1], [0, 0, 1, 1], [], []>, transpose_lhs_hint = false} : vector<10000x128xf32>, vector<128x64xf32>, vector<10000x64xf32> -> vector<10000x64xf32>
    %get3A_70 = arith.constant 0 : index
    %get3A_71 = arith.constant 0 : index
    %get3A_72 = vector.load %arg11[%get3A_70, %get3A_71] : memref<1x64xf32, #tpu.memory_space<vmem>>, vector<1x64xf32>
    %add3A_73 = vector.broadcast %get3A_72 : vector<1x64xf32> to vector<10000x64xf32>
    %add3A_74 = arith.addf %dot_general3A_69, %add3A_73 : vector<10000x64xf32>
    %max3A_75 = arith.constant 0.000000e+00 : f32
    %max3A_76 = vector.broadcast %max3A_75 : f32 to vector<10000x64xf32>
    %max3A_77 = arith.maximumf %add3A_74, %max3A_76 : vector<10000x64xf32>
    %get3A_78 = arith.constant 0 : index
    %get3A_79 = arith.constant 0 : index
    %get3A_80 = vector.load %arg12[%get3A_78, %get3A_79] : memref<64x1xf32, #tpu.memory_space<vmem>>, vector<64x1xf32>
    %dot_general3A_81 = arith.constant dense<0.000000e+00> : vector<10000x1xf32>
    %dot_general3A_82 = tpu.matmul %max3A_77, %get3A_80, %dot_general3A_81 {dimension_numbers = #tpu.dot_dimension_numbers<[1], [0], [0], [1], [0, 0, 1, 1], [], []>, transpose_lhs_hint = false} : vector<10000x64xf32>, vector<64x1xf32>, vector<10000x1xf32> -> vector<10000x1xf32>
    %get3A_83 = arith.constant 0 : index
    %get3A_84 = arith.constant 0 : index
    %get3A_85 = vector.load %arg13[%get3A_83, %get3A_84] : memref<1x1xf32, #tpu.memory_space<vmem>>, vector<1x1xf32>
    %add3A_86 = vector.broadcast %get3A_85 : vector<1x1xf32> to vector<10000x1xf32>
    %add3A_87 = arith.addf %dot_general3A_82, %add3A_86 : vector<10000x1xf32>
    %swap3A_88 = arith.constant 0 : index
    %swap3A_89 = arith.constant 0 : index
    %swap3A_90 = vector.load %arg15[%swap3A_88, %swap3A_89] : memref<10000x1xf32, #tpu.memory_space<vmem>>, vector<10000x1xf32>
    tpu.vector_store %arg15[%swap3A_88, %swap3A_89], %add3A_87 {strides = array<i32>} : memref<10000x1xf32, #tpu.memory_space<vmem>>, vector<10000x1xf32>,
    return
  }
}

</mosaic_0001>

<sc_bundles>
// kernel: kernel.11.cloned.1.call-start
scs
__scs_entry_jumppad:
0x0: {  	(pc) =	sbr.rel $0x88, $3  }
0x1: {  	(tag) =	ssettag $0x0;
	lr =	simm.s32 $0x1  }
0x2: {  	[smem:$0x3F8E] =	sst lr;
	_ =	strace $0xD0000000  }
0x3: {  	_ = 	snop  }
0x4: {  	_ = 	snop  }
0x5: {  	_ = 	snop  }
0x6: {  	_ = 	snop  }
0x7: {  	_ = 	snop  }
__scs_overlays_trampoline_lowered:
0x8: {  	[smem:$0x3F9D] =	sst s0  }
0x9: {  	[smem:$0x3F9E] =	sst s1  }
0xa: {  	[smem:$0x3F9F] =	sst s2  }
0xb: {  	[smem:$0x3FA0] =	sst s3  }
0xc: {  	[smem:$0x3FA1] =	sst s4  }
0xd: {  	[smem:$0x3FA2] =	sst s5  }
0xe: {  	[smem:$0x3FA3] =	sst s6  }
0xf: {  	[smem:$0x3FA4] =	sst s7  }
0x10: {  	[smem:$0x3FA5] =	sst s8  }
0x11: {  	[smem:$0x3FA6] =	sst s9;
	s0 =	simm.s32 @!p0 $0x0  }
0x12: {  	s1 =	sld [smem:$0x3F8C];
	s0 =	simm.s32 @p0 $0x1  }
0x13: {  	[smem:$0x3FA7] =	sst s0;
	s0 =	simm.s32 @!p1 $0x0  }
0x14: {  	s2 =	sld [smem:$0x3F8B];
	s0 =	simm.s32 @p1 $0x1  }
0x15: {  	[smem:$0x3FA8] =	sst s0;
	s0 =	simm.s32 @!p2 $0x0  }
0x16: {  	s3 =	sld [smem:$0x3FDB];
	s0 =	simm.s32 @p2 $0x1  }
0x17: {  	s4 =	simm.s32 $0x1BF5;
	[smem:$0x3FAA] =	sst s0  }
0x18: {  	s0 =	sld [smem:$0x3F8D];
	_ =	swait.ge [sflag:s4], $0x0  }
0x19: {  	s7 =	sld [smem:$0x3F8E]  }
0x1a: {  	s8 =	sadd.s32 $0xFFFFE003, lr  }
0x1b: {  	s9 =	sadd.s32 $0xFFFFFEF7, lr;
	s5 =	simm.s32 $0xFFFFFFFF;
	p2 =	slt.u32 s8, $0xFFFFF086  }
0x1c: {  	p1 =	slt.u32 s9, $0xF7A;
	s5 =	simm.s32 @!p2 $0x0  }
0x1d: {  	s5 =	simm.s32 @p1 $0x1;
	p0 =	seq.s32 s7, s2  }
0x1e: {  	s7 =	smul.u32 @!p0 $0xF7A, s2;
	p2 =	seq.s32 @!p0 s5, $0x0  }
0x1f: {  	s9 =	smul.u32 $0xF7A, s1;
	s8 =	simm.s32 @!p0 $0x1BF5;
	p2 =	por !p2, p0  }
0x20: {  	[sflag:s8] =	ssyncset.s32 @!p0 $0xFFFFF086;
	s6 =	sadd.s32 @!p0 s3, s7;
	s7 =	simm.s32 @!p0 $0x108  }
0x21: {  	s3 =	sadd.s32 s3, s9;
	s6 =	sadd.s32 @!p0 $0x88, s6;
	s7 =	simm.s32 @p2 $0x1082  }
0x22: {  	[simem:s7], [sflag:s8] =	dma.local @!p0 [hbm:s6], $0xF7A  }
0x23: {  	s9 =	sor.u32 $0xD0000000, s2;
	s6 =	simm.s32 $0x108;
	_ =	swait.ge @!p0 [sflag:s8], $0x0  }
0x24: {  	s3 =	sadd.s32 $0x88, s3;
	s6 =	simm.s32 @!p1 $0x1082;
	[sflag:s4] =	ssyncset.s32 $0xFFFFF086  }
0x25: {  	[simem:s6], [sflag:s4] =	dma.local [hbm:s3], $0xF7A  }
0x26: {  	[smem:$0x3F8E] =	sst s1;
	(tag) =	ssettag s2;
	_ =	strace s9  }
0x27: {  	s1 =	sld [smem:$0x3F9E]  }
0x28: {  	s2 =	sld [smem:$0x3F9F]  }
0x29: {  	s4 =	sld [smem:$0x3FA1]  }
0x2a: {  	p0 =	seq.s32 s5, $0x0;
	s5 =	sld [smem:$0x3FA2]  }
0x2b: {  	s6 =	sld [smem:$0x3FA3]  }
0x2c: {  	s7 =	sld [smem:$0x3FA4]  }
0x2d: {  	s3 =	simm.s32 $0x108;
	s8 =	sld [smem:$0x3FA5]  }
0x2e: {  	s3 =	simm.s32 @!p0 $0x1082;
	s9 =	sld [smem:$0x3FA6]  }
0x2f: {  	lr =	sadd.s32 s0, s3;
	s0 =	sld [smem:$0x3F9D]  }
0x30: {  	s3 =	sld [smem:$0x3FA0]  }
0x31: {  	[smem:$0x3FA9] =	sst s10  }
0x32: {  	s10 =	sld [smem:$0x3FA7];
	_ =	sdelay $0x3  }
0x33: {  	p0 =	seq.s32 s10, $0x1;
	s10 =	sld [smem:$0x3FA9];
	_ =	sdelay $0x3  }
0x34: {  	[smem:$0x3FA9] =	sst s10  }
0x35: {  	s10 =	sld [smem:$0x3FA8];
	_ =	sdelay $0x3  }
0x36: {  	p1 =	seq.s32 s10, $0x1;
	s10 =	sld [smem:$0x3FA9];
	_ =	sdelay $0x3  }
0x37: {  	[smem:$0x3FA9] =	sst s10  }
0x38: {  	s10 =	sld [smem:$0x3FAA]  }
0x39: {  	_ = 	snop;
	(pc) =	sbr.ind lr, $3  }
0x3a: {  	_ = 	snop  }
0x3b: {  	_ = 	snop  }
0x3c: {  	p2 =	seq.s32 s10, $0x1;
	s10 =	sld [smem:$0x3FA9]  }
0x3d: {  	_ =	shalt  }
0x3e: {  	_ =	shalt  }
0x3f: {  	_ =	shalt  }
0x40: {  	_ =	shalt  }
0x41: {  	_ =	shalt  }
0x42: {  	_ =	shalt  }
0x43: {  	_ =	shalt  }
0x44: {  	_ =	shalt  }
0x45: {  	_ =	shalt  }
0x46: {  	_ =	shalt  }
0x47: {  	_ =	shalt  }
0x48: {  	_ =	shalt  }
0x49: {  	_ =	shalt  }
0x4a: {  	_ =	shalt  }
0x4b: {  	_ =	shalt  }
0x4c: {  	_ =	shalt  }
0x4d: {  	_ =	shalt  }
0x4e: {  	_ =	shalt  }
0x4f: {  	_ =	shalt  }
0x50: {  	_ =	shalt  }
0x51: {  	_ =	shalt  }
0x52: {  	_ =	shalt  }
0x53: {  	_ =	shalt  }
0x54: {  	_ =	shalt  }
0x55: {  	_ =	shalt  }
0x56: {  	_ =	shalt  }
0x57: {  	_ =	shalt  }
0x58: {  	_ =	shalt  }
0x59: {  	_ =	shalt  }
0x5a: {  	_ =	shalt  }
0x5b: {  	_ =	shalt  }
0x5c: {  	_ =	shalt  }
0x5d: {  	_ =	shalt  }
0x5e: {  	_ =	shalt  }
0x5f: {  	_ =	shalt  }
0x60: {  	_ =	shalt  }
0x61: {  	_ =	shalt  }
0x62: {  	_ =	shalt  }
0x63: {  	_ =	shalt  }
0x64: {  	_ =	shalt  }
0x65: {  	_ =	shalt  }
0x66: {  	_ =	shalt  }
0x67: {  	_ =	shalt  }
0x68: {  	_ =	shalt  }
0x69: {  	_ =	shalt  }
0x6a: {  	_ =	shalt  }
0x6b: {  	_ =	shalt  }
0x6c: {  	_ =	shalt  }
0x6d: {  	_ =	shalt  }
0x6e: {  	_ =	shalt  }
0x6f: {  	_ =	shalt  }
0x70: {  	_ =	shalt  }
0x71: {  	_ =	shalt  }
0x72: {  	_ =	shalt  }
0x73: {  	_ =	shalt  }
0x74: {  	_ =	shalt  }
0x75: {  	_ =	shalt  }
0x76: {  	_ =	shalt  }
0x77: {  	_ =	shalt  }
0x78: {  	_ =	shalt  }
0x79: {  	_ =	shalt  }
0x7a: {  	_ =	shalt  }
0x7b: {  	_ =	shalt  }
0x7c: {  	_ =	shalt  }
0x7d: {  	_ =	shalt  }
0x7e: {  	_ =	shalt  }
0x7f: {  	_ =	shalt  }
0x80: {  	_ =	shalt  }
0x81: {  	_ =	shalt  }
0x82: {  	_ =	shalt  }
0x83: {  	_ =	shalt  }
0x84: {  	_ =	shalt  }
0x85: {  	_ =	shalt  }
0x86: {  	_ =	shalt  }
0x87: {  	_ =	shalt  }
.Lfunc_end0:
.L_simem_size_0:
called_computation.1_lowered:
.L_overlay_start_0:
0x88: {  	s2 =	sld [smem:$0x3FD9]  }
0x89: {  	s3 =	sld [smem:$0x3FFE];
	_ =	sdelay $0x1  }
0x8a: {  	s1 =	srdreg.scid  }
0x8b: {  	s0 =	sand.u32 $0x1, s1  }
0x8c: {  	s14 =	sshll.u32 s0, $0xA;
	s2 =	sadd.s32 s3, s2  }
0x8d: {  	s2 =	sadd.s32 s2, s14  }
0x8e: {  	[smem:$0x3FB5] =	sst s2  }
0x8f: {  	_ = 	snop  }
0x90: {  	s2 =	sld [smem:$0x3FD0];
	_ =	sdelay $0x2  }
0x91: {  	s15 =	simm.s32 $0xA;
	s4 =	simm.s32 $0x10  }
0x92: {  	[smem:s4], [sflag:s15] =	dma.local [hbm:s2], $0x1  }
0x93: {  	_ =	swait.eq [sflag:s15], $0x1  }
0x94: {  	[sflag:s15] =	ssyncset.done $0x0  }
0x95: {  	s16 =	sld [smem:$0x10];
	[sflag:s15] =	ssyncadd.s32 $0xFFFFFFFF  }
0x96: {  	s17 =	sld [smem:$0x12];
	(tm) =	ssettm $0x1  }
0x97: {  	s18 =	sld [smem:$0x3FFB];
	_ =	sdelay $0x3  }
0x98: {  	_ =	strace s18  }
0x99: {  	s4 =	sld [smem:$0x3FFC];
	_ =	sdelay $0x3  }
0x9a: {  	_ =	strace s4  }
0x9b: {  	s4 =	sld [smem:$0x3FFD];
	_ =	sdelay $0x3  }
0x9c: {  	_ =	strace s4  }
0x9d: {  	_ =	strace $0x8FFFFFFF  }
0x9e: {  	s19 =	sld [smem:$0x3FDB];
	_ =	sdelay $0x1  }
0x9f: {  	s5 =	simm.s32 $_scs_section_size  }
0xa0: {  	s6 =	simm.s32 $_size__tile_overlayer_lowered;
	s7 =	simm.s32 $_tile_overlayer_lowered  }
0xa1: {  	s22 =	simm.s32 $0x1BFF;
	s21 =	sshll.u32 s7, $0x1;
	s4 =	sadd.s32 s5, s19  }
0xa2: {  	s8 =	simm.s32 $0x0;
	s20 =	sshll.u32 s6, $0x1;
	s6 =	sadd.s32 s21, s4  }
0xa3: {  	[timem:s8], [sflag:s22] =	dma.local [hbm:s6], s20  }
0xa4: {  	_ =	swait.ge [sflag:s22], s20  }
0xa5: {  	s5 =	ssub.s32 $0x0, s20;
	[sflag:s22] =	ssyncset.done $0x0  }
0xa6: {  	[sflag:s22] =	ssyncadd.s32 s5;
	_ =	sdelay $0x1  }
0xa7: {  	s23 =	simm.s32 $0x1B8B  }
0xa8: {  	_ =	swait.ge [sflag:s23], $0x1  }
0xa9: {  	[sflag:s23] =	ssyncset.done $0x0  }
0xaa: {  	s25 =	simm.s32 $0x1B8E;
	s24 =	sld [smem:$0x3FFE];
	[sflag:s23] =	ssyncadd.s32 $0xFFFFFFFF  }
0xab: {  	s26 =	simm.s32 $execute0_lowered;
	[smem:$0x3FD2] =	sst s25  }
0xac: {  	s6 =	sshll.u32 s26, $0x1;
	_ =	strace $0x80000049;
	[dreg:$0x1] =	wrdreg $0xFFFFFFFF  }
0xad: {  	s28 =	simm.s32 $_size_execute0_lowered;
	s4 =	sadd.s32 s4, s6;
	[dreg:$0x0] =	wrdreg $0x0  }
0xae: {  	s6 =	sshll.u32 s28, $0x1;
	[dreg:$0x2] =	wrdreg s4  }
0xaf: {  	[dreg:$0x3] =	wrdreg s6  }
0xb0: {  	[dreg:$0x4] =	wrdreg $0xC0  }
0xb1: {  	_ =	task [dreg:s8], $0x5FFFF  }
0xb2: {  	[dreg:$0x1] =	wrdreg $0xFFFFFFFF  }
0xb3: {  	[dreg:$0x0] =	wrdreg $0x60  }
0xb4: {  	[dreg:$0x2] =	wrdreg s17  }
0xb5: {  	[dreg:$0x3] =	wrdreg s16  }
0xb6: {  	[dreg:$0x4] =	wrdreg s24  }
0xb7: {  	[dreg:$0x5] =	wrdreg $0x41800  }
0xb8: {  	[dreg:$0x6] =	wrdreg $0x9  }
0xb9: {  	_ =	task.clear_ibuf [dreg:s8], $0x7FFFF;
	_ =	strace $0x90000049  }
0xba: {  	s29 =	simm.s32 $0x9;
	_ =	strace $0x8000004B  }
0xbb: {  	_ =	swait.ge [sflag:s29], $0x1  }
0xbc: {  	[sflag:s29] =	ssyncadd.s32 $0xFFFFFFFF  }
0xbd: {  	_ =	strace $0x9000004B  }
0xbe: {  	_ =	sfence  }
0xbf: {  	s30 =	sld [smem:$0x0];
	_ =	sdelay $0x2  }
0xc0: {  	s31 =	sshll.u32 s1, $0xD;
	s1 =	sshrl.u32 s1, $0x2  }
0xc1: {  	s3 =	sand.u32 $0x4000, s31;
	s1 =	sadd.s32 s1, s30  }
0xc2: {  	s0 =	sor.u32 s3, s0;
	s1 =	sshll.u32 s1, $0x11  }
0xc3: {  	s0 =	sor.u32 s1, s0  }
0xc4: {  	s0 =	sadd.s32 $0x8F2B, s0  }
0xc5: {  	[sflag:s0] =	ssyncadd.remote.s32 $0x1  }
0xc6: {  	_ =	sfence.sel $0xFFFF  }
0xc7: {  	[dreg:$0x0] =	wrdreg $0xFFFFFFFF;
	(pc) =	sbr.abs _section_cstart, $3  }
0xc8: {  	[dreg:$0x1] =	wrdreg $0xFFFFFFFF  }
0xc9: {  	_ =	task.clear_ibuf [dreg:s8], $0x2FFFF;
	_ =	strace $0x9FFFFFFF  }
0xca: {  	(tm) =	ssettm $0x7FFFFFFF  }
0xcb: {  	_ =	shalt  }
tec
execute0_lowered:
.L_overlay_start_1:
0x0: {  	(tag) =	ssettag $0x1  }
0x1: {  	s1 =	rddreg [dreg:$0x0]  }
0x2: {  	s2 =	rddreg [dreg:$0x1]  }
0x3: {  	s8 =	rddreg [dreg:$0x2]  }
0x4: {  	s3 =	rddreg [dreg:$0x3]  }
0x5: {  	s0 =	rddreg [dreg:$0x4];
	s4 =	simm.s32 $0x0  }
0x6: {  	s7 =	srdreg.scid;
	s5 =	stileid.u32;
	s23 =	simm.s32 $0x100  }
0x7: {  	s24 =	simm.s32 $0x1;
	[smem:$0x7FF] =	sst s4;
	s6 =	sadd.s32 $0xDE00, s8  }
0x8: {  	s9 =	sand.u32 $0x1, s7;
	s7 =	sadd.s32 $0x4000, s8;
	s11 =	smul.u32 $0x50000, s5  }
0x9: {  	s18 =	sadd.s32 $0x17C00, s8;
	s12 =	smul.u32 $0x14000, s5;
	_ =	strace $0x8000004A  }
0xa: {  	s10 =	ssub.s32 $0x2, s9;
	s30 =	sshll.u32 s9, $0x4;
	s20 =	smul.u32 $0x140000, s9  }
0xb: {  	s29 =	sshrl.u32 s10, $0x1;
	s31 =	sshrl.u32 s11, $0x2;
	s13 =	sor.u32 s5, s30  }
0xc: {  	s14 =	sadd.s32 $0x4000, s12;
	s16 =	sadd.s32 $0x8000, s12;
	s17 =	sadd.s32 $0xC000, s12  }
0xd: {  	s21 =	sadd.s32 $0x10000, s12;
	s19 =	ssub.s32 s10, s29;
	s8 =	sadd.s32 s31, s3  }
0xe: {  	s9 =	sadd.s32 s14, s3;
	s10 =	sadd.s32 s16, s3;
	s11 =	sadd.s32 s17, s3  }
0xf: {  	s15 =	sadd.s32 s12, s20;
	s14 =	sadd.s32 s20, s14;
	s12 =	sadd.s32 s21, s3  }
0x10: {  	v0 =	vimm.f32 $0.0e+00;
	v1 =	vimm.s32 $0x0;
	s13 =	smul.u32 $0x4F, s13;
	s16 =	sadd.s32 s20, s16;
	s17 =	sadd.s32 s20, s17  }
0x11: {  	v2 =	vimm.s32 $0x1;
	v3 =	vimm.s32 $0x2;
	v4 =	vimm.s32 $0x3;
	s20 =	sadd.s32 s20, s21;
	s21 =	simm.s32 $0x2;
	s15 =	sshrl.u32 s15, $0x3  }
0x12: {  	v5 =	vimm.s32 $0x4;
	v6 =	vimm.s32 $0x5;
	v7 =	vimm.s32 $0x6;
	s22 =	sshrl.u32 s14, $0x3;
	s16 =	sshrl.u32 s16, $0x3;
	s17 =	sshrl.u32 s17, $0x3  }
0x13: {  	v8 =	vimm.s32 $0x7;
	v9 =	vimm.s32 $0x8;
	v10 =	vimm.s32 $0x9;
	s20 =	sshrl.u32 s20, $0x3;
	s19 =	smax.u32 s19, $0x1;
	s14 =	sadd.s32 s18, s15  }
0x14: {  	v11 =	vimm.s32 $0xA;
	v12 =	vimm.s32 $0xB;
	v13 =	vimm.s32 $0xC;
	s15 =	sadd.s32 s18, s22;
	s16 =	sadd.s32 s18, s16;
	s17 =	sadd.s32 s18, s17  }
0x15: {  	v14 =	vimm.s32 $0xD;
	v15 =	vimm.s32 $0xE;
	v16 =	vimm.s32 $0xF;
	s18 =	sadd.s32 s18, s20;
	s20 =	simm.s32 $0x180;
	s22 =	simm.s32 $0x80  }
.LBB2_1:
0x16: {  	s25 =	simm.s32 $0x0;
	s26 =	simm.s32 $0x200  }
.LBB2_2:
0x17: {  	p0 =	sne.s32 s26, $0xFE00;
	[tilespmem:s25+$0x1F0] =	vst v0  }
0x18: {  	[tilespmem:s25+$0x180] =	vst v0  }
0x19: {  	[tilespmem:s25+$0x190] =	vst v0  }
.Ltmp0:
0x1a: {  	[tilespmem:s25+$0x1A0] =	vst v0;
	(pc) =	sbr.rel @p0 .LBB2_2-.Ltmp0, $4  }
0x1b: {  	[tilespmem:s25+$0x1B0] =	vst v0  }
0x1c: {  	[tilespmem:s25+$0x1C0] =	vst v0  }
0x1d: {  	[tilespmem:s25+$0x1D0] =	vst v0  }
0x1e: {  	[tilespmem:s25+$0x1E0] =	vst v0;
	s25 =	sshra.s32 s26, $0x2;
	s26 =	sadd.s32 $0x200, s26  }
0x1f: {  	[tilespmem:s25+$0x1F0] =	vst v0  }
0x20: {  	[tilespmem:s25+$0x180] =	vst v0  }
0x21: {  	[tilespmem:s25+$0x190] =	vst v0  }
0x22: {  	[tilespmem:s25+$0x1A0] =	vst v0  }
0x23: {  	[tilespmem:s25+$0x1B0] =	vst v0  }
0x24: {  	[tilespmem:s25+$0x1C0] =	vst v0  }
0x25: {  	[tilespmem:s25+$0x1D0] =	vst v0  }
0x26: {  	[tilespmem:s25+$0x1E0] =	vst v0  }
0x27: {  	[spmem:s8] =	stream.linear.scatter [tilespmem:s20], [sflag:$0x2], $0x4000, $0x38;
	[tilespmem:$0x18180] =	vst v63  }
0x28: {  	_ =	swait.ge [sflag:s21], $0x4000  }
0x29: {  	[sflag:s21] =	ssyncset.done $0x0  }
0x2a: {  	[sflag:s21] =	ssyncadd.s32 $0xFFFFC000  }
0x2b: {  	[spmem:s9] =	stream.linear.scatter [tilespmem:s20], [sflag:$0x2], $0x4000, $0x38;
	[tilespmem:$0x18180] =	vst v63  }
0x2c: {  	_ =	swait.ge [sflag:s21], $0x4000  }
0x2d: {  	[sflag:s21] =	ssyncset.done $0x0  }
0x2e: {  	[sflag:s21] =	ssyncadd.s32 $0xFFFFC000  }
0x2f: {  	[spmem:s10] =	stream.linear.scatter [tilespmem:s20], [sflag:$0x2], $0x4000, $0x38;
	[tilespmem:$0x18180] =	vst v63  }
0x30: {  	_ =	swait.ge [sflag:s21], $0x4000  }
0x31: {  	[sflag:s21] =	ssyncset.done $0x0  }
0x32: {  	[sflag:s21] =	ssyncadd.s32 $0xFFFFC000  }
0x33: {  	[spmem:s11] =	stream.linear.scatter [tilespmem:s20], [sflag:$0x2], $0x4000, $0x38;
	[tilespmem:$0x18180] =	vst v63  }
0x34: {  	_ =	swait.ge [sflag:s21], $0x4000  }
0x35: {  	[sflag:s21] =	ssyncset.done $0x0  }
0x36: {  	[sflag:s21] =	ssyncadd.s32 $0xFFFFC000  }
0x37: {  	[spmem:s12] =	stream.linear.scatter [tilespmem:s20], [sflag:$0x2], $0x4000, $0x38;
	[tilespmem:$0x18180] =	vst v63  }
0x38: {  	_ =	swait.ge [sflag:s21], $0x4000  }
0x39: {  	[sflag:s21] =	ssyncset.done $0x0  }
0x3a: {  	[sflag:s21] =	ssyncadd.s32 $0xFFFFC000  }
0x3b: {  	s25 =	simm.s32 $0x0;
	s26 =	simm.s32 $0x0;
	[bflag:$0x0] =	sbarrier.arrive $0xFFFF  }
.LBB2_4:
0x3c: {  	s28 =	sadd.s32 s13, s26  }
0x3d: {  	s28 =	sshll.u32 s28, $0x4  }
0x3e: {  	s29 =	sadd.s32 s2, s28  }
0x3f: {  	[tilespmem:s25], [sflag:$0x2] =	stream.linear.gather [hbm4b:s29+s25], $0x80, $0x38;
	[tilespmem:$0x18180] =	vst v63  }
0x40: {  	_ =	swait.ge [sflag:s21], $0x80  }
0x41: {  	[sflag:s21] =	ssyncset.done $0x0  }
0x42: {  	s31 =	sadd.s32 s6, s28;
	[sflag:s21] =	ssyncadd.s32 $0xFFFFFF80  }
0x43: {  	[tilespmem:s22], [sflag:$0x2] =	stream.linear.gather [hbm4b:s31+s25], $0x80, $0x38;
	[tilespmem:$0x18180] =	vst v63  }
0x44: {  	_ =	swait.ge [sflag:s21], $0x80  }
0x45: {  	[sflag:s21] =	ssyncset.done $0x0  }
0x46: {  	s28 =	sadd.s32 s7, s28;
	[sflag:s21] =	ssyncadd.s32 $0xFFFFFF80  }
0x47: {  	[tilespmem:s23], [sflag:$0x2] =	stream.linear.gather [hbm4b:s28+s25], $0x80, $0x38;
	[tilespmem:$0x18180] =	vst v63  }
0x48: {  	_ =	swait.ge [sflag:s21], $0x80  }
0x49: {  	[sflag:s21] =	ssyncset.done $0x0  }
0x4a: {  	[sflag:s21] =	ssyncadd.s32 $0xFFFFFF80  }
0x4b: {  	[tilespmem:s20], [sflag:$0x1] =	stream.indirect.gather [hbm4b:s1+s22], $0x80, s25, s22, $0xb8;
	[tilespmem:$0x18180] =	vst v63  }
0x4c: {  	_ =	swait.ge [sflag:s24], $0x4000  }
0x4d: {  	[sflag:s24] =	ssyncset.done $0x0  }
0x4e: {  	s28 =	simm.s32 $0x0;
	[sflag:s24] =	ssyncadd.s32 $0xFFFFC000  }
.LBB2_5:
0x4f: {  	s29 =	sshll.u32 s28, $0x4  }
0x50: {  	s29 =	sand.u32 $0x3FFFFFF0, s29  }
0x51: {  	s31 =	sshll.u32 s28, $0xB;
	v17 =	vld [tilespmem:s29+$0x100]  }
0x52: {  	s29 =	sand.u32 $0x3FFFF800, s31  }
0x53: {  	v18 =	vld [tilespmem:s29+$0x180]  }
0x54: {  	v19 =	vld [tilespmem:s29+$0x190]  }
0x55: {  	v20 =	vld [tilespmem:s29+$0x1A0]  }
0x56: {  	v22 =	vld [tilespmem:s29+$0x1B0];
	v21 =	vperm.xlane v17, v1  }
0x57: {  	v23 =	vld [tilespmem:s29+$0x1C0]  }
0x58: {  	v24 =	vld [tilespmem:s29+$0x1D0];
	v18 =	vmul.f32 v18, v21  }
0x59: {  	v25 =	vld [tilespmem:s29+$0x1E0];
	v19 =	vmul.f32 v19, v21  }
0x5a: {  	v38 =	vld [tilespmem:s29+$0x1F0];
	[tilespmem:s29+$0x180] =	vst v18;
	v18 =	vmul.f32 v20, v21  }
0x5b: {  	v39 =	vld [tilespmem:s29+$0x200];
	[tilespmem:s29+$0x190] =	vst v19;
	v19 =	vmul.f32 v22, v21  }
0x5c: {  	v40 =	vld [tilespmem:s29+$0x210];
	[tilespmem:s29+$0x1A0] =	vst v18;
	v18 =	vmul.f32 v23, v21  }
0x5d: {  	v41 =	vld [tilespmem:s29+$0x220];
	[tilespmem:s29+$0x1B0] =	vst v19;
	v19 =	vmul.f32 v24, v21  }
0x5e: {  	v26 =	vld [tilespmem:s29+$0x230];
	v42 =	vperm.xlane v17, v2;
	[tilespmem:s29+$0x1C0] =	vst v18;
	v18 =	vmul.f32 v25, v21  }
0x5f: {  	v43 =	vld [tilespmem:s29+$0x240];
	[tilespmem:s29+$0x1D0] =	vst v19;
	v19 =	vmul.f32 v38, v21  }
0x60: {  	v44 =	vld [tilespmem:s29+$0x250];
	[tilespmem:s29+$0x1E0] =	vst v18;
	v18 =	vmul.f32 v39, v42  }
0x61: {  	v45 =	vld [tilespmem:s29+$0x260];
	[tilespmem:s29+$0x1F0] =	vst v19;
	v19 =	vmul.f32 v40, v42  }
0x62: {  	v46 =	vld [tilespmem:s29+$0x270];
	[tilespmem:s29+$0x200] =	vst v18;
	v18 =	vmul.f32 v41, v42  }
0x63: {  	v47 =	vld [tilespmem:s29+$0x280];
	[tilespmem:s29+$0x210] =	vst v19;
	v19 =	vmul.f32 v26, v42  }
0x64: {  	v48 =	vld [tilespmem:s29+$0x290];
	[tilespmem:s29+$0x220] =	vst v18;
	v18 =	vmul.f32 v43, v42  }
0x65: {  	v49 =	vld [tilespmem:s29+$0x2A0];
	[tilespmem:s29+$0x230] =	vst v19;
	v19 =	vmul.f32 v44, v42  }
0x66: {  	v51 =	vld [tilespmem:s29+$0x2B0];
	v50 =	vperm.xlane v17, v3;
	[tilespmem:s29+$0x240] =	vst v18;
	v18 =	vmul.f32 v45, v42  }
0x67: {  	v52 =	vld [tilespmem:s29+$0x2C0];
	[tilespmem:s29+$0x250] =	vst v19;
	v19 =	vmul.f32 v46, v42  }
0x68: {  	v53 =	vld [tilespmem:s29+$0x2D0];
	[tilespmem:s29+$0x260] =	vst v18;
	v18 =	vmul.f32 v47, v50  }
0x69: {  	v54 =	vld [tilespmem:s29+$0x2E0];
	[tilespmem:s29+$0x270] =	vst v19;
	v19 =	vmul.f32 v48, v50  }
0x6a: {  	v55 =	vld [tilespmem:s29+$0x2F0];
	[tilespmem:s29+$0x280] =	vst v18;
	v18 =	vmul.f32 v49, v50  }
0x6b: {  	v56 =	vld [tilespmem:s29+$0x300];
	[tilespmem:s29+$0x290] =	vst v19;
	v19 =	vmul.f32 v51, v50  }
0x6c: {  	v57 =	vld [tilespmem:s29+$0x310];
	[tilespmem:s29+$0x2A0] =	vst v18;
	v18 =	vmul.f32 v52, v50  }
0x6d: {  	v58 =	vld [tilespmem:s29+$0x320];
	[tilespmem:s29+$0x2B0] =	vst v19;
	v19 =	vmul.f32 v53, v50  }
0x6e: {  	v60 =	vld [tilespmem:s29+$0x330];
	v59 =	vperm.xlane v17, v4;
	[tilespmem:s29+$0x2C0] =	vst v18;
	v18 =	vmul.f32 v54, v50  }
0x6f: {  	v61 =	vld [tilespmem:s29+$0x340];
	[tilespmem:s29+$0x2D0] =	vst v19;
	v19 =	vmul.f32 v55, v50  }
0x70: {  	v62 =	vld [tilespmem:s29+$0x350];
	[tilespmem:s29+$0x2E0] =	vst v18;
	v18 =	vmul.f32 v56, v59  }
0x71: {  	v63 =	vld [tilespmem:s29+$0x360];
	[tilespmem:s29+$0x2F0] =	vst v19;
	v19 =	vmul.f32 v57, v59  }
0x72: {  	v28 =	vld [tilespmem:s29+$0x370];
	[tilespmem:s29+$0x300] =	vst v18;
	v18 =	vmul.f32 v58, v59  }
0x73: {  	v29 =	vld [tilespmem:s29+$0x380];
	[tilespmem:s29+$0x310] =	vst v19;
	v19 =	vmul.f32 v60, v59  }
0x74: {  	v30 =	vld [tilespmem:s29+$0x390];
	[tilespmem:s29+$0x320] =	vst v18;
	v18 =	vmul.f32 v61, v59  }
0x75: {  	v31 =	vld [tilespmem:s29+$0x3A0];
	[tilespmem:s29+$0x330] =	vst v19;
	v19 =	vmul.f32 v62, v59  }
0x76: {  	v33 =	vld [tilespmem:s29+$0x3B0];
	v32 =	vperm.xlane v17, v5;
	[tilespmem:s29+$0x340] =	vst v18;
	v18 =	vmul.f32 v63, v59  }
0x77: {  	v34 =	vld [tilespmem:s29+$0x3C0];
	[tilespmem:s29+$0x350] =	vst v19;
	v19 =	vmul.f32 v28, v59  }
0x78: {  	v35 =	vld [tilespmem:s29+$0x3D0];
	[tilespmem:s29+$0x360] =	vst v18;
	v18 =	vmul.f32 v29, v32  }
0x79: {  	v36 =	vld [tilespmem:s29+$0x3E0];
	[tilespmem:s29+$0x370] =	vst v19;
	v19 =	vmul.f32 v30, v32  }
0x7a: {  	v37 =	vld [tilespmem:s29+$0x3F0];
	[tilespmem:s29+$0x380] =	vst v18;
	v18 =	vmul.f32 v31, v32  }
0x7b: {  	v38 =	vld [tilespmem:s29+$0x400];
	[tilespmem:s29+$0x390] =	vst v19;
	v19 =	vmul.f32 v33, v32  }
0x7c: {  	v39 =	vld [tilespmem:s29+$0x410];
	[tilespmem:s29+$0x3A0] =	vst v18;
	v18 =	vmul.f32 v34, v32  }
0x7d: {  	v40 =	vld [tilespmem:s29+$0x420];
	[tilespmem:s29+$0x3B0] =	vst v19;
	v19 =	vmul.f32 v35, v32  }
0x7e: {  	v41 =	vperm.xlane v17, v6;
	v42 =	vld [tilespmem:s29+$0x430];
	[tilespmem:s29+$0x3C0] =	vst v18;
	v18 =	vmul.f32 v36, v32  }
0x7f: {  	v43 =	vld [tilespmem:s29+$0x440];
	[tilespmem:s29+$0x3D0] =	vst v19;
	v19 =	vmul.f32 v37, v32  }
0x80: {  	v44 =	vld [tilespmem:s29+$0x450];
	[tilespmem:s29+$0x3E0] =	vst v18;
	v18 =	vmul.f32 v38, v41  }
0x81: {  	v45 =	vld [tilespmem:s29+$0x460];
	[tilespmem:s29+$0x3F0] =	vst v19;
	v19 =	vmul.f32 v39, v41  }
0x82: {  	v46 =	vld [tilespmem:s29+$0x470];
	[tilespmem:s29+$0x400] =	vst v18;
	v18 =	vmul.f32 v40, v41  }
0x83: {  	v47 =	vld [tilespmem:s29+$0x480];
	[tilespmem:s29+$0x410] =	vst v19;
	v19 =	vmul.f32 v42, v41  }
0x84: {  	v48 =	vld [tilespmem:s29+$0x490];
	[tilespmem:s29+$0x420] =	vst v18;
	v18 =	vmul.f32 v43, v41  }
0x85: {  	v49 =	vld [tilespmem:s29+$0x4A0];
	[tilespmem:s29+$0x430] =	vst v19;
	v19 =	vmul.f32 v44, v41  }
0x86: {  	v51 =	vld [tilespmem:s29+$0x4B0];
	v50 =	vperm.xlane v17, v7;
	[tilespmem:s29+$0x440] =	vst v18;
	v18 =	vmul.f32 v45, v41  }
0x87: {  	v52 =	vld [tilespmem:s29+$0x4C0];
	[tilespmem:s29+$0x450] =	vst v19;
	v19 =	vmul.f32 v46, v41  }
0x88: {  	v53 =	vld [tilespmem:s29+$0x4D0];
	[tilespmem:s29+$0x460] =	vst v18;
	v18 =	vmul.f32 v47, v50  }
0x89: {  	v54 =	vld [tilespmem:s29+$0x4E0];
	[tilespmem:s29+$0x470] =	vst v19;
	v19 =	vmul.f32 v48, v50  }
0x8a: {  	v55 =	vld [tilespmem:s29+$0x4F0];
	[tilespmem:s29+$0x480] =	vst v18;
	v18 =	vmul.f32 v49, v50  }
0x8b: {  	v56 =	vld [tilespmem:s29+$0x500];
	[tilespmem:s29+$0x490] =	vst v19;
	v19 =	vmul.f32 v51, v50  }
0x8c: {  	v57 =	vld [tilespmem:s29+$0x510];
	[tilespmem:s29+$0x4A0] =	vst v18;
	v18 =	vmul.f32 v52, v50  }
0x8d: {  	v58 =	vld [tilespmem:s29+$0x520];
	[tilespmem:s29+$0x4B0] =	vst v19;
	v19 =	vmul.f32 v53, v50  }
0x8e: {  	v60 =	vld [tilespmem:s29+$0x530];
	v59 =	vperm.xlane v17, v8;
	[tilespmem:s29+$0x4C0] =	vst v18;
	v18 =	vmul.f32 v54, v50  }
0x8f: {  	v61 =	vld [tilespmem:s29+$0x540];
	[tilespmem:s29+$0x4D0] =	vst v19;
	v19 =	vmul.f32 v55, v50  }
0x90: {  	v62 =	vld [tilespmem:s29+$0x550];
	[tilespmem:s29+$0x4E0] =	vst v18;
	v18 =	vmul.f32 v56, v59  }
0x91: {  	v63 =	vld [tilespmem:s29+$0x560];
	[tilespmem:s29+$0x4F0] =	vst v19;
	v19 =	vmul.f32 v57, v59  }
0x92: {  	v28 =	vld [tilespmem:s29+$0x570];
	[tilespmem:s29+$0x500] =	vst v18;
	v18 =	vmul.f32 v58, v59  }
0x93: {  	v29 =	vld [tilespmem:s29+$0x580];
	[tilespmem:s29+$0x510] =	vst v19;
	v19 =	vmul.f32 v60, v59  }
0x94: {  	v30 =	vld [tilespmem:s29+$0x590];
	[tilespmem:s29+$0x520] =	vst v18;
	v18 =	vmul.f32 v61, v59  }
0x95: {  	v31 =	vld [tilespmem:s29+$0x5A0];
	[tilespmem:s29+$0x530] =	vst v19;
	v19 =	vmul.f32 v62, v59  }
0x96: {  	v33 =	vld [tilespmem:s29+$0x5B0];
	v32 =	vperm.xlane v17, v9;
	[tilespmem:s29+$0x540] =	vst v18;
	v18 =	vmul.f32 v63, v59  }
0x97: {  	v34 =	vld [tilespmem:s29+$0x5C0];
	[tilespmem:s29+$0x550] =	vst v19;
	v19 =	vmul.f32 v28, v59  }
0x98: {  	v35 =	vld [tilespmem:s29+$0x5D0];
	[tilespmem:s29+$0x560] =	vst v18;
	v18 =	vmul.f32 v29, v32  }
0x99: {  	v36 =	vld [tilespmem:s29+$0x5E0];
	[tilespmem:s29+$0x570] =	vst v19;
	v19 =	vmul.f32 v30, v32  }
0x9a: {  	v37 =	vld [tilespmem:s29+$0x5F0];
	[tilespmem:s29+$0x580] =	vst v18;
	v18 =	vmul.f32 v31, v32  }
0x9b: {  	v38 =	vld [tilespmem:s29+$0x600];
	[tilespmem:s29+$0x590] =	vst v19;
	v19 =	vmul.f32 v33, v32  }
0x9c: {  	v39 =	vld [tilespmem:s29+$0x610];
	[tilespmem:s29+$0x5A0] =	vst v18;
	v18 =	vmul.f32 v34, v32  }
0x9d: {  	v40 =	vld [tilespmem:s29+$0x620];
	[tilespmem:s29+$0x5B0] =	vst v19;
	v19 =	vmul.f32 v35, v32  }
0x9e: {  	v42 =	vld [tilespmem:s29+$0x630];
	v41 =	vperm.xlane v17, v10;
	[tilespmem:s29+$0x5C0] =	vst v18;
	v18 =	vmul.f32 v36, v32  }
0x9f: {  	v43 =	vld [tilespmem:s29+$0x640];
	[tilespmem:s29+$0x5D0] =	vst v19;
	v19 =	vmul.f32 v37, v32  }
0xa0: {  	v44 =	vld [tilespmem:s29+$0x650];
	[tilespmem:s29+$0x5E0] =	vst v18;
	v18 =	vmul.f32 v38, v41  }
0xa1: {  	v45 =	vld [tilespmem:s29+$0x660];
	[tilespmem:s29+$0x5F0] =	vst v19;
	v19 =	vmul.f32 v39, v41  }
0xa2: {  	v46 =	vld [tilespmem:s29+$0x670];
	[tilespmem:s29+$0x600] =	vst v18;
	v18 =	vmul.f32 v40, v41  }
0xa3: {  	v47 =	vld [tilespmem:s29+$0x680];
	[tilespmem:s29+$0x610] =	vst v19;
	v19 =	vmul.f32 v42, v41  }
0xa4: {  	v48 =	vld [tilespmem:s29+$0x690];
	[tilespmem:s29+$0x620] =	vst v18;
	v18 =	vmul.f32 v43, v41  }
0xa5: {  	v49 =	vld [tilespmem:s29+$0x6A0];
	[tilespmem:s29+$0x630] =	vst v19;
	v19 =	vmul.f32 v44, v41  }
0xa6: {  	v51 =	vld [tilespmem:s29+$0x6B0];
	v50 =	vperm.xlane v17, v11;
	[tilespmem:s29+$0x640] =	vst v18;
	v18 =	vmul.f32 v45, v41  }
0xa7: {  	v52 =	vld [tilespmem:s29+$0x6C0];
	[tilespmem:s29+$0x650] =	vst v19;
	v19 =	vmul.f32 v46, v41  }
0xa8: {  	v53 =	vld [tilespmem:s29+$0x6D0];
	[tilespmem:s29+$0x660] =	vst v18;
	v18 =	vmul.f32 v47, v50  }
0xa9: {  	v54 =	vld [tilespmem:s29+$0x6E0];
	[tilespmem:s29+$0x670] =	vst v19;
	v19 =	vmul.f32 v48, v50  }
0xaa: {  	v55 =	vld [tilespmem:s29+$0x6F0];
	[tilespmem:s29+$0x680] =	vst v18;
	v18 =	vmul.f32 v49, v50  }
0xab: {  	v56 =	vld [tilespmem:s29+$0x700];
	[tilespmem:s29+$0x690] =	vst v19;
	v19 =	vmul.f32 v51, v50  }
0xac: {  	v57 =	vld [tilespmem:s29+$0x710];
	[tilespmem:s29+$0x6A0] =	vst v18;
	v18 =	vmul.f32 v52, v50  }
0xad: {  	v58 =	vld [tilespmem:s29+$0x720];
	[tilespmem:s29+$0x6B0] =	vst v19;
	v19 =	vmul.f32 v53, v50  }
0xae: {  	v60 =	vld [tilespmem:s29+$0x730];
	v59 =	vperm.xlane v17, v12;
	[tilespmem:s29+$0x6C0] =	vst v18;
	v18 =	vmul.f32 v54, v50  }
0xaf: {  	v61 =	vld [tilespmem:s29+$0x740];
	[tilespmem:s29+$0x6D0] =	vst v19;
	v19 =	vmul.f32 v55, v50  }
0xb0: {  	v62 =	vld [tilespmem:s29+$0x750];
	[tilespmem:s29+$0x6E0] =	vst v18;
	v18 =	vmul.f32 v56, v59  }
0xb1: {  	v63 =	vld [tilespmem:s29+$0x760];
	[tilespmem:s29+$0x6F0] =	vst v19;
	v19 =	vmul.f32 v57, v59  }
0xb2: {  	v28 =	vld [tilespmem:s29+$0x770];
	[tilespmem:s29+$0x700] =	vst v18;
	v18 =	vmul.f32 v58, v59  }
0xb3: {  	v29 =	vld [tilespmem:s29+$0x780];
	[tilespmem:s29+$0x710] =	vst v19;
	v19 =	vmul.f32 v60, v59  }
0xb4: {  	v30 =	vld [tilespmem:s29+$0x790];
	[tilespmem:s29+$0x720] =	vst v18;
	v18 =	vmul.f32 v61, v59  }
0xb5: {  	v31 =	vld [tilespmem:s29+$0x7A0];
	[tilespmem:s29+$0x730] =	vst v19;
	v19 =	vmul.f32 v62, v59  }
0xb6: {  	v33 =	vld [tilespmem:s29+$0x7B0];
	v32 =	vperm.xlane v17, v13;
	[tilespmem:s29+$0x740] =	vst v18;
	v18 =	vmul.f32 v63, v59  }
0xb7: {  	v34 =	vld [tilespmem:s29+$0x7C0];
	[tilespmem:s29+$0x750] =	vst v19;
	v19 =	vmul.f32 v28, v59  }
0xb8: {  	v35 =	vld [tilespmem:s29+$0x7D0];
	[tilespmem:s29+$0x760] =	vst v18;
	v18 =	vmul.f32 v29, v32  }
0xb9: {  	v36 =	vld [tilespmem:s29+$0x7E0];
	[tilespmem:s29+$0x770] =	vst v19;
	v19 =	vmul.f32 v30, v32  }
0xba: {  	v37 =	vld [tilespmem:s29+$0x7F0];
	[tilespmem:s29+$0x780] =	vst v18;
	v18 =	vmul.f32 v31, v32  }
0xbb: {  	v38 =	vld [tilespmem:s29+$0x800];
	[tilespmem:s29+$0x790] =	vst v19;
	v19 =	vmul.f32 v33, v32  }
0xbc: {  	v39 =	vld [tilespmem:s29+$0x810];
	[tilespmem:s29+$0x7A0] =	vst v18;
	v18 =	vmul.f32 v34, v32  }
0xbd: {  	v40 =	vld [tilespmem:s29+$0x820];
	[tilespmem:s29+$0x7B0] =	vst v19;
	v19 =	vmul.f32 v35, v32  }
0xbe: {  	v42 =	vld [tilespmem:s29+$0x830];
	v41 =	vperm.xlane v17, v14;
	[tilespmem:s29+$0x7C0] =	vst v18;
	v18 =	vmul.f32 v36, v32  }
0xbf: {  	v43 =	vld [tilespmem:s29+$0x840];
	[tilespmem:s29+$0x7D0] =	vst v19;
	v19 =	vmul.f32 v37, v32  }
0xc0: {  	v44 =	vld [tilespmem:s29+$0x850];
	[tilespmem:s29+$0x7E0] =	vst v18;
	v18 =	vmul.f32 v38, v41  }
0xc1: {  	v45 =	vld [tilespmem:s29+$0x860];
	[tilespmem:s29+$0x7F0] =	vst v19;
	v19 =	vmul.f32 v39, v41  }
0xc2: {  	v46 =	vld [tilespmem:s29+$0x870];
	[tilespmem:s29+$0x800] =	vst v18;
	v18 =	vmul.f32 v40, v41  }
0xc3: {  	v47 =	vld [tilespmem:s29+$0x880];
	[tilespmem:s29+$0x810] =	vst v19;
	v19 =	vmul.f32 v42, v41  }
0xc4: {  	v48 =	vld [tilespmem:s29+$0x890];
	[tilespmem:s29+$0x820] =	vst v18;
	v18 =	vmul.f32 v43, v41  }
0xc5: {  	v49 =	vld [tilespmem:s29+$0x8A0];
	[tilespmem:s29+$0x830] =	vst v19;
	v19 =	vmul.f32 v44, v41  }
0xc6: {  	v51 =	vld [tilespmem:s29+$0x8B0];
	v50 =	vperm.xlane v17, v15;
	[tilespmem:s29+$0x840] =	vst v18;
	v18 =	vmul.f32 v45, v41  }
0xc7: {  	v52 =	vld [tilespmem:s29+$0x8C0];
	[tilespmem:s29+$0x850] =	vst v19;
	v19 =	vmul.f32 v46, v41  }
0xc8: {  	v53 =	vld [tilespmem:s29+$0x8D0];
	[tilespmem:s29+$0x860] =	vst v18;
	v18 =	vmul.f32 v47, v50  }
0xc9: {  	v54 =	vld [tilespmem:s29+$0x8E0];
	[tilespmem:s29+$0x870] =	vst v19;
	v19 =	vmul.f32 v48, v50  }
0xca: {  	v55 =	vld [tilespmem:s29+$0x8F0];
	[tilespmem:s29+$0x880] =	vst v18;
	v18 =	vmul.f32 v49, v50  }
0xcb: {  	v56 =	vld [tilespmem:s29+$0x900];
	[tilespmem:s29+$0x890] =	vst v19;
	v19 =	vmul.f32 v51, v50  }
0xcc: {  	v57 =	vld [tilespmem:s29+$0x910];
	[tilespmem:s29+$0x8A0] =	vst v18;
	v18 =	vmul.f32 v52, v50  }
0xcd: {  	v58 =	vld [tilespmem:s29+$0x920];
	[tilespmem:s29+$0x8B0] =	vst v19;
	v19 =	vmul.f32 v53, v50  }
0xce: {  	v17 =	vperm.xlane v17, v16;
	v59 =	vld [tilespmem:s29+$0x930];
	[tilespmem:s29+$0x8C0] =	vst v18;
	v18 =	vmul.f32 v54, v50  }
0xcf: {  	v60 =	vld [tilespmem:s29+$0x940];
	[tilespmem:s29+$0x8D0] =	vst v19;
	v19 =	vmul.f32 v55, v50  }
0xd0: {  	v61 =	vld [tilespmem:s29+$0x950];
	[tilespmem:s29+$0x8E0] =	vst v18;
	v18 =	vmul.f32 v56, v17  }
0xd1: {  	v62 =	vld [tilespmem:s29+$0x960];
	[tilespmem:s29+$0x8F0] =	vst v19;
	v19 =	vmul.f32 v57, v17  }
0xd2: {  	v63 =	vld [tilespmem:s29+$0x970];
	[tilespmem:s29+$0x900] =	vst v18;
	v18 =	vmul.f32 v58, v17  }
0xd3: {  	[tilespmem:s29+$0x910] =	vst v19;
	v19 =	vmul.f32 v59, v17  }
0xd4: {  	p0 =	sne.s32 s28, $0x7;
	[tilespmem:s29+$0x920] =	vst v18;
	v18 =	vmul.f32 v60, v17  }
.Ltmp1:
0xd5: {  	[tilespmem:s29+$0x930] =	vst v19;
	v19 =	vmul.f32 v61, v17;
	(pc) =	sbr.rel @p0 .LBB2_5-.Ltmp1, $4  }
0xd6: {  	[tilespmem:s29+$0x940] =	vst v18;
	v18 =	vmul.f32 v62, v17  }
0xd7: {  	[tilespmem:s29+$0x950] =	vst v19;
	v17 =	vmul.f32 v63, v17  }
0xd8: {  	[tilespmem:s29+$0x960] =	vst v18  }
0xd9: {  	s28 =	sadd.s32 $0x1, s28;
	[tilespmem:s29+$0x970] =	vst v17  }
0xda: {  	s26 =	sadd.s32 $0x1, s26  }
0xdb: {  	p0 =	sne.s32 s26, $0x4F  }
.Ltmp2:
0xdc: {  	_ = 	snop;
	(pc) =	sbr.rel @p0 .LBB2_4-.Ltmp2, $4  }
0xdd: {  	[spmem:s3] =	stream.indirect.scatter.add.f32 [tilespmem:s20], [sflag:$0x2], $0x80, s22, s22, $0xb8;
	[tilespmem:$0x18180] =	vst v63  }
0xde: {  	_ =	swait.ge [sflag:s21], $0x4000  }
0xdf: {  	[sflag:s21] =	ssyncset.done $0x0  }
0xe0: {  	[sflag:s21] =	ssyncadd.s32 $0xFFFFC000  }
0xe1: {  	s25 =	sshll.u32 s5, $0x6  }
0xe2: {  	[bflag:$0x0] =	sbarrier.arrive $0xFFFF;
	s26 =	sshrl.u32 s8, $0x3;
	s25 =	sor.u32 $0x1C02, s25  }
0xe3: {  	[hbm:s14], [sflag:s25] =	dma.local [spmem:s26], $0x800  }
0xe4: {  	_ =	swait.ge [sflag:s21], $0x800  }
0xe5: {  	[sflag:s21] =	ssyncset.done $0x0  }
0xe6: {  	s28 =	sshrl.u32 s9, $0x3;
	[sflag:s21] =	ssyncadd.s32 $0xFFFFF800  }
0xe7: {  	[hbm:s15], [sflag:s25] =	dma.local [spmem:s28], $0x800  }
0xe8: {  	_ =	swait.ge [sflag:s21], $0x800  }
0xe9: {  	[sflag:s21] =	ssyncset.done $0x0  }
0xea: {  	s29 =	sshrl.u32 s10, $0x3;
	[sflag:s21] =	ssyncadd.s32 $0xFFFFF800  }
0xeb: {  	[hbm:s16], [sflag:s25] =	dma.local [spmem:s29], $0x800  }
0xec: {  	_ =	swait.ge [sflag:s21], $0x800  }
0xed: {  	[sflag:s21] =	ssyncset.done $0x0  }
0xee: {  	s30 =	sshrl.u32 s11, $0x3;
	[sflag:s21] =	ssyncadd.s32 $0xFFFFF800  }
0xef: {  	[hbm:s17], [sflag:s25] =	dma.local [spmem:s30], $0x800  }
0xf0: {  	s4 =	sadd.s32 $0x1, s4;
	_ =	swait.ge [sflag:s21], $0x800  }
0xf1: {  	p0 =	sne.s32 s4, s19;
	[sflag:s21] =	ssyncset.done $0x0  }
.Ltmp3:
0xf2: {  	s31 =	sshrl.u32 s12, $0x3;
	[sflag:s21] =	ssyncadd.s32 $0xFFFFF800;
	(pc) =	sbr.rel @p0 .LBB2_1-.Ltmp3, $4  }
0xf3: {  	[hbm:s18], [sflag:s25] =	dma.local [spmem:s31], $0x800  }
0xf4: {  	_ =	swait.ge [sflag:s21], $0x800  }
0xf5: {  	[sflag:s21] =	ssyncset.done $0x0  }
0xf6: {  	[sflag:s21] =	ssyncadd.s32 $0xFFFFF800  }
0xf7: {  	_ =	sfence.sel $0x180000  }
0xf8: {  	[bflag:$0x0] =	sbarrier.arrive $0xFFFF  }
0xf9: {  	p0 =	sne.s32 s5, $0x0;
	_ =	strace $0x9000004A  }
0xfa: {  	s0 =	sadd.s32 @!p0 $0x100000, s0;
	[bflag:$0x2] =	sbarrier.arrive $0xFFFF  }
0xfb: {  	[sflag:s0] =	ssyncadd.tile.s32 @!p0 $0x1;
	_ =	shalt  }
.Lfunc_end2:
_tile_overlayer_lowered:
.L_overlay_start_2:
0xfc: {  	(tag) =	ssettag $0x2  }
0xfd: {  	s0 =	rddreg [dreg:$0x0];
	s2 =	stileid.u32  }
0xfe: {  	s1 =	rddreg [dreg:$0x1];
	p0 =	sne.s32 s2, $0x0  }
0xff: {  	s3 =	rddreg [dreg:$0x2];
	[bflag:$0x3] =	sbarrier.arrive $0xFFFF;
	s2 =	simm.s32 @!p0 $0x1C02  }
0x100: {  	[timem:s3], [sflag:s2] =	dma.local @!p0 [hbm:s0], s1  }
0x101: {  	s0 =	simm.s32 @!p0 $0x2  }
0x102: {  	_ =	swait.ge @!p0 [sflag:s0], s1  }
0x103: {  	s1 =	ssub.s32 @!p0 $0x0, s1;
	[sflag:s0] =	ssyncset.done @!p0 $0x0  }
0x104: {  	[sflag:s0] =	ssyncadd.s32 @!p0 s1  }
0x105: {  	[bflag:$0x3] =	sbarrier.arrive $0xFFFF  }
0x106: {  	_ =	shalt  }

// kernel: kernel.14.cloned.1.call-start
scs
__scs_entry_jumppad:
0x0: {  	(pc) =	sbr.rel $0x88, $3  }
0x1: {  	(tag) =	ssettag $0x0;
	lr =	simm.s32 $0x1  }
0x2: {  	[smem:$0x3F8E] =	sst lr;
	_ =	strace $0xD0000000  }
0x3: {  	_ = 	snop  }
0x4: {  	_ = 	snop  }
0x5: {  	_ = 	snop  }
0x6: {  	_ = 	snop  }
0x7: {  	_ = 	snop  }
__scs_overlays_trampoline_lowered:
0x8: {  	[smem:$0x3F9D] =	sst s0  }
0x9: {  	[smem:$0x3F9E] =	sst s1  }
0xa: {  	[smem:$0x3F9F] =	sst s2  }
0xb: {  	[smem:$0x3FA0] =	sst s3  }
0xc: {  	[smem:$0x3FA1] =	sst s4  }
0xd: {  	[smem:$0x3FA2] =	sst s5  }
0xe: {  	[smem:$0x3FA3] =	sst s6  }
0xf: {  	[smem:$0x3FA4] =	sst s7  }
0x10: {  	[smem:$0x3FA5] =	sst s8  }
0x11: {  	[smem:$0x3FA6] =	sst s9;
	s0 =	simm.s32 @!p0 $0x0  }
0x12: {  	s1 =	sld [smem:$0x3F8C];
	s0 =	simm.s32 @p0 $0x1  }
0x13: {  	[smem:$0x3FA7] =	sst s0;
	s0 =	simm.s32 @!p1 $0x0  }
0x14: {  	s2 =	sld [smem:$0x3F8B];
	s0 =	simm.s32 @p1 $0x1  }
0x15: {  	[smem:$0x3FA8] =	sst s0;
	s0 =	simm.s32 @!p2 $0x0  }
0x16: {  	s3 =	sld [smem:$0x3FDB];
	s0 =	simm.s32 @p2 $0x1  }
0x17: {  	s4 =	simm.s32 $0x1BF5;
	[smem:$0x3FAA] =	sst s0  }
0x18: {  	s0 =	sld [smem:$0x3F8D];
	_ =	swait.ge [sflag:s4], $0x0  }
0x19: {  	s7 =	sld [smem:$0x3F8E]  }
0x1a: {  	s8 =	sadd.s32 $0xFFFFE003, lr  }
0x1b: {  	s9 =	sadd.s32 $0xFFFFFEF7, lr;
	s5 =	simm.s32 $0xFFFFFFFF;
	p2 =	slt.u32 s8, $0xFFFFF086  }
0x1c: {  	p1 =	slt.u32 s9, $0xF7A;
	s5 =	simm.s32 @!p2 $0x0  }
0x1d: {  	s5 =	simm.s32 @p1 $0x1;
	p0 =	seq.s32 s7, s2  }
0x1e: {  	s7 =	smul.u32 @!p0 $0xF7A, s2;
	p2 =	seq.s32 @!p0 s5, $0x0  }
0x1f: {  	s9 =	smul.u32 $0xF7A, s1;
	s8 =	simm.s32 @!p0 $0x1BF5;
	p2 =	por !p2, p0  }
0x20: {  	[sflag:s8] =	ssyncset.s32 @!p0 $0xFFFFF086;
	s6 =	sadd.s32 @!p0 s3, s7;
	s7 =	simm.s32 @!p0 $0x108  }
0x21: {  	s3 =	sadd.s32 s3, s9;
	s6 =	sadd.s32 @!p0 $0x88, s6;
	s7 =	simm.s32 @p2 $0x1082  }
0x22: {  	[simem:s7], [sflag:s8] =	dma.local @!p0 [hbm:s6], $0xF7A  }
0x23: {  	s9 =	sor.u32 $0xD0000000, s2;
	s6 =	simm.s32 $0x108;
	_ =	swait.ge @!p0 [sflag:s8], $0x0  }
0x24: {  	s3 =	sadd.s32 $0x88, s3;
	s6 =	simm.s32 @!p1 $0x1082;
	[sflag:s4] =	ssyncset.s32 $0xFFFFF086  }
0x25: {  	[simem:s6], [sflag:s4] =	dma.local [hbm:s3], $0xF7A  }
0x26: {  	[smem:$0x3F8E] =	sst s1;
	(tag) =	ssettag s2;
	_ =	strace s9  }
0x27: {  	s1 =	sld [smem:$0x3F9E]  }
0x28: {  	s2 =	sld [smem:$0x3F9F]  }
0x29: {  	s4 =	sld [smem:$0x3FA1]  }
0x2a: {  	p0 =	seq.s32 s5, $0x0;
	s5 =	sld [smem:$0x3FA2]  }
0x2b: {  	s6 =	sld [smem:$0x3FA3]  }
0x2c: {  	s7 =	sld [smem:$0x3FA4]  }
0x2d: {  	s3 =	simm.s32 $0x108;
	s8 =	sld [smem:$0x3FA5]  }
0x2e: {  	s3 =	simm.s32 @!p0 $0x1082;
	s9 =	sld [smem:$0x3FA6]  }
0x2f: {  	lr =	sadd.s32 s0, s3;
	s0 =	sld [smem:$0x3F9D]  }
0x30: {  	s3 =	sld [smem:$0x3FA0]  }
0x31: {  	[smem:$0x3FA9] =	sst s10  }
0x32: {  	s10 =	sld [smem:$0x3FA7];
	_ =	sdelay $0x3  }
0x33: {  	p0 =	seq.s32 s10, $0x1;
	s10 =	sld [smem:$0x3FA9];
	_ =	sdelay $0x3  }
0x34: {  	[smem:$0x3FA9] =	sst s10  }
0x35: {  	s10 =	sld [smem:$0x3FA8];
	_ =	sdelay $0x3  }
0x36: {  	p1 =	seq.s32 s10, $0x1;
	s10 =	sld [smem:$0x3FA9];
	_ =	sdelay $0x3  }
0x37: {  	[smem:$0x3FA9] =	sst s10  }
0x38: {  	s10 =	sld [smem:$0x3FAA]  }
0x39: {  	_ = 	snop;
	(pc) =	sbr.ind lr, $3  }
0x3a: {  	_ = 	snop  }
0x3b: {  	_ = 	snop  }
0x3c: {  	p2 =	seq.s32 s10, $0x1;
	s10 =	sld [smem:$0x3FA9]  }
0x3d: {  	_ =	shalt  }
0x3e: {  	_ =	shalt  }
0x3f: {  	_ =	shalt  }
0x40: {  	_ =	shalt  }
0x41: {  	_ =	shalt  }
0x42: {  	_ =	shalt  }
0x43: {  	_ =	shalt  }
0x44: {  	_ =	shalt  }
0x45: {  	_ =	shalt  }
0x46: {  	_ =	shalt  }
0x47: {  	_ =	shalt  }
0x48: {  	_ =	shalt  }
0x49: {  	_ =	shalt  }
0x4a: {  	_ =	shalt  }
0x4b: {  	_ =	shalt  }
0x4c: {  	_ =	shalt  }
0x4d: {  	_ =	shalt  }
0x4e: {  	_ =	shalt  }
0x4f: {  	_ =	shalt  }
0x50: {  	_ =	shalt  }
0x51: {  	_ =	shalt  }
0x52: {  	_ =	shalt  }
0x53: {  	_ =	shalt  }
0x54: {  	_ =	shalt  }
0x55: {  	_ =	shalt  }
0x56: {  	_ =	shalt  }
0x57: {  	_ =	shalt  }
0x58: {  	_ =	shalt  }
0x59: {  	_ =	shalt  }
0x5a: {  	_ =	shalt  }
0x5b: {  	_ =	shalt  }
0x5c: {  	_ =	shalt  }
0x5d: {  	_ =	shalt  }
0x5e: {  	_ =	shalt  }
0x5f: {  	_ =	shalt  }
0x60: {  	_ =	shalt  }
0x61: {  	_ =	shalt  }
0x62: {  	_ =	shalt  }
0x63: {  	_ =	shalt  }
0x64: {  	_ =	shalt  }
0x65: {  	_ =	shalt  }
0x66: {  	_ =	shalt  }
0x67: {  	_ =	shalt  }
0x68: {  	_ =	shalt  }
0x69: {  	_ =	shalt  }
0x6a: {  	_ =	shalt  }
0x6b: {  	_ =	shalt  }
0x6c: {  	_ =	shalt  }
0x6d: {  	_ =	shalt  }
0x6e: {  	_ =	shalt  }
0x6f: {  	_ =	shalt  }
0x70: {  	_ =	shalt  }
0x71: {  	_ =	shalt  }
0x72: {  	_ =	shalt  }
0x73: {  	_ =	shalt  }
0x74: {  	_ =	shalt  }
0x75: {  	_ =	shalt  }
0x76: {  	_ =	shalt  }
0x77: {  	_ =	shalt  }
0x78: {  	_ =	shalt  }
0x79: {  	_ =	shalt  }
0x7a: {  	_ =	shalt  }
0x7b: {  	_ =	shalt  }
0x7c: {  	_ =	shalt  }
0x7d: {  	_ =	shalt  }
0x7e: {  	_ =	shalt  }
0x7f: {  	_ =	shalt  }
0x80: {  	_ =	shalt  }
0x81: {  	_ =	shalt  }
0x82: {  	_ =	shalt  }
0x83: {  	_ =	shalt  }
0x84: {  	_ =	shalt  }
0x85: {  	_ =	shalt  }
0x86: {  	_ =	shalt  }
0x87: {  	_ =	shalt  }
.Lfunc_end0:
.L_simem_size_0:
called_computation.2_lowered:
.L_overlay_start_0:
0x88: {  	s2 =	sld [smem:$0x3FD9]  }
0x89: {  	s3 =	sld [smem:$0x3FFE];
	_ =	sdelay $0x1  }
0x8a: {  	s1 =	srdreg.scid  }
0x8b: {  	s0 =	sand.u32 $0x1, s1  }
0x8c: {  	s14 =	sshll.u32 s0, $0xA;
	s2 =	sadd.s32 s3, s2  }
0x8d: {  	s2 =	sadd.s32 s2, s14  }
0x8e: {  	[smem:$0x3FB5] =	sst s2  }
0x8f: {  	_ = 	snop  }
0x90: {  	s2 =	sld [smem:$0x3FD0];
	_ =	sdelay $0x2  }
0x91: {  	s15 =	simm.s32 $0xA;
	s4 =	simm.s32 $0x10  }
0x92: {  	[smem:s4], [sflag:s15] =	dma.local [hbm:s2], $0x1  }
0x93: {  	_ =	swait.eq [sflag:s15], $0x1  }
0x94: {  	[sflag:s15] =	ssyncset.done $0x0  }
0x95: {  	s16 =	sld [smem:$0x10];
	[sflag:s15] =	ssyncadd.s32 $0xFFFFFFFF  }
0x96: {  	s17 =	sld [smem:$0x12];
	(tm) =	ssettm $0x1  }
0x97: {  	s18 =	sld [smem:$0x3FFB];
	_ =	sdelay $0x3  }
0x98: {  	_ =	strace s18  }
0x99: {  	s4 =	sld [smem:$0x3FFC];
	_ =	sdelay $0x3  }
0x9a: {  	_ =	strace s4  }
0x9b: {  	s4 =	sld [smem:$0x3FFD];
	_ =	sdelay $0x3  }
0x9c: {  	_ =	strace s4  }
0x9d: {  	_ =	strace $0x8FFFFFFF  }
0x9e: {  	s19 =	sld [smem:$0x3FDB];
	_ =	sdelay $0x1  }
0x9f: {  	s5 =	simm.s32 $_scs_section_size  }
0xa0: {  	s6 =	simm.s32 $_size__tile_overlayer_lowered;
	s7 =	simm.s32 $_tile_overlayer_lowered  }
0xa1: {  	s22 =	simm.s32 $0x1BFF;
	s21 =	sshll.u32 s7, $0x1;
	s4 =	sadd.s32 s5, s19  }
0xa2: {  	s8 =	simm.s32 $0x0;
	s20 =	sshll.u32 s6, $0x1;
	s6 =	sadd.s32 s21, s4  }
0xa3: {  	[timem:s8], [sflag:s22] =	dma.local [hbm:s6], s20  }
0xa4: {  	_ =	swait.ge [sflag:s22], s20  }
0xa5: {  	s5 =	ssub.s32 $0x0, s20;
	[sflag:s22] =	ssyncset.done $0x0  }
0xa6: {  	[sflag:s22] =	ssyncadd.s32 s5;
	_ =	sdelay $0x1  }
0xa7: {  	s23 =	simm.s32 $0x1B8B  }
0xa8: {  	_ =	swait.ge [sflag:s23], $0x1  }
0xa9: {  	[sflag:s23] =	ssyncset.done $0x0  }
0xaa: {  	s25 =	simm.s32 $0x1B8E;
	s24 =	sld [smem:$0x3FFE];
	[sflag:s23] =	ssyncadd.s32 $0xFFFFFFFF  }
0xab: {  	s26 =	simm.s32 $execute0_lowered;
	[smem:$0x3FD2] =	sst s25  }
0xac: {  	s6 =	sshll.u32 s26, $0x1;
	_ =	strace $0x8000004C;
	[dreg:$0x1] =	wrdreg $0xFFFFFFFF  }
0xad: {  	s28 =	simm.s32 $_size_execute0_lowered;
	s4 =	sadd.s32 s4, s6;
	[dreg:$0x0] =	wrdreg $0x0  }
0xae: {  	s6 =	sshll.u32 s28, $0x1;
	[dreg:$0x2] =	wrdreg s4  }
0xaf: {  	[dreg:$0x3] =	wrdreg s6  }
0xb0: {  	[dreg:$0x4] =	wrdreg $0xC0  }
0xb1: {  	_ =	task [dreg:s8], $0x5FFFF  }
0xb2: {  	[dreg:$0x1] =	wrdreg $0xFFFFFFFF  }
0xb3: {  	[dreg:$0x0] =	wrdreg $0x60  }
0xb4: {  	[dreg:$0x2] =	wrdreg s17  }
0xb5: {  	[dreg:$0x3] =	wrdreg s16  }
0xb6: {  	[dreg:$0x4] =	wrdreg s24  }
0xb7: {  	[dreg:$0x5] =	wrdreg $0x41800  }
0xb8: {  	[dreg:$0x6] =	wrdreg $0x9  }
0xb9: {  	_ =	task.clear_ibuf [dreg:s8], $0x7FFFF;
	_ =	strace $0x9000004C  }
0xba: {  	s29 =	simm.s32 $0x9;
	_ =	strace $0x8000004E  }
0xbb: {  	_ =	swait.ge [sflag:s29], $0x1  }
0xbc: {  	[sflag:s29] =	ssyncadd.s32 $0xFFFFFFFF  }
0xbd: {  	_ =	strace $0x9000004E  }
0xbe: {  	_ =	sfence  }
0xbf: {  	s30 =	sld [smem:$0x0];
	_ =	sdelay $0x2  }
0xc0: {  	s31 =	sshll.u32 s1, $0xD;
	s1 =	sshrl.u32 s1, $0x2  }
0xc1: {  	s3 =	sand.u32 $0x4000, s31;
	s1 =	sadd.s32 s1, s30  }
0xc2: {  	s0 =	sor.u32 s3, s0;
	s1 =	sshll.u32 s1, $0x11  }
0xc3: {  	s0 =	sor.u32 s1, s0  }
0xc4: {  	s0 =	sadd.s32 $0x8F2B, s0  }
0xc5: {  	[sflag:s0] =	ssyncadd.remote.s32 $0x1  }
0xc6: {  	_ =	sfence.sel $0xFFFF  }
0xc7: {  	[dreg:$0x0] =	wrdreg $0xFFFFFFFF;
	(pc) =	sbr.abs _section_cstart, $3  }
0xc8: {  	[dreg:$0x1] =	wrdreg $0xFFFFFFFF  }
0xc9: {  	_ =	task.clear_ibuf [dreg:s8], $0x2FFFF;
	_ =	strace $0x9FFFFFFF  }
0xca: {  	(tm) =	ssettm $0x7FFFFFFF  }
0xcb: {  	_ =	shalt  }
tec
execute0_lowered:
.L_overlay_start_1:
0x0: {  	(tag) =	ssettag $0x1  }
0x1: {  	s1 =	rddreg [dreg:$0x0]  }
0x2: {  	s2 =	rddreg [dreg:$0x1]  }
0x3: {  	s8 =	rddreg [dreg:$0x2]  }
0x4: {  	s3 =	rddreg [dreg:$0x3]  }
0x5: {  	s0 =	rddreg [dreg:$0x4];
	s4 =	simm.s32 $0x0  }
0x6: {  	s7 =	srdreg.scid;
	s5 =	stileid.u32;
	s23 =	simm.s32 $0x100  }
0x7: {  	s24 =	simm.s32 $0x1;
	[smem:$0x7FF] =	sst s4;
	s6 =	sadd.s32 $0xDE00, s8  }
0x8: {  	s9 =	sand.u32 $0x1, s7;
	s7 =	sadd.s32 $0x4000, s8;
	s11 =	smul.u32 $0x50000, s5  }
0x9: {  	s18 =	sadd.s32 $0x17C00, s8;
	s12 =	smul.u32 $0x14000, s5;
	_ =	strace $0x8000004D  }
0xa: {  	s10 =	ssub.s32 $0x2, s9;
	s30 =	sshll.u32 s9, $0x4;
	s20 =	smul.u32 $0x140000, s9  }
0xb: {  	s29 =	sshrl.u32 s10, $0x1;
	s31 =	sshrl.u32 s11, $0x2;
	s13 =	sor.u32 s5, s30  }
0xc: {  	s14 =	sadd.s32 $0x4000, s12;
	s16 =	sadd.s32 $0x8000, s12;
	s17 =	sadd.s32 $0xC000, s12  }
0xd: {  	s21 =	sadd.s32 $0x10000, s12;
	s19 =	ssub.s32 s10, s29;
	s8 =	sadd.s32 s31, s3  }
0xe: {  	s9 =	sadd.s32 s14, s3;
	s10 =	sadd.s32 s16, s3;
	s11 =	sadd.s32 s17, s3  }
0xf: {  	s15 =	sadd.s32 s12, s20;
	s14 =	sadd.s32 s20, s14;
	s12 =	sadd.s32 s21, s3  }
0x10: {  	v0 =	vimm.f32 $0.0e+00;
	v1 =	vimm.s32 $0x0;
	s13 =	smul.u32 $0x4F, s13;
	s16 =	sadd.s32 s20, s16;
	s17 =	sadd.s32 s20, s17  }
0x11: {  	v2 =	vimm.s32 $0x1;
	v3 =	vimm.s32 $0x2;
	v4 =	vimm.s32 $0x3;
	s20 =	sadd.s32 s20, s21;
	s21 =	simm.s32 $0x2;
	s15 =	sshrl.u32 s15, $0x3  }
0x12: {  	v5 =	vimm.s32 $0x4;
	v6 =	vimm.s32 $0x5;
	v7 =	vimm.s32 $0x6;
	s22 =	sshrl.u32 s14, $0x3;
	s16 =	sshrl.u32 s16, $0x3;
	s17 =	sshrl.u32 s17, $0x3  }
0x13: {  	v8 =	vimm.s32 $0x7;
	v9 =	vimm.s32 $0x8;
	v10 =	vimm.s32 $0x9;
	s20 =	sshrl.u32 s20, $0x3;
	s19 =	smax.u32 s19, $0x1;
	s14 =	sadd.s32 s18, s15  }
0x14: {  	v11 =	vimm.s32 $0xA;
	v12 =	vimm.s32 $0xB;
	v13 =	vimm.s32 $0xC;
	s15 =	sadd.s32 s18, s22;
	s16 =	sadd.s32 s18, s16;
	s17 =	sadd.s32 s18, s17  }
0x15: {  	v14 =	vimm.s32 $0xD;
	v15 =	vimm.s32 $0xE;
	v16 =	vimm.s32 $0xF;
	s18 =	sadd.s32 s18, s20;
	s20 =	simm.s32 $0x180;
	s22 =	simm.s32 $0x80  }
.LBB2_1:
0x16: {  	s25 =	simm.s32 $0x0;
	s26 =	simm.s32 $0x200  }
.LBB2_2:
0x17: {  	p0 =	sne.s32 s26, $0xFE00;
	[tilespmem:s25+$0x1F0] =	vst v0  }
0x18: {  	[tilespmem:s25+$0x180] =	vst v0  }
0x19: {  	[tilespmem:s25+$0x190] =	vst v0  }
.Ltmp0:
0x1a: {  	[tilespmem:s25+$0x1A0] =	vst v0;
	(pc) =	sbr.rel @p0 .LBB2_2-.Ltmp0, $4  }
0x1b: {  	[tilespmem:s25+$0x1B0] =	vst v0  }
0x1c: {  	[tilespmem:s25+$0x1C0] =	vst v0  }
0x1d: {  	[tilespmem:s25+$0x1D0] =	vst v0  }
0x1e: {  	[tilespmem:s25+$0x1E0] =	vst v0;
	s25 =	sshra.s32 s26, $0x2;
	s26 =	sadd.s32 $0x200, s26  }
0x1f: {  	[tilespmem:s25+$0x1F0] =	vst v0  }
0x20: {  	[tilespmem:s25+$0x180] =	vst v0  }
0x21: {  	[tilespmem:s25+$0x190] =	vst v0  }
0x22: {  	[tilespmem:s25+$0x1A0] =	vst v0  }
0x23: {  	[tilespmem:s25+$0x1B0] =	vst v0  }
0x24: {  	[tilespmem:s25+$0x1C0] =	vst v0  }
0x25: {  	[tilespmem:s25+$0x1D0] =	vst v0  }
0x26: {  	[tilespmem:s25+$0x1E0] =	vst v0  }
0x27: {  	[spmem:s8] =	stream.linear.scatter [tilespmem:s20], [sflag:$0x2], $0x4000, $0x38;
	[tilespmem:$0x18180] =	vst v63  }
0x28: {  	_ =	swait.ge [sflag:s21], $0x4000  }
0x29: {  	[sflag:s21] =	ssyncset.done $0x0  }
0x2a: {  	[sflag:s21] =	ssyncadd.s32 $0xFFFFC000  }
0x2b: {  	[spmem:s9] =	stream.linear.scatter [tilespmem:s20], [sflag:$0x2], $0x4000, $0x38;
	[tilespmem:$0x18180] =	vst v63  }
0x2c: {  	_ =	swait.ge [sflag:s21], $0x4000  }
0x2d: {  	[sflag:s21] =	ssyncset.done $0x0  }
0x2e: {  	[sflag:s21] =	ssyncadd.s32 $0xFFFFC000  }
0x2f: {  	[spmem:s10] =	stream.linear.scatter [tilespmem:s20], [sflag:$0x2], $0x4000, $0x38;
	[tilespmem:$0x18180] =	vst v63  }
0x30: {  	_ =	swait.ge [sflag:s21], $0x4000  }
0x31: {  	[sflag:s21] =	ssyncset.done $0x0  }
0x32: {  	[sflag:s21] =	ssyncadd.s32 $0xFFFFC000  }
0x33: {  	[spmem:s11] =	stream.linear.scatter [tilespmem:s20], [sflag:$0x2], $0x4000, $0x38;
	[tilespmem:$0x18180] =	vst v63  }
0x34: {  	_ =	swait.ge [sflag:s21], $0x4000  }
0x35: {  	[sflag:s21] =	ssyncset.done $0x0  }
0x36: {  	[sflag:s21] =	ssyncadd.s32 $0xFFFFC000  }
0x37: {  	[spmem:s12] =	stream.linear.scatter [tilespmem:s20], [sflag:$0x2], $0x4000, $0x38;
	[tilespmem:$0x18180] =	vst v63  }
0x38: {  	_ =	swait.ge [sflag:s21], $0x4000  }
0x39: {  	[sflag:s21] =	ssyncset.done $0x0  }
0x3a: {  	[sflag:s21] =	ssyncadd.s32 $0xFFFFC000  }
0x3b: {  	s25 =	simm.s32 $0x0;
	s26 =	simm.s32 $0x0;
	[bflag:$0x0] =	sbarrier.arrive $0xFFFF  }
.LBB2_4:
0x3c: {  	s28 =	sadd.s32 s13, s26  }
0x3d: {  	s28 =	sshll.u32 s28, $0x4  }
0x3e: {  	s29 =	sadd.s32 s2, s28  }
0x3f: {  	[tilespmem:s25], [sflag:$0x2] =	stream.linear.gather [hbm4b:s29+s25], $0x80, $0x38;
	[tilespmem:$0x18180] =	vst v63  }
0x40: {  	_ =	swait.ge [sflag:s21], $0x80  }
0x41: {  	[sflag:s21] =	ssyncset.done $0x0  }
0x42: {  	s31 =	sadd.s32 s6, s28;
	[sflag:s21] =	ssyncadd.s32 $0xFFFFFF80  }
0x43: {  	[tilespmem:s22], [sflag:$0x2] =	stream.linear.gather [hbm4b:s31+s25], $0x80, $0x38;
	[tilespmem:$0x18180] =	vst v63  }
0x44: {  	_ =	swait.ge [sflag:s21], $0x80  }
0x45: {  	[sflag:s21] =	ssyncset.done $0x0  }
0x46: {  	s28 =	sadd.s32 s7, s28;
	[sflag:s21] =	ssyncadd.s32 $0xFFFFFF80  }
0x47: {  	[tilespmem:s23], [sflag:$0x2] =	stream.linear.gather [hbm4b:s28+s25], $0x80, $0x38;
	[tilespmem:$0x18180] =	vst v63  }
0x48: {  	_ =	swait.ge [sflag:s21], $0x80  }
0x49: {  	[sflag:s21] =	ssyncset.done $0x0  }
0x4a: {  	[sflag:s21] =	ssyncadd.s32 $0xFFFFFF80  }
0x4b: {  	[tilespmem:s20], [sflag:$0x1] =	stream.indirect.gather [hbm4b:s1+s22], $0x80, s25, s22, $0xb8;
	[tilespmem:$0x18180] =	vst v63  }
0x4c: {  	_ =	swait.ge [sflag:s24], $0x4000  }
0x4d: {  	[sflag:s24] =	ssyncset.done $0x0  }
0x4e: {  	s28 =	simm.s32 $0x0;
	[sflag:s24] =	ssyncadd.s32 $0xFFFFC000  }
.LBB2_5:
0x4f: {  	s29 =	sshll.u32 s28, $0x4  }
0x50: {  	s29 =	sand.u32 $0x3FFFFFF0, s29  }
0x51: {  	s31 =	sshll.u32 s28, $0xB;
	v17 =	vld [tilespmem:s29+$0x100]  }
0x52: {  	s29 =	sand.u32 $0x3FFFF800, s31  }
0x53: {  	v18 =	vld [tilespmem:s29+$0x180]  }
0x54: {  	v19 =	vld [tilespmem:s29+$0x190]  }
0x55: {  	v20 =	vld [tilespmem:s29+$0x1A0]  }
0x56: {  	v22 =	vld [tilespmem:s29+$0x1B0];
	v21 =	vperm.xlane v17, v1  }
0x57: {  	v23 =	vld [tilespmem:s29+$0x1C0]  }
0x58: {  	v24 =	vld [tilespmem:s29+$0x1D0];
	v18 =	vmul.f32 v18, v21  }
0x59: {  	v25 =	vld [tilespmem:s29+$0x1E0];
	v19 =	vmul.f32 v19, v21  }
0x5a: {  	v38 =	vld [tilespmem:s29+$0x1F0];
	[tilespmem:s29+$0x180] =	vst v18;
	v18 =	vmul.f32 v20, v21  }
0x5b: {  	v39 =	vld [tilespmem:s29+$0x200];
	[tilespmem:s29+$0x190] =	vst v19;
	v19 =	vmul.f32 v22, v21  }
0x5c: {  	v40 =	vld [tilespmem:s29+$0x210];
	[tilespmem:s29+$0x1A0] =	vst v18;
	v18 =	vmul.f32 v23, v21  }
0x5d: {  	v41 =	vld [tilespmem:s29+$0x220];
	[tilespmem:s29+$0x1B0] =	vst v19;
	v19 =	vmul.f32 v24, v21  }
0x5e: {  	v26 =	vld [tilespmem:s29+$0x230];
	v42 =	vperm.xlane v17, v2;
	[tilespmem:s29+$0x1C0] =	vst v18;
	v18 =	vmul.f32 v25, v21  }
0x5f: {  	v43 =	vld [tilespmem:s29+$0x240];
	[tilespmem:s29+$0x1D0] =	vst v19;
	v19 =	vmul.f32 v38, v21  }
0x60: {  	v44 =	vld [tilespmem:s29+$0x250];
	[tilespmem:s29+$0x1E0] =	vst v18;
	v18 =	vmul.f32 v39, v42  }
0x61: {  	v45 =	vld [tilespmem:s29+$0x260];
	[tilespmem:s29+$0x1F0] =	vst v19;
	v19 =	vmul.f32 v40, v42  }
0x62: {  	v46 =	vld [tilespmem:s29+$0x270];
	[tilespmem:s29+$0x200] =	vst v18;
	v18 =	vmul.f32 v41, v42  }
0x63: {  	v47 =	vld [tilespmem:s29+$0x280];
	[tilespmem:s29+$0x210] =	vst v19;
	v19 =	vmul.f32 v26, v42  }
0x64: {  	v48 =	vld [tilespmem:s29+$0x290];
	[tilespmem:s29+$0x220] =	vst v18;
	v18 =	vmul.f32 v43, v42  }
0x65: {  	v49 =	vld [tilespmem:s29+$0x2A0];
	[tilespmem:s29+$0x230] =	vst v19;
	v19 =	vmul.f32 v44, v42  }
0x66: {  	v51 =	vld [tilespmem:s29+$0x2B0];
	v50 =	vperm.xlane v17, v3;
	[tilespmem:s29+$0x240] =	vst v18;
	v18 =	vmul.f32 v45, v42  }
0x67: {  	v52 =	vld [tilespmem:s29+$0x2C0];
	[tilespmem:s29+$0x250] =	vst v19;
	v19 =	vmul.f32 v46, v42  }
0x68: {  	v53 =	vld [tilespmem:s29+$0x2D0];
	[tilespmem:s29+$0x260] =	vst v18;
	v18 =	vmul.f32 v47, v50  }
0x69: {  	v54 =	vld [tilespmem:s29+$0x2E0];
	[tilespmem:s29+$0x270] =	vst v19;
	v19 =	vmul.f32 v48, v50  }
0x6a: {  	v55 =	vld [tilespmem:s29+$0x2F0];
	[tilespmem:s29+$0x280] =	vst v18;
	v18 =	vmul.f32 v49, v50  }
0x6b: {  	v56 =	vld [tilespmem:s29+$0x300];
	[tilespmem:s29+$0x290] =	vst v19;
	v19 =	vmul.f32 v51, v50  }
0x6c: {  	v57 =	vld [tilespmem:s29+$0x310];
	[tilespmem:s29+$0x2A0] =	vst v18;
	v18 =	vmul.f32 v52, v50  }
0x6d: {  	v58 =	vld [tilespmem:s29+$0x320];
	[tilespmem:s29+$0x2B0] =	vst v19;
	v19 =	vmul.f32 v53, v50  }
0x6e: {  	v60 =	vld [tilespmem:s29+$0x330];
	v59 =	vperm.xlane v17, v4;
	[tilespmem:s29+$0x2C0] =	vst v18;
	v18 =	vmul.f32 v54, v50  }
0x6f: {  	v61 =	vld [tilespmem:s29+$0x340];
	[tilespmem:s29+$0x2D0] =	vst v19;
	v19 =	vmul.f32 v55, v50  }
0x70: {  	v62 =	vld [tilespmem:s29+$0x350];
	[tilespmem:s29+$0x2E0] =	vst v18;
	v18 =	vmul.f32 v56, v59  }
0x71: {  	v63 =	vld [tilespmem:s29+$0x360];
	[tilespmem:s29+$0x2F0] =	vst v19;
	v19 =	vmul.f32 v57, v59  }
0x72: {  	v28 =	vld [tilespmem:s29+$0x370];
	[tilespmem:s29+$0x300] =	vst v18;
	v18 =	vmul.f32 v58, v59  }
0x73: {  	v29 =	vld [tilespmem:s29+$0x380];
	[tilespmem:s29+$0x310] =	vst v19;
	v19 =	vmul.f32 v60, v59  }
0x74: {  	v30 =	vld [tilespmem:s29+$0x390];
	[tilespmem:s29+$0x320] =	vst v18;
	v18 =	vmul.f32 v61, v59  }
0x75: {  	v31 =	vld [tilespmem:s29+$0x3A0];
	[tilespmem:s29+$0x330] =	vst v19;
	v19 =	vmul.f32 v62, v59  }
0x76: {  	v33 =	vld [tilespmem:s29+$0x3B0];
	v32 =	vperm.xlane v17, v5;
	[tilespmem:s29+$0x340] =	vst v18;
	v18 =	vmul.f32 v63, v59  }
0x77: {  	v34 =	vld [tilespmem:s29+$0x3C0];
	[tilespmem:s29+$0x350] =	vst v19;
	v19 =	vmul.f32 v28, v59  }
0x78: {  	v35 =	vld [tilespmem:s29+$0x3D0];
	[tilespmem:s29+$0x360] =	vst v18;
	v18 =	vmul.f32 v29, v32  }
0x79: {  	v36 =	vld [tilespmem:s29+$0x3E0];
	[tilespmem:s29+$0x370] =	vst v19;
	v19 =	vmul.f32 v30, v32  }
0x7a: {  	v37 =	vld [tilespmem:s29+$0x3F0];
	[tilespmem:s29+$0x380] =	vst v18;
	v18 =	vmul.f32 v31, v32  }
0x7b: {  	v38 =	vld [tilespmem:s29+$0x400];
	[tilespmem:s29+$0x390] =	vst v19;
	v19 =	vmul.f32 v33, v32  }
0x7c: {  	v39 =	vld [tilespmem:s29+$0x410];
	[tilespmem:s29+$0x3A0] =	vst v18;
	v18 =	vmul.f32 v34, v32  }
0x7d: {  	v40 =	vld [tilespmem:s29+$0x420];
	[tilespmem:s29+$0x3B0] =	vst v19;
	v19 =	vmul.f32 v35, v32  }
0x7e: {  	v41 =	vperm.xlane v17, v6;
	v42 =	vld [tilespmem:s29+$0x430];
	[tilespmem:s29+$0x3C0] =	vst v18;
	v18 =	vmul.f32 v36, v32  }
0x7f: {  	v43 =	vld [tilespmem:s29+$0x440];
	[tilespmem:s29+$0x3D0] =	vst v19;
	v19 =	vmul.f32 v37, v32  }
0x80: {  	v44 =	vld [tilespmem:s29+$0x450];
	[tilespmem:s29+$0x3E0] =	vst v18;
	v18 =	vmul.f32 v38, v41  }
0x81: {  	v45 =	vld [tilespmem:s29+$0x460];
	[tilespmem:s29+$0x3F0] =	vst v19;
	v19 =	vmul.f32 v39, v41  }
0x82: {  	v46 =	vld [tilespmem:s29+$0x470];
	[tilespmem:s29+$0x400] =	vst v18;
	v18 =	vmul.f32 v40, v41  }
0x83: {  	v47 =	vld [tilespmem:s29+$0x480];
	[tilespmem:s29+$0x410] =	vst v19;
	v19 =	vmul.f32 v42, v41  }
0x84: {  	v48 =	vld [tilespmem:s29+$0x490];
	[tilespmem:s29+$0x420] =	vst v18;
	v18 =	vmul.f32 v43, v41  }
0x85: {  	v49 =	vld [tilespmem:s29+$0x4A0];
	[tilespmem:s29+$0x430] =	vst v19;
	v19 =	vmul.f32 v44, v41  }
0x86: {  	v51 =	vld [tilespmem:s29+$0x4B0];
	v50 =	vperm.xlane v17, v7;
	[tilespmem:s29+$0x440] =	vst v18;
	v18 =	vmul.f32 v45, v41  }
0x87: {  	v52 =	vld [tilespmem:s29+$0x4C0];
	[tilespmem:s29+$0x450] =	vst v19;
	v19 =	vmul.f32 v46, v41  }
0x88: {  	v53 =	vld [tilespmem:s29+$0x4D0];
	[tilespmem:s29+$0x460] =	vst v18;
	v18 =	vmul.f32 v47, v50  }
0x89: {  	v54 =	vld [tilespmem:s29+$0x4E0];
	[tilespmem:s29+$0x470] =	vst v19;
	v19 =	vmul.f32 v48, v50  }
0x8a: {  	v55 =	vld [tilespmem:s29+$0x4F0];
	[tilespmem:s29+$0x480] =	vst v18;
	v18 =	vmul.f32 v49, v50  }
0x8b: {  	v56 =	vld [tilespmem:s29+$0x500];
	[tilespmem:s29+$0x490] =	vst v19;
	v19 =	vmul.f32 v51, v50  }
0x8c: {  	v57 =	vld [tilespmem:s29+$0x510];
	[tilespmem:s29+$0x4A0] =	vst v18;
	v18 =	vmul.f32 v52, v50  }
0x8d: {  	v58 =	vld [tilespmem:s29+$0x520];
	[tilespmem:s29+$0x4B0] =	vst v19;
	v19 =	vmul.f32 v53, v50  }
0x8e: {  	v60 =	vld [tilespmem:s29+$0x530];
	v59 =	vperm.xlane v17, v8;
	[tilespmem:s29+$0x4C0] =	vst v18;
	v18 =	vmul.f32 v54, v50  }
0x8f: {  	v61 =	vld [tilespmem:s29+$0x540];
	[tilespmem:s29+$0x4D0] =	vst v19;
	v19 =	vmul.f32 v55, v50  }
0x90: {  	v62 =	vld [tilespmem:s29+$0x550];
	[tilespmem:s29+$0x4E0] =	vst v18;
	v18 =	vmul.f32 v56, v59  }
0x91: {  	v63 =	vld [tilespmem:s29+$0x560];
	[tilespmem:s29+$0x4F0] =	vst v19;
	v19 =	vmul.f32 v57, v59  }
0x92: {  	v28 =	vld [tilespmem:s29+$0x570];
	[tilespmem:s29+$0x500] =	vst v18;
	v18 =	vmul.f32 v58, v59  }
0x93: {  	v29 =	vld [tilespmem:s29+$0x580];
	[tilespmem:s29+$0x510] =	vst v19;
	v19 =	vmul.f32 v60, v59  }
0x94: {  	v30 =	vld [tilespmem:s29+$0x590];
	[tilespmem:s29+$0x520] =	vst v18;
	v18 =	vmul.f32 v61, v59  }
0x95: {  	v31 =	vld [tilespmem:s29+$0x5A0];
	[tilespmem:s29+$0x530] =	vst v19;
	v19 =	vmul.f32 v62, v59  }
0x96: {  	v33 =	vld [tilespmem:s29+$0x5B0];
	v32 =	vperm.xlane v17, v9;
	[tilespmem:s29+$0x540] =	vst v18;
	v18 =	vmul.f32 v63, v59  }
0x97: {  	v34 =	vld [tilespmem:s29+$0x5C0];
	[tilespmem:s29+$0x550] =	vst v19;
	v19 =	vmul.f32 v28, v59  }
0x98: {  	v35 =	vld [tilespmem:s29+$0x5D0];
	[tilespmem:s29+$0x560] =	vst v18;
	v18 =	vmul.f32 v29, v32  }
0x99: {  	v36 =	vld [tilespmem:s29+$0x5E0];
	[tilespmem:s29+$0x570] =	vst v19;
	v19 =	vmul.f32 v30, v32  }
0x9a: {  	v37 =	vld [tilespmem:s29+$0x5F0];
	[tilespmem:s29+$0x580] =	vst v18;
	v18 =	vmul.f32 v31, v32  }
0x9b: {  	v38 =	vld [tilespmem:s29+$0x600];
	[tilespmem:s29+$0x590] =	vst v19;
	v19 =	vmul.f32 v33, v32  }
0x9c: {  	v39 =	vld [tilespmem:s29+$0x610];
	[tilespmem:s29+$0x5A0] =	vst v18;
	v18 =	vmul.f32 v34, v32  }
0x9d: {  	v40 =	vld [tilespmem:s29+$0x620];
	[tilespmem:s29+$0x5B0] =	vst v19;
	v19 =	vmul.f32 v35, v32  }
0x9e: {  	v42 =	vld [tilespmem:s29+$0x630];
	v41 =	vperm.xlane v17, v10;
	[tilespmem:s29+$0x5C0] =	vst v18;
	v18 =	vmul.f32 v36, v32  }
0x9f: {  	v43 =	vld [tilespmem:s29+$0x640];
	[tilespmem:s29+$0x5D0] =	vst v19;
	v19 =	vmul.f32 v37, v32  }
0xa0: {  	v44 =	vld [tilespmem:s29+$0x650];
	[tilespmem:s29+$0x5E0] =	vst v18;
	v18 =	vmul.f32 v38, v41  }
0xa1: {  	v45 =	vld [tilespmem:s29+$0x660];
	[tilespmem:s29+$0x5F0] =	vst v19;
	v19 =	vmul.f32 v39, v41  }
0xa2: {  	v46 =	vld [tilespmem:s29+$0x670];
	[tilespmem:s29+$0x600] =	vst v18;
	v18 =	vmul.f32 v40, v41  }
0xa3: {  	v47 =	vld [tilespmem:s29+$0x680];
	[tilespmem:s29+$0x610] =	vst v19;
	v19 =	vmul.f32 v42, v41  }
0xa4: {  	v48 =	vld [tilespmem:s29+$0x690];
	[tilespmem:s29+$0x620] =	vst v18;
	v18 =	vmul.f32 v43, v41  }
0xa5: {  	v49 =	vld [tilespmem:s29+$0x6A0];
	[tilespmem:s29+$0x630] =	vst v19;
	v19 =	vmul.f32 v44, v41  }
0xa6: {  	v51 =	vld [tilespmem:s29+$0x6B0];
	v50 =	vperm.xlane v17, v11;
	[tilespmem:s29+$0x640] =	vst v18;
	v18 =	vmul.f32 v45, v41  }
0xa7: {  	v52 =	vld [tilespmem:s29+$0x6C0];
	[tilespmem:s29+$0x650] =	vst v19;
	v19 =	vmul.f32 v46, v41  }
0xa8: {  	v53 =	vld [tilespmem:s29+$0x6D0];
	[tilespmem:s29+$0x660] =	vst v18;
	v18 =	vmul.f32 v47, v50  }
0xa9: {  	v54 =	vld [tilespmem:s29+$0x6E0];
	[tilespmem:s29+$0x670] =	vst v19;
	v19 =	vmul.f32 v48, v50  }
0xaa: {  	v55 =	vld [tilespmem:s29+$0x6F0];
	[tilespmem:s29+$0x680] =	vst v18;
	v18 =	vmul.f32 v49, v50  }
0xab: {  	v56 =	vld [tilespmem:s29+$0x700];
	[tilespmem:s29+$0x690] =	vst v19;
	v19 =	vmul.f32 v51, v50  }
0xac: {  	v57 =	vld [tilespmem:s29+$0x710];
	[tilespmem:s29+$0x6A0] =	vst v18;
	v18 =	vmul.f32 v52, v50  }
0xad: {  	v58 =	vld [tilespmem:s29+$0x720];
	[tilespmem:s29+$0x6B0] =	vst v19;
	v19 =	vmul.f32 v53, v50  }
0xae: {  	v60 =	vld [tilespmem:s29+$0x730];
	v59 =	vperm.xlane v17, v12;
	[tilespmem:s29+$0x6C0] =	vst v18;
	v18 =	vmul.f32 v54, v50  }
0xaf: {  	v61 =	vld [tilespmem:s29+$0x740];
	[tilespmem:s29+$0x6D0] =	vst v19;
	v19 =	vmul.f32 v55, v50  }
0xb0: {  	v62 =	vld [tilespmem:s29+$0x750];
	[tilespmem:s29+$0x6E0] =	vst v18;
	v18 =	vmul.f32 v56, v59  }
0xb1: {  	v63 =	vld [tilespmem:s29+$0x760];
	[tilespmem:s29+$0x6F0] =	vst v19;
	v19 =	vmul.f32 v57, v59  }
0xb2: {  	v28 =	vld [tilespmem:s29+$0x770];
	[tilespmem:s29+$0x700] =	vst v18;
	v18 =	vmul.f32 v58, v59  }
0xb3: {  	v29 =	vld [tilespmem:s29+$0x780];
	[tilespmem:s29+$0x710] =	vst v19;
	v19 =	vmul.f32 v60, v59  }
0xb4: {  	v30 =	vld [tilespmem:s29+$0x790];
	[tilespmem:s29+$0x720] =	vst v18;
	v18 =	vmul.f32 v61, v59  }
0xb5: {  	v31 =	vld [tilespmem:s29+$0x7A0];
	[tilespmem:s29+$0x730] =	vst v19;
	v19 =	vmul.f32 v62, v59  }
0xb6: {  	v33 =	vld [tilespmem:s29+$0x7B0];
	v32 =	vperm.xlane v17, v13;
	[tilespmem:s29+$0x740] =	vst v18;
	v18 =	vmul.f32 v63, v59  }
0xb7: {  	v34 =	vld [tilespmem:s29+$0x7C0];
	[tilespmem:s29+$0x750] =	vst v19;
	v19 =	vmul.f32 v28, v59  }
0xb8: {  	v35 =	vld [tilespmem:s29+$0x7D0];
	[tilespmem:s29+$0x760] =	vst v18;
	v18 =	vmul.f32 v29, v32  }
0xb9: {  	v36 =	vld [tilespmem:s29+$0x7E0];
	[tilespmem:s29+$0x770] =	vst v19;
	v19 =	vmul.f32 v30, v32  }
0xba: {  	v37 =	vld [tilespmem:s29+$0x7F0];
	[tilespmem:s29+$0x780] =	vst v18;
	v18 =	vmul.f32 v31, v32  }
0xbb: {  	v38 =	vld [tilespmem:s29+$0x800];
	[tilespmem:s29+$0x790] =	vst v19;
	v19 =	vmul.f32 v33, v32  }
0xbc: {  	v39 =	vld [tilespmem:s29+$0x810];
	[tilespmem:s29+$0x7A0] =	vst v18;
	v18 =	vmul.f32 v34, v32  }
0xbd: {  	v40 =	vld [tilespmem:s29+$0x820];
	[tilespmem:s29+$0x7B0] =	vst v19;
	v19 =	vmul.f32 v35, v32  }
0xbe: {  	v42 =	vld [tilespmem:s29+$0x830];
	v41 =	vperm.xlane v17, v14;
	[tilespmem:s29+$0x7C0] =	vst v18;
	v18 =	vmul.f32 v36, v32  }
0xbf: {  	v43 =	vld [tilespmem:s29+$0x840];
	[tilespmem:s29+$0x7D0] =	vst v19;
	v19 =	vmul.f32 v37, v32  }
0xc0: {  	v44 =	vld [tilespmem:s29+$0x850];
	[tilespmem:s29+$0x7E0] =	vst v18;
	v18 =	vmul.f32 v38, v41  }
0xc1: {  	v45 =	vld [tilespmem:s29+$0x860];
	[tilespmem:s29+$0x7F0] =	vst v19;
	v19 =	vmul.f32 v39, v41  }
0xc2: {  	v46 =	vld [tilespmem:s29+$0x870];
	[tilespmem:s29+$0x800] =	vst v18;
	v18 =	vmul.f32 v40, v41  }
0xc3: {  	v47 =	vld [tilespmem:s29+$0x880];
	[tilespmem:s29+$0x810] =	vst v19;
	v19 =	vmul.f32 v42, v41  }
0xc4: {  	v48 =	vld [tilespmem:s29+$0x890];
	[tilespmem:s29+$0x820] =	vst v18;
	v18 =	vmul.f32 v43, v41  }
0xc5: {  	v49 =	vld [tilespmem:s29+$0x8A0];
	[tilespmem:s29+$0x830] =	vst v19;
	v19 =	vmul.f32 v44, v41  }
0xc6: {  	v51 =	vld [tilespmem:s29+$0x8B0];
	v50 =	vperm.xlane v17, v15;
	[tilespmem:s29+$0x840] =	vst v18;
	v18 =	vmul.f32 v45, v41  }
0xc7: {  	v52 =	vld [tilespmem:s29+$0x8C0];
	[tilespmem:s29+$0x850] =	vst v19;
	v19 =	vmul.f32 v46, v41  }
0xc8: {  	v53 =	vld [tilespmem:s29+$0x8D0];
	[tilespmem:s29+$0x860] =	vst v18;
	v18 =	vmul.f32 v47, v50  }
0xc9: {  	v54 =	vld [tilespmem:s29+$0x8E0];
	[tilespmem:s29+$0x870] =	vst v19;
	v19 =	vmul.f32 v48, v50  }
0xca: {  	v55 =	vld [tilespmem:s29+$0x8F0];
	[tilespmem:s29+$0x880] =	vst v18;
	v18 =	vmul.f32 v49, v50  }
0xcb: {  	v56 =	vld [tilespmem:s29+$0x900];
	[tilespmem:s29+$0x890] =	vst v19;
	v19 =	vmul.f32 v51, v50  }
0xcc: {  	v57 =	vld [tilespmem:s29+$0x910];
	[tilespmem:s29+$0x8A0] =	vst v18;
	v18 =	vmul.f32 v52, v50  }
0xcd: {  	v58 =	vld [tilespmem:s29+$0x920];
	[tilespmem:s29+$0x8B0] =	vst v19;
	v19 =	vmul.f32 v53, v50  }
0xce: {  	v17 =	vperm.xlane v17, v16;
	v59 =	vld [tilespmem:s29+$0x930];
	[tilespmem:s29+$0x8C0] =	vst v18;
	v18 =	vmul.f32 v54, v50  }
0xcf: {  	v60 =	vld [tilespmem:s29+$0x940];
	[tilespmem:s29+$0x8D0] =	vst v19;
	v19 =	vmul.f32 v55, v50  }
0xd0: {  	v61 =	vld [tilespmem:s29+$0x950];
	[tilespmem:s29+$0x8E0] =	vst v18;
	v18 =	vmul.f32 v56, v17  }
0xd1: {  	v62 =	vld [tilespmem:s29+$0x960];
	[tilespmem:s29+$0x8F0] =	vst v19;
	v19 =	vmul.f32 v57, v17  }
0xd2: {  	v63 =	vld [tilespmem:s29+$0x970];
	[tilespmem:s29+$0x900] =	vst v18;
	v18 =	vmul.f32 v58, v17  }
0xd3: {  	[tilespmem:s29+$0x910] =	vst v19;
	v19 =	vmul.f32 v59, v17  }
0xd4: {  	p0 =	sne.s32 s28, $0x7;
	[tilespmem:s29+$0x920] =	vst v18;
	v18 =	vmul.f32 v60, v17  }
.Ltmp1:
0xd5: {  	[tilespmem:s29+$0x930] =	vst v19;
	v19 =	vmul.f32 v61, v17;
	(pc) =	sbr.rel @p0 .LBB2_5-.Ltmp1, $4  }
0xd6: {  	[tilespmem:s29+$0x940] =	vst v18;
	v18 =	vmul.f32 v62, v17  }
0xd7: {  	[tilespmem:s29+$0x950] =	vst v19;
	v17 =	vmul.f32 v63, v17  }
0xd8: {  	[tilespmem:s29+$0x960] =	vst v18  }
0xd9: {  	s28 =	sadd.s32 $0x1, s28;
	[tilespmem:s29+$0x970] =	vst v17  }
0xda: {  	s26 =	sadd.s32 $0x1, s26  }
0xdb: {  	p0 =	sne.s32 s26, $0x4F  }
.Ltmp2:
0xdc: {  	_ = 	snop;
	(pc) =	sbr.rel @p0 .LBB2_4-.Ltmp2, $4  }
0xdd: {  	[spmem:s3] =	stream.indirect.scatter.add.f32 [tilespmem:s20], [sflag:$0x2], $0x80, s22, s22, $0xb8;
	[tilespmem:$0x18180] =	vst v63  }
0xde: {  	_ =	swait.ge [sflag:s21], $0x4000  }
0xdf: {  	[sflag:s21] =	ssyncset.done $0x0  }
0xe0: {  	[sflag:s21] =	ssyncadd.s32 $0xFFFFC000  }
0xe1: {  	s25 =	sshll.u32 s5, $0x6  }
0xe2: {  	[bflag:$0x0] =	sbarrier.arrive $0xFFFF;
	s26 =	sshrl.u32 s8, $0x3;
	s25 =	sor.u32 $0x1C02, s25  }
0xe3: {  	[hbm:s14], [sflag:s25] =	dma.local [spmem:s26], $0x800  }
0xe4: {  	_ =	swait.ge [sflag:s21], $0x800  }
0xe5: {  	[sflag:s21] =	ssyncset.done $0x0  }
0xe6: {  	s28 =	sshrl.u32 s9, $0x3;
	[sflag:s21] =	ssyncadd.s32 $0xFFFFF800  }
0xe7: {  	[hbm:s15], [sflag:s25] =	dma.local [spmem:s28], $0x800  }
0xe8: {  	_ =	swait.ge [sflag:s21], $0x800  }
0xe9: {  	[sflag:s21] =	ssyncset.done $0x0  }
0xea: {  	s29 =	sshrl.u32 s10, $0x3;
	[sflag:s21] =	ssyncadd.s32 $0xFFFFF800  }
0xeb: {  	[hbm:s16], [sflag:s25] =	dma.local [spmem:s29], $0x800  }
0xec: {  	_ =	swait.ge [sflag:s21], $0x800  }
0xed: {  	[sflag:s21] =	ssyncset.done $0x0  }
0xee: {  	s30 =	sshrl.u32 s11, $0x3;
	[sflag:s21] =	ssyncadd.s32 $0xFFFFF800  }
0xef: {  	[hbm:s17], [sflag:s25] =	dma.local [spmem:s30], $0x800  }
0xf0: {  	s4 =	sadd.s32 $0x1, s4;
	_ =	swait.ge [sflag:s21], $0x800  }
0xf1: {  	p0 =	sne.s32 s4, s19;
	[sflag:s21] =	ssyncset.done $0x0  }
.Ltmp3:
0xf2: {  	s31 =	sshrl.u32 s12, $0x3;
	[sflag:s21] =	ssyncadd.s32 $0xFFFFF800;
	(pc) =	sbr.rel @p0 .LBB2_1-.Ltmp3, $4  }
0xf3: {  	[hbm:s18], [sflag:s25] =	dma.local [spmem:s31], $0x800  }
0xf4: {  	_ =	swait.ge [sflag:s21], $0x800  }
0xf5: {  	[sflag:s21] =	ssyncset.done $0x0  }
0xf6: {  	[sflag:s21] =	ssyncadd.s32 $0xFFFFF800  }
0xf7: {  	_ =	sfence.sel $0x180000  }
0xf8: {  	[bflag:$0x0] =	sbarrier.arrive $0xFFFF  }
0xf9: {  	p0 =	sne.s32 s5, $0x0;
	_ =	strace $0x9000004D  }
0xfa: {  	s0 =	sadd.s32 @!p0 $0x100000, s0;
	[bflag:$0x2] =	sbarrier.arrive $0xFFFF  }
0xfb: {  	[sflag:s0] =	ssyncadd.tile.s32 @!p0 $0x1;
	_ =	shalt  }
.Lfunc_end2:
_tile_overlayer_lowered:
.L_overlay_start_2:
0xfc: {  	(tag) =	ssettag $0x2  }
0xfd: {  	s0 =	rddreg [dreg:$0x0];
	s2 =	stileid.u32  }
0xfe: {  	s1 =	rddreg [dreg:$0x1];
	p0 =	sne.s32 s2, $0x0  }
0xff: {  	s3 =	rddreg [dreg:$0x2];
	[bflag:$0x3] =	sbarrier.arrive $0xFFFF;
	s2 =	simm.s32 @!p0 $0x1C02  }
0x100: {  	[timem:s3], [sflag:s2] =	dma.local @!p0 [hbm:s0], s1  }
0x101: {  	s0 =	simm.s32 @!p0 $0x2  }
0x102: {  	_ =	swait.ge @!p0 [sflag:s0], s1  }
0x103: {  	s1 =	ssub.s32 @!p0 $0x0, s1;
	[sflag:s0] =	ssyncset.done @!p0 $0x0  }
0x104: {  	[sflag:s0] =	ssyncadd.s32 @!p0 s1  }
0x105: {  	[bflag:$0x3] =	sbarrier.arrive $0xFFFF  }
0x106: {  	_ =	shalt  }

// kernel: kernel.8.cloned.1.call-start
scs
__scs_entry_jumppad:
0x0: {  	(pc) =	sbr.rel $0x88, $3  }
0x1: {  	(tag) =	ssettag $0x0;
	lr =	simm.s32 $0x1  }
0x2: {  	[smem:$0x3F8E] =	sst lr;
	_ =	strace $0xD0000000  }
0x3: {  	_ = 	snop  }
0x4: {  	_ = 	snop  }
0x5: {  	_ = 	snop  }
0x6: {  	_ = 	snop  }
0x7: {  	_ = 	snop  }
__scs_overlays_trampoline_lowered:
0x8: {  	[smem:$0x3F9D] =	sst s0  }
0x9: {  	[smem:$0x3F9E] =	sst s1  }
0xa: {  	[smem:$0x3F9F] =	sst s2  }
0xb: {  	[smem:$0x3FA0] =	sst s3  }
0xc: {  	[smem:$0x3FA1] =	sst s4  }
0xd: {  	[smem:$0x3FA2] =	sst s5  }
0xe: {  	[smem:$0x3FA3] =	sst s6  }
0xf: {  	[smem:$0x3FA4] =	sst s7  }
0x10: {  	[smem:$0x3FA5] =	sst s8  }
0x11: {  	[smem:$0x3FA6] =	sst s9;
	s0 =	simm.s32 @!p0 $0x0  }
0x12: {  	s1 =	sld [smem:$0x3F8C];
	s0 =	simm.s32 @p0 $0x1  }
0x13: {  	[smem:$0x3FA7] =	sst s0;
	s0 =	simm.s32 @!p1 $0x0  }
0x14: {  	s2 =	sld [smem:$0x3F8B];
	s0 =	simm.s32 @p1 $0x1  }
0x15: {  	[smem:$0x3FA8] =	sst s0;
	s0 =	simm.s32 @!p2 $0x0  }
0x16: {  	s3 =	sld [smem:$0x3FDB];
	s0 =	simm.s32 @p2 $0x1  }
0x17: {  	s4 =	simm.s32 $0x1BF5;
	[smem:$0x3FAA] =	sst s0  }
0x18: {  	s0 =	sld [smem:$0x3F8D];
	_ =	swait.ge [sflag:s4], $0x0  }
0x19: {  	s7 =	sld [smem:$0x3F8E]  }
0x1a: {  	s8 =	sadd.s32 $0xFFFFE003, lr  }
0x1b: {  	s9 =	sadd.s32 $0xFFFFFEF7, lr;
	s5 =	simm.s32 $0xFFFFFFFF;
	p2 =	slt.u32 s8, $0xFFFFF086  }
0x1c: {  	p1 =	slt.u32 s9, $0xF7A;
	s5 =	simm.s32 @!p2 $0x0  }
0x1d: {  	s5 =	simm.s32 @p1 $0x1;
	p0 =	seq.s32 s7, s2  }
0x1e: {  	s7 =	smul.u32 @!p0 $0xF7A, s2;
	p2 =	seq.s32 @!p0 s5, $0x0  }
0x1f: {  	s9 =	smul.u32 $0xF7A, s1;
	s8 =	simm.s32 @!p0 $0x1BF5;
	p2 =	por !p2, p0  }
0x20: {  	[sflag:s8] =	ssyncset.s32 @!p0 $0xFFFFF086;
	s6 =	sadd.s32 @!p0 s3, s7;
	s7 =	simm.s32 @!p0 $0x108  }
0x21: {  	s3 =	sadd.s32 s3, s9;
	s6 =	sadd.s32 @!p0 $0x88, s6;
	s7 =	simm.s32 @p2 $0x1082  }
0x22: {  	[simem:s7], [sflag:s8] =	dma.local @!p0 [hbm:s6], $0xF7A  }
0x23: {  	s9 =	sor.u32 $0xD0000000, s2;
	s6 =	simm.s32 $0x108;
	_ =	swait.ge @!p0 [sflag:s8], $0x0  }
0x24: {  	s3 =	sadd.s32 $0x88, s3;
	s6 =	simm.s32 @!p1 $0x1082;
	[sflag:s4] =	ssyncset.s32 $0xFFFFF086  }
0x25: {  	[simem:s6], [sflag:s4] =	dma.local [hbm:s3], $0xF7A  }
0x26: {  	[smem:$0x3F8E] =	sst s1;
	(tag) =	ssettag s2;
	_ =	strace s9  }
0x27: {  	s1 =	sld [smem:$0x3F9E]  }
0x28: {  	s2 =	sld [smem:$0x3F9F]  }
0x29: {  	s4 =	sld [smem:$0x3FA1]  }
0x2a: {  	p0 =	seq.s32 s5, $0x0;
	s5 =	sld [smem:$0x3FA2]  }
0x2b: {  	s6 =	sld [smem:$0x3FA3]  }
0x2c: {  	s7 =	sld [smem:$0x3FA4]  }
0x2d: {  	s3 =	simm.s32 $0x108;
	s8 =	sld [smem:$0x3FA5]  }
0x2e: {  	s3 =	simm.s32 @!p0 $0x1082;
	s9 =	sld [smem:$0x3FA6]  }
0x2f: {  	lr =	sadd.s32 s0, s3;
	s0 =	sld [smem:$0x3F9D]  }
0x30: {  	s3 =	sld [smem:$0x3FA0]  }
0x31: {  	[smem:$0x3FA9] =	sst s10  }
0x32: {  	s10 =	sld [smem:$0x3FA7];
	_ =	sdelay $0x3  }
0x33: {  	p0 =	seq.s32 s10, $0x1;
	s10 =	sld [smem:$0x3FA9];
	_ =	sdelay $0x3  }
0x34: {  	[smem:$0x3FA9] =	sst s10  }
0x35: {  	s10 =	sld [smem:$0x3FA8];
	_ =	sdelay $0x3  }
0x36: {  	p1 =	seq.s32 s10, $0x1;
	s10 =	sld [smem:$0x3FA9];
	_ =	sdelay $0x3  }
0x37: {  	[smem:$0x3FA9] =	sst s10  }
0x38: {  	s10 =	sld [smem:$0x3FAA]  }
0x39: {  	_ = 	snop;
	(pc) =	sbr.ind lr, $3  }
0x3a: {  	_ = 	snop  }
0x3b: {  	_ = 	snop  }
0x3c: {  	p2 =	seq.s32 s10, $0x1;
	s10 =	sld [smem:$0x3FA9]  }
0x3d: {  	_ =	shalt  }
0x3e: {  	_ =	shalt  }
0x3f: {  	_ =	shalt  }
0x40: {  	_ =	shalt  }
0x41: {  	_ =	shalt  }
0x42: {  	_ =	shalt  }
0x43: {  	_ =	shalt  }
0x44: {  	_ =	shalt  }
0x45: {  	_ =	shalt  }
0x46: {  	_ =	shalt  }
0x47: {  	_ =	shalt  }
0x48: {  	_ =	shalt  }
0x49: {  	_ =	shalt  }
0x4a: {  	_ =	shalt  }
0x4b: {  	_ =	shalt  }
0x4c: {  	_ =	shalt  }
0x4d: {  	_ =	shalt  }
0x4e: {  	_ =	shalt  }
0x4f: {  	_ =	shalt  }
0x50: {  	_ =	shalt  }
0x51: {  	_ =	shalt  }
0x52: {  	_ =	shalt  }
0x53: {  	_ =	shalt  }
0x54: {  	_ =	shalt  }
0x55: {  	_ =	shalt  }
0x56: {  	_ =	shalt  }
0x57: {  	_ =	shalt  }
0x58: {  	_ =	shalt  }
0x59: {  	_ =	shalt  }
0x5a: {  	_ =	shalt  }
0x5b: {  	_ =	shalt  }
0x5c: {  	_ =	shalt  }
0x5d: {  	_ =	shalt  }
0x5e: {  	_ =	shalt  }
0x5f: {  	_ =	shalt  }
0x60: {  	_ =	shalt  }
0x61: {  	_ =	shalt  }
0x62: {  	_ =	shalt  }
0x63: {  	_ =	shalt  }
0x64: {  	_ =	shalt  }
0x65: {  	_ =	shalt  }
0x66: {  	_ =	shalt  }
0x67: {  	_ =	shalt  }
0x68: {  	_ =	shalt  }
0x69: {  	_ =	shalt  }
0x6a: {  	_ =	shalt  }
0x6b: {  	_ =	shalt  }
0x6c: {  	_ =	shalt  }
0x6d: {  	_ =	shalt  }
0x6e: {  	_ =	shalt  }
0x6f: {  	_ =	shalt  }
0x70: {  	_ =	shalt  }
0x71: {  	_ =	shalt  }
0x72: {  	_ =	shalt  }
0x73: {  	_ =	shalt  }
0x74: {  	_ =	shalt  }
0x75: {  	_ =	shalt  }
0x76: {  	_ =	shalt  }
0x77: {  	_ =	shalt  }
0x78: {  	_ =	shalt  }
0x79: {  	_ =	shalt  }
0x7a: {  	_ =	shalt  }
0x7b: {  	_ =	shalt  }
0x7c: {  	_ =	shalt  }
0x7d: {  	_ =	shalt  }
0x7e: {  	_ =	shalt  }
0x7f: {  	_ =	shalt  }
0x80: {  	_ =	shalt  }
0x81: {  	_ =	shalt  }
0x82: {  	_ =	shalt  }
0x83: {  	_ =	shalt  }
0x84: {  	_ =	shalt  }
0x85: {  	_ =	shalt  }
0x86: {  	_ =	shalt  }
0x87: {  	_ =	shalt  }
.Lfunc_end0:
.L_simem_size_0:
called_computation_lowered:
.L_overlay_start_0:
0x88: {  	s2 =	sld [smem:$0x3FD9]  }
0x89: {  	s3 =	sld [smem:$0x3FFE];
	_ =	sdelay $0x1  }
0x8a: {  	s1 =	srdreg.scid  }
0x8b: {  	s0 =	sand.u32 $0x1, s1  }
0x8c: {  	s14 =	sshll.u32 s0, $0xA;
	s2 =	sadd.s32 s3, s2  }
0x8d: {  	s2 =	sadd.s32 s2, s14  }
0x8e: {  	[smem:$0x3FB5] =	sst s2  }
0x8f: {  	_ = 	snop  }
0x90: {  	s2 =	sld [smem:$0x3FD0];
	_ =	sdelay $0x2  }
0x91: {  	s15 =	simm.s32 $0xA;
	s4 =	simm.s32 $0x10  }
0x92: {  	[smem:s4], [sflag:s15] =	dma.local [hbm:s2], $0x1  }
0x93: {  	_ =	swait.eq [sflag:s15], $0x1  }
0x94: {  	[sflag:s15] =	ssyncset.done $0x0  }
0x95: {  	[sflag:s15] =	ssyncadd.s32 $0xFFFFFFFF  }
0x96: {  	s16 =	sld [smem:$0x12];
	(tm) =	ssettm $0x1  }
0x97: {  	s17 =	sld [smem:$0x3FFB];
	_ =	sdelay $0x3  }
0x98: {  	_ =	strace s17  }
0x99: {  	s3 =	sld [smem:$0x3FFC];
	_ =	sdelay $0x3  }
0x9a: {  	_ =	strace s3  }
0x9b: {  	s3 =	sld [smem:$0x3FFD];
	_ =	sdelay $0x3  }
0x9c: {  	_ =	strace s3  }
0x9d: {  	_ =	strace $0x8FFFFFFF  }
0x9e: {  	s18 =	sld [smem:$0x3FDB];
	_ =	sdelay $0x1  }
0x9f: {  	s19 =	simm.s32 $_scs_section_size  }
0xa0: {  	s5 =	simm.s32 $_size__tile_overlayer_lowered;
	s6 =	simm.s32 $_tile_overlayer_lowered  }
0xa1: {  	s22 =	simm.s32 $0x1BFF;
	s21 =	sshll.u32 s6, $0x1;
	s3 =	sadd.s32 s19, s18  }
0xa2: {  	s7 =	simm.s32 $0x0;
	s20 =	sshll.u32 s5, $0x1;
	s5 =	sadd.s32 s21, s3  }
0xa3: {  	[timem:s7], [sflag:s22] =	dma.local [hbm:s5], s20  }
0xa4: {  	_ =	swait.ge [sflag:s22], s20  }
0xa5: {  	s4 =	ssub.s32 $0x0, s20;
	[sflag:s22] =	ssyncset.done $0x0  }
0xa6: {  	[sflag:s22] =	ssyncadd.s32 s4;
	_ =	sdelay $0x1  }
0xa7: {  	s23 =	simm.s32 $0x1B8B  }
0xa8: {  	_ =	swait.ge [sflag:s23], $0x1  }
0xa9: {  	[sflag:s23] =	ssyncset.done $0x0  }
0xaa: {  	s25 =	simm.s32 $0x1B8E;
	s24 =	sld [smem:$0x3FFE];
	[sflag:s23] =	ssyncadd.s32 $0xFFFFFFFF  }
0xab: {  	s26 =	simm.s32 $execute0_lowered;
	[smem:$0x3FD2] =	sst s25  }
0xac: {  	s5 =	sshll.u32 s26, $0x1;
	_ =	strace $0x80000046;
	[dreg:$0x1] =	wrdreg $0xFFFFFFFF  }
0xad: {  	s28 =	simm.s32 $_size_execute0_lowered;
	s3 =	sadd.s32 s3, s5;
	[dreg:$0x0] =	wrdreg $0x0  }
0xae: {  	s5 =	sshll.u32 s28, $0x1;
	[dreg:$0x2] =	wrdreg s3  }
0xaf: {  	[dreg:$0x3] =	wrdreg s5  }
0xb0: {  	[dreg:$0x4] =	wrdreg $0xC0  }
0xb1: {  	_ =	task [dreg:s7], $0x5FFFF  }
0xb2: {  	[dreg:$0x1] =	wrdreg $0xFFFFFFFF  }
0xb3: {  	[dreg:$0x0] =	wrdreg $0x60  }
0xb4: {  	[dreg:$0x2] =	wrdreg s24  }
0xb5: {  	[dreg:$0x3] =	wrdreg s16  }
0xb6: {  	[dreg:$0x4] =	wrdreg $0x3800  }
0xb7: {  	[dreg:$0x5] =	wrdreg $0x9  }
0xb8: {  	_ =	task.clear_ibuf [dreg:s7], $0x6FFFF;
	_ =	strace $0x90000046  }
0xb9: {  	s29 =	simm.s32 $0x9;
	_ =	strace $0x80000048  }
0xba: {  	_ =	swait.ge [sflag:s29], $0x1  }
0xbb: {  	[sflag:s29] =	ssyncadd.s32 $0xFFFFFFFF  }
0xbc: {  	_ =	strace $0x90000048  }
0xbd: {  	_ =	sfence  }
0xbe: {  	s30 =	sld [smem:$0x0];
	_ =	sdelay $0x2  }
0xbf: {  	s31 =	sshll.u32 s1, $0xD;
	s1 =	sshrl.u32 s1, $0x2  }
0xc0: {  	s3 =	sand.u32 $0x4000, s31;
	s1 =	sadd.s32 s1, s30  }
0xc1: {  	s0 =	sor.u32 s3, s0;
	s1 =	sshll.u32 s1, $0x11  }
0xc2: {  	s0 =	sor.u32 s1, s0  }
0xc3: {  	s0 =	sadd.s32 $0x8F2B, s0  }
0xc4: {  	[sflag:s0] =	ssyncadd.remote.s32 $0x1  }
0xc5: {  	_ =	sfence.sel $0xFFFF  }
0xc6: {  	[dreg:$0x0] =	wrdreg $0xFFFFFFFF;
	(pc) =	sbr.abs _section_cstart, $3  }
0xc7: {  	[dreg:$0x1] =	wrdreg $0xFFFFFFFF  }
0xc8: {  	_ =	task.clear_ibuf [dreg:s7], $0x2FFFF;
	_ =	strace $0x9FFFFFFF  }
0xc9: {  	(tm) =	ssettm $0x7FFFFFFF  }
tec
execute0_lowered:
.L_overlay_start_1:
0x0: {  	(tag) =	ssettag $0x1  }
0x1: {  	s4 =	rddreg [dreg:$0x0]  }
0x2: {  	s5 =	rddreg [dreg:$0x1]  }
0x3: {  	s0 =	srdreg.scid;
	s1 =	rddreg [dreg:$0x2]  }
0x4: {  	s3 =	simm.s32 $0x0;
	s2 =	stileid.u32;
	s11 =	simm.s32 $0x80  }
0x5: {  	s14 =	simm.s32 $0x20;
	s15 =	simm.s32 $0x10;
	s28 =	smul.u32 $0x500, s2  }
0x6: {  	s6 =	sand.u32 $0x1, s0;
	s0 =	rddreg [dreg:$0x3];
	s9 =	smul.u32 $0xA00, s2  }
0x7: {  	s16 =	simm.s32 $0x0;
	[smem:$0x7FF] =	sst s3;
	s29 =	smul.u32 $0x4F0, s2  }
0x8: {  	s12 =	sshll.u32 s2, $0x6;
	s7 =	smul.u32 $0x4F00, s6;
	_ =	strace $0x80000047  }
0x9: {  	s8 =	ssub.s32 $0x2, s6;
	s6 =	sshll.u32 s6, $0x7;
	s12 =	sor.u32 $0x1C01, s12  }
0xa: {  	s10 =	sshrl.u32 s8, $0x1;
	s9 =	sshrl.u32 s9, $0x2;
	s7 =	sadd.s32 s7, s4  }
0xb: {  	s4 =	sor.u32 s6, s28;
	s8 =	ssub.s32 s8, s10;
	s10 =	simm.s32 $0x1  }
0xc: {  	s30 =	sshrl.u32 s4, $0x3;
	s4 =	sadd.s32 s9, s1;
	s31 =	sadd.s32 s29, s7  }
0xd: {  	s6 =	smax.u32 s8, $0x1;
	s9 =	simm.s32 $0x100;
	s5 =	sadd.s32 s5, s30  }
0xe: {  	v0 =	vimm.f32 $0.0e+00;
	s7 =	sadd.s32 $0x4000, s31;
	s8 =	sadd.s32 $0xDE00, s31;
	s13 =	sshrl.u32 s4, $0x3  }
.LBB2_1:
0xf: {  	[tilespmem:$0x100] =	vst v0  }
0x10: {  	[tilespmem:$0x110] =	vst v0  }
0x11: {  	[tilespmem:$0x120] =	vst v0  }
0x12: {  	[tilespmem:$0x130] =	vst v0  }
0x13: {  	[tilespmem:$0x140] =	vst v0  }
0x14: {  	[tilespmem:$0x150] =	vst v0  }
0x15: {  	[tilespmem:$0x160] =	vst v0  }
0x16: {  	[tilespmem:$0x170] =	vst v0  }
0x17: {  	[tilespmem:$0x180] =	vst v0  }
0x18: {  	[tilespmem:$0x190] =	vst v0  }
0x19: {  	[tilespmem:$0x1A0] =	vst v0  }
0x1a: {  	[tilespmem:$0x1B0] =	vst v0  }
0x1b: {  	[tilespmem:$0x1C0] =	vst v0  }
0x1c: {  	[tilespmem:$0x1D0] =	vst v0  }
0x1d: {  	[tilespmem:$0x1E0] =	vst v0  }
0x1e: {  	[tilespmem:$0x1F0] =	vst v0  }
0x1f: {  	[tilespmem:$0x200] =	vst v0  }
0x20: {  	[tilespmem:$0x210] =	vst v0  }
0x21: {  	[tilespmem:$0x220] =	vst v0  }
0x22: {  	[tilespmem:$0x230] =	vst v0  }
0x23: {  	[tilespmem:$0x240] =	vst v0  }
0x24: {  	[tilespmem:$0x250] =	vst v0  }
0x25: {  	[tilespmem:$0x260] =	vst v0  }
0x26: {  	[tilespmem:$0x270] =	vst v0  }
0x27: {  	[tilespmem:$0x280] =	vst v0  }
0x28: {  	[tilespmem:$0x290] =	vst v0  }
0x29: {  	[tilespmem:$0x2A0] =	vst v0  }
0x2a: {  	[tilespmem:$0x2B0] =	vst v0  }
0x2b: {  	[tilespmem:$0x2C0] =	vst v0  }
0x2c: {  	[tilespmem:$0x2D0] =	vst v0  }
0x2d: {  	[tilespmem:$0x2E0] =	vst v0  }
0x2e: {  	[tilespmem:$0x2F0] =	vst v0  }
0x2f: {  	[tilespmem:$0x300] =	vst v0  }
0x30: {  	[tilespmem:$0x310] =	vst v0  }
0x31: {  	[tilespmem:$0x320] =	vst v0  }
0x32: {  	[tilespmem:$0x330] =	vst v0  }
0x33: {  	[tilespmem:$0x340] =	vst v0  }
0x34: {  	[tilespmem:$0x350] =	vst v0  }
0x35: {  	[tilespmem:$0x360] =	vst v0  }
0x36: {  	[tilespmem:$0x370] =	vst v0  }
0x37: {  	[spmem:s4] =	stream.linear.scatter [tilespmem:s9], [sflag:$0x1], $0x280, $0x38;
	[tilespmem:$0x600] =	vst v63  }
0x38: {  	_ =	swait.ge [sflag:s10], $0x280  }
0x39: {  	[sflag:s10] =	ssyncset.done $0x0  }
0x3a: {  	[sflag:s10] =	ssyncadd.s32 $0xFFFFFD80  }
0x3b: {  	s17 =	sadd.s32 $0x0, s8;
	[bflag:$0x0] =	sbarrier.arrive $0xFFFF  }
0x3c: {  	[tilespmem:s3], [sflag:$0x1] =	stream.linear.gather [hbm4b:s17+s3], $0x80, $0x38;
	[tilespmem:$0x600] =	vst v63  }
0x3d: {  	_ =	swait.ge [sflag:s10], $0x80  }
0x3e: {  	[sflag:s10] =	ssyncset.done $0x0  }
0x3f: {  	s31 =	sadd.s32 $0x0, s7;
	[sflag:s10] =	ssyncadd.s32 $0xFFFFFF80  }
0x40: {  	[tilespmem:s11], [sflag:$0x1] =	stream.linear.gather [hbm4b:s31+s3], $0x80, $0x38;
	[tilespmem:$0x600] =	vst v63  }
0x41: {  	_ =	swait.ge [sflag:s10], $0x80  }
0x42: {  	[sflag:s10] =	ssyncset.done $0x0  }
0x43: {  	[sflag:s10] =	ssyncadd.s32 $0xFFFFFF80  }
0x44: {  	[spmem:s1] =	stream.indirect.scatter.add.f32 [tilespmem:s11], [sflag:$0x1], $0x1, s3, s11, $0xb8;
	[tilespmem:$0x600] =	vst v63  }
0x45: {  	_ =	swait.ge [sflag:s10], $0x80  }
0x46: {  	s18 =	simm.s32 $0x20;
	s17 =	simm.s32 $0x10;
	[sflag:s10] =	ssyncset.done $0x0  }
.LBB2_2:
0x47: {  	s19 =	sadd.s32 s17, s8  }
0x48: {  	[sflag:s10] =	ssyncadd.s32 $0xFFFFFF80;
	s20 =	smov.u32 s18;
	s21 =	sadd.s32 $0x10, s18  }
0x49: {  	[tilespmem:s3], [sflag:$0x1] =	stream.linear.gather [hbm4b:s19+s3], $0x80, $0x38;
	[tilespmem:$0x600] =	vst v63  }
0x4a: {  	p0 =	sne.s32 s18, $0x4E0;
	_ =	swait.ge [sflag:s10], $0x80  }
0x4b: {  	[sflag:s10] =	ssyncset.done $0x0  }
0x4c: {  	s18 =	sadd.s32 s17, s7;
	s17 =	smov.u32 s20;
	[sflag:s10] =	ssyncadd.s32 $0xFFFFFF80  }
0x4d: {  	[tilespmem:s11], [sflag:$0x1] =	stream.linear.gather [hbm4b:s18+s3], $0x80, $0x38;
	[tilespmem:$0x600] =	vst v63  }
0x4e: {  	_ =	swait.ge [sflag:s10], $0x80  }
.Ltmp0:
0x4f: {  	[sflag:s10] =	ssyncset.done $0x0;
	(pc) =	sbr.rel @p0 .LBB2_2-.Ltmp0, $4  }
0x50: {  	[sflag:s10] =	ssyncadd.s32 $0xFFFFFF80  }
0x51: {  	[spmem:s1] =	stream.indirect.scatter.add.f32 [tilespmem:s11], [sflag:$0x1], $0x1, s3, s11, $0xb8;
	[tilespmem:$0x600] =	vst v63  }
0x52: {  	_ =	swait.ge [sflag:s10], $0x80  }
0x53: {  	s18 =	smov.u32 s21;
	[sflag:s10] =	ssyncset.done $0x0  }
0x54: {  	s18 =	sadd.s32 s17, s8;
	[sflag:s10] =	ssyncadd.s32 $0xFFFFFF80  }
0x55: {  	[tilespmem:s3], [sflag:$0x1] =	stream.linear.gather [hbm4b:s18+s3], $0x80, $0x38;
	[tilespmem:$0x600] =	vst v63  }
0x56: {  	_ =	swait.ge [sflag:s10], $0x80  }
0x57: {  	[sflag:s10] =	ssyncset.done $0x0  }
0x58: {  	s31 =	sadd.s32 s17, s7;
	[sflag:s10] =	ssyncadd.s32 $0xFFFFFF80  }
0x59: {  	[tilespmem:s11], [sflag:$0x1] =	stream.linear.gather [hbm4b:s31+s3], $0x80, $0x38;
	[tilespmem:$0x600] =	vst v63  }
0x5a: {  	_ =	swait.ge [sflag:s10], $0x80  }
0x5b: {  	[sflag:s10] =	ssyncset.done $0x0  }
0x5c: {  	[sflag:s10] =	ssyncadd.s32 $0xFFFFFF80  }
0x5d: {  	[spmem:s1] =	stream.indirect.scatter.add.f32 [tilespmem:s11], [sflag:$0x1], $0x1, s3, s11, $0xb8;
	[tilespmem:$0x600] =	vst v63  }
0x5e: {  	_ =	swait.ge [sflag:s10], $0x80  }
0x5f: {  	s16 =	sadd.s32 $0x1, s16;
	[sflag:s10] =	ssyncset.done $0x0  }
0x60: {  	p0 =	sne.s32 s16, s6;
	[sflag:s10] =	ssyncadd.s32 $0xFFFFFF80  }
.Ltmp1:
0x61: {  	[bflag:$0x0] =	sbarrier.arrive $0xFFFF;
	(pc) =	sbr.rel @p0 .LBB2_1-.Ltmp1, $4  }
0x62: {  	[hbm:s5@s14], [sflag:s12] =	dma.strided [spmem:s13@s15], $0x50, s10, $0x10   }
0x63: {  	_ =	swait.ge [sflag:s10], $0x50  }
0x64: {  	[sflag:s10] =	ssyncset.done $0x0  }
0x65: {  	[sflag:s10] =	ssyncadd.s32 $0xFFFFFFB0  }
0x66: {  	_ =	sfence.sel $0x180000  }
0x67: {  	[bflag:$0x0] =	sbarrier.arrive $0xFFFF  }
0x68: {  	p0 =	sne.s32 s2, $0x0;
	_ =	strace $0x90000047  }
0x69: {  	s0 =	sadd.s32 @!p0 $0x100000, s0;
	[bflag:$0x2] =	sbarrier.arrive $0xFFFF  }
0x6a: {  	[sflag:s0] =	ssyncadd.tile.s32 @!p0 $0x1;
	_ =	shalt  }
.Lfunc_end2:
_tile_overlayer_lowered:
.L_overlay_start_2:
0x6b: {  	(tag) =	ssettag $0x2  }
0x6c: {  	s0 =	rddreg [dreg:$0x0];
	s2 =	stileid.u32  }
0x6d: {  	s1 =	rddreg [dreg:$0x1];
	p0 =	sne.s32 s2, $0x0  }
0x6e: {  	s3 =	rddreg [dreg:$0x2];
	[bflag:$0x3] =	sbarrier.arrive $0xFFFF;
	s2 =	simm.s32 @!p0 $0x1C01  }
0x6f: {  	[timem:s3], [sflag:s2] =	dma.local @!p0 [hbm:s0], s1  }
0x70: {  	s0 =	simm.s32 @!p0 $0x1  }
0x71: {  	_ =	swait.ge @!p0 [sflag:s0], s1  }
0x72: {  	s1 =	ssub.s32 @!p0 $0x0, s1;
	[sflag:s0] =	ssyncset.done @!p0 $0x0  }
0x73: {  	[sflag:s0] =	ssyncadd.s32 @!p0 s1  }
0x74: {  	[bflag:$0x3] =	sbarrier.arrive $0xFFFF  }
0x75: {  	_ =	shalt  }

</sc_bundles>
